<compile_context>
chip_gen: v7x
topology: tpu7x:2x2x1
jax: 0.10.2.dev20260603
libtpu: 0.0.44.dev20260713+nightly
codegen_flags: <defaults>
</compile_context>

<pallas_src>
import functools

import jax
import jax.numpy as jnp
from jax import lax
from jax.experimental import pallas as pl
from jax.experimental.pallas import tpu as pltpu
from jax.experimental.pallas import tpu_sc as plsc

_B = 20
_L = 20
_V = 1000
_NS = 16
_NP = _L * _L
_CHUNKS = ((0, 8), (8, 8), (16, 4))
_LN2 = 0.6931471805599453


def _clamp(x, lo, hi):
    return jnp.minimum(jnp.maximum(x, lo), hi)


def _ln16(z):
    bits = plsc.bitcast(z, jnp.int32)
    e = lax.shift_right_logical(bits, 23) & 0xFF
    ef = (e - 127).astype(jnp.float32)
    m = plsc.bitcast((bits & 0x7FFFFF) | 0x3F800000, jnp.float32)
    t = (m - 1.0) / (m + 1.0)
    t2 = t * t
    p = jnp.float32(2.0 / 13.0)
    for coef in (2.0 / 11.0, 2.0 / 9.0, 2.0 / 7.0, 2.0 / 5.0, 2.0 / 3.0, 2.0):
        p = p * t2 + jnp.float32(coef)
    return ef * jnp.float32(_LN2) + t * p


@functools.partial(
    pl.kernel,
    out_type=jax.ShapeDtypeStruct((32, 1, 16), jnp.float32),
    mesh=plsc.VectorSubcoreMesh(core_axis_name="c", subcore_axis_name="s"),
    compiler_params=pltpu.CompilerParams(needs_layout_passes=False),
    scratch_types=[
        pltpu.VMEM((_L, _V), jnp.float32),
        pltpu.VMEM((_B, _L), jnp.int32),
        pltpu.VMEM((_NP,), jnp.float32),
        pltpu.VMEM((16,), jnp.float32),
        pltpu.SemaphoreType.DMA,
        pltpu.SemaphoreType.DMA,
    ],
)
def _calcs_sc(tp_hbm, lbl_hbm, out_hbm, slab_v, lbl_i, pv, lv, sem, lsem):
    cid = lax.axis_index("c")
    sid = lax.axis_index("s")
    i = cid * _NS + sid
    active = i < _B
    iota = lax.iota(jnp.int32, 16)
    zeros = jnp.zeros((16,), jnp.float32)

    @pl.when(active)
    def _compute():
        copies = [
            pltpu.async_copy(tp_hbm.at[i, pl.ds(off, ln)],
                             slab_v.at[pl.ds(off, ln)], sem)
            for off, ln in _CHUNKS
        ]
        lbl_cp = pltpu.async_copy(lbl_hbm, lbl_i, lsem)
        lbl_cp.wait()
        ivec = jnp.full((16,), 0, jnp.int32) + i
        la = plsc.load_gather(lbl_i, [ivec, iota])
        lb = plsc.load_gather(lbl_i, [ivec, _clamp(iota + 16, 0, _L - 1)])
        l0 = _clamp(la, 0, _V - 1)
        l1 = _clamp(lb, 0, _V - 1)
        cntv = (jnp.where(la >= 0, 1.0, 0.0).astype(jnp.float32)
                + jnp.where((lb >= 0) & (iota < _L - 16),
                            1.0, 0.0).astype(jnp.float32))
        cnt = jnp.sum(cntv)

        def build_pv_rows(off, ln):
            for j in range(off, off + ln):
                vals0 = plsc.load_gather(slab_v, [jnp.full((16,), j, jnp.int32), l0])
                plsc.store_scatter(pv, [iota + j * _L], vals0)
                vals1 = plsc.load_gather(slab_v, [jnp.full((16,), j, jnp.int32), l1])
                plsc.store_scatter(pv, [iota + (j * _L + 16)], vals1,
                                   mask=iota < (_L - 16))

        def _shl(x):
            return x.at[_clamp(iota - 1, 0, 15)].get(mode="promise_in_bounds")

        def _lane(x, j):
            return x.at[jnp.full((16,), j, jnp.int32)].get(
                mode="promise_in_bounds")

        idxb = [(iota + 16 * h) * (_L - 1) - (_L + 1) for h in (0, 1)]
        a0 = a1 = b0 = b1 = zeros
        for sd in range(2, 2 * _L + 1):
            for m, (off, ln) in enumerate(_CHUNKS):
                if sd == off + 2:
                    copies[m].wait()
                    build_pv_rows(off, ln)
            rlo, rhi = max(1, sd - _L), min(_L, sd - 1)
            if rlo <= 15:
                r = iota
                valid = (r >= rlo) & (r <= rhi)
                p = plsc.load_gather(pv, [_clamp(idxb[0] + sd, 0, _NP - 1)])
                mx = jnp.maximum(b0, _shl(b0))
                nv = p * (_shl(a0) + 1.0 - mx) + mx
                c0 = jnp.where(valid, nv, 0.0)
            else:
                c0 = a0
            if rhi >= 16:
                r = iota + 16
                valid = (r >= rlo) & (r <= rhi)
                p = plsc.load_gather(pv, [_clamp(idxb[1] + sd, 0, _NP - 1)])
                lane0 = iota < 1
                am1 = jnp.where(lane0, _lane(a0, 15), _shl(a1))
                bm1 = jnp.where(lane0, _lane(b0, 15), _shl(b1))
                mx = jnp.maximum(b1, bm1)
                nv = p * (am1 + 1.0 - mx) + mx
                c1 = jnp.where(valid, nv, 0.0)
            else:
                c1 = a1
            a0, a1, b0, b1 = b0, b1, c0, c1
        dfin = _lane(b1, _L - 16)
        lnz = _ln16(dfin / cnt)
        lv[...] = lnz * jnp.float32(-1.0 / _B)

    @pl.when(jnp.logical_not(active))
    def _idle():
        lv[...] = zeros

    pltpu.sync_copy(lv, out_hbm.at[i, 0])


def kernel(topic_prob, hard_label):
    assert topic_prob.shape == (_B, _L, _V) and hard_label.shape == (_B, _L)
    out = _calcs_sc(topic_prob, hard_label)
    return jnp.sum(out[:, 0, 0])

# --- scband reference (transcript-rebuilt; emitter-appended) ---
"""Pipeline reference for scband-ca-lcs-37838661877875 (READ-ONLY COPY).

The authoritative reference and input builder live on the scoring server;
editing this copy changes nothing except your own understanding.
"""

import jax, jax.numpy as jnp
import numpy as np


def setup_inputs(seed: int = 0) -> dict:
    key = jax.random.key(seed)
    k1, k2 = jax.random.split(key)
    topic_prob = jax.random.uniform(k1, (20, 20, 1000), dtype=jnp.float32)
    hard_label = jax.random.randint(k2, (20, 20), 0, 1000, dtype=jnp.int32)
    return {"topic_prob": topic_prob, "hard_label": hard_label}


def reference(topic_prob, hard_label):
    batch_size = 20
    mask = (hard_label >= 0).astype(jnp.float32)
    gts_len = jnp.sum(mask, axis=1)
    L = hard_label.shape[1]
    CaLCSs = []
    for i in range(batch_size):
        # dp[j][k]: LCS-expectation DP table, scalars (functional analogue of dp_matrix[i])
        dp = [[jnp.asarray(0.0, dtype=jnp.float32) for _ in range(21)] for _ in range(21)]
        for j in range(L):
            for k in range(L):
                p = topic_prob[i, j, hard_label[i, k]]
                dp[j + 1][k + 1] = p * (dp[j][k] + 1.0) + (1.0 - p) * jnp.maximum(dp[j + 1][k], dp[j][k + 1])
        CaLCSs.append(-jnp.log(dp[L][L] / gts_len[i]))
    loss = jnp.sum(jnp.stack(CaLCSs)) / batch_size
    return loss

if __name__ == "__main__":
    import jax
    _d = setup_inputs()
    print(jax.jit(kernel)(*tuple(_d.values())))

</pallas_src>

<mosaic_0001>
#map = affine_map<(d0, d1) -> (0, 0, 0)>
#map1 = affine_map<(d0, d1) -> (0, 0)>
module attributes {stable_mosaic.version = 14 : i64} {
  func.func @_calcs_sc(%arg0: i32, %arg1: i32, %arg2: memref<20x20x1000xf32, #tpu.memory_space<hbm>>, %arg3: memref<20x20xi32, #tpu.memory_space<hbm>>, %arg4: memref<32x1x16xf32, #tpu.memory_space<hbm>>, %arg5: memref<20x1000xf32, #tpu.memory_space<vmem>>, %arg6: memref<20x20xi32, #tpu.memory_space<vmem>>, %arg7: memref<400xf32, #tpu.memory_space<vmem>>, %arg8: memref<16xf32, #tpu.memory_space<vmem>>, %arg9: memref<!tpu.dma_semaphore, #tpu.memory_space<semaphore_mem>>, %arg10: memref<!tpu.dma_semaphore, #tpu.memory_space<semaphore_mem>>) attributes {dimension_semantics = [#tpu.dimension_semantics<core_parallel>, #tpu.dimension_semantics<subcore_parallel>], iteration_bounds = array<i64: 2, 16>, scalar_prefetch = 0 : i64, scratch_operands = 6 : i64, tpu.core_type = #tpu.core_type<sc_vector_subcore>, window_params = [{transform_indices = #map}, {transform_indices = #map1}, {transform_indices = #map}]} {
    %mul3A = arith.constant 16 : i32
    %mul3A_0 = arith.muli %arg0, %mul3A : i32
    %add3A = arith.addi %mul3A_0, %arg1 : i32
    %lt3A = arith.constant 20 : i32
    %lt3A_1 = arith.cmpi slt, %add3A, %lt3A : i32
    %iota3A = tpu.iota {dimensions = array<i32: 0>} : vector<16xi32>
    %broadcast_in_dim3A = arith.constant 0.000000e+00 : f32
    %broadcast_in_dim3A_2 = vector.broadcast %broadcast_in_dim3A : f32 to vector<16xf32>
    %convert_element_type3A = arith.extui %lt3A_1 : i1 to i32
    %cond3A = arith.constant 0 : i32
    %cond3A_3 = arith.cmpi ne, %convert_element_type3A, %cond3A : i32
    scf.if %cond3A_3 {
      %dma_start3A = arith.constant 0 : i32
      %dma_start3A_8 = arith.constant 0 : i32
      %dma_start3A_9 = tpu.memref_slice %arg5[%dma_start3A, %dma_start3A_8] : memref<20x1000xf32, #tpu.memory_space<vmem>> -> memref<8x1000xf32, #tpu.memory_space<vmem>>
      %dma_start3A_10 = arith.constant 0 : i32
      %dma_start3A_11 = arith.constant 0 : i32
      %dma_start3A_12 = tpu.memref_slice %arg2[%add3A, %dma_start3A_10, %dma_start3A_11] : memref<20x20x1000xf32, #tpu.memory_space<hbm>> -> memref<1x8x1000xf32, #tpu.memory_space<hbm>>
      %dma_start3A_13 = tpu.memref_squeeze %dma_start3A_12 : memref<1x8x1000xf32, #tpu.memory_space<hbm>> -> memref<8x1000xf32, #tpu.memory_space<hbm>>
      %dma_start3A_14 = arith.constant 0 : i32
      %dma_start3A_15 = arith.constant 0 : i32
      %dma_start3A_16 = tpu.memref_slice %arg5[%dma_start3A_14, %dma_start3A_15] : memref<20x1000xf32, #tpu.memory_space<vmem>> -> memref<8x1000xf32, #tpu.memory_space<vmem>>
      %dma_start3A_17 = arith.constant 0 : i32
      %dma_start3A_18 = arith.constant 0 : i32
      %dma_start3A_19 = tpu.memref_slice %arg2[%add3A, %dma_start3A_17, %dma_start3A_18] : memref<20x20x1000xf32, #tpu.memory_space<hbm>> -> memref<1x8x1000xf32, #tpu.memory_space<hbm>>
      %dma_start3A_20 = tpu.memref_squeeze %dma_start3A_19 : memref<1x8x1000xf32, #tpu.memory_space<hbm>> -> memref<8x1000xf32, #tpu.memory_space<hbm>>
      tpu.enqueue_dma source(%dma_start3A_20 : memref<8x1000xf32, #tpu.memory_space<hbm>>) target(%dma_start3A_16 : memref<8x1000xf32, #tpu.memory_space<vmem>>) target_semaphore(%arg9 : memref<!tpu.dma_semaphore, #tpu.memory_space<semaphore_mem>>)
      %dma_start3A_21 = arith.constant 8 : i32
      %dma_start3A_22 = arith.constant 0 : i32
      %dma_start3A_23 = tpu.memref_slice %arg5[%dma_start3A_21, %dma_start3A_22] : memref<20x1000xf32, #tpu.memory_space<vmem>> -> memref<8x1000xf32, #tpu.memory_space<vmem>>
      %dma_start3A_24 = arith.constant 8 : i32
      %dma_start3A_25 = arith.constant 0 : i32
      %dma_start3A_26 = tpu.memref_slice %arg2[%add3A, %dma_start3A_24, %dma_start3A_25] : memref<20x20x1000xf32, #tpu.memory_space<hbm>> -> memref<1x8x1000xf32, #tpu.memory_space<hbm>>
      %dma_start3A_27 = tpu.memref_squeeze %dma_start3A_26 : memref<1x8x1000xf32, #tpu.memory_space<hbm>> -> memref<8x1000xf32, #tpu.memory_space<hbm>>
      %dma_start3A_28 = arith.constant 8 : i32
      %dma_start3A_29 = arith.constant 0 : i32
      %dma_start3A_30 = tpu.memref_slice %arg5[%dma_start3A_28, %dma_start3A_29] : memref<20x1000xf32, #tpu.memory_space<vmem>> -> memref<8x1000xf32, #tpu.memory_space<vmem>>
      %dma_start3A_31 = arith.constant 8 : i32
      %dma_start3A_32 = arith.constant 0 : i32
      %dma_start3A_33 = tpu.memref_slice %arg2[%add3A, %dma_start3A_31, %dma_start3A_32] : memref<20x20x1000xf32, #tpu.memory_space<hbm>> -> memref<1x8x1000xf32, #tpu.memory_space<hbm>>
      %dma_start3A_34 = tpu.memref_squeeze %dma_start3A_33 : memref<1x8x1000xf32, #tpu.memory_space<hbm>> -> memref<8x1000xf32, #tpu.memory_space<hbm>>
      tpu.enqueue_dma source(%dma_start3A_34 : memref<8x1000xf32, #tpu.memory_space<hbm>>) target(%dma_start3A_30 : memref<8x1000xf32, #tpu.memory_space<vmem>>) target_semaphore(%arg9 : memref<!tpu.dma_semaphore, #tpu.memory_space<semaphore_mem>>)
      %dma_start3A_35 = arith.constant 16 : i32
      %dma_start3A_36 = arith.constant 0 : i32
      %dma_start3A_37 = tpu.memref_slice %arg5[%dma_start3A_35, %dma_start3A_36] : memref<20x1000xf32, #tpu.memory_space<vmem>> -> memref<4x1000xf32, #tpu.memory_space<vmem>>
      %dma_start3A_38 = arith.constant 16 : i32
      %dma_start3A_39 = arith.constant 0 : i32
      %dma_start3A_40 = tpu.memref_slice %arg2[%add3A, %dma_start3A_38, %dma_start3A_39] : memref<20x20x1000xf32, #tpu.memory_space<hbm>> -> memref<1x4x1000xf32, #tpu.memory_space<hbm>>
      %dma_start3A_41 = tpu.memref_squeeze %dma_start3A_40 : memref<1x4x1000xf32, #tpu.memory_space<hbm>> -> memref<4x1000xf32, #tpu.memory_space<hbm>>
      %dma_start3A_42 = arith.constant 16 : i32
      %dma_start3A_43 = arith.constant 0 : i32
      %dma_start3A_44 = tpu.memref_slice %arg5[%dma_start3A_42, %dma_start3A_43] : memref<20x1000xf32, #tpu.memory_space<vmem>> -> memref<4x1000xf32, #tpu.memory_space<vmem>>
      %dma_start3A_45 = arith.constant 16 : i32
      %dma_start3A_46 = arith.constant 0 : i32
      %dma_start3A_47 = tpu.memref_slice %arg2[%add3A, %dma_start3A_45, %dma_start3A_46] : memref<20x20x1000xf32, #tpu.memory_space<hbm>> -> memref<1x4x1000xf32, #tpu.memory_space<hbm>>
      %dma_start3A_48 = tpu.memref_squeeze %dma_start3A_47 : memref<1x4x1000xf32, #tpu.memory_space<hbm>> -> memref<4x1000xf32, #tpu.memory_space<hbm>>
      tpu.enqueue_dma source(%dma_start3A_48 : memref<4x1000xf32, #tpu.memory_space<hbm>>) target(%dma_start3A_44 : memref<4x1000xf32, #tpu.memory_space<vmem>>) target_semaphore(%arg9 : memref<!tpu.dma_semaphore, #tpu.memory_space<semaphore_mem>>)
      tpu.enqueue_dma source(%arg3 : memref<20x20xi32, #tpu.memory_space<hbm>>) target(%arg6 : memref<20x20xi32, #tpu.memory_space<vmem>>) target_semaphore(%arg10 : memref<!tpu.dma_semaphore, #tpu.memory_space<semaphore_mem>>)
      tpu.wait_dma2 semaphore(%arg10 : memref<!tpu.dma_semaphore, #tpu.memory_space<semaphore_mem>>) src(%arg3 : memref<20x20xi32, #tpu.memory_space<hbm>>) dst(%arg6 : memref<20x20xi32, #tpu.memory_space<vmem>>)
      %broadcast_in_dim3A_49 = arith.constant 0 : i32
      %broadcast_in_dim3A_50 = vector.broadcast %broadcast_in_dim3A_49 : i32 to vector<16xi32>
      %add3A_51 = vector.broadcast %add3A : i32 to vector<16xi32>
      %add3A_52 = arith.addi %broadcast_in_dim3A_50, %add3A_51 : vector<16xi32>
      %gather3A = tpu.vector_load_idx %arg6[%add3A_52, %iota3A] : memref<20x20xi32, #tpu.memory_space<vmem>>[vector<16xi32>, vector<16xi32>], vector<16xi32>,
      %add3A_53 = arith.constant 16 : i32
      %add3A_54 = vector.broadcast %add3A_53 : i32 to vector<16xi32>
      %add3A_55 = arith.addi %iota3A, %add3A_54 : vector<16xi32>
      %max3A = arith.constant 0 : i32
      %max3A_56 = vector.broadcast %max3A : i32 to vector<16xi32>
      %max3A_57 = arith.maxsi %add3A_55, %max3A_56 : vector<16xi32>
      %min3A = arith.constant 19 : i32
      %min3A_58 = vector.broadcast %min3A : i32 to vector<16xi32>
      %min3A_59 = arith.minsi %max3A_57, %min3A_58 : vector<16xi32>
      %gather3A_60 = tpu.vector_load_idx %arg6[%add3A_52, %min3A_59] : memref<20x20xi32, #tpu.memory_space<vmem>>[vector<16xi32>, vector<16xi32>], vector<16xi32>,
      %max3A_61 = arith.constant 0 : i32
      %max3A_62 = vector.broadcast %max3A_61 : i32 to vector<16xi32>
      %max3A_63 = arith.maxsi %gather3A, %max3A_62 : vector<16xi32>
      %min3A_64 = arith.constant 999 : i32
      %min3A_65 = vector.broadcast %min3A_64 : i32 to vector<16xi32>
      %min3A_66 = arith.minsi %max3A_63, %min3A_65 : vector<16xi32>
      %max3A_67 = arith.constant 0 : i32
      %max3A_68 = vector.broadcast %max3A_67 : i32 to vector<16xi32>
      %max3A_69 = arith.maxsi %gather3A_60, %max3A_68 : vector<16xi32>
      %min3A_70 = arith.constant 999 : i32
      %min3A_71 = vector.broadcast %min3A_70 : i32 to vector<16xi32>
      %min3A_72 = arith.minsi %max3A_69, %min3A_71 : vector<16xi32>
      %ge3A = arith.constant 0 : i32
      %ge3A_73 = vector.broadcast %ge3A : i32 to vector<16xi32>
      %ge3A_74 = arith.cmpi sge, %gather3A, %ge3A_73 : vector<16xi32>
      %jit3A = arith.constant 1.000000e+00 : f32
      %jit3A_75 = arith.constant 0.000000e+00 : f32
      %broadcast_in_dim3A_76 = vector.broadcast %jit3A : f32 to vector<16xf32>
      %broadcast_in_dim3A_77 = vector.broadcast %jit3A_75 : f32 to vector<16xf32>
      %select_n3A = arith.select %ge3A_74, %broadcast_in_dim3A_76, %broadcast_in_dim3A_77 : vector<16xi1>, vector<16xf32>
      %ge3A_78 = arith.constant 0 : i32
      %ge3A_79 = vector.broadcast %ge3A_78 : i32 to vector<16xi32>
      %ge3A_80 = arith.cmpi sge, %gather3A_60, %ge3A_79 : vector<16xi32>
      %lt3A_81 = arith.constant 4 : i32
      %lt3A_82 = vector.broadcast %lt3A_81 : i32 to vector<16xi32>
      %lt3A_83 = arith.cmpi slt, %iota3A, %lt3A_82 : vector<16xi32>
      %and3A = arith.andi %ge3A_80, %lt3A_83 : vector<16xi1>
      %jit3A_84 = arith.constant 1.000000e+00 : f32
      %jit3A_85 = arith.constant 0.000000e+00 : f32
      %broadcast_in_dim3A_86 = vector.broadcast %jit3A_84 : f32 to vector<16xf32>
      %broadcast_in_dim3A_87 = vector.broadcast %jit3A_85 : f32 to vector<16xf32>
      %select_n3A_88 = arith.select %and3A, %broadcast_in_dim3A_86, %broadcast_in_dim3A_87 : vector<16xi1>, vector<16xf32>
      %add3A_89 = arith.addf %select_n3A, %select_n3A_88 : vector<16xf32>
      %reduce_sum3A = arith.constant true
      %reduce_sum3A_90 = vector.broadcast %reduce_sum3A : i1 to vector<16xi1>
      %reduce_sum3A_91 = tpu.scan <sum>, %add3A_89 masked %reduce_sum3A_90 : vector<16xf32>, vector<16xi1> -> vector<16xf32>
      %reduce_sum3A_92 = vector.extract %reduce_sum3A_91[15] : f32 from vector<16xf32>
      %add3A_93 = arith.constant 0 : i32
      %add3A_94 = vector.broadcast %add3A_93 : i32 to vector<16xi32>
      %add3A_95 = arith.addi %iota3A, %add3A_94 : vector<16xi32>
      %mul3A_96 = arith.constant 19 : i32
      %mul3A_97 = vector.broadcast %mul3A_96 : i32 to vector<16xi32>
      %mul3A_98 = arith.muli %add3A_95, %mul3A_97 : vector<16xi32>
      %sub3A = arith.constant 21 : i32
      %sub3A_99 = vector.broadcast %sub3A : i32 to vector<16xi32>
      %sub3A_100 = arith.subi %mul3A_98, %sub3A_99 : vector<16xi32>
      %add3A_101 = arith.constant 16 : i32
      %add3A_102 = vector.broadcast %add3A_101 : i32 to vector<16xi32>
      %add3A_103 = arith.addi %iota3A, %add3A_102 : vector<16xi32>
      %mul3A_104 = arith.constant 19 : i32
      %mul3A_105 = vector.broadcast %mul3A_104 : i32 to vector<16xi32>
      %mul3A_106 = arith.muli %add3A_103, %mul3A_105 : vector<16xi32>
      %sub3A_107 = arith.constant 21 : i32
      %sub3A_108 = vector.broadcast %sub3A_107 : i32 to vector<16xi32>
      %sub3A_109 = arith.subi %mul3A_106, %sub3A_108 : vector<16xi32>
      %dma_wait3A = arith.constant 0 : i32
      %dma_wait3A_110 = arith.constant 0 : i32
      %dma_wait3A_111 = tpu.memref_slice %arg5[%dma_wait3A, %dma_wait3A_110] : memref<20x1000xf32, #tpu.memory_space<vmem>> -> memref<8x1000xf32, #tpu.memory_space<vmem>>
      %dma_wait3A_112 = arith.constant 0 : i32
      %dma_wait3A_113 = arith.constant 0 : i32
      %dma_wait3A_114 = tpu.memref_slice %arg2[%add3A, %dma_wait3A_112, %dma_wait3A_113] : memref<20x20x1000xf32, #tpu.memory_space<hbm>> -> memref<1x8x1000xf32, #tpu.memory_space<hbm>>
      %dma_wait3A_115 = tpu.memref_squeeze %dma_wait3A_114 : memref<1x8x1000xf32, #tpu.memory_space<hbm>> -> memref<8x1000xf32, #tpu.memory_space<hbm>>
      %dma_wait3A_116 = arith.constant 0 : i32
      %dma_wait3A_117 = arith.constant 0 : i32
      %dma_wait3A_118 = tpu.memref_slice %arg5[%dma_wait3A_116, %dma_wait3A_117] : memref<20x1000xf32, #tpu.memory_space<vmem>> -> memref<8x1000xf32, #tpu.memory_space<vmem>>
      %dma_wait3A_119 = arith.constant 0 : i32
      %dma_wait3A_120 = arith.constant 0 : i32
      %dma_wait3A_121 = tpu.memref_slice %arg2[%add3A, %dma_wait3A_119, %dma_wait3A_120] : memref<20x20x1000xf32, #tpu.memory_space<hbm>> -> memref<1x8x1000xf32, #tpu.memory_space<hbm>>
      %dma_wait3A_122 = tpu.memref_squeeze %dma_wait3A_121 : memref<1x8x1000xf32, #tpu.memory_space<hbm>> -> memref<8x1000xf32, #tpu.memory_space<hbm>>
      tpu.wait_dma2 semaphore(%arg9 : memref<!tpu.dma_semaphore, #tpu.memory_space<semaphore_mem>>) src(%dma_wait3A_122 : memref<8x1000xf32, #tpu.memory_space<hbm>>) dst(%dma_wait3A_118 : memref<8x1000xf32, #tpu.memory_space<vmem>>)
      %broadcast_in_dim3A_123 = arith.constant 0 : i32
      %broadcast_in_dim3A_124 = vector.broadcast %broadcast_in_dim3A_123 : i32 to vector<16xi32>
      %gather3A_125 = tpu.vector_load_idx %arg5[%broadcast_in_dim3A_124, %min3A_66] : memref<20x1000xf32, #tpu.memory_space<vmem>>[vector<16xi32>, vector<16xi32>], vector<16xf32>,
      %add3A_126 = arith.constant 0 : i32
      %add3A_127 = vector.broadcast %add3A_126 : i32 to vector<16xi32>
      %add3A_128 = arith.addi %iota3A, %add3A_127 : vector<16xi32>
      tpu.vector_store_idx %arg7[%add3A_128], %gather3A_125 : memref<400xf32, #tpu.memory_space<vmem>>[vector<16xi32>], vector<16xf32>,
      %broadcast_in_dim3A_129 = arith.constant 0 : i32
      %broadcast_in_dim3A_130 = vector.broadcast %broadcast_in_dim3A_129 : i32 to vector<16xi32>
      %gather3A_131 = tpu.vector_load_idx %arg5[%broadcast_in_dim3A_130, %min3A_72] : memref<20x1000xf32, #tpu.memory_space<vmem>>[vector<16xi32>, vector<16xi32>], vector<16xf32>,
      %add3A_132 = arith.constant 16 : i32
      %add3A_133 = vector.broadcast %add3A_132 : i32 to vector<16xi32>
      %add3A_134 = arith.addi %iota3A, %add3A_133 : vector<16xi32>
      %lt3A_135 = arith.constant 4 : i32
      %lt3A_136 = vector.broadcast %lt3A_135 : i32 to vector<16xi32>
      %lt3A_137 = arith.cmpi slt, %iota3A, %lt3A_136 : vector<16xi32>
      tpu.vector_store_idx %arg7[%add3A_134], %gather3A_131 masked %lt3A_137 : memref<400xf32, #tpu.memory_space<vmem>>[vector<16xi32>], vector<16xf32>, vector<16xi1>
      %broadcast_in_dim3A_138 = arith.constant 1 : i32
      %broadcast_in_dim3A_139 = vector.broadcast %broadcast_in_dim3A_138 : i32 to vector<16xi32>
      %gather3A_140 = tpu.vector_load_idx %arg5[%broadcast_in_dim3A_139, %min3A_66] : memref<20x1000xf32, #tpu.memory_space<vmem>>[vector<16xi32>, vector<16xi32>], vector<16xf32>,
      %add3A_141 = arith.constant 20 : i32
      %add3A_142 = vector.broadcast %add3A_141 : i32 to vector<16xi32>
      %add3A_143 = arith.addi %iota3A, %add3A_142 : vector<16xi32>
      tpu.vector_store_idx %arg7[%add3A_143], %gather3A_140 : memref<400xf32, #tpu.memory_space<vmem>>[vector<16xi32>], vector<16xf32>,
      %broadcast_in_dim3A_144 = arith.constant 1 : i32
      %broadcast_in_dim3A_145 = vector.broadcast %broadcast_in_dim3A_144 : i32 to vector<16xi32>
      %gather3A_146 = tpu.vector_load_idx %arg5[%broadcast_in_dim3A_145, %min3A_72] : memref<20x1000xf32, #tpu.memory_space<vmem>>[vector<16xi32>, vector<16xi32>], vector<16xf32>,
      %add3A_147 = arith.constant 36 : i32
      %add3A_148 = vector.broadcast %add3A_147 : i32 to vector<16xi32>
      %add3A_149 = arith.addi %iota3A, %add3A_148 : vector<16xi32>
      %lt3A_150 = arith.constant 4 : i32
      %lt3A_151 = vector.broadcast %lt3A_150 : i32 to vector<16xi32>
      %lt3A_152 = arith.cmpi slt, %iota3A, %lt3A_151 : vector<16xi32>
      tpu.vector_store_idx %arg7[%add3A_149], %gather3A_146 masked %lt3A_152 : memref<400xf32, #tpu.memory_space<vmem>>[vector<16xi32>], vector<16xf32>, vector<16xi1>
      %broadcast_in_dim3A_153 = arith.constant 2 : i32
      %broadcast_in_dim3A_154 = vector.broadcast %broadcast_in_dim3A_153 : i32 to vector<16xi32>
      %gather3A_155 = tpu.vector_load_idx %arg5[%broadcast_in_dim3A_154, %min3A_66] : memref<20x1000xf32, #tpu.memory_space<vmem>>[vector<16xi32>, vector<16xi32>], vector<16xf32>,
      %add3A_156 = arith.constant 40 : i32
      %add3A_157 = vector.broadcast %add3A_156 : i32 to vector<16xi32>
      %add3A_158 = arith.addi %iota3A, %add3A_157 : vector<16xi32>
      tpu.vector_store_idx %arg7[%add3A_158], %gather3A_155 : memref<400xf32, #tpu.memory_space<vmem>>[vector<16xi32>], vector<16xf32>,
      %broadcast_in_dim3A_159 = arith.constant 2 : i32
      %broadcast_in_dim3A_160 = vector.broadcast %broadcast_in_dim3A_159 : i32 to vector<16xi32>
      %gather3A_161 = tpu.vector_load_idx %arg5[%broadcast_in_dim3A_160, %min3A_72] : memref<20x1000xf32, #tpu.memory_space<vmem>>[vector<16xi32>, vector<16xi32>], vector<16xf32>,
      %add3A_162 = arith.constant 56 : i32
      %add3A_163 = vector.broadcast %add3A_162 : i32 to vector<16xi32>
      %add3A_164 = arith.addi %iota3A, %add3A_163 : vector<16xi32>
      %lt3A_165 = arith.constant 4 : i32
      %lt3A_166 = vector.broadcast %lt3A_165 : i32 to vector<16xi32>
      %lt3A_167 = arith.cmpi slt, %iota3A, %lt3A_166 : vector<16xi32>
      tpu.vector_store_idx %arg7[%add3A_164], %gather3A_161 masked %lt3A_167 : memref<400xf32, #tpu.memory_space<vmem>>[vector<16xi32>], vector<16xf32>, vector<16xi1>
      %broadcast_in_dim3A_168 = arith.constant 3 : i32
      %broadcast_in_dim3A_169 = vector.broadcast %broadcast_in_dim3A_168 : i32 to vector<16xi32>
      %gather3A_170 = tpu.vector_load_idx %arg5[%broadcast_in_dim3A_169, %min3A_66] : memref<20x1000xf32, #tpu.memory_space<vmem>>[vector<16xi32>, vector<16xi32>], vector<16xf32>,
      %add3A_171 = arith.constant 60 : i32
      %add3A_172 = vector.broadcast %add3A_171 : i32 to vector<16xi32>
      %add3A_173 = arith.addi %iota3A, %add3A_172 : vector<16xi32>
      tpu.vector_store_idx %arg7[%add3A_173], %gather3A_170 : memref<400xf32, #tpu.memory_space<vmem>>[vector<16xi32>], vector<16xf32>,
      %broadcast_in_dim3A_174 = arith.constant 3 : i32
      %broadcast_in_dim3A_175 = vector.broadcast %broadcast_in_dim3A_174 : i32 to vector<16xi32>
      %gather3A_176 = tpu.vector_load_idx %arg5[%broadcast_in_dim3A_175, %min3A_72] : memref<20x1000xf32, #tpu.memory_space<vmem>>[vector<16xi32>, vector<16xi32>], vector<16xf32>,
      %add3A_177 = arith.constant 76 : i32
      %add3A_178 = vector.broadcast %add3A_177 : i32 to vector<16xi32>
      %add3A_179 = arith.addi %iota3A, %add3A_178 : vector<16xi32>
      %lt3A_180 = arith.constant 4 : i32
      %lt3A_181 = vector.broadcast %lt3A_180 : i32 to vector<16xi32>
      %lt3A_182 = arith.cmpi slt, %iota3A, %lt3A_181 : vector<16xi32>
      tpu.vector_store_idx %arg7[%add3A_179], %gather3A_176 masked %lt3A_182 : memref<400xf32, #tpu.memory_space<vmem>>[vector<16xi32>], vector<16xf32>, vector<16xi1>
      %broadcast_in_dim3A_183 = arith.constant 4 : i32
      %broadcast_in_dim3A_184 = vector.broadcast %broadcast_in_dim3A_183 : i32 to vector<16xi32>
      %gather3A_185 = tpu.vector_load_idx %arg5[%broadcast_in_dim3A_184, %min3A_66] : memref<20x1000xf32, #tpu.memory_space<vmem>>[vector<16xi32>, vector<16xi32>], vector<16xf32>,
      %add3A_186 = arith.constant 80 : i32
      %add3A_187 = vector.broadcast %add3A_186 : i32 to vector<16xi32>
      %add3A_188 = arith.addi %iota3A, %add3A_187 : vector<16xi32>
      tpu.vector_store_idx %arg7[%add3A_188], %gather3A_185 : memref<400xf32, #tpu.memory_space<vmem>>[vector<16xi32>], vector<16xf32>,
      %broadcast_in_dim3A_189 = arith.constant 4 : i32
      %broadcast_in_dim3A_190 = vector.broadcast %broadcast_in_dim3A_189 : i32 to vector<16xi32>
      %gather3A_191 = tpu.vector_load_idx %arg5[%broadcast_in_dim3A_190, %min3A_72] : memref<20x1000xf32, #tpu.memory_space<vmem>>[vector<16xi32>, vector<16xi32>], vector<16xf32>,
      %add3A_192 = arith.constant 96 : i32
      %add3A_193 = vector.broadcast %add3A_192 : i32 to vector<16xi32>
      %add3A_194 = arith.addi %iota3A, %add3A_193 : vector<16xi32>
      %lt3A_195 = arith.constant 4 : i32
      %lt3A_196 = vector.broadcast %lt3A_195 : i32 to vector<16xi32>
      %lt3A_197 = arith.cmpi slt, %iota3A, %lt3A_196 : vector<16xi32>
      tpu.vector_store_idx %arg7[%add3A_194], %gather3A_191 masked %lt3A_197 : memref<400xf32, #tpu.memory_space<vmem>>[vector<16xi32>], vector<16xf32>, vector<16xi1>
      %broadcast_in_dim3A_198 = arith.constant 5 : i32
      %broadcast_in_dim3A_199 = vector.broadcast %broadcast_in_dim3A_198 : i32 to vector<16xi32>
      %gather3A_200 = tpu.vector_load_idx %arg5[%broadcast_in_dim3A_199, %min3A_66] : memref<20x1000xf32, #tpu.memory_space<vmem>>[vector<16xi32>, vector<16xi32>], vector<16xf32>,
      %add3A_201 = arith.constant 100 : i32
      %add3A_202 = vector.broadcast %add3A_201 : i32 to vector<16xi32>
      %add3A_203 = arith.addi %iota3A, %add3A_202 : vector<16xi32>
      tpu.vector_store_idx %arg7[%add3A_203], %gather3A_200 : memref<400xf32, #tpu.memory_space<vmem>>[vector<16xi32>], vector<16xf32>,
      %broadcast_in_dim3A_204 = arith.constant 5 : i32
      %broadcast_in_dim3A_205 = vector.broadcast %broadcast_in_dim3A_204 : i32 to vector<16xi32>
      %gather3A_206 = tpu.vector_load_idx %arg5[%broadcast_in_dim3A_205, %min3A_72] : memref<20x1000xf32, #tpu.memory_space<vmem>>[vector<16xi32>, vector<16xi32>], vector<16xf32>,
      %add3A_207 = arith.constant 116 : i32
      %add3A_208 = vector.broadcast %add3A_207 : i32 to vector<16xi32>
      %add3A_209 = arith.addi %iota3A, %add3A_208 : vector<16xi32>
      %lt3A_210 = arith.constant 4 : i32
      %lt3A_211 = vector.broadcast %lt3A_210 : i32 to vector<16xi32>
      %lt3A_212 = arith.cmpi slt, %iota3A, %lt3A_211 : vector<16xi32>
      tpu.vector_store_idx %arg7[%add3A_209], %gather3A_206 masked %lt3A_212 : memref<400xf32, #tpu.memory_space<vmem>>[vector<16xi32>], vector<16xf32>, vector<16xi1>
      %broadcast_in_dim3A_213 = arith.constant 6 : i32
      %broadcast_in_dim3A_214 = vector.broadcast %broadcast_in_dim3A_213 : i32 to vector<16xi32>
      %gather3A_215 = tpu.vector_load_idx %arg5[%broadcast_in_dim3A_214, %min3A_66] : memref<20x1000xf32, #tpu.memory_space<vmem>>[vector<16xi32>, vector<16xi32>], vector<16xf32>,
      %add3A_216 = arith.constant 120 : i32
      %add3A_217 = vector.broadcast %add3A_216 : i32 to vector<16xi32>
      %add3A_218 = arith.addi %iota3A, %add3A_217 : vector<16xi32>
      tpu.vector_store_idx %arg7[%add3A_218], %gather3A_215 : memref<400xf32, #tpu.memory_space<vmem>>[vector<16xi32>], vector<16xf32>,
      %broadcast_in_dim3A_219 = arith.constant 6 : i32
      %broadcast_in_dim3A_220 = vector.broadcast %broadcast_in_dim3A_219 : i32 to vector<16xi32>
      %gather3A_221 = tpu.vector_load_idx %arg5[%broadcast_in_dim3A_220, %min3A_72] : memref<20x1000xf32, #tpu.memory_space<vmem>>[vector<16xi32>, vector<16xi32>], vector<16xf32>,
      %add3A_222 = arith.constant 136 : i32
      %add3A_223 = vector.broadcast %add3A_222 : i32 to vector<16xi32>
      %add3A_224 = arith.addi %iota3A, %add3A_223 : vector<16xi32>
      %lt3A_225 = arith.constant 4 : i32
      %lt3A_226 = vector.broadcast %lt3A_225 : i32 to vector<16xi32>
      %lt3A_227 = arith.cmpi slt, %iota3A, %lt3A_226 : vector<16xi32>
      tpu.vector_store_idx %arg7[%add3A_224], %gather3A_221 masked %lt3A_227 : memref<400xf32, #tpu.memory_space<vmem>>[vector<16xi32>], vector<16xf32>, vector<16xi1>
      %broadcast_in_dim3A_228 = arith.constant 7 : i32
      %broadcast_in_dim3A_229 = vector.broadcast %broadcast_in_dim3A_228 : i32 to vector<16xi32>
      %gather3A_230 = tpu.vector_load_idx %arg5[%broadcast_in_dim3A_229, %min3A_66] : memref<20x1000xf32, #tpu.memory_space<vmem>>[vector<16xi32>, vector<16xi32>], vector<16xf32>,
      %add3A_231 = arith.constant 140 : i32
      %add3A_232 = vector.broadcast %add3A_231 : i32 to vector<16xi32>
      %add3A_233 = arith.addi %iota3A, %add3A_232 : vector<16xi32>
      tpu.vector_store_idx %arg7[%add3A_233], %gather3A_230 : memref<400xf32, #tpu.memory_space<vmem>>[vector<16xi32>], vector<16xf32>,
      %broadcast_in_dim3A_234 = arith.constant 7 : i32
      %broadcast_in_dim3A_235 = vector.broadcast %broadcast_in_dim3A_234 : i32 to vector<16xi32>
      %gather3A_236 = tpu.vector_load_idx %arg5[%broadcast_in_dim3A_235, %min3A_72] : memref<20x1000xf32, #tpu.memory_space<vmem>>[vector<16xi32>, vector<16xi32>], vector<16xf32>,
      %add3A_237 = arith.constant 156 : i32
      %add3A_238 = vector.broadcast %add3A_237 : i32 to vector<16xi32>
      %add3A_239 = arith.addi %iota3A, %add3A_238 : vector<16xi32>
      %lt3A_240 = arith.constant 4 : i32
      %lt3A_241 = vector.broadcast %lt3A_240 : i32 to vector<16xi32>
      %lt3A_242 = arith.cmpi slt, %iota3A, %lt3A_241 : vector<16xi32>
      tpu.vector_store_idx %arg7[%add3A_239], %gather3A_236 masked %lt3A_242 : memref<400xf32, #tpu.memory_space<vmem>>[vector<16xi32>], vector<16xf32>, vector<16xi1>
      %ge3A_243 = arith.constant 1 : i32
      %ge3A_244 = vector.broadcast %ge3A_243 : i32 to vector<16xi32>
      %ge3A_245 = arith.cmpi sge, %iota3A, %ge3A_244 : vector<16xi32>
      %le3A = arith.constant 1 : i32
      %le3A_246 = vector.broadcast %le3A : i32 to vector<16xi32>
      %le3A_247 = arith.cmpi sle, %iota3A, %le3A_246 : vector<16xi32>
      %and3A_248 = arith.andi %ge3A_245, %le3A_247 : vector<16xi1>
      %add3A_249 = arith.constant 2 : i32
      %add3A_250 = vector.broadcast %add3A_249 : i32 to vector<16xi32>
      %add3A_251 = arith.addi %sub3A_100, %add3A_250 : vector<16xi32>
      %max3A_252 = arith.constant 0 : i32
      %max3A_253 = vector.broadcast %max3A_252 : i32 to vector<16xi32>
      %max3A_254 = arith.maxsi %add3A_251, %max3A_253 : vector<16xi32>
      %min3A_255 = arith.constant 399 : i32
      %min3A_256 = vector.broadcast %min3A_255 : i32 to vector<16xi32>
      %min3A_257 = arith.minsi %max3A_254, %min3A_256 : vector<16xi32>
      %gather3A_258 = tpu.vector_load_idx %arg7[%min3A_257] : memref<400xf32, #tpu.memory_space<vmem>>[vector<16xi32>], vector<16xf32>,
      %sub3A_259 = arith.constant 1 : i32
      %sub3A_260 = vector.broadcast %sub3A_259 : i32 to vector<16xi32>
      %sub3A_261 = arith.subi %iota3A, %sub3A_260 : vector<16xi32>
      %max3A_262 = arith.constant 0 : i32
      %max3A_263 = vector.broadcast %max3A_262 : i32 to vector<16xi32>
      %max3A_264 = arith.maxsi %sub3A_261, %max3A_263 : vector<16xi32>
      %min3A_265 = arith.constant 15 : i32
      %min3A_266 = vector.broadcast %min3A_265 : i32 to vector<16xi32>
      %min3A_267 = arith.minsi %max3A_264, %min3A_266 : vector<16xi32>
      %lt3A_268 = arith.constant 0 : i32
      %lt3A_269 = vector.broadcast %lt3A_268 : i32 to vector<16xi32>
      %lt3A_270 = arith.cmpi slt, %min3A_267, %lt3A_269 : vector<16xi32>
      %add3A_271 = arith.constant 16 : i32
      %add3A_272 = vector.broadcast %add3A_271 : i32 to vector<16xi32>
      %add3A_273 = arith.addi %min3A_267, %add3A_272 : vector<16xi32>
      %select_n3A_274 = arith.select %lt3A_270, %add3A_273, %min3A_267 : vector<16xi1>, vector<16xi32>
      %broadcast_in_dim3A_275 = vector.shape_cast %select_n3A_274 : vector<16xi32> to vector<16x1xi32>
      %gather3A_276 = vector.shape_cast %broadcast_in_dim3A_275 : vector<16x1xi32> to vector<16xi32>
      %gather3A_277 = tpu.dynamic_gather %broadcast_in_dim3A_2[%gather3A_276] in [0] : vector<16xf32>, vector<16xi32> -> vector<16xf32>
      %max3A_278 = arith.maximumf %broadcast_in_dim3A_2, %gather3A_277 : vector<16xf32>
      %sub3A_279 = arith.constant 1 : i32
      %sub3A_280 = vector.broadcast %sub3A_279 : i32 to vector<16xi32>
      %sub3A_281 = arith.subi %iota3A, %sub3A_280 : vector<16xi32>
      %max3A_282 = arith.constant 0 : i32
      %max3A_283 = vector.broadcast %max3A_282 : i32 to vector<16xi32>
      %max3A_284 = arith.maxsi %sub3A_281, %max3A_283 : vector<16xi32>
      %min3A_285 = arith.constant 15 : i32
      %min3A_286 = vector.broadcast %min3A_285 : i32 to vector<16xi32>
      %min3A_287 = arith.minsi %max3A_284, %min3A_286 : vector<16xi32>
      %lt3A_288 = arith.constant 0 : i32
      %lt3A_289 = vector.broadcast %lt3A_288 : i32 to vector<16xi32>
      %lt3A_290 = arith.cmpi slt, %min3A_287, %lt3A_289 : vector<16xi32>
      %add3A_291 = arith.constant 16 : i32
      %add3A_292 = vector.broadcast %add3A_291 : i32 to vector<16xi32>
      %add3A_293 = arith.addi %min3A_287, %add3A_292 : vector<16xi32>
      %select_n3A_294 = arith.select %lt3A_290, %add3A_293, %min3A_287 : vector<16xi1>, vector<16xi32>
      %broadcast_in_dim3A_295 = vector.shape_cast %select_n3A_294 : vector<16xi32> to vector<16x1xi32>
      %gather3A_296 = vector.shape_cast %broadcast_in_dim3A_295 : vector<16x1xi32> to vector<16xi32>
      %gather3A_297 = tpu.dynamic_gather %broadcast_in_dim3A_2[%gather3A_296] in [0] : vector<16xf32>, vector<16xi32> -> vector<16xf32>
      %add3A_298 = arith.constant 1.000000e+00 : f32
      %add3A_299 = vector.broadcast %add3A_298 : f32 to vector<16xf32>
      %add3A_300 = arith.addf %gather3A_297, %add3A_299 : vector<16xf32>
      %sub3A_301 = arith.subf %add3A_300, %max3A_278 : vector<16xf32>
      %mul3A_302 = arith.mulf %gather3A_258, %sub3A_301 : vector<16xf32>
      %add3A_303 = arith.addf %mul3A_302, %max3A_278 : vector<16xf32>
      %jit3A_304 = arith.constant 0.000000e+00 : f32
      %broadcast_in_dim3A_305 = vector.broadcast %jit3A_304 : f32 to vector<16xf32>
      %select_n3A_306 = arith.select %and3A_248, %add3A_303, %broadcast_in_dim3A_305 : vector<16xi1>, vector<16xf32>
      %ge3A_307 = arith.constant 1 : i32
      %ge3A_308 = vector.broadcast %ge3A_307 : i32 to vector<16xi32>
      %ge3A_309 = arith.cmpi sge, %iota3A, %ge3A_308 : vector<16xi32>
      %le3A_310 = arith.constant 2 : i32
      %le3A_311 = vector.broadcast %le3A_310 : i32 to vector<16xi32>
      %le3A_312 = arith.cmpi sle, %iota3A, %le3A_311 : vector<16xi32>
      %and3A_313 = arith.andi %ge3A_309, %le3A_312 : vector<16xi1>
      %add3A_314 = arith.constant 3 : i32
      %add3A_315 = vector.broadcast %add3A_314 : i32 to vector<16xi32>
      %add3A_316 = arith.addi %sub3A_100, %add3A_315 : vector<16xi32>
      %max3A_317 = arith.constant 0 : i32
      %max3A_318 = vector.broadcast %max3A_317 : i32 to vector<16xi32>
      %max3A_319 = arith.maxsi %add3A_316, %max3A_318 : vector<16xi32>
      %min3A_320 = arith.constant 399 : i32
      %min3A_321 = vector.broadcast %min3A_320 : i32 to vector<16xi32>
      %min3A_322 = arith.minsi %max3A_319, %min3A_321 : vector<16xi32>
      %gather3A_323 = tpu.vector_load_idx %arg7[%min3A_322] : memref<400xf32, #tpu.memory_space<vmem>>[vector<16xi32>], vector<16xf32>,
      %sub3A_324 = arith.constant 1 : i32
      %sub3A_325 = vector.broadcast %sub3A_324 : i32 to vector<16xi32>
      %sub3A_326 = arith.subi %iota3A, %sub3A_325 : vector<16xi32>
      %max3A_327 = arith.constant 0 : i32
      %max3A_328 = vector.broadcast %max3A_327 : i32 to vector<16xi32>
      %max3A_329 = arith.maxsi %sub3A_326, %max3A_328 : vector<16xi32>
      %min3A_330 = arith.constant 15 : i32
      %min3A_331 = vector.broadcast %min3A_330 : i32 to vector<16xi32>
      %min3A_332 = arith.minsi %max3A_329, %min3A_331 : vector<16xi32>
      %lt3A_333 = arith.constant 0 : i32
      %lt3A_334 = vector.broadcast %lt3A_333 : i32 to vector<16xi32>
      %lt3A_335 = arith.cmpi slt, %min3A_332, %lt3A_334 : vector<16xi32>
      %add3A_336 = arith.constant 16 : i32
      %add3A_337 = vector.broadcast %add3A_336 : i32 to vector<16xi32>
      %add3A_338 = arith.addi %min3A_332, %add3A_337 : vector<16xi32>
      %select_n3A_339 = arith.select %lt3A_335, %add3A_338, %min3A_332 : vector<16xi1>, vector<16xi32>
      %broadcast_in_dim3A_340 = vector.shape_cast %select_n3A_339 : vector<16xi32> to vector<16x1xi32>
      %gather3A_341 = vector.shape_cast %broadcast_in_dim3A_340 : vector<16x1xi32> to vector<16xi32>
      %gather3A_342 = tpu.dynamic_gather %select_n3A_306[%gather3A_341] in [0] : vector<16xf32>, vector<16xi32> -> vector<16xf32>
      %max3A_343 = arith.maximumf %select_n3A_306, %gather3A_342 : vector<16xf32>
      %sub3A_344 = arith.constant 1 : i32
      %sub3A_345 = vector.broadcast %sub3A_344 : i32 to vector<16xi32>
      %sub3A_346 = arith.subi %iota3A, %sub3A_345 : vector<16xi32>
      %max3A_347 = arith.constant 0 : i32
      %max3A_348 = vector.broadcast %max3A_347 : i32 to vector<16xi32>
      %max3A_349 = arith.maxsi %sub3A_346, %max3A_348 : vector<16xi32>
      %min3A_350 = arith.constant 15 : i32
      %min3A_351 = vector.broadcast %min3A_350 : i32 to vector<16xi32>
      %min3A_352 = arith.minsi %max3A_349, %min3A_351 : vector<16xi32>
      %lt3A_353 = arith.constant 0 : i32
      %lt3A_354 = vector.broadcast %lt3A_353 : i32 to vector<16xi32>
      %lt3A_355 = arith.cmpi slt, %min3A_352, %lt3A_354 : vector<16xi32>
      %add3A_356 = arith.constant 16 : i32
      %add3A_357 = vector.broadcast %add3A_356 : i32 to vector<16xi32>
      %add3A_358 = arith.addi %min3A_352, %add3A_357 : vector<16xi32>
      %select_n3A_359 = arith.select %lt3A_355, %add3A_358, %min3A_352 : vector<16xi1>, vector<16xi32>
      %broadcast_in_dim3A_360 = vector.shape_cast %select_n3A_359 : vector<16xi32> to vector<16x1xi32>
      %gather3A_361 = vector.shape_cast %broadcast_in_dim3A_360 : vector<16x1xi32> to vector<16xi32>
      %gather3A_362 = tpu.dynamic_gather %broadcast_in_dim3A_2[%gather3A_361] in [0] : vector<16xf32>, vector<16xi32> -> vector<16xf32>
      %add3A_363 = arith.constant 1.000000e+00 : f32
      %add3A_364 = vector.broadcast %add3A_363 : f32 to vector<16xf32>
      %add3A_365 = arith.addf %gather3A_362, %add3A_364 : vector<16xf32>
      %sub3A_366 = arith.subf %add3A_365, %max3A_343 : vector<16xf32>
      %mul3A_367 = arith.mulf %gather3A_323, %sub3A_366 : vector<16xf32>
      %add3A_368 = arith.addf %mul3A_367, %max3A_343 : vector<16xf32>
      %jit3A_369 = arith.constant 0.000000e+00 : f32
      %broadcast_in_dim3A_370 = vector.broadcast %jit3A_369 : f32 to vector<16xf32>
      %select_n3A_371 = arith.select %and3A_313, %add3A_368, %broadcast_in_dim3A_370 : vector<16xi1>, vector<16xf32>
      %ge3A_372 = arith.constant 1 : i32
      %ge3A_373 = vector.broadcast %ge3A_372 : i32 to vector<16xi32>
      %ge3A_374 = arith.cmpi sge, %iota3A, %ge3A_373 : vector<16xi32>
      %le3A_375 = arith.constant 3 : i32
      %le3A_376 = vector.broadcast %le3A_375 : i32 to vector<16xi32>
      %le3A_377 = arith.cmpi sle, %iota3A, %le3A_376 : vector<16xi32>
      %and3A_378 = arith.andi %ge3A_374, %le3A_377 : vector<16xi1>
      %add3A_379 = arith.constant 4 : i32
      %add3A_380 = vector.broadcast %add3A_379 : i32 to vector<16xi32>
      %add3A_381 = arith.addi %sub3A_100, %add3A_380 : vector<16xi32>
      %max3A_382 = arith.constant 0 : i32
      %max3A_383 = vector.broadcast %max3A_382 : i32 to vector<16xi32>
      %max3A_384 = arith.maxsi %add3A_381, %max3A_383 : vector<16xi32>
      %min3A_385 = arith.constant 399 : i32
      %min3A_386 = vector.broadcast %min3A_385 : i32 to vector<16xi32>
      %min3A_387 = arith.minsi %max3A_384, %min3A_386 : vector<16xi32>
      %gather3A_388 = tpu.vector_load_idx %arg7[%min3A_387] : memref<400xf32, #tpu.memory_space<vmem>>[vector<16xi32>], vector<16xf32>,
      %sub3A_389 = arith.constant 1 : i32
      %sub3A_390 = vector.broadcast %sub3A_389 : i32 to vector<16xi32>
      %sub3A_391 = arith.subi %iota3A, %sub3A_390 : vector<16xi32>
      %max3A_392 = arith.constant 0 : i32
      %max3A_393 = vector.broadcast %max3A_392 : i32 to vector<16xi32>
      %max3A_394 = arith.maxsi %sub3A_391, %max3A_393 : vector<16xi32>
      %min3A_395 = arith.constant 15 : i32
      %min3A_396 = vector.broadcast %min3A_395 : i32 to vector<16xi32>
      %min3A_397 = arith.minsi %max3A_394, %min3A_396 : vector<16xi32>
      %lt3A_398 = arith.constant 0 : i32
      %lt3A_399 = vector.broadcast %lt3A_398 : i32 to vector<16xi32>
      %lt3A_400 = arith.cmpi slt, %min3A_397, %lt3A_399 : vector<16xi32>
      %add3A_401 = arith.constant 16 : i32
      %add3A_402 = vector.broadcast %add3A_401 : i32 to vector<16xi32>
      %add3A_403 = arith.addi %min3A_397, %add3A_402 : vector<16xi32>
      %select_n3A_404 = arith.select %lt3A_400, %add3A_403, %min3A_397 : vector<16xi1>, vector<16xi32>
      %broadcast_in_dim3A_405 = vector.shape_cast %select_n3A_404 : vector<16xi32> to vector<16x1xi32>
      %gather3A_406 = vector.shape_cast %broadcast_in_dim3A_405 : vector<16x1xi32> to vector<16xi32>
      %gather3A_407 = tpu.dynamic_gather %select_n3A_371[%gather3A_406] in [0] : vector<16xf32>, vector<16xi32> -> vector<16xf32>
      %max3A_408 = arith.maximumf %select_n3A_371, %gather3A_407 : vector<16xf32>
      %sub3A_409 = arith.constant 1 : i32
      %sub3A_410 = vector.broadcast %sub3A_409 : i32 to vector<16xi32>
      %sub3A_411 = arith.subi %iota3A, %sub3A_410 : vector<16xi32>
      %max3A_412 = arith.constant 0 : i32
      %max3A_413 = vector.broadcast %max3A_412 : i32 to vector<16xi32>
      %max3A_414 = arith.maxsi %sub3A_411, %max3A_413 : vector<16xi32>
      %min3A_415 = arith.constant 15 : i32
      %min3A_416 = vector.broadcast %min3A_415 : i32 to vector<16xi32>
      %min3A_417 = arith.minsi %max3A_414, %min3A_416 : vector<16xi32>
      %lt3A_418 = arith.constant 0 : i32
      %lt3A_419 = vector.broadcast %lt3A_418 : i32 to vector<16xi32>
      %lt3A_420 = arith.cmpi slt, %min3A_417, %lt3A_419 : vector<16xi32>
      %add3A_421 = arith.constant 16 : i32
      %add3A_422 = vector.broadcast %add3A_421 : i32 to vector<16xi32>
      %add3A_423 = arith.addi %min3A_417, %add3A_422 : vector<16xi32>
      %select_n3A_424 = arith.select %lt3A_420, %add3A_423, %min3A_417 : vector<16xi1>, vector<16xi32>
      %broadcast_in_dim3A_425 = vector.shape_cast %select_n3A_424 : vector<16xi32> to vector<16x1xi32>
      %gather3A_426 = vector.shape_cast %broadcast_in_dim3A_425 : vector<16x1xi32> to vector<16xi32>
      %gather3A_427 = tpu.dynamic_gather %select_n3A_306[%gather3A_426] in [0] : vector<16xf32>, vector<16xi32> -> vector<16xf32>
      %add3A_428 = arith.constant 1.000000e+00 : f32
      %add3A_429 = vector.broadcast %add3A_428 : f32 to vector<16xf32>
      %add3A_430 = arith.addf %gather3A_427, %add3A_429 : vector<16xf32>
      %sub3A_431 = arith.subf %add3A_430, %max3A_408 : vector<16xf32>
      %mul3A_432 = arith.mulf %gather3A_388, %sub3A_431 : vector<16xf32>
      %add3A_433 = arith.addf %mul3A_432, %max3A_408 : vector<16xf32>
      %jit3A_434 = arith.constant 0.000000e+00 : f32
      %broadcast_in_dim3A_435 = vector.broadcast %jit3A_434 : f32 to vector<16xf32>
      %select_n3A_436 = arith.select %and3A_378, %add3A_433, %broadcast_in_dim3A_435 : vector<16xi1>, vector<16xf32>
      %ge3A_437 = arith.constant 1 : i32
      %ge3A_438 = vector.broadcast %ge3A_437 : i32 to vector<16xi32>
      %ge3A_439 = arith.cmpi sge, %iota3A, %ge3A_438 : vector<16xi32>
      %le3A_440 = arith.constant 4 : i32
      %le3A_441 = vector.broadcast %le3A_440 : i32 to vector<16xi32>
      %le3A_442 = arith.cmpi sle, %iota3A, %le3A_441 : vector<16xi32>
      %and3A_443 = arith.andi %ge3A_439, %le3A_442 : vector<16xi1>
      %add3A_444 = arith.constant 5 : i32
      %add3A_445 = vector.broadcast %add3A_444 : i32 to vector<16xi32>
      %add3A_446 = arith.addi %sub3A_100, %add3A_445 : vector<16xi32>
      %max3A_447 = arith.constant 0 : i32
      %max3A_448 = vector.broadcast %max3A_447 : i32 to vector<16xi32>
      %max3A_449 = arith.maxsi %add3A_446, %max3A_448 : vector<16xi32>
      %min3A_450 = arith.constant 399 : i32
      %min3A_451 = vector.broadcast %min3A_450 : i32 to vector<16xi32>
      %min3A_452 = arith.minsi %max3A_449, %min3A_451 : vector<16xi32>
      %gather3A_453 = tpu.vector_load_idx %arg7[%min3A_452] : memref<400xf32, #tpu.memory_space<vmem>>[vector<16xi32>], vector<16xf32>,
      %sub3A_454 = arith.constant 1 : i32
      %sub3A_455 = vector.broadcast %sub3A_454 : i32 to vector<16xi32>
      %sub3A_456 = arith.subi %iota3A, %sub3A_455 : vector<16xi32>
      %max3A_457 = arith.constant 0 : i32
      %max3A_458 = vector.broadcast %max3A_457 : i32 to vector<16xi32>
      %max3A_459 = arith.maxsi %sub3A_456, %max3A_458 : vector<16xi32>
      %min3A_460 = arith.constant 15 : i32
      %min3A_461 = vector.broadcast %min3A_460 : i32 to vector<16xi32>
      %min3A_462 = arith.minsi %max3A_459, %min3A_461 : vector<16xi32>
      %lt3A_463 = arith.constant 0 : i32
      %lt3A_464 = vector.broadcast %lt3A_463 : i32 to vector<16xi32>
      %lt3A_465 = arith.cmpi slt, %min3A_462, %lt3A_464 : vector<16xi32>
      %add3A_466 = arith.constant 16 : i32
      %add3A_467 = vector.broadcast %add3A_466 : i32 to vector<16xi32>
      %add3A_468 = arith.addi %min3A_462, %add3A_467 : vector<16xi32>
      %select_n3A_469 = arith.select %lt3A_465, %add3A_468, %min3A_462 : vector<16xi1>, vector<16xi32>
      %broadcast_in_dim3A_470 = vector.shape_cast %select_n3A_469 : vector<16xi32> to vector<16x1xi32>
      %gather3A_471 = vector.shape_cast %broadcast_in_dim3A_470 : vector<16x1xi32> to vector<16xi32>
      %gather3A_472 = tpu.dynamic_gather %select_n3A_436[%gather3A_471] in [0] : vector<16xf32>, vector<16xi32> -> vector<16xf32>
      %max3A_473 = arith.maximumf %select_n3A_436, %gather3A_472 : vector<16xf32>
      %sub3A_474 = arith.constant 1 : i32
      %sub3A_475 = vector.broadcast %sub3A_474 : i32 to vector<16xi32>
      %sub3A_476 = arith.subi %iota3A, %sub3A_475 : vector<16xi32>
      %max3A_477 = arith.constant 0 : i32
      %max3A_478 = vector.broadcast %max3A_477 : i32 to vector<16xi32>
      %max3A_479 = arith.maxsi %sub3A_476, %max3A_478 : vector<16xi32>
      %min3A_480 = arith.constant 15 : i32
      %min3A_481 = vector.broadcast %min3A_480 : i32 to vector<16xi32>
      %min3A_482 = arith.minsi %max3A_479, %min3A_481 : vector<16xi32>
      %lt3A_483 = arith.constant 0 : i32
      %lt3A_484 = vector.broadcast %lt3A_483 : i32 to vector<16xi32>
      %lt3A_485 = arith.cmpi slt, %min3A_482, %lt3A_484 : vector<16xi32>
      %add3A_486 = arith.constant 16 : i32
      %add3A_487 = vector.broadcast %add3A_486 : i32 to vector<16xi32>
      %add3A_488 = arith.addi %min3A_482, %add3A_487 : vector<16xi32>
      %select_n3A_489 = arith.select %lt3A_485, %add3A_488, %min3A_482 : vector<16xi1>, vector<16xi32>
      %broadcast_in_dim3A_490 = vector.shape_cast %select_n3A_489 : vector<16xi32> to vector<16x1xi32>
      %gather3A_491 = vector.shape_cast %broadcast_in_dim3A_490 : vector<16x1xi32> to vector<16xi32>
      %gather3A_492 = tpu.dynamic_gather %select_n3A_371[%gather3A_491] in [0] : vector<16xf32>, vector<16xi32> -> vector<16xf32>
      %add3A_493 = arith.constant 1.000000e+00 : f32
      %add3A_494 = vector.broadcast %add3A_493 : f32 to vector<16xf32>
      %add3A_495 = arith.addf %gather3A_492, %add3A_494 : vector<16xf32>
      %sub3A_496 = arith.subf %add3A_495, %max3A_473 : vector<16xf32>
      %mul3A_497 = arith.mulf %gather3A_453, %sub3A_496 : vector<16xf32>
      %add3A_498 = arith.addf %mul3A_497, %max3A_473 : vector<16xf32>
      %jit3A_499 = arith.constant 0.000000e+00 : f32
      %broadcast_in_dim3A_500 = vector.broadcast %jit3A_499 : f32 to vector<16xf32>
      %select_n3A_501 = arith.select %and3A_443, %add3A_498, %broadcast_in_dim3A_500 : vector<16xi1>, vector<16xf32>
      %ge3A_502 = arith.constant 1 : i32
      %ge3A_503 = vector.broadcast %ge3A_502 : i32 to vector<16xi32>
      %ge3A_504 = arith.cmpi sge, %iota3A, %ge3A_503 : vector<16xi32>
      %le3A_505 = arith.constant 5 : i32
      %le3A_506 = vector.broadcast %le3A_505 : i32 to vector<16xi32>
      %le3A_507 = arith.cmpi sle, %iota3A, %le3A_506 : vector<16xi32>
      %and3A_508 = arith.andi %ge3A_504, %le3A_507 : vector<16xi1>
      %add3A_509 = arith.constant 6 : i32
      %add3A_510 = vector.broadcast %add3A_509 : i32 to vector<16xi32>
      %add3A_511 = arith.addi %sub3A_100, %add3A_510 : vector<16xi32>
      %max3A_512 = arith.constant 0 : i32
      %max3A_513 = vector.broadcast %max3A_512 : i32 to vector<16xi32>
      %max3A_514 = arith.maxsi %add3A_511, %max3A_513 : vector<16xi32>
      %min3A_515 = arith.constant 399 : i32
      %min3A_516 = vector.broadcast %min3A_515 : i32 to vector<16xi32>
      %min3A_517 = arith.minsi %max3A_514, %min3A_516 : vector<16xi32>
      %gather3A_518 = tpu.vector_load_idx %arg7[%min3A_517] : memref<400xf32, #tpu.memory_space<vmem>>[vector<16xi32>], vector<16xf32>,
      %sub3A_519 = arith.constant 1 : i32
      %sub3A_520 = vector.broadcast %sub3A_519 : i32 to vector<16xi32>
      %sub3A_521 = arith.subi %iota3A, %sub3A_520 : vector<16xi32>
      %max3A_522 = arith.constant 0 : i32
      %max3A_523 = vector.broadcast %max3A_522 : i32 to vector<16xi32>
      %max3A_524 = arith.maxsi %sub3A_521, %max3A_523 : vector<16xi32>
      %min3A_525 = arith.constant 15 : i32
      %min3A_526 = vector.broadcast %min3A_525 : i32 to vector<16xi32>
      %min3A_527 = arith.minsi %max3A_524, %min3A_526 : vector<16xi32>
      %lt3A_528 = arith.constant 0 : i32
      %lt3A_529 = vector.broadcast %lt3A_528 : i32 to vector<16xi32>
      %lt3A_530 = arith.cmpi slt, %min3A_527, %lt3A_529 : vector<16xi32>
      %add3A_531 = arith.constant 16 : i32
      %add3A_532 = vector.broadcast %add3A_531 : i32 to vector<16xi32>
      %add3A_533 = arith.addi %min3A_527, %add3A_532 : vector<16xi32>
      %select_n3A_534 = arith.select %lt3A_530, %add3A_533, %min3A_527 : vector<16xi1>, vector<16xi32>
      %broadcast_in_dim3A_535 = vector.shape_cast %select_n3A_534 : vector<16xi32> to vector<16x1xi32>
      %gather3A_536 = vector.shape_cast %broadcast_in_dim3A_535 : vector<16x1xi32> to vector<16xi32>
      %gather3A_537 = tpu.dynamic_gather %select_n3A_501[%gather3A_536] in [0] : vector<16xf32>, vector<16xi32> -> vector<16xf32>
      %max3A_538 = arith.maximumf %select_n3A_501, %gather3A_537 : vector<16xf32>
      %sub3A_539 = arith.constant 1 : i32
      %sub3A_540 = vector.broadcast %sub3A_539 : i32 to vector<16xi32>
      %sub3A_541 = arith.subi %iota3A, %sub3A_540 : vector<16xi32>
      %max3A_542 = arith.constant 0 : i32
      %max3A_543 = vector.broadcast %max3A_542 : i32 to vector<16xi32>
      %max3A_544 = arith.maxsi %sub3A_541, %max3A_543 : vector<16xi32>
      %min3A_545 = arith.constant 15 : i32
      %min3A_546 = vector.broadcast %min3A_545 : i32 to vector<16xi32>
      %min3A_547 = arith.minsi %max3A_544, %min3A_546 : vector<16xi32>
      %lt3A_548 = arith.constant 0 : i32
      %lt3A_549 = vector.broadcast %lt3A_548 : i32 to vector<16xi32>
      %lt3A_550 = arith.cmpi slt, %min3A_547, %lt3A_549 : vector<16xi32>
      %add3A_551 = arith.constant 16 : i32
      %add3A_552 = vector.broadcast %add3A_551 : i32 to vector<16xi32>
      %add3A_553 = arith.addi %min3A_547, %add3A_552 : vector<16xi32>
      %select_n3A_554 = arith.select %lt3A_550, %add3A_553, %min3A_547 : vector<16xi1>, vector<16xi32>
      %broadcast_in_dim3A_555 = vector.shape_cast %select_n3A_554 : vector<16xi32> to vector<16x1xi32>
      %gather3A_556 = vector.shape_cast %broadcast_in_dim3A_555 : vector<16x1xi32> to vector<16xi32>
      %gather3A_557 = tpu.dynamic_gather %select_n3A_436[%gather3A_556] in [0] : vector<16xf32>, vector<16xi32> -> vector<16xf32>
      %add3A_558 = arith.constant 1.000000e+00 : f32
      %add3A_559 = vector.broadcast %add3A_558 : f32 to vector<16xf32>
      %add3A_560 = arith.addf %gather3A_557, %add3A_559 : vector<16xf32>
      %sub3A_561 = arith.subf %add3A_560, %max3A_538 : vector<16xf32>
      %mul3A_562 = arith.mulf %gather3A_518, %sub3A_561 : vector<16xf32>
      %add3A_563 = arith.addf %mul3A_562, %max3A_538 : vector<16xf32>
      %jit3A_564 = arith.constant 0.000000e+00 : f32
      %broadcast_in_dim3A_565 = vector.broadcast %jit3A_564 : f32 to vector<16xf32>
      %select_n3A_566 = arith.select %and3A_508, %add3A_563, %broadcast_in_dim3A_565 : vector<16xi1>, vector<16xf32>
      %ge3A_567 = arith.constant 1 : i32
      %ge3A_568 = vector.broadcast %ge3A_567 : i32 to vector<16xi32>
      %ge3A_569 = arith.cmpi sge, %iota3A, %ge3A_568 : vector<16xi32>
      %le3A_570 = arith.constant 6 : i32
      %le3A_571 = vector.broadcast %le3A_570 : i32 to vector<16xi32>
      %le3A_572 = arith.cmpi sle, %iota3A, %le3A_571 : vector<16xi32>
      %and3A_573 = arith.andi %ge3A_569, %le3A_572 : vector<16xi1>
      %add3A_574 = arith.constant 7 : i32
      %add3A_575 = vector.broadcast %add3A_574 : i32 to vector<16xi32>
      %add3A_576 = arith.addi %sub3A_100, %add3A_575 : vector<16xi32>
      %max3A_577 = arith.constant 0 : i32
      %max3A_578 = vector.broadcast %max3A_577 : i32 to vector<16xi32>
      %max3A_579 = arith.maxsi %add3A_576, %max3A_578 : vector<16xi32>
      %min3A_580 = arith.constant 399 : i32
      %min3A_581 = vector.broadcast %min3A_580 : i32 to vector<16xi32>
      %min3A_582 = arith.minsi %max3A_579, %min3A_581 : vector<16xi32>
      %gather3A_583 = tpu.vector_load_idx %arg7[%min3A_582] : memref<400xf32, #tpu.memory_space<vmem>>[vector<16xi32>], vector<16xf32>,
      %sub3A_584 = arith.constant 1 : i32
      %sub3A_585 = vector.broadcast %sub3A_584 : i32 to vector<16xi32>
      %sub3A_586 = arith.subi %iota3A, %sub3A_585 : vector<16xi32>
      %max3A_587 = arith.constant 0 : i32
      %max3A_588 = vector.broadcast %max3A_587 : i32 to vector<16xi32>
      %max3A_589 = arith.maxsi %sub3A_586, %max3A_588 : vector<16xi32>
      %min3A_590 = arith.constant 15 : i32
      %min3A_591 = vector.broadcast %min3A_590 : i32 to vector<16xi32>
      %min3A_592 = arith.minsi %max3A_589, %min3A_591 : vector<16xi32>
      %lt3A_593 = arith.constant 0 : i32
      %lt3A_594 = vector.broadcast %lt3A_593 : i32 to vector<16xi32>
      %lt3A_595 = arith.cmpi slt, %min3A_592, %lt3A_594 : vector<16xi32>
      %add3A_596 = arith.constant 16 : i32
      %add3A_597 = vector.broadcast %add3A_596 : i32 to vector<16xi32>
      %add3A_598 = arith.addi %min3A_592, %add3A_597 : vector<16xi32>
      %select_n3A_599 = arith.select %lt3A_595, %add3A_598, %min3A_592 : vector<16xi1>, vector<16xi32>
      %broadcast_in_dim3A_600 = vector.shape_cast %select_n3A_599 : vector<16xi32> to vector<16x1xi32>
      %gather3A_601 = vector.shape_cast %broadcast_in_dim3A_600 : vector<16x1xi32> to vector<16xi32>
      %gather3A_602 = tpu.dynamic_gather %select_n3A_566[%gather3A_601] in [0] : vector<16xf32>, vector<16xi32> -> vector<16xf32>
      %max3A_603 = arith.maximumf %select_n3A_566, %gather3A_602 : vector<16xf32>
      %sub3A_604 = arith.constant 1 : i32
      %sub3A_605 = vector.broadcast %sub3A_604 : i32 to vector<16xi32>
      %sub3A_606 = arith.subi %iota3A, %sub3A_605 : vector<16xi32>
      %max3A_607 = arith.constant 0 : i32
      %max3A_608 = vector.broadcast %max3A_607 : i32 to vector<16xi32>
      %max3A_609 = arith.maxsi %sub3A_606, %max3A_608 : vector<16xi32>
      %min3A_610 = arith.constant 15 : i32
      %min3A_611 = vector.broadcast %min3A_610 : i32 to vector<16xi32>
      %min3A_612 = arith.minsi %max3A_609, %min3A_611 : vector<16xi32>
      %lt3A_613 = arith.constant 0 : i32
      %lt3A_614 = vector.broadcast %lt3A_613 : i32 to vector<16xi32>
      %lt3A_615 = arith.cmpi slt, %min3A_612, %lt3A_614 : vector<16xi32>
      %add3A_616 = arith.constant 16 : i32
      %add3A_617 = vector.broadcast %add3A_616 : i32 to vector<16xi32>
      %add3A_618 = arith.addi %min3A_612, %add3A_617 : vector<16xi32>
      %select_n3A_619 = arith.select %lt3A_615, %add3A_618, %min3A_612 : vector<16xi1>, vector<16xi32>
      %broadcast_in_dim3A_620 = vector.shape_cast %select_n3A_619 : vector<16xi32> to vector<16x1xi32>
      %gather3A_621 = vector.shape_cast %broadcast_in_dim3A_620 : vector<16x1xi32> to vector<16xi32>
      %gather3A_622 = tpu.dynamic_gather %select_n3A_501[%gather3A_621] in [0] : vector<16xf32>, vector<16xi32> -> vector<16xf32>
      %add3A_623 = arith.constant 1.000000e+00 : f32
      %add3A_624 = vector.broadcast %add3A_623 : f32 to vector<16xf32>
      %add3A_625 = arith.addf %gather3A_622, %add3A_624 : vector<16xf32>
      %sub3A_626 = arith.subf %add3A_625, %max3A_603 : vector<16xf32>
      %mul3A_627 = arith.mulf %gather3A_583, %sub3A_626 : vector<16xf32>
      %add3A_628 = arith.addf %mul3A_627, %max3A_603 : vector<16xf32>
      %jit3A_629 = arith.constant 0.000000e+00 : f32
      %broadcast_in_dim3A_630 = vector.broadcast %jit3A_629 : f32 to vector<16xf32>
      %select_n3A_631 = arith.select %and3A_573, %add3A_628, %broadcast_in_dim3A_630 : vector<16xi1>, vector<16xf32>
      %ge3A_632 = arith.constant 1 : i32
      %ge3A_633 = vector.broadcast %ge3A_632 : i32 to vector<16xi32>
      %ge3A_634 = arith.cmpi sge, %iota3A, %ge3A_633 : vector<16xi32>
      %le3A_635 = arith.constant 7 : i32
      %le3A_636 = vector.broadcast %le3A_635 : i32 to vector<16xi32>
      %le3A_637 = arith.cmpi sle, %iota3A, %le3A_636 : vector<16xi32>
      %and3A_638 = arith.andi %ge3A_634, %le3A_637 : vector<16xi1>
      %add3A_639 = arith.constant 8 : i32
      %add3A_640 = vector.broadcast %add3A_639 : i32 to vector<16xi32>
      %add3A_641 = arith.addi %sub3A_100, %add3A_640 : vector<16xi32>
      %max3A_642 = arith.constant 0 : i32
      %max3A_643 = vector.broadcast %max3A_642 : i32 to vector<16xi32>
      %max3A_644 = arith.maxsi %add3A_641, %max3A_643 : vector<16xi32>
      %min3A_645 = arith.constant 399 : i32
      %min3A_646 = vector.broadcast %min3A_645 : i32 to vector<16xi32>
      %min3A_647 = arith.minsi %max3A_644, %min3A_646 : vector<16xi32>
      %gather3A_648 = tpu.vector_load_idx %arg7[%min3A_647] : memref<400xf32, #tpu.memory_space<vmem>>[vector<16xi32>], vector<16xf32>,
      %sub3A_649 = arith.constant 1 : i32
      %sub3A_650 = vector.broadcast %sub3A_649 : i32 to vector<16xi32>
      %sub3A_651 = arith.subi %iota3A, %sub3A_650 : vector<16xi32>
      %max3A_652 = arith.constant 0 : i32
      %max3A_653 = vector.broadcast %max3A_652 : i32 to vector<16xi32>
      %max3A_654 = arith.maxsi %sub3A_651, %max3A_653 : vector<16xi32>
      %min3A_655 = arith.constant 15 : i32
      %min3A_656 = vector.broadcast %min3A_655 : i32 to vector<16xi32>
      %min3A_657 = arith.minsi %max3A_654, %min3A_656 : vector<16xi32>
      %lt3A_658 = arith.constant 0 : i32
      %lt3A_659 = vector.broadcast %lt3A_658 : i32 to vector<16xi32>
      %lt3A_660 = arith.cmpi slt, %min3A_657, %lt3A_659 : vector<16xi32>
      %add3A_661 = arith.constant 16 : i32
      %add3A_662 = vector.broadcast %add3A_661 : i32 to vector<16xi32>
      %add3A_663 = arith.addi %min3A_657, %add3A_662 : vector<16xi32>
      %select_n3A_664 = arith.select %lt3A_660, %add3A_663, %min3A_657 : vector<16xi1>, vector<16xi32>
      %broadcast_in_dim3A_665 = vector.shape_cast %select_n3A_664 : vector<16xi32> to vector<16x1xi32>
      %gather3A_666 = vector.shape_cast %broadcast_in_dim3A_665 : vector<16x1xi32> to vector<16xi32>
      %gather3A_667 = tpu.dynamic_gather %select_n3A_631[%gather3A_666] in [0] : vector<16xf32>, vector<16xi32> -> vector<16xf32>
      %max3A_668 = arith.maximumf %select_n3A_631, %gather3A_667 : vector<16xf32>
      %sub3A_669 = arith.constant 1 : i32
      %sub3A_670 = vector.broadcast %sub3A_669 : i32 to vector<16xi32>
      %sub3A_671 = arith.subi %iota3A, %sub3A_670 : vector<16xi32>
      %max3A_672 = arith.constant 0 : i32
      %max3A_673 = vector.broadcast %max3A_672 : i32 to vector<16xi32>
      %max3A_674 = arith.maxsi %sub3A_671, %max3A_673 : vector<16xi32>
      %min3A_675 = arith.constant 15 : i32
      %min3A_676 = vector.broadcast %min3A_675 : i32 to vector<16xi32>
      %min3A_677 = arith.minsi %max3A_674, %min3A_676 : vector<16xi32>
      %lt3A_678 = arith.constant 0 : i32
      %lt3A_679 = vector.broadcast %lt3A_678 : i32 to vector<16xi32>
      %lt3A_680 = arith.cmpi slt, %min3A_677, %lt3A_679 : vector<16xi32>
      %add3A_681 = arith.constant 16 : i32
      %add3A_682 = vector.broadcast %add3A_681 : i32 to vector<16xi32>
      %add3A_683 = arith.addi %min3A_677, %add3A_682 : vector<16xi32>
      %select_n3A_684 = arith.select %lt3A_680, %add3A_683, %min3A_677 : vector<16xi1>, vector<16xi32>
      %broadcast_in_dim3A_685 = vector.shape_cast %select_n3A_684 : vector<16xi32> to vector<16x1xi32>
      %gather3A_686 = vector.shape_cast %broadcast_in_dim3A_685 : vector<16x1xi32> to vector<16xi32>
      %gather3A_687 = tpu.dynamic_gather %select_n3A_566[%gather3A_686] in [0] : vector<16xf32>, vector<16xi32> -> vector<16xf32>
      %add3A_688 = arith.constant 1.000000e+00 : f32
      %add3A_689 = vector.broadcast %add3A_688 : f32 to vector<16xf32>
      %add3A_690 = arith.addf %gather3A_687, %add3A_689 : vector<16xf32>
      %sub3A_691 = arith.subf %add3A_690, %max3A_668 : vector<16xf32>
      %mul3A_692 = arith.mulf %gather3A_648, %sub3A_691 : vector<16xf32>
      %add3A_693 = arith.addf %mul3A_692, %max3A_668 : vector<16xf32>
      %jit3A_694 = arith.constant 0.000000e+00 : f32
      %broadcast_in_dim3A_695 = vector.broadcast %jit3A_694 : f32 to vector<16xf32>
      %select_n3A_696 = arith.select %and3A_638, %add3A_693, %broadcast_in_dim3A_695 : vector<16xi1>, vector<16xf32>
      %ge3A_697 = arith.constant 1 : i32
      %ge3A_698 = vector.broadcast %ge3A_697 : i32 to vector<16xi32>
      %ge3A_699 = arith.cmpi sge, %iota3A, %ge3A_698 : vector<16xi32>
      %le3A_700 = arith.constant 8 : i32
      %le3A_701 = vector.broadcast %le3A_700 : i32 to vector<16xi32>
      %le3A_702 = arith.cmpi sle, %iota3A, %le3A_701 : vector<16xi32>
      %and3A_703 = arith.andi %ge3A_699, %le3A_702 : vector<16xi1>
      %add3A_704 = arith.constant 9 : i32
      %add3A_705 = vector.broadcast %add3A_704 : i32 to vector<16xi32>
      %add3A_706 = arith.addi %sub3A_100, %add3A_705 : vector<16xi32>
      %max3A_707 = arith.constant 0 : i32
      %max3A_708 = vector.broadcast %max3A_707 : i32 to vector<16xi32>
      %max3A_709 = arith.maxsi %add3A_706, %max3A_708 : vector<16xi32>
      %min3A_710 = arith.constant 399 : i32
      %min3A_711 = vector.broadcast %min3A_710 : i32 to vector<16xi32>
      %min3A_712 = arith.minsi %max3A_709, %min3A_711 : vector<16xi32>
      %gather3A_713 = tpu.vector_load_idx %arg7[%min3A_712] : memref<400xf32, #tpu.memory_space<vmem>>[vector<16xi32>], vector<16xf32>,
      %sub3A_714 = arith.constant 1 : i32
      %sub3A_715 = vector.broadcast %sub3A_714 : i32 to vector<16xi32>
      %sub3A_716 = arith.subi %iota3A, %sub3A_715 : vector<16xi32>
      %max3A_717 = arith.constant 0 : i32
      %max3A_718 = vector.broadcast %max3A_717 : i32 to vector<16xi32>
      %max3A_719 = arith.maxsi %sub3A_716, %max3A_718 : vector<16xi32>
      %min3A_720 = arith.constant 15 : i32
      %min3A_721 = vector.broadcast %min3A_720 : i32 to vector<16xi32>
      %min3A_722 = arith.minsi %max3A_719, %min3A_721 : vector<16xi32>
      %lt3A_723 = arith.constant 0 : i32
      %lt3A_724 = vector.broadcast %lt3A_723 : i32 to vector<16xi32>
      %lt3A_725 = arith.cmpi slt, %min3A_722, %lt3A_724 : vector<16xi32>
      %add3A_726 = arith.constant 16 : i32
      %add3A_727 = vector.broadcast %add3A_726 : i32 to vector<16xi32>
      %add3A_728 = arith.addi %min3A_722, %add3A_727 : vector<16xi32>
      %select_n3A_729 = arith.select %lt3A_725, %add3A_728, %min3A_722 : vector<16xi1>, vector<16xi32>
      %broadcast_in_dim3A_730 = vector.shape_cast %select_n3A_729 : vector<16xi32> to vector<16x1xi32>
      %gather3A_731 = vector.shape_cast %broadcast_in_dim3A_730 : vector<16x1xi32> to vector<16xi32>
      %gather3A_732 = tpu.dynamic_gather %select_n3A_696[%gather3A_731] in [0] : vector<16xf32>, vector<16xi32> -> vector<16xf32>
      %max3A_733 = arith.maximumf %select_n3A_696, %gather3A_732 : vector<16xf32>
      %sub3A_734 = arith.constant 1 : i32
      %sub3A_735 = vector.broadcast %sub3A_734 : i32 to vector<16xi32>
      %sub3A_736 = arith.subi %iota3A, %sub3A_735 : vector<16xi32>
      %max3A_737 = arith.constant 0 : i32
      %max3A_738 = vector.broadcast %max3A_737 : i32 to vector<16xi32>
      %max3A_739 = arith.maxsi %sub3A_736, %max3A_738 : vector<16xi32>
      %min3A_740 = arith.constant 15 : i32
      %min3A_741 = vector.broadcast %min3A_740 : i32 to vector<16xi32>
      %min3A_742 = arith.minsi %max3A_739, %min3A_741 : vector<16xi32>
      %lt3A_743 = arith.constant 0 : i32
      %lt3A_744 = vector.broadcast %lt3A_743 : i32 to vector<16xi32>
      %lt3A_745 = arith.cmpi slt, %min3A_742, %lt3A_744 : vector<16xi32>
      %add3A_746 = arith.constant 16 : i32
      %add3A_747 = vector.broadcast %add3A_746 : i32 to vector<16xi32>
      %add3A_748 = arith.addi %min3A_742, %add3A_747 : vector<16xi32>
      %select_n3A_749 = arith.select %lt3A_745, %add3A_748, %min3A_742 : vector<16xi1>, vector<16xi32>
      %broadcast_in_dim3A_750 = vector.shape_cast %select_n3A_749 : vector<16xi32> to vector<16x1xi32>
      %gather3A_751 = vector.shape_cast %broadcast_in_dim3A_750 : vector<16x1xi32> to vector<16xi32>
      %gather3A_752 = tpu.dynamic_gather %select_n3A_631[%gather3A_751] in [0] : vector<16xf32>, vector<16xi32> -> vector<16xf32>
      %add3A_753 = arith.constant 1.000000e+00 : f32
      %add3A_754 = vector.broadcast %add3A_753 : f32 to vector<16xf32>
      %add3A_755 = arith.addf %gather3A_752, %add3A_754 : vector<16xf32>
      %sub3A_756 = arith.subf %add3A_755, %max3A_733 : vector<16xf32>
      %mul3A_757 = arith.mulf %gather3A_713, %sub3A_756 : vector<16xf32>
      %add3A_758 = arith.addf %mul3A_757, %max3A_733 : vector<16xf32>
      %jit3A_759 = arith.constant 0.000000e+00 : f32
      %broadcast_in_dim3A_760 = vector.broadcast %jit3A_759 : f32 to vector<16xf32>
      %select_n3A_761 = arith.select %and3A_703, %add3A_758, %broadcast_in_dim3A_760 : vector<16xi1>, vector<16xf32>
      %dma_wait3A_762 = arith.constant 8 : i32
      %dma_wait3A_763 = arith.constant 0 : i32
      %dma_wait3A_764 = tpu.memref_slice %arg5[%dma_wait3A_762, %dma_wait3A_763] : memref<20x1000xf32, #tpu.memory_space<vmem>> -> memref<8x1000xf32, #tpu.memory_space<vmem>>
      %dma_wait3A_765 = arith.constant 8 : i32
      %dma_wait3A_766 = arith.constant 0 : i32
      %dma_wait3A_767 = tpu.memref_slice %arg2[%add3A, %dma_wait3A_765, %dma_wait3A_766] : memref<20x20x1000xf32, #tpu.memory_space<hbm>> -> memref<1x8x1000xf32, #tpu.memory_space<hbm>>
      %dma_wait3A_768 = tpu.memref_squeeze %dma_wait3A_767 : memref<1x8x1000xf32, #tpu.memory_space<hbm>> -> memref<8x1000xf32, #tpu.memory_space<hbm>>
      %dma_wait3A_769 = arith.constant 8 : i32
      %dma_wait3A_770 = arith.constant 0 : i32
      %dma_wait3A_771 = tpu.memref_slice %arg5[%dma_wait3A_769, %dma_wait3A_770] : memref<20x1000xf32, #tpu.memory_space<vmem>> -> memref<8x1000xf32, #tpu.memory_space<vmem>>
      %dma_wait3A_772 = arith.constant 8 : i32
      %dma_wait3A_773 = arith.constant 0 : i32
      %dma_wait3A_774 = tpu.memref_slice %arg2[%add3A, %dma_wait3A_772, %dma_wait3A_773] : memref<20x20x1000xf32, #tpu.memory_space<hbm>> -> memref<1x8x1000xf32, #tpu.memory_space<hbm>>
      %dma_wait3A_775 = tpu.memref_squeeze %dma_wait3A_774 : memref<1x8x1000xf32, #tpu.memory_space<hbm>> -> memref<8x1000xf32, #tpu.memory_space<hbm>>
      tpu.wait_dma2 semaphore(%arg9 : memref<!tpu.dma_semaphore, #tpu.memory_space<semaphore_mem>>) src(%dma_wait3A_775 : memref<8x1000xf32, #tpu.memory_space<hbm>>) dst(%dma_wait3A_771 : memref<8x1000xf32, #tpu.memory_space<vmem>>)
      %broadcast_in_dim3A_776 = arith.constant 8 : i32
      %broadcast_in_dim3A_777 = vector.broadcast %broadcast_in_dim3A_776 : i32 to vector<16xi32>
      %gather3A_778 = tpu.vector_load_idx %arg5[%broadcast_in_dim3A_777, %min3A_66] : memref<20x1000xf32, #tpu.memory_space<vmem>>[vector<16xi32>, vector<16xi32>], vector<16xf32>,
      %add3A_779 = arith.constant 160 : i32
      %add3A_780 = vector.broadcast %add3A_779 : i32 to vector<16xi32>
      %add3A_781 = arith.addi %iota3A, %add3A_780 : vector<16xi32>
      tpu.vector_store_idx %arg7[%add3A_781], %gather3A_778 : memref<400xf32, #tpu.memory_space<vmem>>[vector<16xi32>], vector<16xf32>,
      %broadcast_in_dim3A_782 = arith.constant 8 : i32
      %broadcast_in_dim3A_783 = vector.broadcast %broadcast_in_dim3A_782 : i32 to vector<16xi32>
      %gather3A_784 = tpu.vector_load_idx %arg5[%broadcast_in_dim3A_783, %min3A_72] : memref<20x1000xf32, #tpu.memory_space<vmem>>[vector<16xi32>, vector<16xi32>], vector<16xf32>,
      %add3A_785 = arith.constant 176 : i32
      %add3A_786 = vector.broadcast %add3A_785 : i32 to vector<16xi32>
      %add3A_787 = arith.addi %iota3A, %add3A_786 : vector<16xi32>
      %lt3A_788 = arith.constant 4 : i32
      %lt3A_789 = vector.broadcast %lt3A_788 : i32 to vector<16xi32>
      %lt3A_790 = arith.cmpi slt, %iota3A, %lt3A_789 : vector<16xi32>
      tpu.vector_store_idx %arg7[%add3A_787], %gather3A_784 masked %lt3A_790 : memref<400xf32, #tpu.memory_space<vmem>>[vector<16xi32>], vector<16xf32>, vector<16xi1>
      %broadcast_in_dim3A_791 = arith.constant 9 : i32
      %broadcast_in_dim3A_792 = vector.broadcast %broadcast_in_dim3A_791 : i32 to vector<16xi32>
      %gather3A_793 = tpu.vector_load_idx %arg5[%broadcast_in_dim3A_792, %min3A_66] : memref<20x1000xf32, #tpu.memory_space<vmem>>[vector<16xi32>, vector<16xi32>], vector<16xf32>,
      %add3A_794 = arith.constant 180 : i32
      %add3A_795 = vector.broadcast %add3A_794 : i32 to vector<16xi32>
      %add3A_796 = arith.addi %iota3A, %add3A_795 : vector<16xi32>
      tpu.vector_store_idx %arg7[%add3A_796], %gather3A_793 : memref<400xf32, #tpu.memory_space<vmem>>[vector<16xi32>], vector<16xf32>,
      %broadcast_in_dim3A_797 = arith.constant 9 : i32
      %broadcast_in_dim3A_798 = vector.broadcast %broadcast_in_dim3A_797 : i32 to vector<16xi32>
      %gather3A_799 = tpu.vector_load_idx %arg5[%broadcast_in_dim3A_798, %min3A_72] : memref<20x1000xf32, #tpu.memory_space<vmem>>[vector<16xi32>, vector<16xi32>], vector<16xf32>,
      %add3A_800 = arith.constant 196 : i32
      %add3A_801 = vector.broadcast %add3A_800 : i32 to vector<16xi32>
      %add3A_802 = arith.addi %iota3A, %add3A_801 : vector<16xi32>
      %lt3A_803 = arith.constant 4 : i32
      %lt3A_804 = vector.broadcast %lt3A_803 : i32 to vector<16xi32>
      %lt3A_805 = arith.cmpi slt, %iota3A, %lt3A_804 : vector<16xi32>
      tpu.vector_store_idx %arg7[%add3A_802], %gather3A_799 masked %lt3A_805 : memref<400xf32, #tpu.memory_space<vmem>>[vector<16xi32>], vector<16xf32>, vector<16xi1>
      %broadcast_in_dim3A_806 = arith.constant 10 : i32
      %broadcast_in_dim3A_807 = vector.broadcast %broadcast_in_dim3A_806 : i32 to vector<16xi32>
      %gather3A_808 = tpu.vector_load_idx %arg5[%broadcast_in_dim3A_807, %min3A_66] : memref<20x1000xf32, #tpu.memory_space<vmem>>[vector<16xi32>, vector<16xi32>], vector<16xf32>,
      %add3A_809 = arith.constant 200 : i32
      %add3A_810 = vector.broadcast %add3A_809 : i32 to vector<16xi32>
      %add3A_811 = arith.addi %iota3A, %add3A_810 : vector<16xi32>
      tpu.vector_store_idx %arg7[%add3A_811], %gather3A_808 : memref<400xf32, #tpu.memory_space<vmem>>[vector<16xi32>], vector<16xf32>,
      %broadcast_in_dim3A_812 = arith.constant 10 : i32
      %broadcast_in_dim3A_813 = vector.broadcast %broadcast_in_dim3A_812 : i32 to vector<16xi32>
      %gather3A_814 = tpu.vector_load_idx %arg5[%broadcast_in_dim3A_813, %min3A_72] : memref<20x1000xf32, #tpu.memory_space<vmem>>[vector<16xi32>, vector<16xi32>], vector<16xf32>,
      %add3A_815 = arith.constant 216 : i32
      %add3A_816 = vector.broadcast %add3A_815 : i32 to vector<16xi32>
      %add3A_817 = arith.addi %iota3A, %add3A_816 : vector<16xi32>
      %lt3A_818 = arith.constant 4 : i32
      %lt3A_819 = vector.broadcast %lt3A_818 : i32 to vector<16xi32>
      %lt3A_820 = arith.cmpi slt, %iota3A, %lt3A_819 : vector<16xi32>
      tpu.vector_store_idx %arg7[%add3A_817], %gather3A_814 masked %lt3A_820 : memref<400xf32, #tpu.memory_space<vmem>>[vector<16xi32>], vector<16xf32>, vector<16xi1>
      %broadcast_in_dim3A_821 = arith.constant 11 : i32
      %broadcast_in_dim3A_822 = vector.broadcast %broadcast_in_dim3A_821 : i32 to vector<16xi32>
      %gather3A_823 = tpu.vector_load_idx %arg5[%broadcast_in_dim3A_822, %min3A_66] : memref<20x1000xf32, #tpu.memory_space<vmem>>[vector<16xi32>, vector<16xi32>], vector<16xf32>,
      %add3A_824 = arith.constant 220 : i32
      %add3A_825 = vector.broadcast %add3A_824 : i32 to vector<16xi32>
      %add3A_826 = arith.addi %iota3A, %add3A_825 : vector<16xi32>
      tpu.vector_store_idx %arg7[%add3A_826], %gather3A_823 : memref<400xf32, #tpu.memory_space<vmem>>[vector<16xi32>], vector<16xf32>,
      %broadcast_in_dim3A_827 = arith.constant 11 : i32
      %broadcast_in_dim3A_828 = vector.broadcast %broadcast_in_dim3A_827 : i32 to vector<16xi32>
      %gather3A_829 = tpu.vector_load_idx %arg5[%broadcast_in_dim3A_828, %min3A_72] : memref<20x1000xf32, #tpu.memory_space<vmem>>[vector<16xi32>, vector<16xi32>], vector<16xf32>,
      %add3A_830 = arith.constant 236 : i32
      %add3A_831 = vector.broadcast %add3A_830 : i32 to vector<16xi32>
      %add3A_832 = arith.addi %iota3A, %add3A_831 : vector<16xi32>
      %lt3A_833 = arith.constant 4 : i32
      %lt3A_834 = vector.broadcast %lt3A_833 : i32 to vector<16xi32>
      %lt3A_835 = arith.cmpi slt, %iota3A, %lt3A_834 : vector<16xi32>
      tpu.vector_store_idx %arg7[%add3A_832], %gather3A_829 masked %lt3A_835 : memref<400xf32, #tpu.memory_space<vmem>>[vector<16xi32>], vector<16xf32>, vector<16xi1>
      %broadcast_in_dim3A_836 = arith.constant 12 : i32
      %broadcast_in_dim3A_837 = vector.broadcast %broadcast_in_dim3A_836 : i32 to vector<16xi32>
      %gather3A_838 = tpu.vector_load_idx %arg5[%broadcast_in_dim3A_837, %min3A_66] : memref<20x1000xf32, #tpu.memory_space<vmem>>[vector<16xi32>, vector<16xi32>], vector<16xf32>,
      %add3A_839 = arith.constant 240 : i32
      %add3A_840 = vector.broadcast %add3A_839 : i32 to vector<16xi32>
      %add3A_841 = arith.addi %iota3A, %add3A_840 : vector<16xi32>
      tpu.vector_store_idx %arg7[%add3A_841], %gather3A_838 : memref<400xf32, #tpu.memory_space<vmem>>[vector<16xi32>], vector<16xf32>,
      %broadcast_in_dim3A_842 = arith.constant 12 : i32
      %broadcast_in_dim3A_843 = vector.broadcast %broadcast_in_dim3A_842 : i32 to vector<16xi32>
      %gather3A_844 = tpu.vector_load_idx %arg5[%broadcast_in_dim3A_843, %min3A_72] : memref<20x1000xf32, #tpu.memory_space<vmem>>[vector<16xi32>, vector<16xi32>], vector<16xf32>,
      %add3A_845 = arith.constant 256 : i32
      %add3A_846 = vector.broadcast %add3A_845 : i32 to vector<16xi32>
      %add3A_847 = arith.addi %iota3A, %add3A_846 : vector<16xi32>
      %lt3A_848 = arith.constant 4 : i32
      %lt3A_849 = vector.broadcast %lt3A_848 : i32 to vector<16xi32>
      %lt3A_850 = arith.cmpi slt, %iota3A, %lt3A_849 : vector<16xi32>
      tpu.vector_store_idx %arg7[%add3A_847], %gather3A_844 masked %lt3A_850 : memref<400xf32, #tpu.memory_space<vmem>>[vector<16xi32>], vector<16xf32>, vector<16xi1>
      %broadcast_in_dim3A_851 = arith.constant 13 : i32
      %broadcast_in_dim3A_852 = vector.broadcast %broadcast_in_dim3A_851 : i32 to vector<16xi32>
      %gather3A_853 = tpu.vector_load_idx %arg5[%broadcast_in_dim3A_852, %min3A_66] : memref<20x1000xf32, #tpu.memory_space<vmem>>[vector<16xi32>, vector<16xi32>], vector<16xf32>,
      %add3A_854 = arith.constant 260 : i32
      %add3A_855 = vector.broadcast %add3A_854 : i32 to vector<16xi32>
      %add3A_856 = arith.addi %iota3A, %add3A_855 : vector<16xi32>
      tpu.vector_store_idx %arg7[%add3A_856], %gather3A_853 : memref<400xf32, #tpu.memory_space<vmem>>[vector<16xi32>], vector<16xf32>,
      %broadcast_in_dim3A_857 = arith.constant 13 : i32
      %broadcast_in_dim3A_858 = vector.broadcast %broadcast_in_dim3A_857 : i32 to vector<16xi32>
      %gather3A_859 = tpu.vector_load_idx %arg5[%broadcast_in_dim3A_858, %min3A_72] : memref<20x1000xf32, #tpu.memory_space<vmem>>[vector<16xi32>, vector<16xi32>], vector<16xf32>,
      %add3A_860 = arith.constant 276 : i32
      %add3A_861 = vector.broadcast %add3A_860 : i32 to vector<16xi32>
      %add3A_862 = arith.addi %iota3A, %add3A_861 : vector<16xi32>
      %lt3A_863 = arith.constant 4 : i32
      %lt3A_864 = vector.broadcast %lt3A_863 : i32 to vector<16xi32>
      %lt3A_865 = arith.cmpi slt, %iota3A, %lt3A_864 : vector<16xi32>
      tpu.vector_store_idx %arg7[%add3A_862], %gather3A_859 masked %lt3A_865 : memref<400xf32, #tpu.memory_space<vmem>>[vector<16xi32>], vector<16xf32>, vector<16xi1>
      %broadcast_in_dim3A_866 = arith.constant 14 : i32
      %broadcast_in_dim3A_867 = vector.broadcast %broadcast_in_dim3A_866 : i32 to vector<16xi32>
      %gather3A_868 = tpu.vector_load_idx %arg5[%broadcast_in_dim3A_867, %min3A_66] : memref<20x1000xf32, #tpu.memory_space<vmem>>[vector<16xi32>, vector<16xi32>], vector<16xf32>,
      %add3A_869 = arith.constant 280 : i32
      %add3A_870 = vector.broadcast %add3A_869 : i32 to vector<16xi32>
      %add3A_871 = arith.addi %iota3A, %add3A_870 : vector<16xi32>
      tpu.vector_store_idx %arg7[%add3A_871], %gather3A_868 : memref<400xf32, #tpu.memory_space<vmem>>[vector<16xi32>], vector<16xf32>,
      %broadcast_in_dim3A_872 = arith.constant 14 : i32
      %broadcast_in_dim3A_873 = vector.broadcast %broadcast_in_dim3A_872 : i32 to vector<16xi32>
      %gather3A_874 = tpu.vector_load_idx %arg5[%broadcast_in_dim3A_873, %min3A_72] : memref<20x1000xf32, #tpu.memory_space<vmem>>[vector<16xi32>, vector<16xi32>], vector<16xf32>,
      %add3A_875 = arith.constant 296 : i32
      %add3A_876 = vector.broadcast %add3A_875 : i32 to vector<16xi32>
      %add3A_877 = arith.addi %iota3A, %add3A_876 : vector<16xi32>
      %lt3A_878 = arith.constant 4 : i32
      %lt3A_879 = vector.broadcast %lt3A_878 : i32 to vector<16xi32>
      %lt3A_880 = arith.cmpi slt, %iota3A, %lt3A_879 : vector<16xi32>
      tpu.vector_store_idx %arg7[%add3A_877], %gather3A_874 masked %lt3A_880 : memref<400xf32, #tpu.memory_space<vmem>>[vector<16xi32>], vector<16xf32>, vector<16xi1>
      %broadcast_in_dim3A_881 = arith.constant 15 : i32
      %broadcast_in_dim3A_882 = vector.broadcast %broadcast_in_dim3A_881 : i32 to vector<16xi32>
      %gather3A_883 = tpu.vector_load_idx %arg5[%broadcast_in_dim3A_882, %min3A_66] : memref<20x1000xf32, #tpu.memory_space<vmem>>[vector<16xi32>, vector<16xi32>], vector<16xf32>,
      %add3A_884 = arith.constant 300 : i32
      %add3A_885 = vector.broadcast %add3A_884 : i32 to vector<16xi32>
      %add3A_886 = arith.addi %iota3A, %add3A_885 : vector<16xi32>
      tpu.vector_store_idx %arg7[%add3A_886], %gather3A_883 : memref<400xf32, #tpu.memory_space<vmem>>[vector<16xi32>], vector<16xf32>,
      %broadcast_in_dim3A_887 = arith.constant 15 : i32
      %broadcast_in_dim3A_888 = vector.broadcast %broadcast_in_dim3A_887 : i32 to vector<16xi32>
      %gather3A_889 = tpu.vector_load_idx %arg5[%broadcast_in_dim3A_888, %min3A_72] : memref<20x1000xf32, #tpu.memory_space<vmem>>[vector<16xi32>, vector<16xi32>], vector<16xf32>,
      %add3A_890 = arith.constant 316 : i32
      %add3A_891 = vector.broadcast %add3A_890 : i32 to vector<16xi32>
      %add3A_892 = arith.addi %iota3A, %add3A_891 : vector<16xi32>
      %lt3A_893 = arith.constant 4 : i32
      %lt3A_894 = vector.broadcast %lt3A_893 : i32 to vector<16xi32>
      %lt3A_895 = arith.cmpi slt, %iota3A, %lt3A_894 : vector<16xi32>
      tpu.vector_store_idx %arg7[%add3A_892], %gather3A_889 masked %lt3A_895 : memref<400xf32, #tpu.memory_space<vmem>>[vector<16xi32>], vector<16xf32>, vector<16xi1>
      %ge3A_896 = arith.constant 1 : i32
      %ge3A_897 = vector.broadcast %ge3A_896 : i32 to vector<16xi32>
      %ge3A_898 = arith.cmpi sge, %iota3A, %ge3A_897 : vector<16xi32>
      %le3A_899 = arith.constant 9 : i32
      %le3A_900 = vector.broadcast %le3A_899 : i32 to vector<16xi32>
      %le3A_901 = arith.cmpi sle, %iota3A, %le3A_900 : vector<16xi32>
      %and3A_902 = arith.andi %ge3A_898, %le3A_901 : vector<16xi1>
      %add3A_903 = arith.constant 10 : i32
      %add3A_904 = vector.broadcast %add3A_903 : i32 to vector<16xi32>
      %add3A_905 = arith.addi %sub3A_100, %add3A_904 : vector<16xi32>
      %max3A_906 = arith.constant 0 : i32
      %max3A_907 = vector.broadcast %max3A_906 : i32 to vector<16xi32>
      %max3A_908 = arith.maxsi %add3A_905, %max3A_907 : vector<16xi32>
      %min3A_909 = arith.constant 399 : i32
      %min3A_910 = vector.broadcast %min3A_909 : i32 to vector<16xi32>
      %min3A_911 = arith.minsi %max3A_908, %min3A_910 : vector<16xi32>
      %gather3A_912 = tpu.vector_load_idx %arg7[%min3A_911] : memref<400xf32, #tpu.memory_space<vmem>>[vector<16xi32>], vector<16xf32>,
      %sub3A_913 = arith.constant 1 : i32
      %sub3A_914 = vector.broadcast %sub3A_913 : i32 to vector<16xi32>
      %sub3A_915 = arith.subi %iota3A, %sub3A_914 : vector<16xi32>
      %max3A_916 = arith.constant 0 : i32
      %max3A_917 = vector.broadcast %max3A_916 : i32 to vector<16xi32>
      %max3A_918 = arith.maxsi %sub3A_915, %max3A_917 : vector<16xi32>
      %min3A_919 = arith.constant 15 : i32
      %min3A_920 = vector.broadcast %min3A_919 : i32 to vector<16xi32>
      %min3A_921 = arith.minsi %max3A_918, %min3A_920 : vector<16xi32>
      %lt3A_922 = arith.constant 0 : i32
      %lt3A_923 = vector.broadcast %lt3A_922 : i32 to vector<16xi32>
      %lt3A_924 = arith.cmpi slt, %min3A_921, %lt3A_923 : vector<16xi32>
      %add3A_925 = arith.constant 16 : i32
      %add3A_926 = vector.broadcast %add3A_925 : i32 to vector<16xi32>
      %add3A_927 = arith.addi %min3A_921, %add3A_926 : vector<16xi32>
      %select_n3A_928 = arith.select %lt3A_924, %add3A_927, %min3A_921 : vector<16xi1>, vector<16xi32>
      %broadcast_in_dim3A_929 = vector.shape_cast %select_n3A_928 : vector<16xi32> to vector<16x1xi32>
      %gather3A_930 = vector.shape_cast %broadcast_in_dim3A_929 : vector<16x1xi32> to vector<16xi32>
      %gather3A_931 = tpu.dynamic_gather %select_n3A_761[%gather3A_930] in [0] : vector<16xf32>, vector<16xi32> -> vector<16xf32>
      %max3A_932 = arith.maximumf %select_n3A_761, %gather3A_931 : vector<16xf32>
      %sub3A_933 = arith.constant 1 : i32
      %sub3A_934 = vector.broadcast %sub3A_933 : i32 to vector<16xi32>
      %sub3A_935 = arith.subi %iota3A, %sub3A_934 : vector<16xi32>
      %max3A_936 = arith.constant 0 : i32
      %max3A_937 = vector.broadcast %max3A_936 : i32 to vector<16xi32>
      %max3A_938 = arith.maxsi %sub3A_935, %max3A_937 : vector<16xi32>
      %min3A_939 = arith.constant 15 : i32
      %min3A_940 = vector.broadcast %min3A_939 : i32 to vector<16xi32>
      %min3A_941 = arith.minsi %max3A_938, %min3A_940 : vector<16xi32>
      %lt3A_942 = arith.constant 0 : i32
      %lt3A_943 = vector.broadcast %lt3A_942 : i32 to vector<16xi32>
      %lt3A_944 = arith.cmpi slt, %min3A_941, %lt3A_943 : vector<16xi32>
      %add3A_945 = arith.constant 16 : i32
      %add3A_946 = vector.broadcast %add3A_945 : i32 to vector<16xi32>
      %add3A_947 = arith.addi %min3A_941, %add3A_946 : vector<16xi32>
      %select_n3A_948 = arith.select %lt3A_944, %add3A_947, %min3A_941 : vector<16xi1>, vector<16xi32>
      %broadcast_in_dim3A_949 = vector.shape_cast %select_n3A_948 : vector<16xi32> to vector<16x1xi32>
      %gather3A_950 = vector.shape_cast %broadcast_in_dim3A_949 : vector<16x1xi32> to vector<16xi32>
      %gather3A_951 = tpu.dynamic_gather %select_n3A_696[%gather3A_950] in [0] : vector<16xf32>, vector<16xi32> -> vector<16xf32>
      %add3A_952 = arith.constant 1.000000e+00 : f32
      %add3A_953 = vector.broadcast %add3A_952 : f32 to vector<16xf32>
      %add3A_954 = arith.addf %gather3A_951, %add3A_953 : vector<16xf32>
      %sub3A_955 = arith.subf %add3A_954, %max3A_932 : vector<16xf32>
      %mul3A_956 = arith.mulf %gather3A_912, %sub3A_955 : vector<16xf32>
      %add3A_957 = arith.addf %mul3A_956, %max3A_932 : vector<16xf32>
      %jit3A_958 = arith.constant 0.000000e+00 : f32
      %broadcast_in_dim3A_959 = vector.broadcast %jit3A_958 : f32 to vector<16xf32>
      %select_n3A_960 = arith.select %and3A_902, %add3A_957, %broadcast_in_dim3A_959 : vector<16xi1>, vector<16xf32>
      %ge3A_961 = arith.constant 1 : i32
      %ge3A_962 = vector.broadcast %ge3A_961 : i32 to vector<16xi32>
      %ge3A_963 = arith.cmpi sge, %iota3A, %ge3A_962 : vector<16xi32>
      %le3A_964 = arith.constant 10 : i32
      %le3A_965 = vector.broadcast %le3A_964 : i32 to vector<16xi32>
      %le3A_966 = arith.cmpi sle, %iota3A, %le3A_965 : vector<16xi32>
      %and3A_967 = arith.andi %ge3A_963, %le3A_966 : vector<16xi1>
      %add3A_968 = arith.constant 11 : i32
      %add3A_969 = vector.broadcast %add3A_968 : i32 to vector<16xi32>
      %add3A_970 = arith.addi %sub3A_100, %add3A_969 : vector<16xi32>
      %max3A_971 = arith.constant 0 : i32
      %max3A_972 = vector.broadcast %max3A_971 : i32 to vector<16xi32>
      %max3A_973 = arith.maxsi %add3A_970, %max3A_972 : vector<16xi32>
      %min3A_974 = arith.constant 399 : i32
      %min3A_975 = vector.broadcast %min3A_974 : i32 to vector<16xi32>
      %min3A_976 = arith.minsi %max3A_973, %min3A_975 : vector<16xi32>
      %gather3A_977 = tpu.vector_load_idx %arg7[%min3A_976] : memref<400xf32, #tpu.memory_space<vmem>>[vector<16xi32>], vector<16xf32>,
      %sub3A_978 = arith.constant 1 : i32
      %sub3A_979 = vector.broadcast %sub3A_978 : i32 to vector<16xi32>
      %sub3A_980 = arith.subi %iota3A, %sub3A_979 : vector<16xi32>
      %max3A_981 = arith.constant 0 : i32
      %max3A_982 = vector.broadcast %max3A_981 : i32 to vector<16xi32>
      %max3A_983 = arith.maxsi %sub3A_980, %max3A_982 : vector<16xi32>
      %min3A_984 = arith.constant 15 : i32
      %min3A_985 = vector.broadcast %min3A_984 : i32 to vector<16xi32>
      %min3A_986 = arith.minsi %max3A_983, %min3A_985 : vector<16xi32>
      %lt3A_987 = arith.constant 0 : i32
      %lt3A_988 = vector.broadcast %lt3A_987 : i32 to vector<16xi32>
      %lt3A_989 = arith.cmpi slt, %min3A_986, %lt3A_988 : vector<16xi32>
      %add3A_990 = arith.constant 16 : i32
      %add3A_991 = vector.broadcast %add3A_990 : i32 to vector<16xi32>
      %add3A_992 = arith.addi %min3A_986, %add3A_991 : vector<16xi32>
      %select_n3A_993 = arith.select %lt3A_989, %add3A_992, %min3A_986 : vector<16xi1>, vector<16xi32>
      %broadcast_in_dim3A_994 = vector.shape_cast %select_n3A_993 : vector<16xi32> to vector<16x1xi32>
      %gather3A_995 = vector.shape_cast %broadcast_in_dim3A_994 : vector<16x1xi32> to vector<16xi32>
      %gather3A_996 = tpu.dynamic_gather %select_n3A_960[%gather3A_995] in [0] : vector<16xf32>, vector<16xi32> -> vector<16xf32>
      %max3A_997 = arith.maximumf %select_n3A_960, %gather3A_996 : vector<16xf32>
      %sub3A_998 = arith.constant 1 : i32
      %sub3A_999 = vector.broadcast %sub3A_998 : i32 to vector<16xi32>
      %sub3A_1000 = arith.subi %iota3A, %sub3A_999 : vector<16xi32>
      %max3A_1001 = arith.constant 0 : i32
      %max3A_1002 = vector.broadcast %max3A_1001 : i32 to vector<16xi32>
      %max3A_1003 = arith.maxsi %sub3A_1000, %max3A_1002 : vector<16xi32>
      %min3A_1004 = arith.constant 15 : i32
      %min3A_1005 = vector.broadcast %min3A_1004 : i32 to vector<16xi32>
      %min3A_1006 = arith.minsi %max3A_1003, %min3A_1005 : vector<16xi32>
      %lt3A_1007 = arith.constant 0 : i32
      %lt3A_1008 = vector.broadcast %lt3A_1007 : i32 to vector<16xi32>
      %lt3A_1009 = arith.cmpi slt, %min3A_1006, %lt3A_1008 : vector<16xi32>
      %add3A_1010 = arith.constant 16 : i32
      %add3A_1011 = vector.broadcast %add3A_1010 : i32 to vector<16xi32>
      %add3A_1012 = arith.addi %min3A_1006, %add3A_1011 : vector<16xi32>
      %select_n3A_1013 = arith.select %lt3A_1009, %add3A_1012, %min3A_1006 : vector<16xi1>, vector<16xi32>
      %broadcast_in_dim3A_1014 = vector.shape_cast %select_n3A_1013 : vector<16xi32> to vector<16x1xi32>
      %gather3A_1015 = vector.shape_cast %broadcast_in_dim3A_1014 : vector<16x1xi32> to vector<16xi32>
      %gather3A_1016 = tpu.dynamic_gather %select_n3A_761[%gather3A_1015] in [0] : vector<16xf32>, vector<16xi32> -> vector<16xf32>
      %add3A_1017 = arith.constant 1.000000e+00 : f32
      %add3A_1018 = vector.broadcast %add3A_1017 : f32 to vector<16xf32>
      %add3A_1019 = arith.addf %gather3A_1016, %add3A_1018 : vector<16xf32>
      %sub3A_1020 = arith.subf %add3A_1019, %max3A_997 : vector<16xf32>
      %mul3A_1021 = arith.mulf %gather3A_977, %sub3A_1020 : vector<16xf32>
      %add3A_1022 = arith.addf %mul3A_1021, %max3A_997 : vector<16xf32>
      %jit3A_1023 = arith.constant 0.000000e+00 : f32
      %broadcast_in_dim3A_1024 = vector.broadcast %jit3A_1023 : f32 to vector<16xf32>
      %select_n3A_1025 = arith.select %and3A_967, %add3A_1022, %broadcast_in_dim3A_1024 : vector<16xi1>, vector<16xf32>
      %ge3A_1026 = arith.constant 1 : i32
      %ge3A_1027 = vector.broadcast %ge3A_1026 : i32 to vector<16xi32>
      %ge3A_1028 = arith.cmpi sge, %iota3A, %ge3A_1027 : vector<16xi32>
      %le3A_1029 = arith.constant 11 : i32
      %le3A_1030 = vector.broadcast %le3A_1029 : i32 to vector<16xi32>
      %le3A_1031 = arith.cmpi sle, %iota3A, %le3A_1030 : vector<16xi32>
      %and3A_1032 = arith.andi %ge3A_1028, %le3A_1031 : vector<16xi1>
      %add3A_1033 = arith.constant 12 : i32
      %add3A_1034 = vector.broadcast %add3A_1033 : i32 to vector<16xi32>
      %add3A_1035 = arith.addi %sub3A_100, %add3A_1034 : vector<16xi32>
      %max3A_1036 = arith.constant 0 : i32
      %max3A_1037 = vector.broadcast %max3A_1036 : i32 to vector<16xi32>
      %max3A_1038 = arith.maxsi %add3A_1035, %max3A_1037 : vector<16xi32>
      %min3A_1039 = arith.constant 399 : i32
      %min3A_1040 = vector.broadcast %min3A_1039 : i32 to vector<16xi32>
      %min3A_1041 = arith.minsi %max3A_1038, %min3A_1040 : vector<16xi32>
      %gather3A_1042 = tpu.vector_load_idx %arg7[%min3A_1041] : memref<400xf32, #tpu.memory_space<vmem>>[vector<16xi32>], vector<16xf32>,
      %sub3A_1043 = arith.constant 1 : i32
      %sub3A_1044 = vector.broadcast %sub3A_1043 : i32 to vector<16xi32>
      %sub3A_1045 = arith.subi %iota3A, %sub3A_1044 : vector<16xi32>
      %max3A_1046 = arith.constant 0 : i32
      %max3A_1047 = vector.broadcast %max3A_1046 : i32 to vector<16xi32>
      %max3A_1048 = arith.maxsi %sub3A_1045, %max3A_1047 : vector<16xi32>
      %min3A_1049 = arith.constant 15 : i32
      %min3A_1050 = vector.broadcast %min3A_1049 : i32 to vector<16xi32>
      %min3A_1051 = arith.minsi %max3A_1048, %min3A_1050 : vector<16xi32>
      %lt3A_1052 = arith.constant 0 : i32
      %lt3A_1053 = vector.broadcast %lt3A_1052 : i32 to vector<16xi32>
      %lt3A_1054 = arith.cmpi slt, %min3A_1051, %lt3A_1053 : vector<16xi32>
      %add3A_1055 = arith.constant 16 : i32
      %add3A_1056 = vector.broadcast %add3A_1055 : i32 to vector<16xi32>
      %add3A_1057 = arith.addi %min3A_1051, %add3A_1056 : vector<16xi32>
      %select_n3A_1058 = arith.select %lt3A_1054, %add3A_1057, %min3A_1051 : vector<16xi1>, vector<16xi32>
      %broadcast_in_dim3A_1059 = vector.shape_cast %select_n3A_1058 : vector<16xi32> to vector<16x1xi32>
      %gather3A_1060 = vector.shape_cast %broadcast_in_dim3A_1059 : vector<16x1xi32> to vector<16xi32>
      %gather3A_1061 = tpu.dynamic_gather %select_n3A_1025[%gather3A_1060] in [0] : vector<16xf32>, vector<16xi32> -> vector<16xf32>
      %max3A_1062 = arith.maximumf %select_n3A_1025, %gather3A_1061 : vector<16xf32>
      %sub3A_1063 = arith.constant 1 : i32
      %sub3A_1064 = vector.broadcast %sub3A_1063 : i32 to vector<16xi32>
      %sub3A_1065 = arith.subi %iota3A, %sub3A_1064 : vector<16xi32>
      %max3A_1066 = arith.constant 0 : i32
      %max3A_1067 = vector.broadcast %max3A_1066 : i32 to vector<16xi32>
      %max3A_1068 = arith.maxsi %sub3A_1065, %max3A_1067 : vector<16xi32>
      %min3A_1069 = arith.constant 15 : i32
      %min3A_1070 = vector.broadcast %min3A_1069 : i32 to vector<16xi32>
      %min3A_1071 = arith.minsi %max3A_1068, %min3A_1070 : vector<16xi32>
      %lt3A_1072 = arith.constant 0 : i32
      %lt3A_1073 = vector.broadcast %lt3A_1072 : i32 to vector<16xi32>
      %lt3A_1074 = arith.cmpi slt, %min3A_1071, %lt3A_1073 : vector<16xi32>
      %add3A_1075 = arith.constant 16 : i32
      %add3A_1076 = vector.broadcast %add3A_1075 : i32 to vector<16xi32>
      %add3A_1077 = arith.addi %min3A_1071, %add3A_1076 : vector<16xi32>
      %select_n3A_1078 = arith.select %lt3A_1074, %add3A_1077, %min3A_1071 : vector<16xi1>, vector<16xi32>
      %broadcast_in_dim3A_1079 = vector.shape_cast %select_n3A_1078 : vector<16xi32> to vector<16x1xi32>
      %gather3A_1080 = vector.shape_cast %broadcast_in_dim3A_1079 : vector<16x1xi32> to vector<16xi32>
      %gather3A_1081 = tpu.dynamic_gather %select_n3A_960[%gather3A_1080] in [0] : vector<16xf32>, vector<16xi32> -> vector<16xf32>
      %add3A_1082 = arith.constant 1.000000e+00 : f32
      %add3A_1083 = vector.broadcast %add3A_1082 : f32 to vector<16xf32>
      %add3A_1084 = arith.addf %gather3A_1081, %add3A_1083 : vector<16xf32>
      %sub3A_1085 = arith.subf %add3A_1084, %max3A_1062 : vector<16xf32>
      %mul3A_1086 = arith.mulf %gather3A_1042, %sub3A_1085 : vector<16xf32>
      %add3A_1087 = arith.addf %mul3A_1086, %max3A_1062 : vector<16xf32>
      %jit3A_1088 = arith.constant 0.000000e+00 : f32
      %broadcast_in_dim3A_1089 = vector.broadcast %jit3A_1088 : f32 to vector<16xf32>
      %select_n3A_1090 = arith.select %and3A_1032, %add3A_1087, %broadcast_in_dim3A_1089 : vector<16xi1>, vector<16xf32>
      %ge3A_1091 = arith.constant 1 : i32
      %ge3A_1092 = vector.broadcast %ge3A_1091 : i32 to vector<16xi32>
      %ge3A_1093 = arith.cmpi sge, %iota3A, %ge3A_1092 : vector<16xi32>
      %le3A_1094 = arith.constant 12 : i32
      %le3A_1095 = vector.broadcast %le3A_1094 : i32 to vector<16xi32>
      %le3A_1096 = arith.cmpi sle, %iota3A, %le3A_1095 : vector<16xi32>
      %and3A_1097 = arith.andi %ge3A_1093, %le3A_1096 : vector<16xi1>
      %add3A_1098 = arith.constant 13 : i32
      %add3A_1099 = vector.broadcast %add3A_1098 : i32 to vector<16xi32>
      %add3A_1100 = arith.addi %sub3A_100, %add3A_1099 : vector<16xi32>
      %max3A_1101 = arith.constant 0 : i32
      %max3A_1102 = vector.broadcast %max3A_1101 : i32 to vector<16xi32>
      %max3A_1103 = arith.maxsi %add3A_1100, %max3A_1102 : vector<16xi32>
      %min3A_1104 = arith.constant 399 : i32
      %min3A_1105 = vector.broadcast %min3A_1104 : i32 to vector<16xi32>
      %min3A_1106 = arith.minsi %max3A_1103, %min3A_1105 : vector<16xi32>
      %gather3A_1107 = tpu.vector_load_idx %arg7[%min3A_1106] : memref<400xf32, #tpu.memory_space<vmem>>[vector<16xi32>], vector<16xf32>,
      %sub3A_1108 = arith.constant 1 : i32
      %sub3A_1109 = vector.broadcast %sub3A_1108 : i32 to vector<16xi32>
      %sub3A_1110 = arith.subi %iota3A, %sub3A_1109 : vector<16xi32>
      %max3A_1111 = arith.constant 0 : i32
      %max3A_1112 = vector.broadcast %max3A_1111 : i32 to vector<16xi32>
      %max3A_1113 = arith.maxsi %sub3A_1110, %max3A_1112 : vector<16xi32>
      %min3A_1114 = arith.constant 15 : i32
      %min3A_1115 = vector.broadcast %min3A_1114 : i32 to vector<16xi32>
      %min3A_1116 = arith.minsi %max3A_1113, %min3A_1115 : vector<16xi32>
      %lt3A_1117 = arith.constant 0 : i32
      %lt3A_1118 = vector.broadcast %lt3A_1117 : i32 to vector<16xi32>
      %lt3A_1119 = arith.cmpi slt, %min3A_1116, %lt3A_1118 : vector<16xi32>
      %add3A_1120 = arith.constant 16 : i32
      %add3A_1121 = vector.broadcast %add3A_1120 : i32 to vector<16xi32>
      %add3A_1122 = arith.addi %min3A_1116, %add3A_1121 : vector<16xi32>
      %select_n3A_1123 = arith.select %lt3A_1119, %add3A_1122, %min3A_1116 : vector<16xi1>, vector<16xi32>
      %broadcast_in_dim3A_1124 = vector.shape_cast %select_n3A_1123 : vector<16xi32> to vector<16x1xi32>
      %gather3A_1125 = vector.shape_cast %broadcast_in_dim3A_1124 : vector<16x1xi32> to vector<16xi32>
      %gather3A_1126 = tpu.dynamic_gather %select_n3A_1090[%gather3A_1125] in [0] : vector<16xf32>, vector<16xi32> -> vector<16xf32>
      %max3A_1127 = arith.maximumf %select_n3A_1090, %gather3A_1126 : vector<16xf32>
      %sub3A_1128 = arith.constant 1 : i32
      %sub3A_1129 = vector.broadcast %sub3A_1128 : i32 to vector<16xi32>
      %sub3A_1130 = arith.subi %iota3A, %sub3A_1129 : vector<16xi32>
      %max3A_1131 = arith.constant 0 : i32
      %max3A_1132 = vector.broadcast %max3A_1131 : i32 to vector<16xi32>
      %max3A_1133 = arith.maxsi %sub3A_1130, %max3A_1132 : vector<16xi32>
      %min3A_1134 = arith.constant 15 : i32
      %min3A_1135 = vector.broadcast %min3A_1134 : i32 to vector<16xi32>
      %min3A_1136 = arith.minsi %max3A_1133, %min3A_1135 : vector<16xi32>
      %lt3A_1137 = arith.constant 0 : i32
      %lt3A_1138 = vector.broadcast %lt3A_1137 : i32 to vector<16xi32>
      %lt3A_1139 = arith.cmpi slt, %min3A_1136, %lt3A_1138 : vector<16xi32>
      %add3A_1140 = arith.constant 16 : i32
      %add3A_1141 = vector.broadcast %add3A_1140 : i32 to vector<16xi32>
      %add3A_1142 = arith.addi %min3A_1136, %add3A_1141 : vector<16xi32>
      %select_n3A_1143 = arith.select %lt3A_1139, %add3A_1142, %min3A_1136 : vector<16xi1>, vector<16xi32>
      %broadcast_in_dim3A_1144 = vector.shape_cast %select_n3A_1143 : vector<16xi32> to vector<16x1xi32>
      %gather3A_1145 = vector.shape_cast %broadcast_in_dim3A_1144 : vector<16x1xi32> to vector<16xi32>
      %gather3A_1146 = tpu.dynamic_gather %select_n3A_1025[%gather3A_1145] in [0] : vector<16xf32>, vector<16xi32> -> vector<16xf32>
      %add3A_1147 = arith.constant 1.000000e+00 : f32
      %add3A_1148 = vector.broadcast %add3A_1147 : f32 to vector<16xf32>
      %add3A_1149 = arith.addf %gather3A_1146, %add3A_1148 : vector<16xf32>
      %sub3A_1150 = arith.subf %add3A_1149, %max3A_1127 : vector<16xf32>
      %mul3A_1151 = arith.mulf %gather3A_1107, %sub3A_1150 : vector<16xf32>
      %add3A_1152 = arith.addf %mul3A_1151, %max3A_1127 : vector<16xf32>
      %jit3A_1153 = arith.constant 0.000000e+00 : f32
      %broadcast_in_dim3A_1154 = vector.broadcast %jit3A_1153 : f32 to vector<16xf32>
      %select_n3A_1155 = arith.select %and3A_1097, %add3A_1152, %broadcast_in_dim3A_1154 : vector<16xi1>, vector<16xf32>
      %ge3A_1156 = arith.constant 1 : i32
      %ge3A_1157 = vector.broadcast %ge3A_1156 : i32 to vector<16xi32>
      %ge3A_1158 = arith.cmpi sge, %iota3A, %ge3A_1157 : vector<16xi32>
      %le3A_1159 = arith.constant 13 : i32
      %le3A_1160 = vector.broadcast %le3A_1159 : i32 to vector<16xi32>
      %le3A_1161 = arith.cmpi sle, %iota3A, %le3A_1160 : vector<16xi32>
      %and3A_1162 = arith.andi %ge3A_1158, %le3A_1161 : vector<16xi1>
      %add3A_1163 = arith.constant 14 : i32
      %add3A_1164 = vector.broadcast %add3A_1163 : i32 to vector<16xi32>
      %add3A_1165 = arith.addi %sub3A_100, %add3A_1164 : vector<16xi32>
      %max3A_1166 = arith.constant 0 : i32
      %max3A_1167 = vector.broadcast %max3A_1166 : i32 to vector<16xi32>
      %max3A_1168 = arith.maxsi %add3A_1165, %max3A_1167 : vector<16xi32>
      %min3A_1169 = arith.constant 399 : i32
      %min3A_1170 = vector.broadcast %min3A_1169 : i32 to vector<16xi32>
      %min3A_1171 = arith.minsi %max3A_1168, %min3A_1170 : vector<16xi32>
      %gather3A_1172 = tpu.vector_load_idx %arg7[%min3A_1171] : memref<400xf32, #tpu.memory_space<vmem>>[vector<16xi32>], vector<16xf32>,
      %sub3A_1173 = arith.constant 1 : i32
      %sub3A_1174 = vector.broadcast %sub3A_1173 : i32 to vector<16xi32>
      %sub3A_1175 = arith.subi %iota3A, %sub3A_1174 : vector<16xi32>
      %max3A_1176 = arith.constant 0 : i32
      %max3A_1177 = vector.broadcast %max3A_1176 : i32 to vector<16xi32>
      %max3A_1178 = arith.maxsi %sub3A_1175, %max3A_1177 : vector<16xi32>
      %min3A_1179 = arith.constant 15 : i32
      %min3A_1180 = vector.broadcast %min3A_1179 : i32 to vector<16xi32>
      %min3A_1181 = arith.minsi %max3A_1178, %min3A_1180 : vector<16xi32>
      %lt3A_1182 = arith.constant 0 : i32
      %lt3A_1183 = vector.broadcast %lt3A_1182 : i32 to vector<16xi32>
      %lt3A_1184 = arith.cmpi slt, %min3A_1181, %lt3A_1183 : vector<16xi32>
      %add3A_1185 = arith.constant 16 : i32
      %add3A_1186 = vector.broadcast %add3A_1185 : i32 to vector<16xi32>
      %add3A_1187 = arith.addi %min3A_1181, %add3A_1186 : vector<16xi32>
      %select_n3A_1188 = arith.select %lt3A_1184, %add3A_1187, %min3A_1181 : vector<16xi1>, vector<16xi32>
      %broadcast_in_dim3A_1189 = vector.shape_cast %select_n3A_1188 : vector<16xi32> to vector<16x1xi32>
      %gather3A_1190 = vector.shape_cast %broadcast_in_dim3A_1189 : vector<16x1xi32> to vector<16xi32>
      %gather3A_1191 = tpu.dynamic_gather %select_n3A_1155[%gather3A_1190] in [0] : vector<16xf32>, vector<16xi32> -> vector<16xf32>
      %max3A_1192 = arith.maximumf %select_n3A_1155, %gather3A_1191 : vector<16xf32>
      %sub3A_1193 = arith.constant 1 : i32
      %sub3A_1194 = vector.broadcast %sub3A_1193 : i32 to vector<16xi32>
      %sub3A_1195 = arith.subi %iota3A, %sub3A_1194 : vector<16xi32>
      %max3A_1196 = arith.constant 0 : i32
      %max3A_1197 = vector.broadcast %max3A_1196 : i32 to vector<16xi32>
      %max3A_1198 = arith.maxsi %sub3A_1195, %max3A_1197 : vector<16xi32>
      %min3A_1199 = arith.constant 15 : i32
      %min3A_1200 = vector.broadcast %min3A_1199 : i32 to vector<16xi32>
      %min3A_1201 = arith.minsi %max3A_1198, %min3A_1200 : vector<16xi32>
      %lt3A_1202 = arith.constant 0 : i32
      %lt3A_1203 = vector.broadcast %lt3A_1202 : i32 to vector<16xi32>
      %lt3A_1204 = arith.cmpi slt, %min3A_1201, %lt3A_1203 : vector<16xi32>
      %add3A_1205 = arith.constant 16 : i32
      %add3A_1206 = vector.broadcast %add3A_1205 : i32 to vector<16xi32>
      %add3A_1207 = arith.addi %min3A_1201, %add3A_1206 : vector<16xi32>
      %select_n3A_1208 = arith.select %lt3A_1204, %add3A_1207, %min3A_1201 : vector<16xi1>, vector<16xi32>
      %broadcast_in_dim3A_1209 = vector.shape_cast %select_n3A_1208 : vector<16xi32> to vector<16x1xi32>
      %gather3A_1210 = vector.shape_cast %broadcast_in_dim3A_1209 : vector<16x1xi32> to vector<16xi32>
      %gather3A_1211 = tpu.dynamic_gather %select_n3A_1090[%gather3A_1210] in [0] : vector<16xf32>, vector<16xi32> -> vector<16xf32>
      %add3A_1212 = arith.constant 1.000000e+00 : f32
      %add3A_1213 = vector.broadcast %add3A_1212 : f32 to vector<16xf32>
      %add3A_1214 = arith.addf %gather3A_1211, %add3A_1213 : vector<16xf32>
      %sub3A_1215 = arith.subf %add3A_1214, %max3A_1192 : vector<16xf32>
      %mul3A_1216 = arith.mulf %gather3A_1172, %sub3A_1215 : vector<16xf32>
      %add3A_1217 = arith.addf %mul3A_1216, %max3A_1192 : vector<16xf32>
      %jit3A_1218 = arith.constant 0.000000e+00 : f32
      %broadcast_in_dim3A_1219 = vector.broadcast %jit3A_1218 : f32 to vector<16xf32>
      %select_n3A_1220 = arith.select %and3A_1162, %add3A_1217, %broadcast_in_dim3A_1219 : vector<16xi1>, vector<16xf32>
      %ge3A_1221 = arith.constant 1 : i32
      %ge3A_1222 = vector.broadcast %ge3A_1221 : i32 to vector<16xi32>
      %ge3A_1223 = arith.cmpi sge, %iota3A, %ge3A_1222 : vector<16xi32>
      %le3A_1224 = arith.constant 14 : i32
      %le3A_1225 = vector.broadcast %le3A_1224 : i32 to vector<16xi32>
      %le3A_1226 = arith.cmpi sle, %iota3A, %le3A_1225 : vector<16xi32>
      %and3A_1227 = arith.andi %ge3A_1223, %le3A_1226 : vector<16xi1>
      %add3A_1228 = arith.constant 15 : i32
      %add3A_1229 = vector.broadcast %add3A_1228 : i32 to vector<16xi32>
      %add3A_1230 = arith.addi %sub3A_100, %add3A_1229 : vector<16xi32>
      %max3A_1231 = arith.constant 0 : i32
      %max3A_1232 = vector.broadcast %max3A_1231 : i32 to vector<16xi32>
      %max3A_1233 = arith.maxsi %add3A_1230, %max3A_1232 : vector<16xi32>
      %min3A_1234 = arith.constant 399 : i32
      %min3A_1235 = vector.broadcast %min3A_1234 : i32 to vector<16xi32>
      %min3A_1236 = arith.minsi %max3A_1233, %min3A_1235 : vector<16xi32>
      %gather3A_1237 = tpu.vector_load_idx %arg7[%min3A_1236] : memref<400xf32, #tpu.memory_space<vmem>>[vector<16xi32>], vector<16xf32>,
      %sub3A_1238 = arith.constant 1 : i32
      %sub3A_1239 = vector.broadcast %sub3A_1238 : i32 to vector<16xi32>
      %sub3A_1240 = arith.subi %iota3A, %sub3A_1239 : vector<16xi32>
      %max3A_1241 = arith.constant 0 : i32
      %max3A_1242 = vector.broadcast %max3A_1241 : i32 to vector<16xi32>
      %max3A_1243 = arith.maxsi %sub3A_1240, %max3A_1242 : vector<16xi32>
      %min3A_1244 = arith.constant 15 : i32
      %min3A_1245 = vector.broadcast %min3A_1244 : i32 to vector<16xi32>
      %min3A_1246 = arith.minsi %max3A_1243, %min3A_1245 : vector<16xi32>
      %lt3A_1247 = arith.constant 0 : i32
      %lt3A_1248 = vector.broadcast %lt3A_1247 : i32 to vector<16xi32>
      %lt3A_1249 = arith.cmpi slt, %min3A_1246, %lt3A_1248 : vector<16xi32>
      %add3A_1250 = arith.constant 16 : i32
      %add3A_1251 = vector.broadcast %add3A_1250 : i32 to vector<16xi32>
      %add3A_1252 = arith.addi %min3A_1246, %add3A_1251 : vector<16xi32>
      %select_n3A_1253 = arith.select %lt3A_1249, %add3A_1252, %min3A_1246 : vector<16xi1>, vector<16xi32>
      %broadcast_in_dim3A_1254 = vector.shape_cast %select_n3A_1253 : vector<16xi32> to vector<16x1xi32>
      %gather3A_1255 = vector.shape_cast %broadcast_in_dim3A_1254 : vector<16x1xi32> to vector<16xi32>
      %gather3A_1256 = tpu.dynamic_gather %select_n3A_1220[%gather3A_1255] in [0] : vector<16xf32>, vector<16xi32> -> vector<16xf32>
      %max3A_1257 = arith.maximumf %select_n3A_1220, %gather3A_1256 : vector<16xf32>
      %sub3A_1258 = arith.constant 1 : i32
      %sub3A_1259 = vector.broadcast %sub3A_1258 : i32 to vector<16xi32>
      %sub3A_1260 = arith.subi %iota3A, %sub3A_1259 : vector<16xi32>
      %max3A_1261 = arith.constant 0 : i32
      %max3A_1262 = vector.broadcast %max3A_1261 : i32 to vector<16xi32>
      %max3A_1263 = arith.maxsi %sub3A_1260, %max3A_1262 : vector<16xi32>
      %min3A_1264 = arith.constant 15 : i32
      %min3A_1265 = vector.broadcast %min3A_1264 : i32 to vector<16xi32>
      %min3A_1266 = arith.minsi %max3A_1263, %min3A_1265 : vector<16xi32>
      %lt3A_1267 = arith.constant 0 : i32
      %lt3A_1268 = vector.broadcast %lt3A_1267 : i32 to vector<16xi32>
      %lt3A_1269 = arith.cmpi slt, %min3A_1266, %lt3A_1268 : vector<16xi32>
      %add3A_1270 = arith.constant 16 : i32
      %add3A_1271 = vector.broadcast %add3A_1270 : i32 to vector<16xi32>
      %add3A_1272 = arith.addi %min3A_1266, %add3A_1271 : vector<16xi32>
      %select_n3A_1273 = arith.select %lt3A_1269, %add3A_1272, %min3A_1266 : vector<16xi1>, vector<16xi32>
      %broadcast_in_dim3A_1274 = vector.shape_cast %select_n3A_1273 : vector<16xi32> to vector<16x1xi32>
      %gather3A_1275 = vector.shape_cast %broadcast_in_dim3A_1274 : vector<16x1xi32> to vector<16xi32>
      %gather3A_1276 = tpu.dynamic_gather %select_n3A_1155[%gather3A_1275] in [0] : vector<16xf32>, vector<16xi32> -> vector<16xf32>
      %add3A_1277 = arith.constant 1.000000e+00 : f32
      %add3A_1278 = vector.broadcast %add3A_1277 : f32 to vector<16xf32>
      %add3A_1279 = arith.addf %gather3A_1276, %add3A_1278 : vector<16xf32>
      %sub3A_1280 = arith.subf %add3A_1279, %max3A_1257 : vector<16xf32>
      %mul3A_1281 = arith.mulf %gather3A_1237, %sub3A_1280 : vector<16xf32>
      %add3A_1282 = arith.addf %mul3A_1281, %max3A_1257 : vector<16xf32>
      %jit3A_1283 = arith.constant 0.000000e+00 : f32
      %broadcast_in_dim3A_1284 = vector.broadcast %jit3A_1283 : f32 to vector<16xf32>
      %select_n3A_1285 = arith.select %and3A_1227, %add3A_1282, %broadcast_in_dim3A_1284 : vector<16xi1>, vector<16xf32>
      %ge3A_1286 = arith.constant 1 : i32
      %ge3A_1287 = vector.broadcast %ge3A_1286 : i32 to vector<16xi32>
      %ge3A_1288 = arith.cmpi sge, %iota3A, %ge3A_1287 : vector<16xi32>
      %le3A_1289 = arith.constant 15 : i32
      %le3A_1290 = vector.broadcast %le3A_1289 : i32 to vector<16xi32>
      %le3A_1291 = arith.cmpi sle, %iota3A, %le3A_1290 : vector<16xi32>
      %and3A_1292 = arith.andi %ge3A_1288, %le3A_1291 : vector<16xi1>
      %add3A_1293 = arith.constant 16 : i32
      %add3A_1294 = vector.broadcast %add3A_1293 : i32 to vector<16xi32>
      %add3A_1295 = arith.addi %sub3A_100, %add3A_1294 : vector<16xi32>
      %max3A_1296 = arith.constant 0 : i32
      %max3A_1297 = vector.broadcast %max3A_1296 : i32 to vector<16xi32>
      %max3A_1298 = arith.maxsi %add3A_1295, %max3A_1297 : vector<16xi32>
      %min3A_1299 = arith.constant 399 : i32
      %min3A_1300 = vector.broadcast %min3A_1299 : i32 to vector<16xi32>
      %min3A_1301 = arith.minsi %max3A_1298, %min3A_1300 : vector<16xi32>
      %gather3A_1302 = tpu.vector_load_idx %arg7[%min3A_1301] : memref<400xf32, #tpu.memory_space<vmem>>[vector<16xi32>], vector<16xf32>,
      %sub3A_1303 = arith.constant 1 : i32
      %sub3A_1304 = vector.broadcast %sub3A_1303 : i32 to vector<16xi32>
      %sub3A_1305 = arith.subi %iota3A, %sub3A_1304 : vector<16xi32>
      %max3A_1306 = arith.constant 0 : i32
      %max3A_1307 = vector.broadcast %max3A_1306 : i32 to vector<16xi32>
      %max3A_1308 = arith.maxsi %sub3A_1305, %max3A_1307 : vector<16xi32>
      %min3A_1309 = arith.constant 15 : i32
      %min3A_1310 = vector.broadcast %min3A_1309 : i32 to vector<16xi32>
      %min3A_1311 = arith.minsi %max3A_1308, %min3A_1310 : vector<16xi32>
      %lt3A_1312 = arith.constant 0 : i32
      %lt3A_1313 = vector.broadcast %lt3A_1312 : i32 to vector<16xi32>
      %lt3A_1314 = arith.cmpi slt, %min3A_1311, %lt3A_1313 : vector<16xi32>
      %add3A_1315 = arith.constant 16 : i32
      %add3A_1316 = vector.broadcast %add3A_1315 : i32 to vector<16xi32>
      %add3A_1317 = arith.addi %min3A_1311, %add3A_1316 : vector<16xi32>
      %select_n3A_1318 = arith.select %lt3A_1314, %add3A_1317, %min3A_1311 : vector<16xi1>, vector<16xi32>
      %broadcast_in_dim3A_1319 = vector.shape_cast %select_n3A_1318 : vector<16xi32> to vector<16x1xi32>
      %gather3A_1320 = vector.shape_cast %broadcast_in_dim3A_1319 : vector<16x1xi32> to vector<16xi32>
      %gather3A_1321 = tpu.dynamic_gather %select_n3A_1285[%gather3A_1320] in [0] : vector<16xf32>, vector<16xi32> -> vector<16xf32>
      %max3A_1322 = arith.maximumf %select_n3A_1285, %gather3A_1321 : vector<16xf32>
      %sub3A_1323 = arith.constant 1 : i32
      %sub3A_1324 = vector.broadcast %sub3A_1323 : i32 to vector<16xi32>
      %sub3A_1325 = arith.subi %iota3A, %sub3A_1324 : vector<16xi32>
      %max3A_1326 = arith.constant 0 : i32
      %max3A_1327 = vector.broadcast %max3A_1326 : i32 to vector<16xi32>
      %max3A_1328 = arith.maxsi %sub3A_1325, %max3A_1327 : vector<16xi32>
      %min3A_1329 = arith.constant 15 : i32
      %min3A_1330 = vector.broadcast %min3A_1329 : i32 to vector<16xi32>
      %min3A_1331 = arith.minsi %max3A_1328, %min3A_1330 : vector<16xi32>
      %lt3A_1332 = arith.constant 0 : i32
      %lt3A_1333 = vector.broadcast %lt3A_1332 : i32 to vector<16xi32>
      %lt3A_1334 = arith.cmpi slt, %min3A_1331, %lt3A_1333 : vector<16xi32>
      %add3A_1335 = arith.constant 16 : i32
      %add3A_1336 = vector.broadcast %add3A_1335 : i32 to vector<16xi32>
      %add3A_1337 = arith.addi %min3A_1331, %add3A_1336 : vector<16xi32>
      %select_n3A_1338 = arith.select %lt3A_1334, %add3A_1337, %min3A_1331 : vector<16xi1>, vector<16xi32>
      %broadcast_in_dim3A_1339 = vector.shape_cast %select_n3A_1338 : vector<16xi32> to vector<16x1xi32>
      %gather3A_1340 = vector.shape_cast %broadcast_in_dim3A_1339 : vector<16x1xi32> to vector<16xi32>
      %gather3A_1341 = tpu.dynamic_gather %select_n3A_1220[%gather3A_1340] in [0] : vector<16xf32>, vector<16xi32> -> vector<16xf32>
      %add3A_1342 = arith.constant 1.000000e+00 : f32
      %add3A_1343 = vector.broadcast %add3A_1342 : f32 to vector<16xf32>
      %add3A_1344 = arith.addf %gather3A_1341, %add3A_1343 : vector<16xf32>
      %sub3A_1345 = arith.subf %add3A_1344, %max3A_1322 : vector<16xf32>
      %mul3A_1346 = arith.mulf %gather3A_1302, %sub3A_1345 : vector<16xf32>
      %add3A_1347 = arith.addf %mul3A_1346, %max3A_1322 : vector<16xf32>
      %jit3A_1348 = arith.constant 0.000000e+00 : f32
      %broadcast_in_dim3A_1349 = vector.broadcast %jit3A_1348 : f32 to vector<16xf32>
      %select_n3A_1350 = arith.select %and3A_1292, %add3A_1347, %broadcast_in_dim3A_1349 : vector<16xi1>, vector<16xf32>
      %ge3A_1351 = arith.constant 1 : i32
      %ge3A_1352 = vector.broadcast %ge3A_1351 : i32 to vector<16xi32>
      %ge3A_1353 = arith.cmpi sge, %iota3A, %ge3A_1352 : vector<16xi32>
      %le3A_1354 = arith.constant 16 : i32
      %le3A_1355 = vector.broadcast %le3A_1354 : i32 to vector<16xi32>
      %le3A_1356 = arith.cmpi sle, %iota3A, %le3A_1355 : vector<16xi32>
      %and3A_1357 = arith.andi %ge3A_1353, %le3A_1356 : vector<16xi1>
      %add3A_1358 = arith.constant 17 : i32
      %add3A_1359 = vector.broadcast %add3A_1358 : i32 to vector<16xi32>
      %add3A_1360 = arith.addi %sub3A_100, %add3A_1359 : vector<16xi32>
      %max3A_1361 = arith.constant 0 : i32
      %max3A_1362 = vector.broadcast %max3A_1361 : i32 to vector<16xi32>
      %max3A_1363 = arith.maxsi %add3A_1360, %max3A_1362 : vector<16xi32>
      %min3A_1364 = arith.constant 399 : i32
      %min3A_1365 = vector.broadcast %min3A_1364 : i32 to vector<16xi32>
      %min3A_1366 = arith.minsi %max3A_1363, %min3A_1365 : vector<16xi32>
      %gather3A_1367 = tpu.vector_load_idx %arg7[%min3A_1366] : memref<400xf32, #tpu.memory_space<vmem>>[vector<16xi32>], vector<16xf32>,
      %sub3A_1368 = arith.constant 1 : i32
      %sub3A_1369 = vector.broadcast %sub3A_1368 : i32 to vector<16xi32>
      %sub3A_1370 = arith.subi %iota3A, %sub3A_1369 : vector<16xi32>
      %max3A_1371 = arith.constant 0 : i32
      %max3A_1372 = vector.broadcast %max3A_1371 : i32 to vector<16xi32>
      %max3A_1373 = arith.maxsi %sub3A_1370, %max3A_1372 : vector<16xi32>
      %min3A_1374 = arith.constant 15 : i32
      %min3A_1375 = vector.broadcast %min3A_1374 : i32 to vector<16xi32>
      %min3A_1376 = arith.minsi %max3A_1373, %min3A_1375 : vector<16xi32>
      %lt3A_1377 = arith.constant 0 : i32
      %lt3A_1378 = vector.broadcast %lt3A_1377 : i32 to vector<16xi32>
      %lt3A_1379 = arith.cmpi slt, %min3A_1376, %lt3A_1378 : vector<16xi32>
      %add3A_1380 = arith.constant 16 : i32
      %add3A_1381 = vector.broadcast %add3A_1380 : i32 to vector<16xi32>
      %add3A_1382 = arith.addi %min3A_1376, %add3A_1381 : vector<16xi32>
      %select_n3A_1383 = arith.select %lt3A_1379, %add3A_1382, %min3A_1376 : vector<16xi1>, vector<16xi32>
      %broadcast_in_dim3A_1384 = vector.shape_cast %select_n3A_1383 : vector<16xi32> to vector<16x1xi32>
      %gather3A_1385 = vector.shape_cast %broadcast_in_dim3A_1384 : vector<16x1xi32> to vector<16xi32>
      %gather3A_1386 = tpu.dynamic_gather %select_n3A_1350[%gather3A_1385] in [0] : vector<16xf32>, vector<16xi32> -> vector<16xf32>
      %max3A_1387 = arith.maximumf %select_n3A_1350, %gather3A_1386 : vector<16xf32>
      %sub3A_1388 = arith.constant 1 : i32
      %sub3A_1389 = vector.broadcast %sub3A_1388 : i32 to vector<16xi32>
      %sub3A_1390 = arith.subi %iota3A, %sub3A_1389 : vector<16xi32>
      %max3A_1391 = arith.constant 0 : i32
      %max3A_1392 = vector.broadcast %max3A_1391 : i32 to vector<16xi32>
      %max3A_1393 = arith.maxsi %sub3A_1390, %max3A_1392 : vector<16xi32>
      %min3A_1394 = arith.constant 15 : i32
      %min3A_1395 = vector.broadcast %min3A_1394 : i32 to vector<16xi32>
      %min3A_1396 = arith.minsi %max3A_1393, %min3A_1395 : vector<16xi32>
      %lt3A_1397 = arith.constant 0 : i32
      %lt3A_1398 = vector.broadcast %lt3A_1397 : i32 to vector<16xi32>
      %lt3A_1399 = arith.cmpi slt, %min3A_1396, %lt3A_1398 : vector<16xi32>
      %add3A_1400 = arith.constant 16 : i32
      %add3A_1401 = vector.broadcast %add3A_1400 : i32 to vector<16xi32>
      %add3A_1402 = arith.addi %min3A_1396, %add3A_1401 : vector<16xi32>
      %select_n3A_1403 = arith.select %lt3A_1399, %add3A_1402, %min3A_1396 : vector<16xi1>, vector<16xi32>
      %broadcast_in_dim3A_1404 = vector.shape_cast %select_n3A_1403 : vector<16xi32> to vector<16x1xi32>
      %gather3A_1405 = vector.shape_cast %broadcast_in_dim3A_1404 : vector<16x1xi32> to vector<16xi32>
      %gather3A_1406 = tpu.dynamic_gather %select_n3A_1285[%gather3A_1405] in [0] : vector<16xf32>, vector<16xi32> -> vector<16xf32>
      %add3A_1407 = arith.constant 1.000000e+00 : f32
      %add3A_1408 = vector.broadcast %add3A_1407 : f32 to vector<16xf32>
      %add3A_1409 = arith.addf %gather3A_1406, %add3A_1408 : vector<16xf32>
      %sub3A_1410 = arith.subf %add3A_1409, %max3A_1387 : vector<16xf32>
      %mul3A_1411 = arith.mulf %gather3A_1367, %sub3A_1410 : vector<16xf32>
      %add3A_1412 = arith.addf %mul3A_1411, %max3A_1387 : vector<16xf32>
      %jit3A_1413 = arith.constant 0.000000e+00 : f32
      %broadcast_in_dim3A_1414 = vector.broadcast %jit3A_1413 : f32 to vector<16xf32>
      %select_n3A_1415 = arith.select %and3A_1357, %add3A_1412, %broadcast_in_dim3A_1414 : vector<16xi1>, vector<16xf32>
      %add3A_1416 = arith.constant 16 : i32
      %add3A_1417 = vector.broadcast %add3A_1416 : i32 to vector<16xi32>
      %add3A_1418 = arith.addi %iota3A, %add3A_1417 : vector<16xi32>
      %ge3A_1419 = arith.constant 1 : i32
      %ge3A_1420 = vector.broadcast %ge3A_1419 : i32 to vector<16xi32>
      %ge3A_1421 = arith.cmpi sge, %add3A_1418, %ge3A_1420 : vector<16xi32>
      %le3A_1422 = arith.constant 16 : i32
      %le3A_1423 = vector.broadcast %le3A_1422 : i32 to vector<16xi32>
      %le3A_1424 = arith.cmpi sle, %add3A_1418, %le3A_1423 : vector<16xi32>
      %and3A_1425 = arith.andi %ge3A_1421, %le3A_1424 : vector<16xi1>
      %add3A_1426 = arith.constant 17 : i32
      %add3A_1427 = vector.broadcast %add3A_1426 : i32 to vector<16xi32>
      %add3A_1428 = arith.addi %sub3A_109, %add3A_1427 : vector<16xi32>
      %max3A_1429 = arith.constant 0 : i32
      %max3A_1430 = vector.broadcast %max3A_1429 : i32 to vector<16xi32>
      %max3A_1431 = arith.maxsi %add3A_1428, %max3A_1430 : vector<16xi32>
      %min3A_1432 = arith.constant 399 : i32
      %min3A_1433 = vector.broadcast %min3A_1432 : i32 to vector<16xi32>
      %min3A_1434 = arith.minsi %max3A_1431, %min3A_1433 : vector<16xi32>
      %gather3A_1435 = tpu.vector_load_idx %arg7[%min3A_1434] : memref<400xf32, #tpu.memory_space<vmem>>[vector<16xi32>], vector<16xf32>,
      %lt3A_1436 = arith.constant 1 : i32
      %lt3A_1437 = vector.broadcast %lt3A_1436 : i32 to vector<16xi32>
      %lt3A_1438 = arith.cmpi slt, %iota3A, %lt3A_1437 : vector<16xi32>
      %broadcast_in_dim3A_1439 = arith.constant 15 : i32
      %broadcast_in_dim3A_1440 = vector.broadcast %broadcast_in_dim3A_1439 : i32 to vector<16xi32>
      %lt3A_1441 = arith.constant 0 : i32
      %lt3A_1442 = vector.broadcast %lt3A_1441 : i32 to vector<16xi32>
      %lt3A_1443 = arith.cmpi slt, %broadcast_in_dim3A_1440, %lt3A_1442 : vector<16xi32>
      %add3A_1444 = arith.constant 16 : i32
      %add3A_1445 = vector.broadcast %add3A_1444 : i32 to vector<16xi32>
      %add3A_1446 = arith.addi %broadcast_in_dim3A_1440, %add3A_1445 : vector<16xi32>
      %select_n3A_1447 = arith.select %lt3A_1443, %add3A_1446, %broadcast_in_dim3A_1440 : vector<16xi1>, vector<16xi32>
      %broadcast_in_dim3A_1448 = vector.shape_cast %select_n3A_1447 : vector<16xi32> to vector<16x1xi32>
      %gather3A_1449 = vector.shape_cast %broadcast_in_dim3A_1448 : vector<16x1xi32> to vector<16xi32>
      %gather3A_1450 = tpu.dynamic_gather %select_n3A_1285[%gather3A_1449] in [0] : vector<16xf32>, vector<16xi32> -> vector<16xf32>
      %sub3A_1451 = arith.constant 1 : i32
      %sub3A_1452 = vector.broadcast %sub3A_1451 : i32 to vector<16xi32>
      %sub3A_1453 = arith.subi %iota3A, %sub3A_1452 : vector<16xi32>
      %max3A_1454 = arith.constant 0 : i32
      %max3A_1455 = vector.broadcast %max3A_1454 : i32 to vector<16xi32>
      %max3A_1456 = arith.maxsi %sub3A_1453, %max3A_1455 : vector<16xi32>
      %min3A_1457 = arith.constant 15 : i32
      %min3A_1458 = vector.broadcast %min3A_1457 : i32 to vector<16xi32>
      %min3A_1459 = arith.minsi %max3A_1456, %min3A_1458 : vector<16xi32>
      %lt3A_1460 = arith.constant 0 : i32
      %lt3A_1461 = vector.broadcast %lt3A_1460 : i32 to vector<16xi32>
      %lt3A_1462 = arith.cmpi slt, %min3A_1459, %lt3A_1461 : vector<16xi32>
      %add3A_1463 = arith.constant 16 : i32
      %add3A_1464 = vector.broadcast %add3A_1463 : i32 to vector<16xi32>
      %add3A_1465 = arith.addi %min3A_1459, %add3A_1464 : vector<16xi32>
      %select_n3A_1466 = arith.select %lt3A_1462, %add3A_1465, %min3A_1459 : vector<16xi1>, vector<16xi32>
      %broadcast_in_dim3A_1467 = vector.shape_cast %select_n3A_1466 : vector<16xi32> to vector<16x1xi32>
      %gather3A_1468 = vector.shape_cast %broadcast_in_dim3A_1467 : vector<16x1xi32> to vector<16xi32>
      %gather3A_1469 = tpu.dynamic_gather %broadcast_in_dim3A_2[%gather3A_1468] in [0] : vector<16xf32>, vector<16xi32> -> vector<16xf32>
      %select_n3A_1470 = arith.select %lt3A_1438, %gather3A_1450, %gather3A_1469 : vector<16xi1>, vector<16xf32>
      %broadcast_in_dim3A_1471 = arith.constant 15 : i32
      %broadcast_in_dim3A_1472 = vector.broadcast %broadcast_in_dim3A_1471 : i32 to vector<16xi32>
      %lt3A_1473 = arith.constant 0 : i32
      %lt3A_1474 = vector.broadcast %lt3A_1473 : i32 to vector<16xi32>
      %lt3A_1475 = arith.cmpi slt, %broadcast_in_dim3A_1472, %lt3A_1474 : vector<16xi32>
      %add3A_1476 = arith.constant 16 : i32
      %add3A_1477 = vector.broadcast %add3A_1476 : i32 to vector<16xi32>
      %add3A_1478 = arith.addi %broadcast_in_dim3A_1472, %add3A_1477 : vector<16xi32>
      %select_n3A_1479 = arith.select %lt3A_1475, %add3A_1478, %broadcast_in_dim3A_1472 : vector<16xi1>, vector<16xi32>
      %broadcast_in_dim3A_1480 = vector.shape_cast %select_n3A_1479 : vector<16xi32> to vector<16x1xi32>
      %gather3A_1481 = vector.shape_cast %broadcast_in_dim3A_1480 : vector<16x1xi32> to vector<16xi32>
      %gather3A_1482 = tpu.dynamic_gather %select_n3A_1350[%gather3A_1481] in [0] : vector<16xf32>, vector<16xi32> -> vector<16xf32>
      %sub3A_1483 = arith.constant 1 : i32
      %sub3A_1484 = vector.broadcast %sub3A_1483 : i32 to vector<16xi32>
      %sub3A_1485 = arith.subi %iota3A, %sub3A_1484 : vector<16xi32>
      %max3A_1486 = arith.constant 0 : i32
      %max3A_1487 = vector.broadcast %max3A_1486 : i32 to vector<16xi32>
      %max3A_1488 = arith.maxsi %sub3A_1485, %max3A_1487 : vector<16xi32>
      %min3A_1489 = arith.constant 15 : i32
      %min3A_1490 = vector.broadcast %min3A_1489 : i32 to vector<16xi32>
      %min3A_1491 = arith.minsi %max3A_1488, %min3A_1490 : vector<16xi32>
      %lt3A_1492 = arith.constant 0 : i32
      %lt3A_1493 = vector.broadcast %lt3A_1492 : i32 to vector<16xi32>
      %lt3A_1494 = arith.cmpi slt, %min3A_1491, %lt3A_1493 : vector<16xi32>
      %add3A_1495 = arith.constant 16 : i32
      %add3A_1496 = vector.broadcast %add3A_1495 : i32 to vector<16xi32>
      %add3A_1497 = arith.addi %min3A_1491, %add3A_1496 : vector<16xi32>
      %select_n3A_1498 = arith.select %lt3A_1494, %add3A_1497, %min3A_1491 : vector<16xi1>, vector<16xi32>
      %broadcast_in_dim3A_1499 = vector.shape_cast %select_n3A_1498 : vector<16xi32> to vector<16x1xi32>
      %gather3A_1500 = vector.shape_cast %broadcast_in_dim3A_1499 : vector<16x1xi32> to vector<16xi32>
      %gather3A_1501 = tpu.dynamic_gather %broadcast_in_dim3A_2[%gather3A_1500] in [0] : vector<16xf32>, vector<16xi32> -> vector<16xf32>
      %select_n3A_1502 = arith.select %lt3A_1438, %gather3A_1482, %gather3A_1501 : vector<16xi1>, vector<16xf32>
      %max3A_1503 = arith.maximumf %broadcast_in_dim3A_2, %select_n3A_1502 : vector<16xf32>
      %add3A_1504 = arith.constant 1.000000e+00 : f32
      %add3A_1505 = vector.broadcast %add3A_1504 : f32 to vector<16xf32>
      %add3A_1506 = arith.addf %select_n3A_1470, %add3A_1505 : vector<16xf32>
      %sub3A_1507 = arith.subf %add3A_1506, %max3A_1503 : vector<16xf32>
      %mul3A_1508 = arith.mulf %gather3A_1435, %sub3A_1507 : vector<16xf32>
      %add3A_1509 = arith.addf %mul3A_1508, %max3A_1503 : vector<16xf32>
      %jit3A_1510 = arith.constant 0.000000e+00 : f32
      %broadcast_in_dim3A_1511 = vector.broadcast %jit3A_1510 : f32 to vector<16xf32>
      %select_n3A_1512 = arith.select %and3A_1425, %add3A_1509, %broadcast_in_dim3A_1511 : vector<16xi1>, vector<16xf32>
      %dma_wait3A_1513 = arith.constant 16 : i32
      %dma_wait3A_1514 = arith.constant 0 : i32
      %dma_wait3A_1515 = tpu.memref_slice %arg5[%dma_wait3A_1513, %dma_wait3A_1514] : memref<20x1000xf32, #tpu.memory_space<vmem>> -> memref<4x1000xf32, #tpu.memory_space<vmem>>
      %dma_wait3A_1516 = arith.constant 16 : i32
      %dma_wait3A_1517 = arith.constant 0 : i32
      %dma_wait3A_1518 = tpu.memref_slice %arg2[%add3A, %dma_wait3A_1516, %dma_wait3A_1517] : memref<20x20x1000xf32, #tpu.memory_space<hbm>> -> memref<1x4x1000xf32, #tpu.memory_space<hbm>>
      %dma_wait3A_1519 = tpu.memref_squeeze %dma_wait3A_1518 : memref<1x4x1000xf32, #tpu.memory_space<hbm>> -> memref<4x1000xf32, #tpu.memory_space<hbm>>
      %dma_wait3A_1520 = arith.constant 16 : i32
      %dma_wait3A_1521 = arith.constant 0 : i32
      %dma_wait3A_1522 = tpu.memref_slice %arg5[%dma_wait3A_1520, %dma_wait3A_1521] : memref<20x1000xf32, #tpu.memory_space<vmem>> -> memref<4x1000xf32, #tpu.memory_space<vmem>>
      %dma_wait3A_1523 = arith.constant 16 : i32
      %dma_wait3A_1524 = arith.constant 0 : i32
      %dma_wait3A_1525 = tpu.memref_slice %arg2[%add3A, %dma_wait3A_1523, %dma_wait3A_1524] : memref<20x20x1000xf32, #tpu.memory_space<hbm>> -> memref<1x4x1000xf32, #tpu.memory_space<hbm>>
      %dma_wait3A_1526 = tpu.memref_squeeze %dma_wait3A_1525 : memref<1x4x1000xf32, #tpu.memory_space<hbm>> -> memref<4x1000xf32, #tpu.memory_space<hbm>>
      tpu.wait_dma2 semaphore(%arg9 : memref<!tpu.dma_semaphore, #tpu.memory_space<semaphore_mem>>) src(%dma_wait3A_1526 : memref<4x1000xf32, #tpu.memory_space<hbm>>) dst(%dma_wait3A_1522 : memref<4x1000xf32, #tpu.memory_space<vmem>>)
      %broadcast_in_dim3A_1527 = arith.constant 16 : i32
      %broadcast_in_dim3A_1528 = vector.broadcast %broadcast_in_dim3A_1527 : i32 to vector<16xi32>
      %gather3A_1529 = tpu.vector_load_idx %arg5[%broadcast_in_dim3A_1528, %min3A_66] : memref<20x1000xf32, #tpu.memory_space<vmem>>[vector<16xi32>, vector<16xi32>], vector<16xf32>,
      %add3A_1530 = arith.constant 320 : i32
      %add3A_1531 = vector.broadcast %add3A_1530 : i32 to vector<16xi32>
      %add3A_1532 = arith.addi %iota3A, %add3A_1531 : vector<16xi32>
      tpu.vector_store_idx %arg7[%add3A_1532], %gather3A_1529 : memref<400xf32, #tpu.memory_space<vmem>>[vector<16xi32>], vector<16xf32>,
      %broadcast_in_dim3A_1533 = arith.constant 16 : i32
      %broadcast_in_dim3A_1534 = vector.broadcast %broadcast_in_dim3A_1533 : i32 to vector<16xi32>
      %gather3A_1535 = tpu.vector_load_idx %arg5[%broadcast_in_dim3A_1534, %min3A_72] : memref<20x1000xf32, #tpu.memory_space<vmem>>[vector<16xi32>, vector<16xi32>], vector<16xf32>,
      %add3A_1536 = arith.constant 336 : i32
      %add3A_1537 = vector.broadcast %add3A_1536 : i32 to vector<16xi32>
      %add3A_1538 = arith.addi %iota3A, %add3A_1537 : vector<16xi32>
      %lt3A_1539 = arith.constant 4 : i32
      %lt3A_1540 = vector.broadcast %lt3A_1539 : i32 to vector<16xi32>
      %lt3A_1541 = arith.cmpi slt, %iota3A, %lt3A_1540 : vector<16xi32>
      tpu.vector_store_idx %arg7[%add3A_1538], %gather3A_1535 masked %lt3A_1541 : memref<400xf32, #tpu.memory_space<vmem>>[vector<16xi32>], vector<16xf32>, vector<16xi1>
      %broadcast_in_dim3A_1542 = arith.constant 17 : i32
      %broadcast_in_dim3A_1543 = vector.broadcast %broadcast_in_dim3A_1542 : i32 to vector<16xi32>
      %gather3A_1544 = tpu.vector_load_idx %arg5[%broadcast_in_dim3A_1543, %min3A_66] : memref<20x1000xf32, #tpu.memory_space<vmem>>[vector<16xi32>, vector<16xi32>], vector<16xf32>,
      %add3A_1545 = arith.constant 340 : i32
      %add3A_1546 = vector.broadcast %add3A_1545 : i32 to vector<16xi32>
      %add3A_1547 = arith.addi %iota3A, %add3A_1546 : vector<16xi32>
      tpu.vector_store_idx %arg7[%add3A_1547], %gather3A_1544 : memref<400xf32, #tpu.memory_space<vmem>>[vector<16xi32>], vector<16xf32>,
      %broadcast_in_dim3A_1548 = arith.constant 17 : i32
      %broadcast_in_dim3A_1549 = vector.broadcast %broadcast_in_dim3A_1548 : i32 to vector<16xi32>
      %gather3A_1550 = tpu.vector_load_idx %arg5[%broadcast_in_dim3A_1549, %min3A_72] : memref<20x1000xf32, #tpu.memory_space<vmem>>[vector<16xi32>, vector<16xi32>], vector<16xf32>,
      %add3A_1551 = arith.constant 356 : i32
      %add3A_1552 = vector.broadcast %add3A_1551 : i32 to vector<16xi32>
      %add3A_1553 = arith.addi %iota3A, %add3A_1552 : vector<16xi32>
      %lt3A_1554 = arith.constant 4 : i32
      %lt3A_1555 = vector.broadcast %lt3A_1554 : i32 to vector<16xi32>
      %lt3A_1556 = arith.cmpi slt, %iota3A, %lt3A_1555 : vector<16xi32>
      tpu.vector_store_idx %arg7[%add3A_1553], %gather3A_1550 masked %lt3A_1556 : memref<400xf32, #tpu.memory_space<vmem>>[vector<16xi32>], vector<16xf32>, vector<16xi1>
      %broadcast_in_dim3A_1557 = arith.constant 18 : i32
      %broadcast_in_dim3A_1558 = vector.broadcast %broadcast_in_dim3A_1557 : i32 to vector<16xi32>
      %gather3A_1559 = tpu.vector_load_idx %arg5[%broadcast_in_dim3A_1558, %min3A_66] : memref<20x1000xf32, #tpu.memory_space<vmem>>[vector<16xi32>, vector<16xi32>], vector<16xf32>,
      %add3A_1560 = arith.constant 360 : i32
      %add3A_1561 = vector.broadcast %add3A_1560 : i32 to vector<16xi32>
      %add3A_1562 = arith.addi %iota3A, %add3A_1561 : vector<16xi32>
      tpu.vector_store_idx %arg7[%add3A_1562], %gather3A_1559 : memref<400xf32, #tpu.memory_space<vmem>>[vector<16xi32>], vector<16xf32>,
      %broadcast_in_dim3A_1563 = arith.constant 18 : i32
      %broadcast_in_dim3A_1564 = vector.broadcast %broadcast_in_dim3A_1563 : i32 to vector<16xi32>
      %gather3A_1565 = tpu.vector_load_idx %arg5[%broadcast_in_dim3A_1564, %min3A_72] : memref<20x1000xf32, #tpu.memory_space<vmem>>[vector<16xi32>, vector<16xi32>], vector<16xf32>,
      %add3A_1566 = arith.constant 376 : i32
      %add3A_1567 = vector.broadcast %add3A_1566 : i32 to vector<16xi32>
      %add3A_1568 = arith.addi %iota3A, %add3A_1567 : vector<16xi32>
      %lt3A_1569 = arith.constant 4 : i32
      %lt3A_1570 = vector.broadcast %lt3A_1569 : i32 to vector<16xi32>
      %lt3A_1571 = arith.cmpi slt, %iota3A, %lt3A_1570 : vector<16xi32>
      tpu.vector_store_idx %arg7[%add3A_1568], %gather3A_1565 masked %lt3A_1571 : memref<400xf32, #tpu.memory_space<vmem>>[vector<16xi32>], vector<16xf32>, vector<16xi1>
      %broadcast_in_dim3A_1572 = arith.constant 19 : i32
      %broadcast_in_dim3A_1573 = vector.broadcast %broadcast_in_dim3A_1572 : i32 to vector<16xi32>
      %gather3A_1574 = tpu.vector_load_idx %arg5[%broadcast_in_dim3A_1573, %min3A_66] : memref<20x1000xf32, #tpu.memory_space<vmem>>[vector<16xi32>, vector<16xi32>], vector<16xf32>,
      %add3A_1575 = arith.constant 380 : i32
      %add3A_1576 = vector.broadcast %add3A_1575 : i32 to vector<16xi32>
      %add3A_1577 = arith.addi %iota3A, %add3A_1576 : vector<16xi32>
      tpu.vector_store_idx %arg7[%add3A_1577], %gather3A_1574 : memref<400xf32, #tpu.memory_space<vmem>>[vector<16xi32>], vector<16xf32>,
      %broadcast_in_dim3A_1578 = arith.constant 19 : i32
      %broadcast_in_dim3A_1579 = vector.broadcast %broadcast_in_dim3A_1578 : i32 to vector<16xi32>
      %gather3A_1580 = tpu.vector_load_idx %arg5[%broadcast_in_dim3A_1579, %min3A_72] : memref<20x1000xf32, #tpu.memory_space<vmem>>[vector<16xi32>, vector<16xi32>], vector<16xf32>,
      %add3A_1581 = arith.constant 396 : i32
      %add3A_1582 = vector.broadcast %add3A_1581 : i32 to vector<16xi32>
      %add3A_1583 = arith.addi %iota3A, %add3A_1582 : vector<16xi32>
      %lt3A_1584 = arith.constant 4 : i32
      %lt3A_1585 = vector.broadcast %lt3A_1584 : i32 to vector<16xi32>
      %lt3A_1586 = arith.cmpi slt, %iota3A, %lt3A_1585 : vector<16xi32>
      tpu.vector_store_idx %arg7[%add3A_1583], %gather3A_1580 masked %lt3A_1586 : memref<400xf32, #tpu.memory_space<vmem>>[vector<16xi32>], vector<16xf32>, vector<16xi1>
      %ge3A_1587 = arith.constant 1 : i32
      %ge3A_1588 = vector.broadcast %ge3A_1587 : i32 to vector<16xi32>
      %ge3A_1589 = arith.cmpi sge, %iota3A, %ge3A_1588 : vector<16xi32>
      %le3A_1590 = arith.constant 17 : i32
      %le3A_1591 = vector.broadcast %le3A_1590 : i32 to vector<16xi32>
      %le3A_1592 = arith.cmpi sle, %iota3A, %le3A_1591 : vector<16xi32>
      %and3A_1593 = arith.andi %ge3A_1589, %le3A_1592 : vector<16xi1>
      %add3A_1594 = arith.constant 18 : i32
      %add3A_1595 = vector.broadcast %add3A_1594 : i32 to vector<16xi32>
      %add3A_1596 = arith.addi %sub3A_100, %add3A_1595 : vector<16xi32>
      %max3A_1597 = arith.constant 0 : i32
      %max3A_1598 = vector.broadcast %max3A_1597 : i32 to vector<16xi32>
      %max3A_1599 = arith.maxsi %add3A_1596, %max3A_1598 : vector<16xi32>
      %min3A_1600 = arith.constant 399 : i32
      %min3A_1601 = vector.broadcast %min3A_1600 : i32 to vector<16xi32>
      %min3A_1602 = arith.minsi %max3A_1599, %min3A_1601 : vector<16xi32>
      %gather3A_1603 = tpu.vector_load_idx %arg7[%min3A_1602] : memref<400xf32, #tpu.memory_space<vmem>>[vector<16xi32>], vector<16xf32>,
      %sub3A_1604 = arith.constant 1 : i32
      %sub3A_1605 = vector.broadcast %sub3A_1604 : i32 to vector<16xi32>
      %sub3A_1606 = arith.subi %iota3A, %sub3A_1605 : vector<16xi32>
      %max3A_1607 = arith.constant 0 : i32
      %max3A_1608 = vector.broadcast %max3A_1607 : i32 to vector<16xi32>
      %max3A_1609 = arith.maxsi %sub3A_1606, %max3A_1608 : vector<16xi32>
      %min3A_1610 = arith.constant 15 : i32
      %min3A_1611 = vector.broadcast %min3A_1610 : i32 to vector<16xi32>
      %min3A_1612 = arith.minsi %max3A_1609, %min3A_1611 : vector<16xi32>
      %lt3A_1613 = arith.constant 0 : i32
      %lt3A_1614 = vector.broadcast %lt3A_1613 : i32 to vector<16xi32>
      %lt3A_1615 = arith.cmpi slt, %min3A_1612, %lt3A_1614 : vector<16xi32>
      %add3A_1616 = arith.constant 16 : i32
      %add3A_1617 = vector.broadcast %add3A_1616 : i32 to vector<16xi32>
      %add3A_1618 = arith.addi %min3A_1612, %add3A_1617 : vector<16xi32>
      %select_n3A_1619 = arith.select %lt3A_1615, %add3A_1618, %min3A_1612 : vector<16xi1>, vector<16xi32>
      %broadcast_in_dim3A_1620 = vector.shape_cast %select_n3A_1619 : vector<16xi32> to vector<16x1xi32>
      %gather3A_1621 = vector.shape_cast %broadcast_in_dim3A_1620 : vector<16x1xi32> to vector<16xi32>
      %gather3A_1622 = tpu.dynamic_gather %select_n3A_1415[%gather3A_1621] in [0] : vector<16xf32>, vector<16xi32> -> vector<16xf32>
      %max3A_1623 = arith.maximumf %select_n3A_1415, %gather3A_1622 : vector<16xf32>
      %sub3A_1624 = arith.constant 1 : i32
      %sub3A_1625 = vector.broadcast %sub3A_1624 : i32 to vector<16xi32>
      %sub3A_1626 = arith.subi %iota3A, %sub3A_1625 : vector<16xi32>
      %max3A_1627 = arith.constant 0 : i32
      %max3A_1628 = vector.broadcast %max3A_1627 : i32 to vector<16xi32>
      %max3A_1629 = arith.maxsi %sub3A_1626, %max3A_1628 : vector<16xi32>
      %min3A_1630 = arith.constant 15 : i32
      %min3A_1631 = vector.broadcast %min3A_1630 : i32 to vector<16xi32>
      %min3A_1632 = arith.minsi %max3A_1629, %min3A_1631 : vector<16xi32>
      %lt3A_1633 = arith.constant 0 : i32
      %lt3A_1634 = vector.broadcast %lt3A_1633 : i32 to vector<16xi32>
      %lt3A_1635 = arith.cmpi slt, %min3A_1632, %lt3A_1634 : vector<16xi32>
      %add3A_1636 = arith.constant 16 : i32
      %add3A_1637 = vector.broadcast %add3A_1636 : i32 to vector<16xi32>
      %add3A_1638 = arith.addi %min3A_1632, %add3A_1637 : vector<16xi32>
      %select_n3A_1639 = arith.select %lt3A_1635, %add3A_1638, %min3A_1632 : vector<16xi1>, vector<16xi32>
      %broadcast_in_dim3A_1640 = vector.shape_cast %select_n3A_1639 : vector<16xi32> to vector<16x1xi32>
      %gather3A_1641 = vector.shape_cast %broadcast_in_dim3A_1640 : vector<16x1xi32> to vector<16xi32>
      %gather3A_1642 = tpu.dynamic_gather %select_n3A_1350[%gather3A_1641] in [0] : vector<16xf32>, vector<16xi32> -> vector<16xf32>
      %add3A_1643 = arith.constant 1.000000e+00 : f32
      %add3A_1644 = vector.broadcast %add3A_1643 : f32 to vector<16xf32>
      %add3A_1645 = arith.addf %gather3A_1642, %add3A_1644 : vector<16xf32>
      %sub3A_1646 = arith.subf %add3A_1645, %max3A_1623 : vector<16xf32>
      %mul3A_1647 = arith.mulf %gather3A_1603, %sub3A_1646 : vector<16xf32>
      %add3A_1648 = arith.addf %mul3A_1647, %max3A_1623 : vector<16xf32>
      %jit3A_1649 = arith.constant 0.000000e+00 : f32
      %broadcast_in_dim3A_1650 = vector.broadcast %jit3A_1649 : f32 to vector<16xf32>
      %select_n3A_1651 = arith.select %and3A_1593, %add3A_1648, %broadcast_in_dim3A_1650 : vector<16xi1>, vector<16xf32>
      %add3A_1652 = arith.constant 16 : i32
      %add3A_1653 = vector.broadcast %add3A_1652 : i32 to vector<16xi32>
      %add3A_1654 = arith.addi %iota3A, %add3A_1653 : vector<16xi32>
      %ge3A_1655 = arith.constant 1 : i32
      %ge3A_1656 = vector.broadcast %ge3A_1655 : i32 to vector<16xi32>
      %ge3A_1657 = arith.cmpi sge, %add3A_1654, %ge3A_1656 : vector<16xi32>
      %le3A_1658 = arith.constant 17 : i32
      %le3A_1659 = vector.broadcast %le3A_1658 : i32 to vector<16xi32>
      %le3A_1660 = arith.cmpi sle, %add3A_1654, %le3A_1659 : vector<16xi32>
      %and3A_1661 = arith.andi %ge3A_1657, %le3A_1660 : vector<16xi1>
      %add3A_1662 = arith.constant 18 : i32
      %add3A_1663 = vector.broadcast %add3A_1662 : i32 to vector<16xi32>
      %add3A_1664 = arith.addi %sub3A_109, %add3A_1663 : vector<16xi32>
      %max3A_1665 = arith.constant 0 : i32
      %max3A_1666 = vector.broadcast %max3A_1665 : i32 to vector<16xi32>
      %max3A_1667 = arith.maxsi %add3A_1664, %max3A_1666 : vector<16xi32>
      %min3A_1668 = arith.constant 399 : i32
      %min3A_1669 = vector.broadcast %min3A_1668 : i32 to vector<16xi32>
      %min3A_1670 = arith.minsi %max3A_1667, %min3A_1669 : vector<16xi32>
      %gather3A_1671 = tpu.vector_load_idx %arg7[%min3A_1670] : memref<400xf32, #tpu.memory_space<vmem>>[vector<16xi32>], vector<16xf32>,
      %lt3A_1672 = arith.constant 1 : i32
      %lt3A_1673 = vector.broadcast %lt3A_1672 : i32 to vector<16xi32>
      %lt3A_1674 = arith.cmpi slt, %iota3A, %lt3A_1673 : vector<16xi32>
      %broadcast_in_dim3A_1675 = arith.constant 15 : i32
      %broadcast_in_dim3A_1676 = vector.broadcast %broadcast_in_dim3A_1675 : i32 to vector<16xi32>
      %lt3A_1677 = arith.constant 0 : i32
      %lt3A_1678 = vector.broadcast %lt3A_1677 : i32 to vector<16xi32>
      %lt3A_1679 = arith.cmpi slt, %broadcast_in_dim3A_1676, %lt3A_1678 : vector<16xi32>
      %add3A_1680 = arith.constant 16 : i32
      %add3A_1681 = vector.broadcast %add3A_1680 : i32 to vector<16xi32>
      %add3A_1682 = arith.addi %broadcast_in_dim3A_1676, %add3A_1681 : vector<16xi32>
      %select_n3A_1683 = arith.select %lt3A_1679, %add3A_1682, %broadcast_in_dim3A_1676 : vector<16xi1>, vector<16xi32>
      %broadcast_in_dim3A_1684 = vector.shape_cast %select_n3A_1683 : vector<16xi32> to vector<16x1xi32>
      %gather3A_1685 = vector.shape_cast %broadcast_in_dim3A_1684 : vector<16x1xi32> to vector<16xi32>
      %gather3A_1686 = tpu.dynamic_gather %select_n3A_1350[%gather3A_1685] in [0] : vector<16xf32>, vector<16xi32> -> vector<16xf32>
      %sub3A_1687 = arith.constant 1 : i32
      %sub3A_1688 = vector.broadcast %sub3A_1687 : i32 to vector<16xi32>
      %sub3A_1689 = arith.subi %iota3A, %sub3A_1688 : vector<16xi32>
      %max3A_1690 = arith.constant 0 : i32
      %max3A_1691 = vector.broadcast %max3A_1690 : i32 to vector<16xi32>
      %max3A_1692 = arith.maxsi %sub3A_1689, %max3A_1691 : vector<16xi32>
      %min3A_1693 = arith.constant 15 : i32
      %min3A_1694 = vector.broadcast %min3A_1693 : i32 to vector<16xi32>
      %min3A_1695 = arith.minsi %max3A_1692, %min3A_1694 : vector<16xi32>
      %lt3A_1696 = arith.constant 0 : i32
      %lt3A_1697 = vector.broadcast %lt3A_1696 : i32 to vector<16xi32>
      %lt3A_1698 = arith.cmpi slt, %min3A_1695, %lt3A_1697 : vector<16xi32>
      %add3A_1699 = arith.constant 16 : i32
      %add3A_1700 = vector.broadcast %add3A_1699 : i32 to vector<16xi32>
      %add3A_1701 = arith.addi %min3A_1695, %add3A_1700 : vector<16xi32>
      %select_n3A_1702 = arith.select %lt3A_1698, %add3A_1701, %min3A_1695 : vector<16xi1>, vector<16xi32>
      %broadcast_in_dim3A_1703 = vector.shape_cast %select_n3A_1702 : vector<16xi32> to vector<16x1xi32>
      %gather3A_1704 = vector.shape_cast %broadcast_in_dim3A_1703 : vector<16x1xi32> to vector<16xi32>
      %gather3A_1705 = tpu.dynamic_gather %broadcast_in_dim3A_2[%gather3A_1704] in [0] : vector<16xf32>, vector<16xi32> -> vector<16xf32>
      %select_n3A_1706 = arith.select %lt3A_1674, %gather3A_1686, %gather3A_1705 : vector<16xi1>, vector<16xf32>
      %broadcast_in_dim3A_1707 = arith.constant 15 : i32
      %broadcast_in_dim3A_1708 = vector.broadcast %broadcast_in_dim3A_1707 : i32 to vector<16xi32>
      %lt3A_1709 = arith.constant 0 : i32
      %lt3A_1710 = vector.broadcast %lt3A_1709 : i32 to vector<16xi32>
      %lt3A_1711 = arith.cmpi slt, %broadcast_in_dim3A_1708, %lt3A_1710 : vector<16xi32>
      %add3A_1712 = arith.constant 16 : i32
      %add3A_1713 = vector.broadcast %add3A_1712 : i32 to vector<16xi32>
      %add3A_1714 = arith.addi %broadcast_in_dim3A_1708, %add3A_1713 : vector<16xi32>
      %select_n3A_1715 = arith.select %lt3A_1711, %add3A_1714, %broadcast_in_dim3A_1708 : vector<16xi1>, vector<16xi32>
      %broadcast_in_dim3A_1716 = vector.shape_cast %select_n3A_1715 : vector<16xi32> to vector<16x1xi32>
      %gather3A_1717 = vector.shape_cast %broadcast_in_dim3A_1716 : vector<16x1xi32> to vector<16xi32>
      %gather3A_1718 = tpu.dynamic_gather %select_n3A_1415[%gather3A_1717] in [0] : vector<16xf32>, vector<16xi32> -> vector<16xf32>
      %sub3A_1719 = arith.constant 1 : i32
      %sub3A_1720 = vector.broadcast %sub3A_1719 : i32 to vector<16xi32>
      %sub3A_1721 = arith.subi %iota3A, %sub3A_1720 : vector<16xi32>
      %max3A_1722 = arith.constant 0 : i32
      %max3A_1723 = vector.broadcast %max3A_1722 : i32 to vector<16xi32>
      %max3A_1724 = arith.maxsi %sub3A_1721, %max3A_1723 : vector<16xi32>
      %min3A_1725 = arith.constant 15 : i32
      %min3A_1726 = vector.broadcast %min3A_1725 : i32 to vector<16xi32>
      %min3A_1727 = arith.minsi %max3A_1724, %min3A_1726 : vector<16xi32>
      %lt3A_1728 = arith.constant 0 : i32
      %lt3A_1729 = vector.broadcast %lt3A_1728 : i32 to vector<16xi32>
      %lt3A_1730 = arith.cmpi slt, %min3A_1727, %lt3A_1729 : vector<16xi32>
      %add3A_1731 = arith.constant 16 : i32
      %add3A_1732 = vector.broadcast %add3A_1731 : i32 to vector<16xi32>
      %add3A_1733 = arith.addi %min3A_1727, %add3A_1732 : vector<16xi32>
      %select_n3A_1734 = arith.select %lt3A_1730, %add3A_1733, %min3A_1727 : vector<16xi1>, vector<16xi32>
      %broadcast_in_dim3A_1735 = vector.shape_cast %select_n3A_1734 : vector<16xi32> to vector<16x1xi32>
      %gather3A_1736 = vector.shape_cast %broadcast_in_dim3A_1735 : vector<16x1xi32> to vector<16xi32>
      %gather3A_1737 = tpu.dynamic_gather %select_n3A_1512[%gather3A_1736] in [0] : vector<16xf32>, vector<16xi32> -> vector<16xf32>
      %select_n3A_1738 = arith.select %lt3A_1674, %gather3A_1718, %gather3A_1737 : vector<16xi1>, vector<16xf32>
      %max3A_1739 = arith.maximumf %select_n3A_1512, %select_n3A_1738 : vector<16xf32>
      %add3A_1740 = arith.constant 1.000000e+00 : f32
      %add3A_1741 = vector.broadcast %add3A_1740 : f32 to vector<16xf32>
      %add3A_1742 = arith.addf %select_n3A_1706, %add3A_1741 : vector<16xf32>
      %sub3A_1743 = arith.subf %add3A_1742, %max3A_1739 : vector<16xf32>
      %mul3A_1744 = arith.mulf %gather3A_1671, %sub3A_1743 : vector<16xf32>
      %add3A_1745 = arith.addf %mul3A_1744, %max3A_1739 : vector<16xf32>
      %jit3A_1746 = arith.constant 0.000000e+00 : f32
      %broadcast_in_dim3A_1747 = vector.broadcast %jit3A_1746 : f32 to vector<16xf32>
      %select_n3A_1748 = arith.select %and3A_1661, %add3A_1745, %broadcast_in_dim3A_1747 : vector<16xi1>, vector<16xf32>
      %ge3A_1749 = arith.constant 1 : i32
      %ge3A_1750 = vector.broadcast %ge3A_1749 : i32 to vector<16xi32>
      %ge3A_1751 = arith.cmpi sge, %iota3A, %ge3A_1750 : vector<16xi32>
      %le3A_1752 = arith.constant 18 : i32
      %le3A_1753 = vector.broadcast %le3A_1752 : i32 to vector<16xi32>
      %le3A_1754 = arith.cmpi sle, %iota3A, %le3A_1753 : vector<16xi32>
      %and3A_1755 = arith.andi %ge3A_1751, %le3A_1754 : vector<16xi1>
      %add3A_1756 = arith.constant 19 : i32
      %add3A_1757 = vector.broadcast %add3A_1756 : i32 to vector<16xi32>
      %add3A_1758 = arith.addi %sub3A_100, %add3A_1757 : vector<16xi32>
      %max3A_1759 = arith.constant 0 : i32
      %max3A_1760 = vector.broadcast %max3A_1759 : i32 to vector<16xi32>
      %max3A_1761 = arith.maxsi %add3A_1758, %max3A_1760 : vector<16xi32>
      %min3A_1762 = arith.constant 399 : i32
      %min3A_1763 = vector.broadcast %min3A_1762 : i32 to vector<16xi32>
      %min3A_1764 = arith.minsi %max3A_1761, %min3A_1763 : vector<16xi32>
      %gather3A_1765 = tpu.vector_load_idx %arg7[%min3A_1764] : memref<400xf32, #tpu.memory_space<vmem>>[vector<16xi32>], vector<16xf32>,
      %sub3A_1766 = arith.constant 1 : i32
      %sub3A_1767 = vector.broadcast %sub3A_1766 : i32 to vector<16xi32>
      %sub3A_1768 = arith.subi %iota3A, %sub3A_1767 : vector<16xi32>
      %max3A_1769 = arith.constant 0 : i32
      %max3A_1770 = vector.broadcast %max3A_1769 : i32 to vector<16xi32>
      %max3A_1771 = arith.maxsi %sub3A_1768, %max3A_1770 : vector<16xi32>
      %min3A_1772 = arith.constant 15 : i32
      %min3A_1773 = vector.broadcast %min3A_1772 : i32 to vector<16xi32>
      %min3A_1774 = arith.minsi %max3A_1771, %min3A_1773 : vector<16xi32>
      %lt3A_1775 = arith.constant 0 : i32
      %lt3A_1776 = vector.broadcast %lt3A_1775 : i32 to vector<16xi32>
      %lt3A_1777 = arith.cmpi slt, %min3A_1774, %lt3A_1776 : vector<16xi32>
      %add3A_1778 = arith.constant 16 : i32
      %add3A_1779 = vector.broadcast %add3A_1778 : i32 to vector<16xi32>
      %add3A_1780 = arith.addi %min3A_1774, %add3A_1779 : vector<16xi32>
      %select_n3A_1781 = arith.select %lt3A_1777, %add3A_1780, %min3A_1774 : vector<16xi1>, vector<16xi32>
      %broadcast_in_dim3A_1782 = vector.shape_cast %select_n3A_1781 : vector<16xi32> to vector<16x1xi32>
      %gather3A_1783 = vector.shape_cast %broadcast_in_dim3A_1782 : vector<16x1xi32> to vector<16xi32>
      %gather3A_1784 = tpu.dynamic_gather %select_n3A_1651[%gather3A_1783] in [0] : vector<16xf32>, vector<16xi32> -> vector<16xf32>
      %max3A_1785 = arith.maximumf %select_n3A_1651, %gather3A_1784 : vector<16xf32>
      %sub3A_1786 = arith.constant 1 : i32
      %sub3A_1787 = vector.broadcast %sub3A_1786 : i32 to vector<16xi32>
      %sub3A_1788 = arith.subi %iota3A, %sub3A_1787 : vector<16xi32>
      %max3A_1789 = arith.constant 0 : i32
      %max3A_1790 = vector.broadcast %max3A_1789 : i32 to vector<16xi32>
      %max3A_1791 = arith.maxsi %sub3A_1788, %max3A_1790 : vector<16xi32>
      %min3A_1792 = arith.constant 15 : i32
      %min3A_1793 = vector.broadcast %min3A_1792 : i32 to vector<16xi32>
      %min3A_1794 = arith.minsi %max3A_1791, %min3A_1793 : vector<16xi32>
      %lt3A_1795 = arith.constant 0 : i32
      %lt3A_1796 = vector.broadcast %lt3A_1795 : i32 to vector<16xi32>
      %lt3A_1797 = arith.cmpi slt, %min3A_1794, %lt3A_1796 : vector<16xi32>
      %add3A_1798 = arith.constant 16 : i32
      %add3A_1799 = vector.broadcast %add3A_1798 : i32 to vector<16xi32>
      %add3A_1800 = arith.addi %min3A_1794, %add3A_1799 : vector<16xi32>
      %select_n3A_1801 = arith.select %lt3A_1797, %add3A_1800, %min3A_1794 : vector<16xi1>, vector<16xi32>
      %broadcast_in_dim3A_1802 = vector.shape_cast %select_n3A_1801 : vector<16xi32> to vector<16x1xi32>
      %gather3A_1803 = vector.shape_cast %broadcast_in_dim3A_1802 : vector<16x1xi32> to vector<16xi32>
      %gather3A_1804 = tpu.dynamic_gather %select_n3A_1415[%gather3A_1803] in [0] : vector<16xf32>, vector<16xi32> -> vector<16xf32>
      %add3A_1805 = arith.constant 1.000000e+00 : f32
      %add3A_1806 = vector.broadcast %add3A_1805 : f32 to vector<16xf32>
      %add3A_1807 = arith.addf %gather3A_1804, %add3A_1806 : vector<16xf32>
      %sub3A_1808 = arith.subf %add3A_1807, %max3A_1785 : vector<16xf32>
      %mul3A_1809 = arith.mulf %gather3A_1765, %sub3A_1808 : vector<16xf32>
      %add3A_1810 = arith.addf %mul3A_1809, %max3A_1785 : vector<16xf32>
      %jit3A_1811 = arith.constant 0.000000e+00 : f32
      %broadcast_in_dim3A_1812 = vector.broadcast %jit3A_1811 : f32 to vector<16xf32>
      %select_n3A_1813 = arith.select %and3A_1755, %add3A_1810, %broadcast_in_dim3A_1812 : vector<16xi1>, vector<16xf32>
      %add3A_1814 = arith.constant 16 : i32
      %add3A_1815 = vector.broadcast %add3A_1814 : i32 to vector<16xi32>
      %add3A_1816 = arith.addi %iota3A, %add3A_1815 : vector<16xi32>
      %ge3A_1817 = arith.constant 1 : i32
      %ge3A_1818 = vector.broadcast %ge3A_1817 : i32 to vector<16xi32>
      %ge3A_1819 = arith.cmpi sge, %add3A_1816, %ge3A_1818 : vector<16xi32>
      %le3A_1820 = arith.constant 18 : i32
      %le3A_1821 = vector.broadcast %le3A_1820 : i32 to vector<16xi32>
      %le3A_1822 = arith.cmpi sle, %add3A_1816, %le3A_1821 : vector<16xi32>
      %and3A_1823 = arith.andi %ge3A_1819, %le3A_1822 : vector<16xi1>
      %add3A_1824 = arith.constant 19 : i32
      %add3A_1825 = vector.broadcast %add3A_1824 : i32 to vector<16xi32>
      %add3A_1826 = arith.addi %sub3A_109, %add3A_1825 : vector<16xi32>
      %max3A_1827 = arith.constant 0 : i32
      %max3A_1828 = vector.broadcast %max3A_1827 : i32 to vector<16xi32>
      %max3A_1829 = arith.maxsi %add3A_1826, %max3A_1828 : vector<16xi32>
      %min3A_1830 = arith.constant 399 : i32
      %min3A_1831 = vector.broadcast %min3A_1830 : i32 to vector<16xi32>
      %min3A_1832 = arith.minsi %max3A_1829, %min3A_1831 : vector<16xi32>
      %gather3A_1833 = tpu.vector_load_idx %arg7[%min3A_1832] : memref<400xf32, #tpu.memory_space<vmem>>[vector<16xi32>], vector<16xf32>,
      %lt3A_1834 = arith.constant 1 : i32
      %lt3A_1835 = vector.broadcast %lt3A_1834 : i32 to vector<16xi32>
      %lt3A_1836 = arith.cmpi slt, %iota3A, %lt3A_1835 : vector<16xi32>
      %broadcast_in_dim3A_1837 = arith.constant 15 : i32
      %broadcast_in_dim3A_1838 = vector.broadcast %broadcast_in_dim3A_1837 : i32 to vector<16xi32>
      %lt3A_1839 = arith.constant 0 : i32
      %lt3A_1840 = vector.broadcast %lt3A_1839 : i32 to vector<16xi32>
      %lt3A_1841 = arith.cmpi slt, %broadcast_in_dim3A_1838, %lt3A_1840 : vector<16xi32>
      %add3A_1842 = arith.constant 16 : i32
      %add3A_1843 = vector.broadcast %add3A_1842 : i32 to vector<16xi32>
      %add3A_1844 = arith.addi %broadcast_in_dim3A_1838, %add3A_1843 : vector<16xi32>
      %select_n3A_1845 = arith.select %lt3A_1841, %add3A_1844, %broadcast_in_dim3A_1838 : vector<16xi1>, vector<16xi32>
      %broadcast_in_dim3A_1846 = vector.shape_cast %select_n3A_1845 : vector<16xi32> to vector<16x1xi32>
      %gather3A_1847 = vector.shape_cast %broadcast_in_dim3A_1846 : vector<16x1xi32> to vector<16xi32>
      %gather3A_1848 = tpu.dynamic_gather %select_n3A_1415[%gather3A_1847] in [0] : vector<16xf32>, vector<16xi32> -> vector<16xf32>
      %sub3A_1849 = arith.constant 1 : i32
      %sub3A_1850 = vector.broadcast %sub3A_1849 : i32 to vector<16xi32>
      %sub3A_1851 = arith.subi %iota3A, %sub3A_1850 : vector<16xi32>
      %max3A_1852 = arith.constant 0 : i32
      %max3A_1853 = vector.broadcast %max3A_1852 : i32 to vector<16xi32>
      %max3A_1854 = arith.maxsi %sub3A_1851, %max3A_1853 : vector<16xi32>
      %min3A_1855 = arith.constant 15 : i32
      %min3A_1856 = vector.broadcast %min3A_1855 : i32 to vector<16xi32>
      %min3A_1857 = arith.minsi %max3A_1854, %min3A_1856 : vector<16xi32>
      %lt3A_1858 = arith.constant 0 : i32
      %lt3A_1859 = vector.broadcast %lt3A_1858 : i32 to vector<16xi32>
      %lt3A_1860 = arith.cmpi slt, %min3A_1857, %lt3A_1859 : vector<16xi32>
      %add3A_1861 = arith.constant 16 : i32
      %add3A_1862 = vector.broadcast %add3A_1861 : i32 to vector<16xi32>
      %add3A_1863 = arith.addi %min3A_1857, %add3A_1862 : vector<16xi32>
      %select_n3A_1864 = arith.select %lt3A_1860, %add3A_1863, %min3A_1857 : vector<16xi1>, vector<16xi32>
      %broadcast_in_dim3A_1865 = vector.shape_cast %select_n3A_1864 : vector<16xi32> to vector<16x1xi32>
      %gather3A_1866 = vector.shape_cast %broadcast_in_dim3A_1865 : vector<16x1xi32> to vector<16xi32>
      %gather3A_1867 = tpu.dynamic_gather %select_n3A_1512[%gather3A_1866] in [0] : vector<16xf32>, vector<16xi32> -> vector<16xf32>
      %select_n3A_1868 = arith.select %lt3A_1836, %gather3A_1848, %gather3A_1867 : vector<16xi1>, vector<16xf32>
      %broadcast_in_dim3A_1869 = arith.constant 15 : i32
      %broadcast_in_dim3A_1870 = vector.broadcast %broadcast_in_dim3A_1869 : i32 to vector<16xi32>
      %lt3A_1871 = arith.constant 0 : i32
      %lt3A_1872 = vector.broadcast %lt3A_1871 : i32 to vector<16xi32>
      %lt3A_1873 = arith.cmpi slt, %broadcast_in_dim3A_1870, %lt3A_1872 : vector<16xi32>
      %add3A_1874 = arith.constant 16 : i32
      %add3A_1875 = vector.broadcast %add3A_1874 : i32 to vector<16xi32>
      %add3A_1876 = arith.addi %broadcast_in_dim3A_1870, %add3A_1875 : vector<16xi32>
      %select_n3A_1877 = arith.select %lt3A_1873, %add3A_1876, %broadcast_in_dim3A_1870 : vector<16xi1>, vector<16xi32>
      %broadcast_in_dim3A_1878 = vector.shape_cast %select_n3A_1877 : vector<16xi32> to vector<16x1xi32>
      %gather3A_1879 = vector.shape_cast %broadcast_in_dim3A_1878 : vector<16x1xi32> to vector<16xi32>
      %gather3A_1880 = tpu.dynamic_gather %select_n3A_1651[%gather3A_1879] in [0] : vector<16xf32>, vector<16xi32> -> vector<16xf32>
      %sub3A_1881 = arith.constant 1 : i32
      %sub3A_1882 = vector.broadcast %sub3A_1881 : i32 to vector<16xi32>
      %sub3A_1883 = arith.subi %iota3A, %sub3A_1882 : vector<16xi32>
      %max3A_1884 = arith.constant 0 : i32
      %max3A_1885 = vector.broadcast %max3A_1884 : i32 to vector<16xi32>
      %max3A_1886 = arith.maxsi %sub3A_1883, %max3A_1885 : vector<16xi32>
      %min3A_1887 = arith.constant 15 : i32
      %min3A_1888 = vector.broadcast %min3A_1887 : i32 to vector<16xi32>
      %min3A_1889 = arith.minsi %max3A_1886, %min3A_1888 : vector<16xi32>
      %lt3A_1890 = arith.constant 0 : i32
      %lt3A_1891 = vector.broadcast %lt3A_1890 : i32 to vector<16xi32>
      %lt3A_1892 = arith.cmpi slt, %min3A_1889, %lt3A_1891 : vector<16xi32>
      %add3A_1893 = arith.constant 16 : i32
      %add3A_1894 = vector.broadcast %add3A_1893 : i32 to vector<16xi32>
      %add3A_1895 = arith.addi %min3A_1889, %add3A_1894 : vector<16xi32>
      %select_n3A_1896 = arith.select %lt3A_1892, %add3A_1895, %min3A_1889 : vector<16xi1>, vector<16xi32>
      %broadcast_in_dim3A_1897 = vector.shape_cast %select_n3A_1896 : vector<16xi32> to vector<16x1xi32>
      %gather3A_1898 = vector.shape_cast %broadcast_in_dim3A_1897 : vector<16x1xi32> to vector<16xi32>
      %gather3A_1899 = tpu.dynamic_gather %select_n3A_1748[%gather3A_1898] in [0] : vector<16xf32>, vector<16xi32> -> vector<16xf32>
      %select_n3A_1900 = arith.select %lt3A_1836, %gather3A_1880, %gather3A_1899 : vector<16xi1>, vector<16xf32>
      %max3A_1901 = arith.maximumf %select_n3A_1748, %select_n3A_1900 : vector<16xf32>
      %add3A_1902 = arith.constant 1.000000e+00 : f32
      %add3A_1903 = vector.broadcast %add3A_1902 : f32 to vector<16xf32>
      %add3A_1904 = arith.addf %select_n3A_1868, %add3A_1903 : vector<16xf32>
      %sub3A_1905 = arith.subf %add3A_1904, %max3A_1901 : vector<16xf32>
      %mul3A_1906 = arith.mulf %gather3A_1833, %sub3A_1905 : vector<16xf32>
      %add3A_1907 = arith.addf %mul3A_1906, %max3A_1901 : vector<16xf32>
      %jit3A_1908 = arith.constant 0.000000e+00 : f32
      %broadcast_in_dim3A_1909 = vector.broadcast %jit3A_1908 : f32 to vector<16xf32>
      %select_n3A_1910 = arith.select %and3A_1823, %add3A_1907, %broadcast_in_dim3A_1909 : vector<16xi1>, vector<16xf32>
      %ge3A_1911 = arith.constant 1 : i32
      %ge3A_1912 = vector.broadcast %ge3A_1911 : i32 to vector<16xi32>
      %ge3A_1913 = arith.cmpi sge, %iota3A, %ge3A_1912 : vector<16xi32>
      %le3A_1914 = arith.constant 19 : i32
      %le3A_1915 = vector.broadcast %le3A_1914 : i32 to vector<16xi32>
      %le3A_1916 = arith.cmpi sle, %iota3A, %le3A_1915 : vector<16xi32>
      %and3A_1917 = arith.andi %ge3A_1913, %le3A_1916 : vector<16xi1>
      %add3A_1918 = arith.constant 20 : i32
      %add3A_1919 = vector.broadcast %add3A_1918 : i32 to vector<16xi32>
      %add3A_1920 = arith.addi %sub3A_100, %add3A_1919 : vector<16xi32>
      %max3A_1921 = arith.constant 0 : i32
      %max3A_1922 = vector.broadcast %max3A_1921 : i32 to vector<16xi32>
      %max3A_1923 = arith.maxsi %add3A_1920, %max3A_1922 : vector<16xi32>
      %min3A_1924 = arith.constant 399 : i32
      %min3A_1925 = vector.broadcast %min3A_1924 : i32 to vector<16xi32>
      %min3A_1926 = arith.minsi %max3A_1923, %min3A_1925 : vector<16xi32>
      %gather3A_1927 = tpu.vector_load_idx %arg7[%min3A_1926] : memref<400xf32, #tpu.memory_space<vmem>>[vector<16xi32>], vector<16xf32>,
      %sub3A_1928 = arith.constant 1 : i32
      %sub3A_1929 = vector.broadcast %sub3A_1928 : i32 to vector<16xi32>
      %sub3A_1930 = arith.subi %iota3A, %sub3A_1929 : vector<16xi32>
      %max3A_1931 = arith.constant 0 : i32
      %max3A_1932 = vector.broadcast %max3A_1931 : i32 to vector<16xi32>
      %max3A_1933 = arith.maxsi %sub3A_1930, %max3A_1932 : vector<16xi32>
      %min3A_1934 = arith.constant 15 : i32
      %min3A_1935 = vector.broadcast %min3A_1934 : i32 to vector<16xi32>
      %min3A_1936 = arith.minsi %max3A_1933, %min3A_1935 : vector<16xi32>
      %lt3A_1937 = arith.constant 0 : i32
      %lt3A_1938 = vector.broadcast %lt3A_1937 : i32 to vector<16xi32>
      %lt3A_1939 = arith.cmpi slt, %min3A_1936, %lt3A_1938 : vector<16xi32>
      %add3A_1940 = arith.constant 16 : i32
      %add3A_1941 = vector.broadcast %add3A_1940 : i32 to vector<16xi32>
      %add3A_1942 = arith.addi %min3A_1936, %add3A_1941 : vector<16xi32>
      %select_n3A_1943 = arith.select %lt3A_1939, %add3A_1942, %min3A_1936 : vector<16xi1>, vector<16xi32>
      %broadcast_in_dim3A_1944 = vector.shape_cast %select_n3A_1943 : vector<16xi32> to vector<16x1xi32>
      %gather3A_1945 = vector.shape_cast %broadcast_in_dim3A_1944 : vector<16x1xi32> to vector<16xi32>
      %gather3A_1946 = tpu.dynamic_gather %select_n3A_1813[%gather3A_1945] in [0] : vector<16xf32>, vector<16xi32> -> vector<16xf32>
      %max3A_1947 = arith.maximumf %select_n3A_1813, %gather3A_1946 : vector<16xf32>
      %sub3A_1948 = arith.constant 1 : i32
      %sub3A_1949 = vector.broadcast %sub3A_1948 : i32 to vector<16xi32>
      %sub3A_1950 = arith.subi %iota3A, %sub3A_1949 : vector<16xi32>
      %max3A_1951 = arith.constant 0 : i32
      %max3A_1952 = vector.broadcast %max3A_1951 : i32 to vector<16xi32>
      %max3A_1953 = arith.maxsi %sub3A_1950, %max3A_1952 : vector<16xi32>
      %min3A_1954 = arith.constant 15 : i32
      %min3A_1955 = vector.broadcast %min3A_1954 : i32 to vector<16xi32>
      %min3A_1956 = arith.minsi %max3A_1953, %min3A_1955 : vector<16xi32>
      %lt3A_1957 = arith.constant 0 : i32
      %lt3A_1958 = vector.broadcast %lt3A_1957 : i32 to vector<16xi32>
      %lt3A_1959 = arith.cmpi slt, %min3A_1956, %lt3A_1958 : vector<16xi32>
      %add3A_1960 = arith.constant 16 : i32
      %add3A_1961 = vector.broadcast %add3A_1960 : i32 to vector<16xi32>
      %add3A_1962 = arith.addi %min3A_1956, %add3A_1961 : vector<16xi32>
      %select_n3A_1963 = arith.select %lt3A_1959, %add3A_1962, %min3A_1956 : vector<16xi1>, vector<16xi32>
      %broadcast_in_dim3A_1964 = vector.shape_cast %select_n3A_1963 : vector<16xi32> to vector<16x1xi32>
      %gather3A_1965 = vector.shape_cast %broadcast_in_dim3A_1964 : vector<16x1xi32> to vector<16xi32>
      %gather3A_1966 = tpu.dynamic_gather %select_n3A_1651[%gather3A_1965] in [0] : vector<16xf32>, vector<16xi32> -> vector<16xf32>
      %add3A_1967 = arith.constant 1.000000e+00 : f32
      %add3A_1968 = vector.broadcast %add3A_1967 : f32 to vector<16xf32>
      %add3A_1969 = arith.addf %gather3A_1966, %add3A_1968 : vector<16xf32>
      %sub3A_1970 = arith.subf %add3A_1969, %max3A_1947 : vector<16xf32>
      %mul3A_1971 = arith.mulf %gather3A_1927, %sub3A_1970 : vector<16xf32>
      %add3A_1972 = arith.addf %mul3A_1971, %max3A_1947 : vector<16xf32>
      %jit3A_1973 = arith.constant 0.000000e+00 : f32
      %broadcast_in_dim3A_1974 = vector.broadcast %jit3A_1973 : f32 to vector<16xf32>
      %select_n3A_1975 = arith.select %and3A_1917, %add3A_1972, %broadcast_in_dim3A_1974 : vector<16xi1>, vector<16xf32>
      %add3A_1976 = arith.constant 16 : i32
      %add3A_1977 = vector.broadcast %add3A_1976 : i32 to vector<16xi32>
      %add3A_1978 = arith.addi %iota3A, %add3A_1977 : vector<16xi32>
      %ge3A_1979 = arith.constant 1 : i32
      %ge3A_1980 = vector.broadcast %ge3A_1979 : i32 to vector<16xi32>
      %ge3A_1981 = arith.cmpi sge, %add3A_1978, %ge3A_1980 : vector<16xi32>
      %le3A_1982 = arith.constant 19 : i32
      %le3A_1983 = vector.broadcast %le3A_1982 : i32 to vector<16xi32>
      %le3A_1984 = arith.cmpi sle, %add3A_1978, %le3A_1983 : vector<16xi32>
      %and3A_1985 = arith.andi %ge3A_1981, %le3A_1984 : vector<16xi1>
      %add3A_1986 = arith.constant 20 : i32
      %add3A_1987 = vector.broadcast %add3A_1986 : i32 to vector<16xi32>
      %add3A_1988 = arith.addi %sub3A_109, %add3A_1987 : vector<16xi32>
      %max3A_1989 = arith.constant 0 : i32
      %max3A_1990 = vector.broadcast %max3A_1989 : i32 to vector<16xi32>
      %max3A_1991 = arith.maxsi %add3A_1988, %max3A_1990 : vector<16xi32>
      %min3A_1992 = arith.constant 399 : i32
      %min3A_1993 = vector.broadcast %min3A_1992 : i32 to vector<16xi32>
      %min3A_1994 = arith.minsi %max3A_1991, %min3A_1993 : vector<16xi32>
      %gather3A_1995 = tpu.vector_load_idx %arg7[%min3A_1994] : memref<400xf32, #tpu.memory_space<vmem>>[vector<16xi32>], vector<16xf32>,
      %lt3A_1996 = arith.constant 1 : i32
      %lt3A_1997 = vector.broadcast %lt3A_1996 : i32 to vector<16xi32>
      %lt3A_1998 = arith.cmpi slt, %iota3A, %lt3A_1997 : vector<16xi32>
      %broadcast_in_dim3A_1999 = arith.constant 15 : i32
      %broadcast_in_dim3A_2000 = vector.broadcast %broadcast_in_dim3A_1999 : i32 to vector<16xi32>
      %lt3A_2001 = arith.constant 0 : i32
      %lt3A_2002 = vector.broadcast %lt3A_2001 : i32 to vector<16xi32>
      %lt3A_2003 = arith.cmpi slt, %broadcast_in_dim3A_2000, %lt3A_2002 : vector<16xi32>
      %add3A_2004 = arith.constant 16 : i32
      %add3A_2005 = vector.broadcast %add3A_2004 : i32 to vector<16xi32>
      %add3A_2006 = arith.addi %broadcast_in_dim3A_2000, %add3A_2005 : vector<16xi32>
      %select_n3A_2007 = arith.select %lt3A_2003, %add3A_2006, %broadcast_in_dim3A_2000 : vector<16xi1>, vector<16xi32>
      %broadcast_in_dim3A_2008 = vector.shape_cast %select_n3A_2007 : vector<16xi32> to vector<16x1xi32>
      %gather3A_2009 = vector.shape_cast %broadcast_in_dim3A_2008 : vector<16x1xi32> to vector<16xi32>
      %gather3A_2010 = tpu.dynamic_gather %select_n3A_1651[%gather3A_2009] in [0] : vector<16xf32>, vector<16xi32> -> vector<16xf32>
      %sub3A_2011 = arith.constant 1 : i32
      %sub3A_2012 = vector.broadcast %sub3A_2011 : i32 to vector<16xi32>
      %sub3A_2013 = arith.subi %iota3A, %sub3A_2012 : vector<16xi32>
      %max3A_2014 = arith.constant 0 : i32
      %max3A_2015 = vector.broadcast %max3A_2014 : i32 to vector<16xi32>
      %max3A_2016 = arith.maxsi %sub3A_2013, %max3A_2015 : vector<16xi32>
      %min3A_2017 = arith.constant 15 : i32
      %min3A_2018 = vector.broadcast %min3A_2017 : i32 to vector<16xi32>
      %min3A_2019 = arith.minsi %max3A_2016, %min3A_2018 : vector<16xi32>
      %lt3A_2020 = arith.constant 0 : i32
      %lt3A_2021 = vector.broadcast %lt3A_2020 : i32 to vector<16xi32>
      %lt3A_2022 = arith.cmpi slt, %min3A_2019, %lt3A_2021 : vector<16xi32>
      %add3A_2023 = arith.constant 16 : i32
      %add3A_2024 = vector.broadcast %add3A_2023 : i32 to vector<16xi32>
      %add3A_2025 = arith.addi %min3A_2019, %add3A_2024 : vector<16xi32>
      %select_n3A_2026 = arith.select %lt3A_2022, %add3A_2025, %min3A_2019 : vector<16xi1>, vector<16xi32>
      %broadcast_in_dim3A_2027 = vector.shape_cast %select_n3A_2026 : vector<16xi32> to vector<16x1xi32>
      %gather3A_2028 = vector.shape_cast %broadcast_in_dim3A_2027 : vector<16x1xi32> to vector<16xi32>
      %gather3A_2029 = tpu.dynamic_gather %select_n3A_1748[%gather3A_2028] in [0] : vector<16xf32>, vector<16xi32> -> vector<16xf32>
      %select_n3A_2030 = arith.select %lt3A_1998, %gather3A_2010, %gather3A_2029 : vector<16xi1>, vector<16xf32>
      %broadcast_in_dim3A_2031 = arith.constant 15 : i32
      %broadcast_in_dim3A_2032 = vector.broadcast %broadcast_in_dim3A_2031 : i32 to vector<16xi32>
      %lt3A_2033 = arith.constant 0 : i32
      %lt3A_2034 = vector.broadcast %lt3A_2033 : i32 to vector<16xi32>
      %lt3A_2035 = arith.cmpi slt, %broadcast_in_dim3A_2032, %lt3A_2034 : vector<16xi32>
      %add3A_2036 = arith.constant 16 : i32
      %add3A_2037 = vector.broadcast %add3A_2036 : i32 to vector<16xi32>
      %add3A_2038 = arith.addi %broadcast_in_dim3A_2032, %add3A_2037 : vector<16xi32>
      %select_n3A_2039 = arith.select %lt3A_2035, %add3A_2038, %broadcast_in_dim3A_2032 : vector<16xi1>, vector<16xi32>
      %broadcast_in_dim3A_2040 = vector.shape_cast %select_n3A_2039 : vector<16xi32> to vector<16x1xi32>
      %gather3A_2041 = vector.shape_cast %broadcast_in_dim3A_2040 : vector<16x1xi32> to vector<16xi32>
      %gather3A_2042 = tpu.dynamic_gather %select_n3A_1813[%gather3A_2041] in [0] : vector<16xf32>, vector<16xi32> -> vector<16xf32>
      %sub3A_2043 = arith.constant 1 : i32
      %sub3A_2044 = vector.broadcast %sub3A_2043 : i32 to vector<16xi32>
      %sub3A_2045 = arith.subi %iota3A, %sub3A_2044 : vector<16xi32>
      %max3A_2046 = arith.constant 0 : i32
      %max3A_2047 = vector.broadcast %max3A_2046 : i32 to vector<16xi32>
      %max3A_2048 = arith.maxsi %sub3A_2045, %max3A_2047 : vector<16xi32>
      %min3A_2049 = arith.constant 15 : i32
      %min3A_2050 = vector.broadcast %min3A_2049 : i32 to vector<16xi32>
      %min3A_2051 = arith.minsi %max3A_2048, %min3A_2050 : vector<16xi32>
      %lt3A_2052 = arith.constant 0 : i32
      %lt3A_2053 = vector.broadcast %lt3A_2052 : i32 to vector<16xi32>
      %lt3A_2054 = arith.cmpi slt, %min3A_2051, %lt3A_2053 : vector<16xi32>
      %add3A_2055 = arith.constant 16 : i32
      %add3A_2056 = vector.broadcast %add3A_2055 : i32 to vector<16xi32>
      %add3A_2057 = arith.addi %min3A_2051, %add3A_2056 : vector<16xi32>
      %select_n3A_2058 = arith.select %lt3A_2054, %add3A_2057, %min3A_2051 : vector<16xi1>, vector<16xi32>
      %broadcast_in_dim3A_2059 = vector.shape_cast %select_n3A_2058 : vector<16xi32> to vector<16x1xi32>
      %gather3A_2060 = vector.shape_cast %broadcast_in_dim3A_2059 : vector<16x1xi32> to vector<16xi32>
      %gather3A_2061 = tpu.dynamic_gather %select_n3A_1910[%gather3A_2060] in [0] : vector<16xf32>, vector<16xi32> -> vector<16xf32>
      %select_n3A_2062 = arith.select %lt3A_1998, %gather3A_2042, %gather3A_2061 : vector<16xi1>, vector<16xf32>
      %max3A_2063 = arith.maximumf %select_n3A_1910, %select_n3A_2062 : vector<16xf32>
      %add3A_2064 = arith.constant 1.000000e+00 : f32
      %add3A_2065 = vector.broadcast %add3A_2064 : f32 to vector<16xf32>
      %add3A_2066 = arith.addf %select_n3A_2030, %add3A_2065 : vector<16xf32>
      %sub3A_2067 = arith.subf %add3A_2066, %max3A_2063 : vector<16xf32>
      %mul3A_2068 = arith.mulf %gather3A_1995, %sub3A_2067 : vector<16xf32>
      %add3A_2069 = arith.addf %mul3A_2068, %max3A_2063 : vector<16xf32>
      %jit3A_2070 = arith.constant 0.000000e+00 : f32
      %broadcast_in_dim3A_2071 = vector.broadcast %jit3A_2070 : f32 to vector<16xf32>
      %select_n3A_2072 = arith.select %and3A_1985, %add3A_2069, %broadcast_in_dim3A_2071 : vector<16xi1>, vector<16xf32>
      %ge3A_2073 = arith.constant 1 : i32
      %ge3A_2074 = vector.broadcast %ge3A_2073 : i32 to vector<16xi32>
      %ge3A_2075 = arith.cmpi sge, %iota3A, %ge3A_2074 : vector<16xi32>
      %le3A_2076 = arith.constant 20 : i32
      %le3A_2077 = vector.broadcast %le3A_2076 : i32 to vector<16xi32>
      %le3A_2078 = arith.cmpi sle, %iota3A, %le3A_2077 : vector<16xi32>
      %and3A_2079 = arith.andi %ge3A_2075, %le3A_2078 : vector<16xi1>
      %add3A_2080 = arith.constant 21 : i32
      %add3A_2081 = vector.broadcast %add3A_2080 : i32 to vector<16xi32>
      %add3A_2082 = arith.addi %sub3A_100, %add3A_2081 : vector<16xi32>
      %max3A_2083 = arith.constant 0 : i32
      %max3A_2084 = vector.broadcast %max3A_2083 : i32 to vector<16xi32>
      %max3A_2085 = arith.maxsi %add3A_2082, %max3A_2084 : vector<16xi32>
      %min3A_2086 = arith.constant 399 : i32
      %min3A_2087 = vector.broadcast %min3A_2086 : i32 to vector<16xi32>
      %min3A_2088 = arith.minsi %max3A_2085, %min3A_2087 : vector<16xi32>
      %gather3A_2089 = tpu.vector_load_idx %arg7[%min3A_2088] : memref<400xf32, #tpu.memory_space<vmem>>[vector<16xi32>], vector<16xf32>,
      %sub3A_2090 = arith.constant 1 : i32
      %sub3A_2091 = vector.broadcast %sub3A_2090 : i32 to vector<16xi32>
      %sub3A_2092 = arith.subi %iota3A, %sub3A_2091 : vector<16xi32>
      %max3A_2093 = arith.constant 0 : i32
      %max3A_2094 = vector.broadcast %max3A_2093 : i32 to vector<16xi32>
      %max3A_2095 = arith.maxsi %sub3A_2092, %max3A_2094 : vector<16xi32>
      %min3A_2096 = arith.constant 15 : i32
      %min3A_2097 = vector.broadcast %min3A_2096 : i32 to vector<16xi32>
      %min3A_2098 = arith.minsi %max3A_2095, %min3A_2097 : vector<16xi32>
      %lt3A_2099 = arith.constant 0 : i32
      %lt3A_2100 = vector.broadcast %lt3A_2099 : i32 to vector<16xi32>
      %lt3A_2101 = arith.cmpi slt, %min3A_2098, %lt3A_2100 : vector<16xi32>
      %add3A_2102 = arith.constant 16 : i32
      %add3A_2103 = vector.broadcast %add3A_2102 : i32 to vector<16xi32>
      %add3A_2104 = arith.addi %min3A_2098, %add3A_2103 : vector<16xi32>
      %select_n3A_2105 = arith.select %lt3A_2101, %add3A_2104, %min3A_2098 : vector<16xi1>, vector<16xi32>
      %broadcast_in_dim3A_2106 = vector.shape_cast %select_n3A_2105 : vector<16xi32> to vector<16x1xi32>
      %gather3A_2107 = vector.shape_cast %broadcast_in_dim3A_2106 : vector<16x1xi32> to vector<16xi32>
      %gather3A_2108 = tpu.dynamic_gather %select_n3A_1975[%gather3A_2107] in [0] : vector<16xf32>, vector<16xi32> -> vector<16xf32>
      %max3A_2109 = arith.maximumf %select_n3A_1975, %gather3A_2108 : vector<16xf32>
      %sub3A_2110 = arith.constant 1 : i32
      %sub3A_2111 = vector.broadcast %sub3A_2110 : i32 to vector<16xi32>
      %sub3A_2112 = arith.subi %iota3A, %sub3A_2111 : vector<16xi32>
      %max3A_2113 = arith.constant 0 : i32
      %max3A_2114 = vector.broadcast %max3A_2113 : i32 to vector<16xi32>
      %max3A_2115 = arith.maxsi %sub3A_2112, %max3A_2114 : vector<16xi32>
      %min3A_2116 = arith.constant 15 : i32
      %min3A_2117 = vector.broadcast %min3A_2116 : i32 to vector<16xi32>
      %min3A_2118 = arith.minsi %max3A_2115, %min3A_2117 : vector<16xi32>
      %lt3A_2119 = arith.constant 0 : i32
      %lt3A_2120 = vector.broadcast %lt3A_2119 : i32 to vector<16xi32>
      %lt3A_2121 = arith.cmpi slt, %min3A_2118, %lt3A_2120 : vector<16xi32>
      %add3A_2122 = arith.constant 16 : i32
      %add3A_2123 = vector.broadcast %add3A_2122 : i32 to vector<16xi32>
      %add3A_2124 = arith.addi %min3A_2118, %add3A_2123 : vector<16xi32>
      %select_n3A_2125 = arith.select %lt3A_2121, %add3A_2124, %min3A_2118 : vector<16xi1>, vector<16xi32>
      %broadcast_in_dim3A_2126 = vector.shape_cast %select_n3A_2125 : vector<16xi32> to vector<16x1xi32>
      %gather3A_2127 = vector.shape_cast %broadcast_in_dim3A_2126 : vector<16x1xi32> to vector<16xi32>
      %gather3A_2128 = tpu.dynamic_gather %select_n3A_1813[%gather3A_2127] in [0] : vector<16xf32>, vector<16xi32> -> vector<16xf32>
      %add3A_2129 = arith.constant 1.000000e+00 : f32
      %add3A_2130 = vector.broadcast %add3A_2129 : f32 to vector<16xf32>
      %add3A_2131 = arith.addf %gather3A_2128, %add3A_2130 : vector<16xf32>
      %sub3A_2132 = arith.subf %add3A_2131, %max3A_2109 : vector<16xf32>
      %mul3A_2133 = arith.mulf %gather3A_2089, %sub3A_2132 : vector<16xf32>
      %add3A_2134 = arith.addf %mul3A_2133, %max3A_2109 : vector<16xf32>
      %jit3A_2135 = arith.constant 0.000000e+00 : f32
      %broadcast_in_dim3A_2136 = vector.broadcast %jit3A_2135 : f32 to vector<16xf32>
      %select_n3A_2137 = arith.select %and3A_2079, %add3A_2134, %broadcast_in_dim3A_2136 : vector<16xi1>, vector<16xf32>
      %add3A_2138 = arith.constant 16 : i32
      %add3A_2139 = vector.broadcast %add3A_2138 : i32 to vector<16xi32>
      %add3A_2140 = arith.addi %iota3A, %add3A_2139 : vector<16xi32>
      %ge3A_2141 = arith.constant 1 : i32
      %ge3A_2142 = vector.broadcast %ge3A_2141 : i32 to vector<16xi32>
      %ge3A_2143 = arith.cmpi sge, %add3A_2140, %ge3A_2142 : vector<16xi32>
      %le3A_2144 = arith.constant 20 : i32
      %le3A_2145 = vector.broadcast %le3A_2144 : i32 to vector<16xi32>
      %le3A_2146 = arith.cmpi sle, %add3A_2140, %le3A_2145 : vector<16xi32>
      %and3A_2147 = arith.andi %ge3A_2143, %le3A_2146 : vector<16xi1>
      %add3A_2148 = arith.constant 21 : i32
      %add3A_2149 = vector.broadcast %add3A_2148 : i32 to vector<16xi32>
      %add3A_2150 = arith.addi %sub3A_109, %add3A_2149 : vector<16xi32>
      %max3A_2151 = arith.constant 0 : i32
      %max3A_2152 = vector.broadcast %max3A_2151 : i32 to vector<16xi32>
      %max3A_2153 = arith.maxsi %add3A_2150, %max3A_2152 : vector<16xi32>
      %min3A_2154 = arith.constant 399 : i32
      %min3A_2155 = vector.broadcast %min3A_2154 : i32 to vector<16xi32>
      %min3A_2156 = arith.minsi %max3A_2153, %min3A_2155 : vector<16xi32>
      %gather3A_2157 = tpu.vector_load_idx %arg7[%min3A_2156] : memref<400xf32, #tpu.memory_space<vmem>>[vector<16xi32>], vector<16xf32>,
      %lt3A_2158 = arith.constant 1 : i32
      %lt3A_2159 = vector.broadcast %lt3A_2158 : i32 to vector<16xi32>
      %lt3A_2160 = arith.cmpi slt, %iota3A, %lt3A_2159 : vector<16xi32>
      %broadcast_in_dim3A_2161 = arith.constant 15 : i32
      %broadcast_in_dim3A_2162 = vector.broadcast %broadcast_in_dim3A_2161 : i32 to vector<16xi32>
      %lt3A_2163 = arith.constant 0 : i32
      %lt3A_2164 = vector.broadcast %lt3A_2163 : i32 to vector<16xi32>
      %lt3A_2165 = arith.cmpi slt, %broadcast_in_dim3A_2162, %lt3A_2164 : vector<16xi32>
      %add3A_2166 = arith.constant 16 : i32
      %add3A_2167 = vector.broadcast %add3A_2166 : i32 to vector<16xi32>
      %add3A_2168 = arith.addi %broadcast_in_dim3A_2162, %add3A_2167 : vector<16xi32>
      %select_n3A_2169 = arith.select %lt3A_2165, %add3A_2168, %broadcast_in_dim3A_2162 : vector<16xi1>, vector<16xi32>
      %broadcast_in_dim3A_2170 = vector.shape_cast %select_n3A_2169 : vector<16xi32> to vector<16x1xi32>
      %gather3A_2171 = vector.shape_cast %broadcast_in_dim3A_2170 : vector<16x1xi32> to vector<16xi32>
      %gather3A_2172 = tpu.dynamic_gather %select_n3A_1813[%gather3A_2171] in [0] : vector<16xf32>, vector<16xi32> -> vector<16xf32>
      %sub3A_2173 = arith.constant 1 : i32
      %sub3A_2174 = vector.broadcast %sub3A_2173 : i32 to vector<16xi32>
      %sub3A_2175 = arith.subi %iota3A, %sub3A_2174 : vector<16xi32>
      %max3A_2176 = arith.constant 0 : i32
      %max3A_2177 = vector.broadcast %max3A_2176 : i32 to vector<16xi32>
      %max3A_2178 = arith.maxsi %sub3A_2175, %max3A_2177 : vector<16xi32>
      %min3A_2179 = arith.constant 15 : i32
      %min3A_2180 = vector.broadcast %min3A_2179 : i32 to vector<16xi32>
      %min3A_2181 = arith.minsi %max3A_2178, %min3A_2180 : vector<16xi32>
      %lt3A_2182 = arith.constant 0 : i32
      %lt3A_2183 = vector.broadcast %lt3A_2182 : i32 to vector<16xi32>
      %lt3A_2184 = arith.cmpi slt, %min3A_2181, %lt3A_2183 : vector<16xi32>
      %add3A_2185 = arith.constant 16 : i32
      %add3A_2186 = vector.broadcast %add3A_2185 : i32 to vector<16xi32>
      %add3A_2187 = arith.addi %min3A_2181, %add3A_2186 : vector<16xi32>
      %select_n3A_2188 = arith.select %lt3A_2184, %add3A_2187, %min3A_2181 : vector<16xi1>, vector<16xi32>
      %broadcast_in_dim3A_2189 = vector.shape_cast %select_n3A_2188 : vector<16xi32> to vector<16x1xi32>
      %gather3A_2190 = vector.shape_cast %broadcast_in_dim3A_2189 : vector<16x1xi32> to vector<16xi32>
      %gather3A_2191 = tpu.dynamic_gather %select_n3A_1910[%gather3A_2190] in [0] : vector<16xf32>, vector<16xi32> -> vector<16xf32>
      %select_n3A_2192 = arith.select %lt3A_2160, %gather3A_2172, %gather3A_2191 : vector<16xi1>, vector<16xf32>
      %broadcast_in_dim3A_2193 = arith.constant 15 : i32
      %broadcast_in_dim3A_2194 = vector.broadcast %broadcast_in_dim3A_2193 : i32 to vector<16xi32>
      %lt3A_2195 = arith.constant 0 : i32
      %lt3A_2196 = vector.broadcast %lt3A_2195 : i32 to vector<16xi32>
      %lt3A_2197 = arith.cmpi slt, %broadcast_in_dim3A_2194, %lt3A_2196 : vector<16xi32>
      %add3A_2198 = arith.constant 16 : i32
      %add3A_2199 = vector.broadcast %add3A_2198 : i32 to vector<16xi32>
      %add3A_2200 = arith.addi %broadcast_in_dim3A_2194, %add3A_2199 : vector<16xi32>
      %select_n3A_2201 = arith.select %lt3A_2197, %add3A_2200, %broadcast_in_dim3A_2194 : vector<16xi1>, vector<16xi32>
      %broadcast_in_dim3A_2202 = vector.shape_cast %select_n3A_2201 : vector<16xi32> to vector<16x1xi32>
      %gather3A_2203 = vector.shape_cast %broadcast_in_dim3A_2202 : vector<16x1xi32> to vector<16xi32>
      %gather3A_2204 = tpu.dynamic_gather %select_n3A_1975[%gather3A_2203] in [0] : vector<16xf32>, vector<16xi32> -> vector<16xf32>
      %sub3A_2205 = arith.constant 1 : i32
      %sub3A_2206 = vector.broadcast %sub3A_2205 : i32 to vector<16xi32>
      %sub3A_2207 = arith.subi %iota3A, %sub3A_2206 : vector<16xi32>
      %max3A_2208 = arith.constant 0 : i32
      %max3A_2209 = vector.broadcast %max3A_2208 : i32 to vector<16xi32>
      %max3A_2210 = arith.maxsi %sub3A_2207, %max3A_2209 : vector<16xi32>
      %min3A_2211 = arith.constant 15 : i32
      %min3A_2212 = vector.broadcast %min3A_2211 : i32 to vector<16xi32>
      %min3A_2213 = arith.minsi %max3A_2210, %min3A_2212 : vector<16xi32>
      %lt3A_2214 = arith.constant 0 : i32
      %lt3A_2215 = vector.broadcast %lt3A_2214 : i32 to vector<16xi32>
      %lt3A_2216 = arith.cmpi slt, %min3A_2213, %lt3A_2215 : vector<16xi32>
      %add3A_2217 = arith.constant 16 : i32
      %add3A_2218 = vector.broadcast %add3A_2217 : i32 to vector<16xi32>
      %add3A_2219 = arith.addi %min3A_2213, %add3A_2218 : vector<16xi32>
      %select_n3A_2220 = arith.select %lt3A_2216, %add3A_2219, %min3A_2213 : vector<16xi1>, vector<16xi32>
      %broadcast_in_dim3A_2221 = vector.shape_cast %select_n3A_2220 : vector<16xi32> to vector<16x1xi32>
      %gather3A_2222 = vector.shape_cast %broadcast_in_dim3A_2221 : vector<16x1xi32> to vector<16xi32>
      %gather3A_2223 = tpu.dynamic_gather %select_n3A_2072[%gather3A_2222] in [0] : vector<16xf32>, vector<16xi32> -> vector<16xf32>
      %select_n3A_2224 = arith.select %lt3A_2160, %gather3A_2204, %gather3A_2223 : vector<16xi1>, vector<16xf32>
      %max3A_2225 = arith.maximumf %select_n3A_2072, %select_n3A_2224 : vector<16xf32>
      %add3A_2226 = arith.constant 1.000000e+00 : f32
      %add3A_2227 = vector.broadcast %add3A_2226 : f32 to vector<16xf32>
      %add3A_2228 = arith.addf %select_n3A_2192, %add3A_2227 : vector<16xf32>
      %sub3A_2229 = arith.subf %add3A_2228, %max3A_2225 : vector<16xf32>
      %mul3A_2230 = arith.mulf %gather3A_2157, %sub3A_2229 : vector<16xf32>
      %add3A_2231 = arith.addf %mul3A_2230, %max3A_2225 : vector<16xf32>
      %jit3A_2232 = arith.constant 0.000000e+00 : f32
      %broadcast_in_dim3A_2233 = vector.broadcast %jit3A_2232 : f32 to vector<16xf32>
      %select_n3A_2234 = arith.select %and3A_2147, %add3A_2231, %broadcast_in_dim3A_2233 : vector<16xi1>, vector<16xf32>
      %ge3A_2235 = arith.constant 2 : i32
      %ge3A_2236 = vector.broadcast %ge3A_2235 : i32 to vector<16xi32>
      %ge3A_2237 = arith.cmpi sge, %iota3A, %ge3A_2236 : vector<16xi32>
      %le3A_2238 = arith.constant 20 : i32
      %le3A_2239 = vector.broadcast %le3A_2238 : i32 to vector<16xi32>
      %le3A_2240 = arith.cmpi sle, %iota3A, %le3A_2239 : vector<16xi32>
      %and3A_2241 = arith.andi %ge3A_2237, %le3A_2240 : vector<16xi1>
      %add3A_2242 = arith.constant 22 : i32
      %add3A_2243 = vector.broadcast %add3A_2242 : i32 to vector<16xi32>
      %add3A_2244 = arith.addi %sub3A_100, %add3A_2243 : vector<16xi32>
      %max3A_2245 = arith.constant 0 : i32
      %max3A_2246 = vector.broadcast %max3A_2245 : i32 to vector<16xi32>
      %max3A_2247 = arith.maxsi %add3A_2244, %max3A_2246 : vector<16xi32>
      %min3A_2248 = arith.constant 399 : i32
      %min3A_2249 = vector.broadcast %min3A_2248 : i32 to vector<16xi32>
      %min3A_2250 = arith.minsi %max3A_2247, %min3A_2249 : vector<16xi32>
      %gather3A_2251 = tpu.vector_load_idx %arg7[%min3A_2250] : memref<400xf32, #tpu.memory_space<vmem>>[vector<16xi32>], vector<16xf32>,
      %sub3A_2252 = arith.constant 1 : i32
      %sub3A_2253 = vector.broadcast %sub3A_2252 : i32 to vector<16xi32>
      %sub3A_2254 = arith.subi %iota3A, %sub3A_2253 : vector<16xi32>
      %max3A_2255 = arith.constant 0 : i32
      %max3A_2256 = vector.broadcast %max3A_2255 : i32 to vector<16xi32>
      %max3A_2257 = arith.maxsi %sub3A_2254, %max3A_2256 : vector<16xi32>
      %min3A_2258 = arith.constant 15 : i32
      %min3A_2259 = vector.broadcast %min3A_2258 : i32 to vector<16xi32>
      %min3A_2260 = arith.minsi %max3A_2257, %min3A_2259 : vector<16xi32>
      %lt3A_2261 = arith.constant 0 : i32
      %lt3A_2262 = vector.broadcast %lt3A_2261 : i32 to vector<16xi32>
      %lt3A_2263 = arith.cmpi slt, %min3A_2260, %lt3A_2262 : vector<16xi32>
      %add3A_2264 = arith.constant 16 : i32
      %add3A_2265 = vector.broadcast %add3A_2264 : i32 to vector<16xi32>
      %add3A_2266 = arith.addi %min3A_2260, %add3A_2265 : vector<16xi32>
      %select_n3A_2267 = arith.select %lt3A_2263, %add3A_2266, %min3A_2260 : vector<16xi1>, vector<16xi32>
      %broadcast_in_dim3A_2268 = vector.shape_cast %select_n3A_2267 : vector<16xi32> to vector<16x1xi32>
      %gather3A_2269 = vector.shape_cast %broadcast_in_dim3A_2268 : vector<16x1xi32> to vector<16xi32>
      %gather3A_2270 = tpu.dynamic_gather %select_n3A_2137[%gather3A_2269] in [0] : vector<16xf32>, vector<16xi32> -> vector<16xf32>
      %max3A_2271 = arith.maximumf %select_n3A_2137, %gather3A_2270 : vector<16xf32>
      %sub3A_2272 = arith.constant 1 : i32
      %sub3A_2273 = vector.broadcast %sub3A_2272 : i32 to vector<16xi32>
      %sub3A_2274 = arith.subi %iota3A, %sub3A_2273 : vector<16xi32>
      %max3A_2275 = arith.constant 0 : i32
      %max3A_2276 = vector.broadcast %max3A_2275 : i32 to vector<16xi32>
      %max3A_2277 = arith.maxsi %sub3A_2274, %max3A_2276 : vector<16xi32>
      %min3A_2278 = arith.constant 15 : i32
      %min3A_2279 = vector.broadcast %min3A_2278 : i32 to vector<16xi32>
      %min3A_2280 = arith.minsi %max3A_2277, %min3A_2279 : vector<16xi32>
      %lt3A_2281 = arith.constant 0 : i32
      %lt3A_2282 = vector.broadcast %lt3A_2281 : i32 to vector<16xi32>
      %lt3A_2283 = arith.cmpi slt, %min3A_2280, %lt3A_2282 : vector<16xi32>
      %add3A_2284 = arith.constant 16 : i32
      %add3A_2285 = vector.broadcast %add3A_2284 : i32 to vector<16xi32>
      %add3A_2286 = arith.addi %min3A_2280, %add3A_2285 : vector<16xi32>
      %select_n3A_2287 = arith.select %lt3A_2283, %add3A_2286, %min3A_2280 : vector<16xi1>, vector<16xi32>
      %broadcast_in_dim3A_2288 = vector.shape_cast %select_n3A_2287 : vector<16xi32> to vector<16x1xi32>
      %gather3A_2289 = vector.shape_cast %broadcast_in_dim3A_2288 : vector<16x1xi32> to vector<16xi32>
      %gather3A_2290 = tpu.dynamic_gather %select_n3A_1975[%gather3A_2289] in [0] : vector<16xf32>, vector<16xi32> -> vector<16xf32>
      %add3A_2291 = arith.constant 1.000000e+00 : f32
      %add3A_2292 = vector.broadcast %add3A_2291 : f32 to vector<16xf32>
      %add3A_2293 = arith.addf %gather3A_2290, %add3A_2292 : vector<16xf32>
      %sub3A_2294 = arith.subf %add3A_2293, %max3A_2271 : vector<16xf32>
      %mul3A_2295 = arith.mulf %gather3A_2251, %sub3A_2294 : vector<16xf32>
      %add3A_2296 = arith.addf %mul3A_2295, %max3A_2271 : vector<16xf32>
      %jit3A_2297 = arith.constant 0.000000e+00 : f32
      %broadcast_in_dim3A_2298 = vector.broadcast %jit3A_2297 : f32 to vector<16xf32>
      %select_n3A_2299 = arith.select %and3A_2241, %add3A_2296, %broadcast_in_dim3A_2298 : vector<16xi1>, vector<16xf32>
      %add3A_2300 = arith.constant 16 : i32
      %add3A_2301 = vector.broadcast %add3A_2300 : i32 to vector<16xi32>
      %add3A_2302 = arith.addi %iota3A, %add3A_2301 : vector<16xi32>
      %ge3A_2303 = arith.constant 2 : i32
      %ge3A_2304 = vector.broadcast %ge3A_2303 : i32 to vector<16xi32>
      %ge3A_2305 = arith.cmpi sge, %add3A_2302, %ge3A_2304 : vector<16xi32>
      %le3A_2306 = arith.constant 20 : i32
      %le3A_2307 = vector.broadcast %le3A_2306 : i32 to vector<16xi32>
      %le3A_2308 = arith.cmpi sle, %add3A_2302, %le3A_2307 : vector<16xi32>
      %and3A_2309 = arith.andi %ge3A_2305, %le3A_2308 : vector<16xi1>
      %add3A_2310 = arith.constant 22 : i32
      %add3A_2311 = vector.broadcast %add3A_2310 : i32 to vector<16xi32>
      %add3A_2312 = arith.addi %sub3A_109, %add3A_2311 : vector<16xi32>
      %max3A_2313 = arith.constant 0 : i32
      %max3A_2314 = vector.broadcast %max3A_2313 : i32 to vector<16xi32>
      %max3A_2315 = arith.maxsi %add3A_2312, %max3A_2314 : vector<16xi32>
      %min3A_2316 = arith.constant 399 : i32
      %min3A_2317 = vector.broadcast %min3A_2316 : i32 to vector<16xi32>
      %min3A_2318 = arith.minsi %max3A_2315, %min3A_2317 : vector<16xi32>
      %gather3A_2319 = tpu.vector_load_idx %arg7[%min3A_2318] : memref<400xf32, #tpu.memory_space<vmem>>[vector<16xi32>], vector<16xf32>,
      %lt3A_2320 = arith.constant 1 : i32
      %lt3A_2321 = vector.broadcast %lt3A_2320 : i32 to vector<16xi32>
      %lt3A_2322 = arith.cmpi slt, %iota3A, %lt3A_2321 : vector<16xi32>
      %broadcast_in_dim3A_2323 = arith.constant 15 : i32
      %broadcast_in_dim3A_2324 = vector.broadcast %broadcast_in_dim3A_2323 : i32 to vector<16xi32>
      %lt3A_2325 = arith.constant 0 : i32
      %lt3A_2326 = vector.broadcast %lt3A_2325 : i32 to vector<16xi32>
      %lt3A_2327 = arith.cmpi slt, %broadcast_in_dim3A_2324, %lt3A_2326 : vector<16xi32>
      %add3A_2328 = arith.constant 16 : i32
      %add3A_2329 = vector.broadcast %add3A_2328 : i32 to vector<16xi32>
      %add3A_2330 = arith.addi %broadcast_in_dim3A_2324, %add3A_2329 : vector<16xi32>
      %select_n3A_2331 = arith.select %lt3A_2327, %add3A_2330, %broadcast_in_dim3A_2324 : vector<16xi1>, vector<16xi32>
      %broadcast_in_dim3A_2332 = vector.shape_cast %select_n3A_2331 : vector<16xi32> to vector<16x1xi32>
      %gather3A_2333 = vector.shape_cast %broadcast_in_dim3A_2332 : vector<16x1xi32> to vector<16xi32>
      %gather3A_2334 = tpu.dynamic_gather %select_n3A_1975[%gather3A_2333] in [0] : vector<16xf32>, vector<16xi32> -> vector<16xf32>
      %sub3A_2335 = arith.constant 1 : i32
      %sub3A_2336 = vector.broadcast %sub3A_2335 : i32 to vector<16xi32>
      %sub3A_2337 = arith.subi %iota3A, %sub3A_2336 : vector<16xi32>
      %max3A_2338 = arith.constant 0 : i32
      %max3A_2339 = vector.broadcast %max3A_2338 : i32 to vector<16xi32>
      %max3A_2340 = arith.maxsi %sub3A_2337, %max3A_2339 : vector<16xi32>
      %min3A_2341 = arith.constant 15 : i32
      %min3A_2342 = vector.broadcast %min3A_2341 : i32 to vector<16xi32>
      %min3A_2343 = arith.minsi %max3A_2340, %min3A_2342 : vector<16xi32>
      %lt3A_2344 = arith.constant 0 : i32
      %lt3A_2345 = vector.broadcast %lt3A_2344 : i32 to vector<16xi32>
      %lt3A_2346 = arith.cmpi slt, %min3A_2343, %lt3A_2345 : vector<16xi32>
      %add3A_2347 = arith.constant 16 : i32
      %add3A_2348 = vector.broadcast %add3A_2347 : i32 to vector<16xi32>
      %add3A_2349 = arith.addi %min3A_2343, %add3A_2348 : vector<16xi32>
      %select_n3A_2350 = arith.select %lt3A_2346, %add3A_2349, %min3A_2343 : vector<16xi1>, vector<16xi32>
      %broadcast_in_dim3A_2351 = vector.shape_cast %select_n3A_2350 : vector<16xi32> to vector<16x1xi32>
      %gather3A_2352 = vector.shape_cast %broadcast_in_dim3A_2351 : vector<16x1xi32> to vector<16xi32>
      %gather3A_2353 = tpu.dynamic_gather %select_n3A_2072[%gather3A_2352] in [0] : vector<16xf32>, vector<16xi32> -> vector<16xf32>
      %select_n3A_2354 = arith.select %lt3A_2322, %gather3A_2334, %gather3A_2353 : vector<16xi1>, vector<16xf32>
      %broadcast_in_dim3A_2355 = arith.constant 15 : i32
      %broadcast_in_dim3A_2356 = vector.broadcast %broadcast_in_dim3A_2355 : i32 to vector<16xi32>
      %lt3A_2357 = arith.constant 0 : i32
      %lt3A_2358 = vector.broadcast %lt3A_2357 : i32 to vector<16xi32>
      %lt3A_2359 = arith.cmpi slt, %broadcast_in_dim3A_2356, %lt3A_2358 : vector<16xi32>
      %add3A_2360 = arith.constant 16 : i32
      %add3A_2361 = vector.broadcast %add3A_2360 : i32 to vector<16xi32>
      %add3A_2362 = arith.addi %broadcast_in_dim3A_2356, %add3A_2361 : vector<16xi32>
      %select_n3A_2363 = arith.select %lt3A_2359, %add3A_2362, %broadcast_in_dim3A_2356 : vector<16xi1>, vector<16xi32>
      %broadcast_in_dim3A_2364 = vector.shape_cast %select_n3A_2363 : vector<16xi32> to vector<16x1xi32>
      %gather3A_2365 = vector.shape_cast %broadcast_in_dim3A_2364 : vector<16x1xi32> to vector<16xi32>
      %gather3A_2366 = tpu.dynamic_gather %select_n3A_2137[%gather3A_2365] in [0] : vector<16xf32>, vector<16xi32> -> vector<16xf32>
      %sub3A_2367 = arith.constant 1 : i32
      %sub3A_2368 = vector.broadcast %sub3A_2367 : i32 to vector<16xi32>
      %sub3A_2369 = arith.subi %iota3A, %sub3A_2368 : vector<16xi32>
      %max3A_2370 = arith.constant 0 : i32
      %max3A_2371 = vector.broadcast %max3A_2370 : i32 to vector<16xi32>
      %max3A_2372 = arith.maxsi %sub3A_2369, %max3A_2371 : vector<16xi32>
      %min3A_2373 = arith.constant 15 : i32
      %min3A_2374 = vector.broadcast %min3A_2373 : i32 to vector<16xi32>
      %min3A_2375 = arith.minsi %max3A_2372, %min3A_2374 : vector<16xi32>
      %lt3A_2376 = arith.constant 0 : i32
      %lt3A_2377 = vector.broadcast %lt3A_2376 : i32 to vector<16xi32>
      %lt3A_2378 = arith.cmpi slt, %min3A_2375, %lt3A_2377 : vector<16xi32>
      %add3A_2379 = arith.constant 16 : i32
      %add3A_2380 = vector.broadcast %add3A_2379 : i32 to vector<16xi32>
      %add3A_2381 = arith.addi %min3A_2375, %add3A_2380 : vector<16xi32>
      %select_n3A_2382 = arith.select %lt3A_2378, %add3A_2381, %min3A_2375 : vector<16xi1>, vector<16xi32>
      %broadcast_in_dim3A_2383 = vector.shape_cast %select_n3A_2382 : vector<16xi32> to vector<16x1xi32>
      %gather3A_2384 = vector.shape_cast %broadcast_in_dim3A_2383 : vector<16x1xi32> to vector<16xi32>
      %gather3A_2385 = tpu.dynamic_gather %select_n3A_2234[%gather3A_2384] in [0] : vector<16xf32>, vector<16xi32> -> vector<16xf32>
      %select_n3A_2386 = arith.select %lt3A_2322, %gather3A_2366, %gather3A_2385 : vector<16xi1>, vector<16xf32>
      %max3A_2387 = arith.maximumf %select_n3A_2234, %select_n3A_2386 : vector<16xf32>
      %add3A_2388 = arith.constant 1.000000e+00 : f32
      %add3A_2389 = vector.broadcast %add3A_2388 : f32 to vector<16xf32>
      %add3A_2390 = arith.addf %select_n3A_2354, %add3A_2389 : vector<16xf32>
      %sub3A_2391 = arith.subf %add3A_2390, %max3A_2387 : vector<16xf32>
      %mul3A_2392 = arith.mulf %gather3A_2319, %sub3A_2391 : vector<16xf32>
      %add3A_2393 = arith.addf %mul3A_2392, %max3A_2387 : vector<16xf32>
      %jit3A_2394 = arith.constant 0.000000e+00 : f32
      %broadcast_in_dim3A_2395 = vector.broadcast %jit3A_2394 : f32 to vector<16xf32>
      %select_n3A_2396 = arith.select %and3A_2309, %add3A_2393, %broadcast_in_dim3A_2395 : vector<16xi1>, vector<16xf32>
      %ge3A_2397 = arith.constant 3 : i32
      %ge3A_2398 = vector.broadcast %ge3A_2397 : i32 to vector<16xi32>
      %ge3A_2399 = arith.cmpi sge, %iota3A, %ge3A_2398 : vector<16xi32>
      %le3A_2400 = arith.constant 20 : i32
      %le3A_2401 = vector.broadcast %le3A_2400 : i32 to vector<16xi32>
      %le3A_2402 = arith.cmpi sle, %iota3A, %le3A_2401 : vector<16xi32>
      %and3A_2403 = arith.andi %ge3A_2399, %le3A_2402 : vector<16xi1>
      %add3A_2404 = arith.constant 23 : i32
      %add3A_2405 = vector.broadcast %add3A_2404 : i32 to vector<16xi32>
      %add3A_2406 = arith.addi %sub3A_100, %add3A_2405 : vector<16xi32>
      %max3A_2407 = arith.constant 0 : i32
      %max3A_2408 = vector.broadcast %max3A_2407 : i32 to vector<16xi32>
      %max3A_2409 = arith.maxsi %add3A_2406, %max3A_2408 : vector<16xi32>
      %min3A_2410 = arith.constant 399 : i32
      %min3A_2411 = vector.broadcast %min3A_2410 : i32 to vector<16xi32>
      %min3A_2412 = arith.minsi %max3A_2409, %min3A_2411 : vector<16xi32>
      %gather3A_2413 = tpu.vector_load_idx %arg7[%min3A_2412] : memref<400xf32, #tpu.memory_space<vmem>>[vector<16xi32>], vector<16xf32>,
      %sub3A_2414 = arith.constant 1 : i32
      %sub3A_2415 = vector.broadcast %sub3A_2414 : i32 to vector<16xi32>
      %sub3A_2416 = arith.subi %iota3A, %sub3A_2415 : vector<16xi32>
      %max3A_2417 = arith.constant 0 : i32
      %max3A_2418 = vector.broadcast %max3A_2417 : i32 to vector<16xi32>
      %max3A_2419 = arith.maxsi %sub3A_2416, %max3A_2418 : vector<16xi32>
      %min3A_2420 = arith.constant 15 : i32
      %min3A_2421 = vector.broadcast %min3A_2420 : i32 to vector<16xi32>
      %min3A_2422 = arith.minsi %max3A_2419, %min3A_2421 : vector<16xi32>
      %lt3A_2423 = arith.constant 0 : i32
      %lt3A_2424 = vector.broadcast %lt3A_2423 : i32 to vector<16xi32>
      %lt3A_2425 = arith.cmpi slt, %min3A_2422, %lt3A_2424 : vector<16xi32>
      %add3A_2426 = arith.constant 16 : i32
      %add3A_2427 = vector.broadcast %add3A_2426 : i32 to vector<16xi32>
      %add3A_2428 = arith.addi %min3A_2422, %add3A_2427 : vector<16xi32>
      %select_n3A_2429 = arith.select %lt3A_2425, %add3A_2428, %min3A_2422 : vector<16xi1>, vector<16xi32>
      %broadcast_in_dim3A_2430 = vector.shape_cast %select_n3A_2429 : vector<16xi32> to vector<16x1xi32>
      %gather3A_2431 = vector.shape_cast %broadcast_in_dim3A_2430 : vector<16x1xi32> to vector<16xi32>
      %gather3A_2432 = tpu.dynamic_gather %select_n3A_2299[%gather3A_2431] in [0] : vector<16xf32>, vector<16xi32> -> vector<16xf32>
      %max3A_2433 = arith.maximumf %select_n3A_2299, %gather3A_2432 : vector<16xf32>
      %sub3A_2434 = arith.constant 1 : i32
      %sub3A_2435 = vector.broadcast %sub3A_2434 : i32 to vector<16xi32>
      %sub3A_2436 = arith.subi %iota3A, %sub3A_2435 : vector<16xi32>
      %max3A_2437 = arith.constant 0 : i32
      %max3A_2438 = vector.broadcast %max3A_2437 : i32 to vector<16xi32>
      %max3A_2439 = arith.maxsi %sub3A_2436, %max3A_2438 : vector<16xi32>
      %min3A_2440 = arith.constant 15 : i32
      %min3A_2441 = vector.broadcast %min3A_2440 : i32 to vector<16xi32>
      %min3A_2442 = arith.minsi %max3A_2439, %min3A_2441 : vector<16xi32>
      %lt3A_2443 = arith.constant 0 : i32
      %lt3A_2444 = vector.broadcast %lt3A_2443 : i32 to vector<16xi32>
      %lt3A_2445 = arith.cmpi slt, %min3A_2442, %lt3A_2444 : vector<16xi32>
      %add3A_2446 = arith.constant 16 : i32
      %add3A_2447 = vector.broadcast %add3A_2446 : i32 to vector<16xi32>
      %add3A_2448 = arith.addi %min3A_2442, %add3A_2447 : vector<16xi32>
      %select_n3A_2449 = arith.select %lt3A_2445, %add3A_2448, %min3A_2442 : vector<16xi1>, vector<16xi32>
      %broadcast_in_dim3A_2450 = vector.shape_cast %select_n3A_2449 : vector<16xi32> to vector<16x1xi32>
      %gather3A_2451 = vector.shape_cast %broadcast_in_dim3A_2450 : vector<16x1xi32> to vector<16xi32>
      %gather3A_2452 = tpu.dynamic_gather %select_n3A_2137[%gather3A_2451] in [0] : vector<16xf32>, vector<16xi32> -> vector<16xf32>
      %add3A_2453 = arith.constant 1.000000e+00 : f32
      %add3A_2454 = vector.broadcast %add3A_2453 : f32 to vector<16xf32>
      %add3A_2455 = arith.addf %gather3A_2452, %add3A_2454 : vector<16xf32>
      %sub3A_2456 = arith.subf %add3A_2455, %max3A_2433 : vector<16xf32>
      %mul3A_2457 = arith.mulf %gather3A_2413, %sub3A_2456 : vector<16xf32>
      %add3A_2458 = arith.addf %mul3A_2457, %max3A_2433 : vector<16xf32>
      %jit3A_2459 = arith.constant 0.000000e+00 : f32
      %broadcast_in_dim3A_2460 = vector.broadcast %jit3A_2459 : f32 to vector<16xf32>
      %select_n3A_2461 = arith.select %and3A_2403, %add3A_2458, %broadcast_in_dim3A_2460 : vector<16xi1>, vector<16xf32>
      %add3A_2462 = arith.constant 16 : i32
      %add3A_2463 = vector.broadcast %add3A_2462 : i32 to vector<16xi32>
      %add3A_2464 = arith.addi %iota3A, %add3A_2463 : vector<16xi32>
      %ge3A_2465 = arith.constant 3 : i32
      %ge3A_2466 = vector.broadcast %ge3A_2465 : i32 to vector<16xi32>
      %ge3A_2467 = arith.cmpi sge, %add3A_2464, %ge3A_2466 : vector<16xi32>
      %le3A_2468 = arith.constant 20 : i32
      %le3A_2469 = vector.broadcast %le3A_2468 : i32 to vector<16xi32>
      %le3A_2470 = arith.cmpi sle, %add3A_2464, %le3A_2469 : vector<16xi32>
      %and3A_2471 = arith.andi %ge3A_2467, %le3A_2470 : vector<16xi1>
      %add3A_2472 = arith.constant 23 : i32
      %add3A_2473 = vector.broadcast %add3A_2472 : i32 to vector<16xi32>
      %add3A_2474 = arith.addi %sub3A_109, %add3A_2473 : vector<16xi32>
      %max3A_2475 = arith.constant 0 : i32
      %max3A_2476 = vector.broadcast %max3A_2475 : i32 to vector<16xi32>
      %max3A_2477 = arith.maxsi %add3A_2474, %max3A_2476 : vector<16xi32>
      %min3A_2478 = arith.constant 399 : i32
      %min3A_2479 = vector.broadcast %min3A_2478 : i32 to vector<16xi32>
      %min3A_2480 = arith.minsi %max3A_2477, %min3A_2479 : vector<16xi32>
      %gather3A_2481 = tpu.vector_load_idx %arg7[%min3A_2480] : memref<400xf32, #tpu.memory_space<vmem>>[vector<16xi32>], vector<16xf32>,
      %lt3A_2482 = arith.constant 1 : i32
      %lt3A_2483 = vector.broadcast %lt3A_2482 : i32 to vector<16xi32>
      %lt3A_2484 = arith.cmpi slt, %iota3A, %lt3A_2483 : vector<16xi32>
      %broadcast_in_dim3A_2485 = arith.constant 15 : i32
      %broadcast_in_dim3A_2486 = vector.broadcast %broadcast_in_dim3A_2485 : i32 to vector<16xi32>
      %lt3A_2487 = arith.constant 0 : i32
      %lt3A_2488 = vector.broadcast %lt3A_2487 : i32 to vector<16xi32>
      %lt3A_2489 = arith.cmpi slt, %broadcast_in_dim3A_2486, %lt3A_2488 : vector<16xi32>
      %add3A_2490 = arith.constant 16 : i32
      %add3A_2491 = vector.broadcast %add3A_2490 : i32 to vector<16xi32>
      %add3A_2492 = arith.addi %broadcast_in_dim3A_2486, %add3A_2491 : vector<16xi32>
      %select_n3A_2493 = arith.select %lt3A_2489, %add3A_2492, %broadcast_in_dim3A_2486 : vector<16xi1>, vector<16xi32>
      %broadcast_in_dim3A_2494 = vector.shape_cast %select_n3A_2493 : vector<16xi32> to vector<16x1xi32>
      %gather3A_2495 = vector.shape_cast %broadcast_in_dim3A_2494 : vector<16x1xi32> to vector<16xi32>
      %gather3A_2496 = tpu.dynamic_gather %select_n3A_2137[%gather3A_2495] in [0] : vector<16xf32>, vector<16xi32> -> vector<16xf32>
      %sub3A_2497 = arith.constant 1 : i32
      %sub3A_2498 = vector.broadcast %sub3A_2497 : i32 to vector<16xi32>
      %sub3A_2499 = arith.subi %iota3A, %sub3A_2498 : vector<16xi32>
      %max3A_2500 = arith.constant 0 : i32
      %max3A_2501 = vector.broadcast %max3A_2500 : i32 to vector<16xi32>
      %max3A_2502 = arith.maxsi %sub3A_2499, %max3A_2501 : vector<16xi32>
      %min3A_2503 = arith.constant 15 : i32
      %min3A_2504 = vector.broadcast %min3A_2503 : i32 to vector<16xi32>
      %min3A_2505 = arith.minsi %max3A_2502, %min3A_2504 : vector<16xi32>
      %lt3A_2506 = arith.constant 0 : i32
      %lt3A_2507 = vector.broadcast %lt3A_2506 : i32 to vector<16xi32>
      %lt3A_2508 = arith.cmpi slt, %min3A_2505, %lt3A_2507 : vector<16xi32>
      %add3A_2509 = arith.constant 16 : i32
      %add3A_2510 = vector.broadcast %add3A_2509 : i32 to vector<16xi32>
      %add3A_2511 = arith.addi %min3A_2505, %add3A_2510 : vector<16xi32>
      %select_n3A_2512 = arith.select %lt3A_2508, %add3A_2511, %min3A_2505 : vector<16xi1>, vector<16xi32>
      %broadcast_in_dim3A_2513 = vector.shape_cast %select_n3A_2512 : vector<16xi32> to vector<16x1xi32>
      %gather3A_2514 = vector.shape_cast %broadcast_in_dim3A_2513 : vector<16x1xi32> to vector<16xi32>
      %gather3A_2515 = tpu.dynamic_gather %select_n3A_2234[%gather3A_2514] in [0] : vector<16xf32>, vector<16xi32> -> vector<16xf32>
      %select_n3A_2516 = arith.select %lt3A_2484, %gather3A_2496, %gather3A_2515 : vector<16xi1>, vector<16xf32>
      %broadcast_in_dim3A_2517 = arith.constant 15 : i32
      %broadcast_in_dim3A_2518 = vector.broadcast %broadcast_in_dim3A_2517 : i32 to vector<16xi32>
      %lt3A_2519 = arith.constant 0 : i32
      %lt3A_2520 = vector.broadcast %lt3A_2519 : i32 to vector<16xi32>
      %lt3A_2521 = arith.cmpi slt, %broadcast_in_dim3A_2518, %lt3A_2520 : vector<16xi32>
      %add3A_2522 = arith.constant 16 : i32
      %add3A_2523 = vector.broadcast %add3A_2522 : i32 to vector<16xi32>
      %add3A_2524 = arith.addi %broadcast_in_dim3A_2518, %add3A_2523 : vector<16xi32>
      %select_n3A_2525 = arith.select %lt3A_2521, %add3A_2524, %broadcast_in_dim3A_2518 : vector<16xi1>, vector<16xi32>
      %broadcast_in_dim3A_2526 = vector.shape_cast %select_n3A_2525 : vector<16xi32> to vector<16x1xi32>
      %gather3A_2527 = vector.shape_cast %broadcast_in_dim3A_2526 : vector<16x1xi32> to vector<16xi32>
      %gather3A_2528 = tpu.dynamic_gather %select_n3A_2299[%gather3A_2527] in [0] : vector<16xf32>, vector<16xi32> -> vector<16xf32>
      %sub3A_2529 = arith.constant 1 : i32
      %sub3A_2530 = vector.broadcast %sub3A_2529 : i32 to vector<16xi32>
      %sub3A_2531 = arith.subi %iota3A, %sub3A_2530 : vector<16xi32>
      %max3A_2532 = arith.constant 0 : i32
      %max3A_2533 = vector.broadcast %max3A_2532 : i32 to vector<16xi32>
      %max3A_2534 = arith.maxsi %sub3A_2531, %max3A_2533 : vector<16xi32>
      %min3A_2535 = arith.constant 15 : i32
      %min3A_2536 = vector.broadcast %min3A_2535 : i32 to vector<16xi32>
      %min3A_2537 = arith.minsi %max3A_2534, %min3A_2536 : vector<16xi32>
      %lt3A_2538 = arith.constant 0 : i32
      %lt3A_2539 = vector.broadcast %lt3A_2538 : i32 to vector<16xi32>
      %lt3A_2540 = arith.cmpi slt, %min3A_2537, %lt3A_2539 : vector<16xi32>
      %add3A_2541 = arith.constant 16 : i32
      %add3A_2542 = vector.broadcast %add3A_2541 : i32 to vector<16xi32>
      %add3A_2543 = arith.addi %min3A_2537, %add3A_2542 : vector<16xi32>
      %select_n3A_2544 = arith.select %lt3A_2540, %add3A_2543, %min3A_2537 : vector<16xi1>, vector<16xi32>
      %broadcast_in_dim3A_2545 = vector.shape_cast %select_n3A_2544 : vector<16xi32> to vector<16x1xi32>
      %gather3A_2546 = vector.shape_cast %broadcast_in_dim3A_2545 : vector<16x1xi32> to vector<16xi32>
      %gather3A_2547 = tpu.dynamic_gather %select_n3A_2396[%gather3A_2546] in [0] : vector<16xf32>, vector<16xi32> -> vector<16xf32>
      %select_n3A_2548 = arith.select %lt3A_2484, %gather3A_2528, %gather3A_2547 : vector<16xi1>, vector<16xf32>
      %max3A_2549 = arith.maximumf %select_n3A_2396, %select_n3A_2548 : vector<16xf32>
      %add3A_2550 = arith.constant 1.000000e+00 : f32
      %add3A_2551 = vector.broadcast %add3A_2550 : f32 to vector<16xf32>
      %add3A_2552 = arith.addf %select_n3A_2516, %add3A_2551 : vector<16xf32>
      %sub3A_2553 = arith.subf %add3A_2552, %max3A_2549 : vector<16xf32>
      %mul3A_2554 = arith.mulf %gather3A_2481, %sub3A_2553 : vector<16xf32>
      %add3A_2555 = arith.addf %mul3A_2554, %max3A_2549 : vector<16xf32>
      %jit3A_2556 = arith.constant 0.000000e+00 : f32
      %broadcast_in_dim3A_2557 = vector.broadcast %jit3A_2556 : f32 to vector<16xf32>
      %select_n3A_2558 = arith.select %and3A_2471, %add3A_2555, %broadcast_in_dim3A_2557 : vector<16xi1>, vector<16xf32>
      %ge3A_2559 = arith.constant 4 : i32
      %ge3A_2560 = vector.broadcast %ge3A_2559 : i32 to vector<16xi32>
      %ge3A_2561 = arith.cmpi sge, %iota3A, %ge3A_2560 : vector<16xi32>
      %le3A_2562 = arith.constant 20 : i32
      %le3A_2563 = vector.broadcast %le3A_2562 : i32 to vector<16xi32>
      %le3A_2564 = arith.cmpi sle, %iota3A, %le3A_2563 : vector<16xi32>
      %and3A_2565 = arith.andi %ge3A_2561, %le3A_2564 : vector<16xi1>
      %add3A_2566 = arith.constant 24 : i32
      %add3A_2567 = vector.broadcast %add3A_2566 : i32 to vector<16xi32>
      %add3A_2568 = arith.addi %sub3A_100, %add3A_2567 : vector<16xi32>
      %max3A_2569 = arith.constant 0 : i32
      %max3A_2570 = vector.broadcast %max3A_2569 : i32 to vector<16xi32>
      %max3A_2571 = arith.maxsi %add3A_2568, %max3A_2570 : vector<16xi32>
      %min3A_2572 = arith.constant 399 : i32
      %min3A_2573 = vector.broadcast %min3A_2572 : i32 to vector<16xi32>
      %min3A_2574 = arith.minsi %max3A_2571, %min3A_2573 : vector<16xi32>
      %gather3A_2575 = tpu.vector_load_idx %arg7[%min3A_2574] : memref<400xf32, #tpu.memory_space<vmem>>[vector<16xi32>], vector<16xf32>,
      %sub3A_2576 = arith.constant 1 : i32
      %sub3A_2577 = vector.broadcast %sub3A_2576 : i32 to vector<16xi32>
      %sub3A_2578 = arith.subi %iota3A, %sub3A_2577 : vector<16xi32>
      %max3A_2579 = arith.constant 0 : i32
      %max3A_2580 = vector.broadcast %max3A_2579 : i32 to vector<16xi32>
      %max3A_2581 = arith.maxsi %sub3A_2578, %max3A_2580 : vector<16xi32>
      %min3A_2582 = arith.constant 15 : i32
      %min3A_2583 = vector.broadcast %min3A_2582 : i32 to vector<16xi32>
      %min3A_2584 = arith.minsi %max3A_2581, %min3A_2583 : vector<16xi32>
      %lt3A_2585 = arith.constant 0 : i32
      %lt3A_2586 = vector.broadcast %lt3A_2585 : i32 to vector<16xi32>
      %lt3A_2587 = arith.cmpi slt, %min3A_2584, %lt3A_2586 : vector<16xi32>
      %add3A_2588 = arith.constant 16 : i32
      %add3A_2589 = vector.broadcast %add3A_2588 : i32 to vector<16xi32>
      %add3A_2590 = arith.addi %min3A_2584, %add3A_2589 : vector<16xi32>
      %select_n3A_2591 = arith.select %lt3A_2587, %add3A_2590, %min3A_2584 : vector<16xi1>, vector<16xi32>
      %broadcast_in_dim3A_2592 = vector.shape_cast %select_n3A_2591 : vector<16xi32> to vector<16x1xi32>
      %gather3A_2593 = vector.shape_cast %broadcast_in_dim3A_2592 : vector<16x1xi32> to vector<16xi32>
      %gather3A_2594 = tpu.dynamic_gather %select_n3A_2461[%gather3A_2593] in [0] : vector<16xf32>, vector<16xi32> -> vector<16xf32>
      %max3A_2595 = arith.maximumf %select_n3A_2461, %gather3A_2594 : vector<16xf32>
      %sub3A_2596 = arith.constant 1 : i32
      %sub3A_2597 = vector.broadcast %sub3A_2596 : i32 to vector<16xi32>
      %sub3A_2598 = arith.subi %iota3A, %sub3A_2597 : vector<16xi32>
      %max3A_2599 = arith.constant 0 : i32
      %max3A_2600 = vector.broadcast %max3A_2599 : i32 to vector<16xi32>
      %max3A_2601 = arith.maxsi %sub3A_2598, %max3A_2600 : vector<16xi32>
      %min3A_2602 = arith.constant 15 : i32
      %min3A_2603 = vector.broadcast %min3A_2602 : i32 to vector<16xi32>
      %min3A_2604 = arith.minsi %max3A_2601, %min3A_2603 : vector<16xi32>
      %lt3A_2605 = arith.constant 0 : i32
      %lt3A_2606 = vector.broadcast %lt3A_2605 : i32 to vector<16xi32>
      %lt3A_2607 = arith.cmpi slt, %min3A_2604, %lt3A_2606 : vector<16xi32>
      %add3A_2608 = arith.constant 16 : i32
      %add3A_2609 = vector.broadcast %add3A_2608 : i32 to vector<16xi32>
      %add3A_2610 = arith.addi %min3A_2604, %add3A_2609 : vector<16xi32>
      %select_n3A_2611 = arith.select %lt3A_2607, %add3A_2610, %min3A_2604 : vector<16xi1>, vector<16xi32>
      %broadcast_in_dim3A_2612 = vector.shape_cast %select_n3A_2611 : vector<16xi32> to vector<16x1xi32>
      %gather3A_2613 = vector.shape_cast %broadcast_in_dim3A_2612 : vector<16x1xi32> to vector<16xi32>
      %gather3A_2614 = tpu.dynamic_gather %select_n3A_2299[%gather3A_2613] in [0] : vector<16xf32>, vector<16xi32> -> vector<16xf32>
      %add3A_2615 = arith.constant 1.000000e+00 : f32
      %add3A_2616 = vector.broadcast %add3A_2615 : f32 to vector<16xf32>
      %add3A_2617 = arith.addf %gather3A_2614, %add3A_2616 : vector<16xf32>
      %sub3A_2618 = arith.subf %add3A_2617, %max3A_2595 : vector<16xf32>
      %mul3A_2619 = arith.mulf %gather3A_2575, %sub3A_2618 : vector<16xf32>
      %add3A_2620 = arith.addf %mul3A_2619, %max3A_2595 : vector<16xf32>
      %jit3A_2621 = arith.constant 0.000000e+00 : f32
      %broadcast_in_dim3A_2622 = vector.broadcast %jit3A_2621 : f32 to vector<16xf32>
      %select_n3A_2623 = arith.select %and3A_2565, %add3A_2620, %broadcast_in_dim3A_2622 : vector<16xi1>, vector<16xf32>
      %add3A_2624 = arith.constant 16 : i32
      %add3A_2625 = vector.broadcast %add3A_2624 : i32 to vector<16xi32>
      %add3A_2626 = arith.addi %iota3A, %add3A_2625 : vector<16xi32>
      %ge3A_2627 = arith.constant 4 : i32
      %ge3A_2628 = vector.broadcast %ge3A_2627 : i32 to vector<16xi32>
      %ge3A_2629 = arith.cmpi sge, %add3A_2626, %ge3A_2628 : vector<16xi32>
      %le3A_2630 = arith.constant 20 : i32
      %le3A_2631 = vector.broadcast %le3A_2630 : i32 to vector<16xi32>
      %le3A_2632 = arith.cmpi sle, %add3A_2626, %le3A_2631 : vector<16xi32>
      %and3A_2633 = arith.andi %ge3A_2629, %le3A_2632 : vector<16xi1>
      %add3A_2634 = arith.constant 24 : i32
      %add3A_2635 = vector.broadcast %add3A_2634 : i32 to vector<16xi32>
      %add3A_2636 = arith.addi %sub3A_109, %add3A_2635 : vector<16xi32>
      %max3A_2637 = arith.constant 0 : i32
      %max3A_2638 = vector.broadcast %max3A_2637 : i32 to vector<16xi32>
      %max3A_2639 = arith.maxsi %add3A_2636, %max3A_2638 : vector<16xi32>
      %min3A_2640 = arith.constant 399 : i32
      %min3A_2641 = vector.broadcast %min3A_2640 : i32 to vector<16xi32>
      %min3A_2642 = arith.minsi %max3A_2639, %min3A_2641 : vector<16xi32>
      %gather3A_2643 = tpu.vector_load_idx %arg7[%min3A_2642] : memref<400xf32, #tpu.memory_space<vmem>>[vector<16xi32>], vector<16xf32>,
      %lt3A_2644 = arith.constant 1 : i32
      %lt3A_2645 = vector.broadcast %lt3A_2644 : i32 to vector<16xi32>
      %lt3A_2646 = arith.cmpi slt, %iota3A, %lt3A_2645 : vector<16xi32>
      %broadcast_in_dim3A_2647 = arith.constant 15 : i32
      %broadcast_in_dim3A_2648 = vector.broadcast %broadcast_in_dim3A_2647 : i32 to vector<16xi32>
      %lt3A_2649 = arith.constant 0 : i32
      %lt3A_2650 = vector.broadcast %lt3A_2649 : i32 to vector<16xi32>
      %lt3A_2651 = arith.cmpi slt, %broadcast_in_dim3A_2648, %lt3A_2650 : vector<16xi32>
      %add3A_2652 = arith.constant 16 : i32
      %add3A_2653 = vector.broadcast %add3A_2652 : i32 to vector<16xi32>
      %add3A_2654 = arith.addi %broadcast_in_dim3A_2648, %add3A_2653 : vector<16xi32>
      %select_n3A_2655 = arith.select %lt3A_2651, %add3A_2654, %broadcast_in_dim3A_2648 : vector<16xi1>, vector<16xi32>
      %broadcast_in_dim3A_2656 = vector.shape_cast %select_n3A_2655 : vector<16xi32> to vector<16x1xi32>
      %gather3A_2657 = vector.shape_cast %broadcast_in_dim3A_2656 : vector<16x1xi32> to vector<16xi32>
      %gather3A_2658 = tpu.dynamic_gather %select_n3A_2299[%gather3A_2657] in [0] : vector<16xf32>, vector<16xi32> -> vector<16xf32>
      %sub3A_2659 = arith.constant 1 : i32
      %sub3A_2660 = vector.broadcast %sub3A_2659 : i32 to vector<16xi32>
      %sub3A_2661 = arith.subi %iota3A, %sub3A_2660 : vector<16xi32>
      %max3A_2662 = arith.constant 0 : i32
      %max3A_2663 = vector.broadcast %max3A_2662 : i32 to vector<16xi32>
      %max3A_2664 = arith.maxsi %sub3A_2661, %max3A_2663 : vector<16xi32>
      %min3A_2665 = arith.constant 15 : i32
      %min3A_2666 = vector.broadcast %min3A_2665 : i32 to vector<16xi32>
      %min3A_2667 = arith.minsi %max3A_2664, %min3A_2666 : vector<16xi32>
      %lt3A_2668 = arith.constant 0 : i32
      %lt3A_2669 = vector.broadcast %lt3A_2668 : i32 to vector<16xi32>
      %lt3A_2670 = arith.cmpi slt, %min3A_2667, %lt3A_2669 : vector<16xi32>
      %add3A_2671 = arith.constant 16 : i32
      %add3A_2672 = vector.broadcast %add3A_2671 : i32 to vector<16xi32>
      %add3A_2673 = arith.addi %min3A_2667, %add3A_2672 : vector<16xi32>
      %select_n3A_2674 = arith.select %lt3A_2670, %add3A_2673, %min3A_2667 : vector<16xi1>, vector<16xi32>
      %broadcast_in_dim3A_2675 = vector.shape_cast %select_n3A_2674 : vector<16xi32> to vector<16x1xi32>
      %gather3A_2676 = vector.shape_cast %broadcast_in_dim3A_2675 : vector<16x1xi32> to vector<16xi32>
      %gather3A_2677 = tpu.dynamic_gather %select_n3A_2396[%gather3A_2676] in [0] : vector<16xf32>, vector<16xi32> -> vector<16xf32>
      %select_n3A_2678 = arith.select %lt3A_2646, %gather3A_2658, %gather3A_2677 : vector<16xi1>, vector<16xf32>
      %broadcast_in_dim3A_2679 = arith.constant 15 : i32
      %broadcast_in_dim3A_2680 = vector.broadcast %broadcast_in_dim3A_2679 : i32 to vector<16xi32>
      %lt3A_2681 = arith.constant 0 : i32
      %lt3A_2682 = vector.broadcast %lt3A_2681 : i32 to vector<16xi32>
      %lt3A_2683 = arith.cmpi slt, %broadcast_in_dim3A_2680, %lt3A_2682 : vector<16xi32>
      %add3A_2684 = arith.constant 16 : i32
      %add3A_2685 = vector.broadcast %add3A_2684 : i32 to vector<16xi32>
      %add3A_2686 = arith.addi %broadcast_in_dim3A_2680, %add3A_2685 : vector<16xi32>
      %select_n3A_2687 = arith.select %lt3A_2683, %add3A_2686, %broadcast_in_dim3A_2680 : vector<16xi1>, vector<16xi32>
      %broadcast_in_dim3A_2688 = vector.shape_cast %select_n3A_2687 : vector<16xi32> to vector<16x1xi32>
      %gather3A_2689 = vector.shape_cast %broadcast_in_dim3A_2688 : vector<16x1xi32> to vector<16xi32>
      %gather3A_2690 = tpu.dynamic_gather %select_n3A_2461[%gather3A_2689] in [0] : vector<16xf32>, vector<16xi32> -> vector<16xf32>
      %sub3A_2691 = arith.constant 1 : i32
      %sub3A_2692 = vector.broadcast %sub3A_2691 : i32 to vector<16xi32>
      %sub3A_2693 = arith.subi %iota3A, %sub3A_2692 : vector<16xi32>
      %max3A_2694 = arith.constant 0 : i32
      %max3A_2695 = vector.broadcast %max3A_2694 : i32 to vector<16xi32>
      %max3A_2696 = arith.maxsi %sub3A_2693, %max3A_2695 : vector<16xi32>
      %min3A_2697 = arith.constant 15 : i32
      %min3A_2698 = vector.broadcast %min3A_2697 : i32 to vector<16xi32>
      %min3A_2699 = arith.minsi %max3A_2696, %min3A_2698 : vector<16xi32>
      %lt3A_2700 = arith.constant 0 : i32
      %lt3A_2701 = vector.broadcast %lt3A_2700 : i32 to vector<16xi32>
      %lt3A_2702 = arith.cmpi slt, %min3A_2699, %lt3A_2701 : vector<16xi32>
      %add3A_2703 = arith.constant 16 : i32
      %add3A_2704 = vector.broadcast %add3A_2703 : i32 to vector<16xi32>
      %add3A_2705 = arith.addi %min3A_2699, %add3A_2704 : vector<16xi32>
      %select_n3A_2706 = arith.select %lt3A_2702, %add3A_2705, %min3A_2699 : vector<16xi1>, vector<16xi32>
      %broadcast_in_dim3A_2707 = vector.shape_cast %select_n3A_2706 : vector<16xi32> to vector<16x1xi32>
      %gather3A_2708 = vector.shape_cast %broadcast_in_dim3A_2707 : vector<16x1xi32> to vector<16xi32>
      %gather3A_2709 = tpu.dynamic_gather %select_n3A_2558[%gather3A_2708] in [0] : vector<16xf32>, vector<16xi32> -> vector<16xf32>
      %select_n3A_2710 = arith.select %lt3A_2646, %gather3A_2690, %gather3A_2709 : vector<16xi1>, vector<16xf32>
      %max3A_2711 = arith.maximumf %select_n3A_2558, %select_n3A_2710 : vector<16xf32>
      %add3A_2712 = arith.constant 1.000000e+00 : f32
      %add3A_2713 = vector.broadcast %add3A_2712 : f32 to vector<16xf32>
      %add3A_2714 = arith.addf %select_n3A_2678, %add3A_2713 : vector<16xf32>
      %sub3A_2715 = arith.subf %add3A_2714, %max3A_2711 : vector<16xf32>
      %mul3A_2716 = arith.mulf %gather3A_2643, %sub3A_2715 : vector<16xf32>
      %add3A_2717 = arith.addf %mul3A_2716, %max3A_2711 : vector<16xf32>
      %jit3A_2718 = arith.constant 0.000000e+00 : f32
      %broadcast_in_dim3A_2719 = vector.broadcast %jit3A_2718 : f32 to vector<16xf32>
      %select_n3A_2720 = arith.select %and3A_2633, %add3A_2717, %broadcast_in_dim3A_2719 : vector<16xi1>, vector<16xf32>
      %ge3A_2721 = arith.constant 5 : i32
      %ge3A_2722 = vector.broadcast %ge3A_2721 : i32 to vector<16xi32>
      %ge3A_2723 = arith.cmpi sge, %iota3A, %ge3A_2722 : vector<16xi32>
      %le3A_2724 = arith.constant 20 : i32
      %le3A_2725 = vector.broadcast %le3A_2724 : i32 to vector<16xi32>
      %le3A_2726 = arith.cmpi sle, %iota3A, %le3A_2725 : vector<16xi32>
      %and3A_2727 = arith.andi %ge3A_2723, %le3A_2726 : vector<16xi1>
      %add3A_2728 = arith.constant 25 : i32
      %add3A_2729 = vector.broadcast %add3A_2728 : i32 to vector<16xi32>
      %add3A_2730 = arith.addi %sub3A_100, %add3A_2729 : vector<16xi32>
      %max3A_2731 = arith.constant 0 : i32
      %max3A_2732 = vector.broadcast %max3A_2731 : i32 to vector<16xi32>
      %max3A_2733 = arith.maxsi %add3A_2730, %max3A_2732 : vector<16xi32>
      %min3A_2734 = arith.constant 399 : i32
      %min3A_2735 = vector.broadcast %min3A_2734 : i32 to vector<16xi32>
      %min3A_2736 = arith.minsi %max3A_2733, %min3A_2735 : vector<16xi32>
      %gather3A_2737 = tpu.vector_load_idx %arg7[%min3A_2736] : memref<400xf32, #tpu.memory_space<vmem>>[vector<16xi32>], vector<16xf32>,
      %sub3A_2738 = arith.constant 1 : i32
      %sub3A_2739 = vector.broadcast %sub3A_2738 : i32 to vector<16xi32>
      %sub3A_2740 = arith.subi %iota3A, %sub3A_2739 : vector<16xi32>
      %max3A_2741 = arith.constant 0 : i32
      %max3A_2742 = vector.broadcast %max3A_2741 : i32 to vector<16xi32>
      %max3A_2743 = arith.maxsi %sub3A_2740, %max3A_2742 : vector<16xi32>
      %min3A_2744 = arith.constant 15 : i32
      %min3A_2745 = vector.broadcast %min3A_2744 : i32 to vector<16xi32>
      %min3A_2746 = arith.minsi %max3A_2743, %min3A_2745 : vector<16xi32>
      %lt3A_2747 = arith.constant 0 : i32
      %lt3A_2748 = vector.broadcast %lt3A_2747 : i32 to vector<16xi32>
      %lt3A_2749 = arith.cmpi slt, %min3A_2746, %lt3A_2748 : vector<16xi32>
      %add3A_2750 = arith.constant 16 : i32
      %add3A_2751 = vector.broadcast %add3A_2750 : i32 to vector<16xi32>
      %add3A_2752 = arith.addi %min3A_2746, %add3A_2751 : vector<16xi32>
      %select_n3A_2753 = arith.select %lt3A_2749, %add3A_2752, %min3A_2746 : vector<16xi1>, vector<16xi32>
      %broadcast_in_dim3A_2754 = vector.shape_cast %select_n3A_2753 : vector<16xi32> to vector<16x1xi32>
      %gather3A_2755 = vector.shape_cast %broadcast_in_dim3A_2754 : vector<16x1xi32> to vector<16xi32>
      %gather3A_2756 = tpu.dynamic_gather %select_n3A_2623[%gather3A_2755] in [0] : vector<16xf32>, vector<16xi32> -> vector<16xf32>
      %max3A_2757 = arith.maximumf %select_n3A_2623, %gather3A_2756 : vector<16xf32>
      %sub3A_2758 = arith.constant 1 : i32
      %sub3A_2759 = vector.broadcast %sub3A_2758 : i32 to vector<16xi32>
      %sub3A_2760 = arith.subi %iota3A, %sub3A_2759 : vector<16xi32>
      %max3A_2761 = arith.constant 0 : i32
      %max3A_2762 = vector.broadcast %max3A_2761 : i32 to vector<16xi32>
      %max3A_2763 = arith.maxsi %sub3A_2760, %max3A_2762 : vector<16xi32>
      %min3A_2764 = arith.constant 15 : i32
      %min3A_2765 = vector.broadcast %min3A_2764 : i32 to vector<16xi32>
      %min3A_2766 = arith.minsi %max3A_2763, %min3A_2765 : vector<16xi32>
      %lt3A_2767 = arith.constant 0 : i32
      %lt3A_2768 = vector.broadcast %lt3A_2767 : i32 to vector<16xi32>
      %lt3A_2769 = arith.cmpi slt, %min3A_2766, %lt3A_2768 : vector<16xi32>
      %add3A_2770 = arith.constant 16 : i32
      %add3A_2771 = vector.broadcast %add3A_2770 : i32 to vector<16xi32>
      %add3A_2772 = arith.addi %min3A_2766, %add3A_2771 : vector<16xi32>
      %select_n3A_2773 = arith.select %lt3A_2769, %add3A_2772, %min3A_2766 : vector<16xi1>, vector<16xi32>
      %broadcast_in_dim3A_2774 = vector.shape_cast %select_n3A_2773 : vector<16xi32> to vector<16x1xi32>
      %gather3A_2775 = vector.shape_cast %broadcast_in_dim3A_2774 : vector<16x1xi32> to vector<16xi32>
      %gather3A_2776 = tpu.dynamic_gather %select_n3A_2461[%gather3A_2775] in [0] : vector<16xf32>, vector<16xi32> -> vector<16xf32>
      %add3A_2777 = arith.constant 1.000000e+00 : f32
      %add3A_2778 = vector.broadcast %add3A_2777 : f32 to vector<16xf32>
      %add3A_2779 = arith.addf %gather3A_2776, %add3A_2778 : vector<16xf32>
      %sub3A_2780 = arith.subf %add3A_2779, %max3A_2757 : vector<16xf32>
      %mul3A_2781 = arith.mulf %gather3A_2737, %sub3A_2780 : vector<16xf32>
      %add3A_2782 = arith.addf %mul3A_2781, %max3A_2757 : vector<16xf32>
      %jit3A_2783 = arith.constant 0.000000e+00 : f32
      %broadcast_in_dim3A_2784 = vector.broadcast %jit3A_2783 : f32 to vector<16xf32>
      %select_n3A_2785 = arith.select %and3A_2727, %add3A_2782, %broadcast_in_dim3A_2784 : vector<16xi1>, vector<16xf32>
      %add3A_2786 = arith.constant 16 : i32
      %add3A_2787 = vector.broadcast %add3A_2786 : i32 to vector<16xi32>
      %add3A_2788 = arith.addi %iota3A, %add3A_2787 : vector<16xi32>
      %ge3A_2789 = arith.constant 5 : i32
      %ge3A_2790 = vector.broadcast %ge3A_2789 : i32 to vector<16xi32>
      %ge3A_2791 = arith.cmpi sge, %add3A_2788, %ge3A_2790 : vector<16xi32>
      %le3A_2792 = arith.constant 20 : i32
      %le3A_2793 = vector.broadcast %le3A_2792 : i32 to vector<16xi32>
      %le3A_2794 = arith.cmpi sle, %add3A_2788, %le3A_2793 : vector<16xi32>
      %and3A_2795 = arith.andi %ge3A_2791, %le3A_2794 : vector<16xi1>
      %add3A_2796 = arith.constant 25 : i32
      %add3A_2797 = vector.broadcast %add3A_2796 : i32 to vector<16xi32>
      %add3A_2798 = arith.addi %sub3A_109, %add3A_2797 : vector<16xi32>
      %max3A_2799 = arith.constant 0 : i32
      %max3A_2800 = vector.broadcast %max3A_2799 : i32 to vector<16xi32>
      %max3A_2801 = arith.maxsi %add3A_2798, %max3A_2800 : vector<16xi32>
      %min3A_2802 = arith.constant 399 : i32
      %min3A_2803 = vector.broadcast %min3A_2802 : i32 to vector<16xi32>
      %min3A_2804 = arith.minsi %max3A_2801, %min3A_2803 : vector<16xi32>
      %gather3A_2805 = tpu.vector_load_idx %arg7[%min3A_2804] : memref<400xf32, #tpu.memory_space<vmem>>[vector<16xi32>], vector<16xf32>,
      %lt3A_2806 = arith.constant 1 : i32
      %lt3A_2807 = vector.broadcast %lt3A_2806 : i32 to vector<16xi32>
      %lt3A_2808 = arith.cmpi slt, %iota3A, %lt3A_2807 : vector<16xi32>
      %broadcast_in_dim3A_2809 = arith.constant 15 : i32
      %broadcast_in_dim3A_2810 = vector.broadcast %broadcast_in_dim3A_2809 : i32 to vector<16xi32>
      %lt3A_2811 = arith.constant 0 : i32
      %lt3A_2812 = vector.broadcast %lt3A_2811 : i32 to vector<16xi32>
      %lt3A_2813 = arith.cmpi slt, %broadcast_in_dim3A_2810, %lt3A_2812 : vector<16xi32>
      %add3A_2814 = arith.constant 16 : i32
      %add3A_2815 = vector.broadcast %add3A_2814 : i32 to vector<16xi32>
      %add3A_2816 = arith.addi %broadcast_in_dim3A_2810, %add3A_2815 : vector<16xi32>
      %select_n3A_2817 = arith.select %lt3A_2813, %add3A_2816, %broadcast_in_dim3A_2810 : vector<16xi1>, vector<16xi32>
      %broadcast_in_dim3A_2818 = vector.shape_cast %select_n3A_2817 : vector<16xi32> to vector<16x1xi32>
      %gather3A_2819 = vector.shape_cast %broadcast_in_dim3A_2818 : vector<16x1xi32> to vector<16xi32>
      %gather3A_2820 = tpu.dynamic_gather %select_n3A_2461[%gather3A_2819] in [0] : vector<16xf32>, vector<16xi32> -> vector<16xf32>
      %sub3A_2821 = arith.constant 1 : i32
      %sub3A_2822 = vector.broadcast %sub3A_2821 : i32 to vector<16xi32>
      %sub3A_2823 = arith.subi %iota3A, %sub3A_2822 : vector<16xi32>
      %max3A_2824 = arith.constant 0 : i32
      %max3A_2825 = vector.broadcast %max3A_2824 : i32 to vector<16xi32>
      %max3A_2826 = arith.maxsi %sub3A_2823, %max3A_2825 : vector<16xi32>
      %min3A_2827 = arith.constant 15 : i32
      %min3A_2828 = vector.broadcast %min3A_2827 : i32 to vector<16xi32>
      %min3A_2829 = arith.minsi %max3A_2826, %min3A_2828 : vector<16xi32>
      %lt3A_2830 = arith.constant 0 : i32
      %lt3A_2831 = vector.broadcast %lt3A_2830 : i32 to vector<16xi32>
      %lt3A_2832 = arith.cmpi slt, %min3A_2829, %lt3A_2831 : vector<16xi32>
      %add3A_2833 = arith.constant 16 : i32
      %add3A_2834 = vector.broadcast %add3A_2833 : i32 to vector<16xi32>
      %add3A_2835 = arith.addi %min3A_2829, %add3A_2834 : vector<16xi32>
      %select_n3A_2836 = arith.select %lt3A_2832, %add3A_2835, %min3A_2829 : vector<16xi1>, vector<16xi32>
      %broadcast_in_dim3A_2837 = vector.shape_cast %select_n3A_2836 : vector<16xi32> to vector<16x1xi32>
      %gather3A_2838 = vector.shape_cast %broadcast_in_dim3A_2837 : vector<16x1xi32> to vector<16xi32>
      %gather3A_2839 = tpu.dynamic_gather %select_n3A_2558[%gather3A_2838] in [0] : vector<16xf32>, vector<16xi32> -> vector<16xf32>
      %select_n3A_2840 = arith.select %lt3A_2808, %gather3A_2820, %gather3A_2839 : vector<16xi1>, vector<16xf32>
      %broadcast_in_dim3A_2841 = arith.constant 15 : i32
      %broadcast_in_dim3A_2842 = vector.broadcast %broadcast_in_dim3A_2841 : i32 to vector<16xi32>
      %lt3A_2843 = arith.constant 0 : i32
      %lt3A_2844 = vector.broadcast %lt3A_2843 : i32 to vector<16xi32>
      %lt3A_2845 = arith.cmpi slt, %broadcast_in_dim3A_2842, %lt3A_2844 : vector<16xi32>
      %add3A_2846 = arith.constant 16 : i32
      %add3A_2847 = vector.broadcast %add3A_2846 : i32 to vector<16xi32>
      %add3A_2848 = arith.addi %broadcast_in_dim3A_2842, %add3A_2847 : vector<16xi32>
      %select_n3A_2849 = arith.select %lt3A_2845, %add3A_2848, %broadcast_in_dim3A_2842 : vector<16xi1>, vector<16xi32>
      %broadcast_in_dim3A_2850 = vector.shape_cast %select_n3A_2849 : vector<16xi32> to vector<16x1xi32>
      %gather3A_2851 = vector.shape_cast %broadcast_in_dim3A_2850 : vector<16x1xi32> to vector<16xi32>
      %gather3A_2852 = tpu.dynamic_gather %select_n3A_2623[%gather3A_2851] in [0] : vector<16xf32>, vector<16xi32> -> vector<16xf32>
      %sub3A_2853 = arith.constant 1 : i32
      %sub3A_2854 = vector.broadcast %sub3A_2853 : i32 to vector<16xi32>
      %sub3A_2855 = arith.subi %iota3A, %sub3A_2854 : vector<16xi32>
      %max3A_2856 = arith.constant 0 : i32
      %max3A_2857 = vector.broadcast %max3A_2856 : i32 to vector<16xi32>
      %max3A_2858 = arith.maxsi %sub3A_2855, %max3A_2857 : vector<16xi32>
      %min3A_2859 = arith.constant 15 : i32
      %min3A_2860 = vector.broadcast %min3A_2859 : i32 to vector<16xi32>
      %min3A_2861 = arith.minsi %max3A_2858, %min3A_2860 : vector<16xi32>
      %lt3A_2862 = arith.constant 0 : i32
      %lt3A_2863 = vector.broadcast %lt3A_2862 : i32 to vector<16xi32>
      %lt3A_2864 = arith.cmpi slt, %min3A_2861, %lt3A_2863 : vector<16xi32>
      %add3A_2865 = arith.constant 16 : i32
      %add3A_2866 = vector.broadcast %add3A_2865 : i32 to vector<16xi32>
      %add3A_2867 = arith.addi %min3A_2861, %add3A_2866 : vector<16xi32>
      %select_n3A_2868 = arith.select %lt3A_2864, %add3A_2867, %min3A_2861 : vector<16xi1>, vector<16xi32>
      %broadcast_in_dim3A_2869 = vector.shape_cast %select_n3A_2868 : vector<16xi32> to vector<16x1xi32>
      %gather3A_2870 = vector.shape_cast %broadcast_in_dim3A_2869 : vector<16x1xi32> to vector<16xi32>
      %gather3A_2871 = tpu.dynamic_gather %select_n3A_2720[%gather3A_2870] in [0] : vector<16xf32>, vector<16xi32> -> vector<16xf32>
      %select_n3A_2872 = arith.select %lt3A_2808, %gather3A_2852, %gather3A_2871 : vector<16xi1>, vector<16xf32>
      %max3A_2873 = arith.maximumf %select_n3A_2720, %select_n3A_2872 : vector<16xf32>
      %add3A_2874 = arith.constant 1.000000e+00 : f32
      %add3A_2875 = vector.broadcast %add3A_2874 : f32 to vector<16xf32>
      %add3A_2876 = arith.addf %select_n3A_2840, %add3A_2875 : vector<16xf32>
      %sub3A_2877 = arith.subf %add3A_2876, %max3A_2873 : vector<16xf32>
      %mul3A_2878 = arith.mulf %gather3A_2805, %sub3A_2877 : vector<16xf32>
      %add3A_2879 = arith.addf %mul3A_2878, %max3A_2873 : vector<16xf32>
      %jit3A_2880 = arith.constant 0.000000e+00 : f32
      %broadcast_in_dim3A_2881 = vector.broadcast %jit3A_2880 : f32 to vector<16xf32>
      %select_n3A_2882 = arith.select %and3A_2795, %add3A_2879, %broadcast_in_dim3A_2881 : vector<16xi1>, vector<16xf32>
      %ge3A_2883 = arith.constant 6 : i32
      %ge3A_2884 = vector.broadcast %ge3A_2883 : i32 to vector<16xi32>
      %ge3A_2885 = arith.cmpi sge, %iota3A, %ge3A_2884 : vector<16xi32>
      %le3A_2886 = arith.constant 20 : i32
      %le3A_2887 = vector.broadcast %le3A_2886 : i32 to vector<16xi32>
      %le3A_2888 = arith.cmpi sle, %iota3A, %le3A_2887 : vector<16xi32>
      %and3A_2889 = arith.andi %ge3A_2885, %le3A_2888 : vector<16xi1>
      %add3A_2890 = arith.constant 26 : i32
      %add3A_2891 = vector.broadcast %add3A_2890 : i32 to vector<16xi32>
      %add3A_2892 = arith.addi %sub3A_100, %add3A_2891 : vector<16xi32>
      %max3A_2893 = arith.constant 0 : i32
      %max3A_2894 = vector.broadcast %max3A_2893 : i32 to vector<16xi32>
      %max3A_2895 = arith.maxsi %add3A_2892, %max3A_2894 : vector<16xi32>
      %min3A_2896 = arith.constant 399 : i32
      %min3A_2897 = vector.broadcast %min3A_2896 : i32 to vector<16xi32>
      %min3A_2898 = arith.minsi %max3A_2895, %min3A_2897 : vector<16xi32>
      %gather3A_2899 = tpu.vector_load_idx %arg7[%min3A_2898] : memref<400xf32, #tpu.memory_space<vmem>>[vector<16xi32>], vector<16xf32>,
      %sub3A_2900 = arith.constant 1 : i32
      %sub3A_2901 = vector.broadcast %sub3A_2900 : i32 to vector<16xi32>
      %sub3A_2902 = arith.subi %iota3A, %sub3A_2901 : vector<16xi32>
      %max3A_2903 = arith.constant 0 : i32
      %max3A_2904 = vector.broadcast %max3A_2903 : i32 to vector<16xi32>
      %max3A_2905 = arith.maxsi %sub3A_2902, %max3A_2904 : vector<16xi32>
      %min3A_2906 = arith.constant 15 : i32
      %min3A_2907 = vector.broadcast %min3A_2906 : i32 to vector<16xi32>
      %min3A_2908 = arith.minsi %max3A_2905, %min3A_2907 : vector<16xi32>
      %lt3A_2909 = arith.constant 0 : i32
      %lt3A_2910 = vector.broadcast %lt3A_2909 : i32 to vector<16xi32>
      %lt3A_2911 = arith.cmpi slt, %min3A_2908, %lt3A_2910 : vector<16xi32>
      %add3A_2912 = arith.constant 16 : i32
      %add3A_2913 = vector.broadcast %add3A_2912 : i32 to vector<16xi32>
      %add3A_2914 = arith.addi %min3A_2908, %add3A_2913 : vector<16xi32>
      %select_n3A_2915 = arith.select %lt3A_2911, %add3A_2914, %min3A_2908 : vector<16xi1>, vector<16xi32>
      %broadcast_in_dim3A_2916 = vector.shape_cast %select_n3A_2915 : vector<16xi32> to vector<16x1xi32>
      %gather3A_2917 = vector.shape_cast %broadcast_in_dim3A_2916 : vector<16x1xi32> to vector<16xi32>
      %gather3A_2918 = tpu.dynamic_gather %select_n3A_2785[%gather3A_2917] in [0] : vector<16xf32>, vector<16xi32> -> vector<16xf32>
      %max3A_2919 = arith.maximumf %select_n3A_2785, %gather3A_2918 : vector<16xf32>
      %sub3A_2920 = arith.constant 1 : i32
      %sub3A_2921 = vector.broadcast %sub3A_2920 : i32 to vector<16xi32>
      %sub3A_2922 = arith.subi %iota3A, %sub3A_2921 : vector<16xi32>
      %max3A_2923 = arith.constant 0 : i32
      %max3A_2924 = vector.broadcast %max3A_2923 : i32 to vector<16xi32>
      %max3A_2925 = arith.maxsi %sub3A_2922, %max3A_2924 : vector<16xi32>
      %min3A_2926 = arith.constant 15 : i32
      %min3A_2927 = vector.broadcast %min3A_2926 : i32 to vector<16xi32>
      %min3A_2928 = arith.minsi %max3A_2925, %min3A_2927 : vector<16xi32>
      %lt3A_2929 = arith.constant 0 : i32
      %lt3A_2930 = vector.broadcast %lt3A_2929 : i32 to vector<16xi32>
      %lt3A_2931 = arith.cmpi slt, %min3A_2928, %lt3A_2930 : vector<16xi32>
      %add3A_2932 = arith.constant 16 : i32
      %add3A_2933 = vector.broadcast %add3A_2932 : i32 to vector<16xi32>
      %add3A_2934 = arith.addi %min3A_2928, %add3A_2933 : vector<16xi32>
      %select_n3A_2935 = arith.select %lt3A_2931, %add3A_2934, %min3A_2928 : vector<16xi1>, vector<16xi32>
      %broadcast_in_dim3A_2936 = vector.shape_cast %select_n3A_2935 : vector<16xi32> to vector<16x1xi32>
      %gather3A_2937 = vector.shape_cast %broadcast_in_dim3A_2936 : vector<16x1xi32> to vector<16xi32>
      %gather3A_2938 = tpu.dynamic_gather %select_n3A_2623[%gather3A_2937] in [0] : vector<16xf32>, vector<16xi32> -> vector<16xf32>
      %add3A_2939 = arith.constant 1.000000e+00 : f32
      %add3A_2940 = vector.broadcast %add3A_2939 : f32 to vector<16xf32>
      %add3A_2941 = arith.addf %gather3A_2938, %add3A_2940 : vector<16xf32>
      %sub3A_2942 = arith.subf %add3A_2941, %max3A_2919 : vector<16xf32>
      %mul3A_2943 = arith.mulf %gather3A_2899, %sub3A_2942 : vector<16xf32>
      %add3A_2944 = arith.addf %mul3A_2943, %max3A_2919 : vector<16xf32>
      %jit3A_2945 = arith.constant 0.000000e+00 : f32
      %broadcast_in_dim3A_2946 = vector.broadcast %jit3A_2945 : f32 to vector<16xf32>
      %select_n3A_2947 = arith.select %and3A_2889, %add3A_2944, %broadcast_in_dim3A_2946 : vector<16xi1>, vector<16xf32>
      %add3A_2948 = arith.constant 16 : i32
      %add3A_2949 = vector.broadcast %add3A_2948 : i32 to vector<16xi32>
      %add3A_2950 = arith.addi %iota3A, %add3A_2949 : vector<16xi32>
      %ge3A_2951 = arith.constant 6 : i32
      %ge3A_2952 = vector.broadcast %ge3A_2951 : i32 to vector<16xi32>
      %ge3A_2953 = arith.cmpi sge, %add3A_2950, %ge3A_2952 : vector<16xi32>
      %le3A_2954 = arith.constant 20 : i32
      %le3A_2955 = vector.broadcast %le3A_2954 : i32 to vector<16xi32>
      %le3A_2956 = arith.cmpi sle, %add3A_2950, %le3A_2955 : vector<16xi32>
      %and3A_2957 = arith.andi %ge3A_2953, %le3A_2956 : vector<16xi1>
      %add3A_2958 = arith.constant 26 : i32
      %add3A_2959 = vector.broadcast %add3A_2958 : i32 to vector<16xi32>
      %add3A_2960 = arith.addi %sub3A_109, %add3A_2959 : vector<16xi32>
      %max3A_2961 = arith.constant 0 : i32
      %max3A_2962 = vector.broadcast %max3A_2961 : i32 to vector<16xi32>
      %max3A_2963 = arith.maxsi %add3A_2960, %max3A_2962 : vector<16xi32>
      %min3A_2964 = arith.constant 399 : i32
      %min3A_2965 = vector.broadcast %min3A_2964 : i32 to vector<16xi32>
      %min3A_2966 = arith.minsi %max3A_2963, %min3A_2965 : vector<16xi32>
      %gather3A_2967 = tpu.vector_load_idx %arg7[%min3A_2966] : memref<400xf32, #tpu.memory_space<vmem>>[vector<16xi32>], vector<16xf32>,
      %lt3A_2968 = arith.constant 1 : i32
      %lt3A_2969 = vector.broadcast %lt3A_2968 : i32 to vector<16xi32>
      %lt3A_2970 = arith.cmpi slt, %iota3A, %lt3A_2969 : vector<16xi32>
      %broadcast_in_dim3A_2971 = arith.constant 15 : i32
      %broadcast_in_dim3A_2972 = vector.broadcast %broadcast_in_dim3A_2971 : i32 to vector<16xi32>
      %lt3A_2973 = arith.constant 0 : i32
      %lt3A_2974 = vector.broadcast %lt3A_2973 : i32 to vector<16xi32>
      %lt3A_2975 = arith.cmpi slt, %broadcast_in_dim3A_2972, %lt3A_2974 : vector<16xi32>
      %add3A_2976 = arith.constant 16 : i32
      %add3A_2977 = vector.broadcast %add3A_2976 : i32 to vector<16xi32>
      %add3A_2978 = arith.addi %broadcast_in_dim3A_2972, %add3A_2977 : vector<16xi32>
      %select_n3A_2979 = arith.select %lt3A_2975, %add3A_2978, %broadcast_in_dim3A_2972 : vector<16xi1>, vector<16xi32>
      %broadcast_in_dim3A_2980 = vector.shape_cast %select_n3A_2979 : vector<16xi32> to vector<16x1xi32>
      %gather3A_2981 = vector.shape_cast %broadcast_in_dim3A_2980 : vector<16x1xi32> to vector<16xi32>
      %gather3A_2982 = tpu.dynamic_gather %select_n3A_2623[%gather3A_2981] in [0] : vector<16xf32>, vector<16xi32> -> vector<16xf32>
      %sub3A_2983 = arith.constant 1 : i32
      %sub3A_2984 = vector.broadcast %sub3A_2983 : i32 to vector<16xi32>
      %sub3A_2985 = arith.subi %iota3A, %sub3A_2984 : vector<16xi32>
      %max3A_2986 = arith.constant 0 : i32
      %max3A_2987 = vector.broadcast %max3A_2986 : i32 to vector<16xi32>
      %max3A_2988 = arith.maxsi %sub3A_2985, %max3A_2987 : vector<16xi32>
      %min3A_2989 = arith.constant 15 : i32
      %min3A_2990 = vector.broadcast %min3A_2989 : i32 to vector<16xi32>
      %min3A_2991 = arith.minsi %max3A_2988, %min3A_2990 : vector<16xi32>
      %lt3A_2992 = arith.constant 0 : i32
      %lt3A_2993 = vector.broadcast %lt3A_2992 : i32 to vector<16xi32>
      %lt3A_2994 = arith.cmpi slt, %min3A_2991, %lt3A_2993 : vector<16xi32>
      %add3A_2995 = arith.constant 16 : i32
      %add3A_2996 = vector.broadcast %add3A_2995 : i32 to vector<16xi32>
      %add3A_2997 = arith.addi %min3A_2991, %add3A_2996 : vector<16xi32>
      %select_n3A_2998 = arith.select %lt3A_2994, %add3A_2997, %min3A_2991 : vector<16xi1>, vector<16xi32>
      %broadcast_in_dim3A_2999 = vector.shape_cast %select_n3A_2998 : vector<16xi32> to vector<16x1xi32>
      %gather3A_3000 = vector.shape_cast %broadcast_in_dim3A_2999 : vector<16x1xi32> to vector<16xi32>
      %gather3A_3001 = tpu.dynamic_gather %select_n3A_2720[%gather3A_3000] in [0] : vector<16xf32>, vector<16xi32> -> vector<16xf32>
      %select_n3A_3002 = arith.select %lt3A_2970, %gather3A_2982, %gather3A_3001 : vector<16xi1>, vector<16xf32>
      %broadcast_in_dim3A_3003 = arith.constant 15 : i32
      %broadcast_in_dim3A_3004 = vector.broadcast %broadcast_in_dim3A_3003 : i32 to vector<16xi32>
      %lt3A_3005 = arith.constant 0 : i32
      %lt3A_3006 = vector.broadcast %lt3A_3005 : i32 to vector<16xi32>
      %lt3A_3007 = arith.cmpi slt, %broadcast_in_dim3A_3004, %lt3A_3006 : vector<16xi32>
      %add3A_3008 = arith.constant 16 : i32
      %add3A_3009 = vector.broadcast %add3A_3008 : i32 to vector<16xi32>
      %add3A_3010 = arith.addi %broadcast_in_dim3A_3004, %add3A_3009 : vector<16xi32>
      %select_n3A_3011 = arith.select %lt3A_3007, %add3A_3010, %broadcast_in_dim3A_3004 : vector<16xi1>, vector<16xi32>
      %broadcast_in_dim3A_3012 = vector.shape_cast %select_n3A_3011 : vector<16xi32> to vector<16x1xi32>
      %gather3A_3013 = vector.shape_cast %broadcast_in_dim3A_3012 : vector<16x1xi32> to vector<16xi32>
      %gather3A_3014 = tpu.dynamic_gather %select_n3A_2785[%gather3A_3013] in [0] : vector<16xf32>, vector<16xi32> -> vector<16xf32>
      %sub3A_3015 = arith.constant 1 : i32
      %sub3A_3016 = vector.broadcast %sub3A_3015 : i32 to vector<16xi32>
      %sub3A_3017 = arith.subi %iota3A, %sub3A_3016 : vector<16xi32>
      %max3A_3018 = arith.constant 0 : i32
      %max3A_3019 = vector.broadcast %max3A_3018 : i32 to vector<16xi32>
      %max3A_3020 = arith.maxsi %sub3A_3017, %max3A_3019 : vector<16xi32>
      %min3A_3021 = arith.constant 15 : i32
      %min3A_3022 = vector.broadcast %min3A_3021 : i32 to vector<16xi32>
      %min3A_3023 = arith.minsi %max3A_3020, %min3A_3022 : vector<16xi32>
      %lt3A_3024 = arith.constant 0 : i32
      %lt3A_3025 = vector.broadcast %lt3A_3024 : i32 to vector<16xi32>
      %lt3A_3026 = arith.cmpi slt, %min3A_3023, %lt3A_3025 : vector<16xi32>
      %add3A_3027 = arith.constant 16 : i32
      %add3A_3028 = vector.broadcast %add3A_3027 : i32 to vector<16xi32>
      %add3A_3029 = arith.addi %min3A_3023, %add3A_3028 : vector<16xi32>
      %select_n3A_3030 = arith.select %lt3A_3026, %add3A_3029, %min3A_3023 : vector<16xi1>, vector<16xi32>
      %broadcast_in_dim3A_3031 = vector.shape_cast %select_n3A_3030 : vector<16xi32> to vector<16x1xi32>
      %gather3A_3032 = vector.shape_cast %broadcast_in_dim3A_3031 : vector<16x1xi32> to vector<16xi32>
      %gather3A_3033 = tpu.dynamic_gather %select_n3A_2882[%gather3A_3032] in [0] : vector<16xf32>, vector<16xi32> -> vector<16xf32>
      %select_n3A_3034 = arith.select %lt3A_2970, %gather3A_3014, %gather3A_3033 : vector<16xi1>, vector<16xf32>
      %max3A_3035 = arith.maximumf %select_n3A_2882, %select_n3A_3034 : vector<16xf32>
      %add3A_3036 = arith.constant 1.000000e+00 : f32
      %add3A_3037 = vector.broadcast %add3A_3036 : f32 to vector<16xf32>
      %add3A_3038 = arith.addf %select_n3A_3002, %add3A_3037 : vector<16xf32>
      %sub3A_3039 = arith.subf %add3A_3038, %max3A_3035 : vector<16xf32>
      %mul3A_3040 = arith.mulf %gather3A_2967, %sub3A_3039 : vector<16xf32>
      %add3A_3041 = arith.addf %mul3A_3040, %max3A_3035 : vector<16xf32>
      %jit3A_3042 = arith.constant 0.000000e+00 : f32
      %broadcast_in_dim3A_3043 = vector.broadcast %jit3A_3042 : f32 to vector<16xf32>
      %select_n3A_3044 = arith.select %and3A_2957, %add3A_3041, %broadcast_in_dim3A_3043 : vector<16xi1>, vector<16xf32>
      %ge3A_3045 = arith.constant 7 : i32
      %ge3A_3046 = vector.broadcast %ge3A_3045 : i32 to vector<16xi32>
      %ge3A_3047 = arith.cmpi sge, %iota3A, %ge3A_3046 : vector<16xi32>
      %le3A_3048 = arith.constant 20 : i32
      %le3A_3049 = vector.broadcast %le3A_3048 : i32 to vector<16xi32>
      %le3A_3050 = arith.cmpi sle, %iota3A, %le3A_3049 : vector<16xi32>
      %and3A_3051 = arith.andi %ge3A_3047, %le3A_3050 : vector<16xi1>
      %add3A_3052 = arith.constant 27 : i32
      %add3A_3053 = vector.broadcast %add3A_3052 : i32 to vector<16xi32>
      %add3A_3054 = arith.addi %sub3A_100, %add3A_3053 : vector<16xi32>
      %max3A_3055 = arith.constant 0 : i32
      %max3A_3056 = vector.broadcast %max3A_3055 : i32 to vector<16xi32>
      %max3A_3057 = arith.maxsi %add3A_3054, %max3A_3056 : vector<16xi32>
      %min3A_3058 = arith.constant 399 : i32
      %min3A_3059 = vector.broadcast %min3A_3058 : i32 to vector<16xi32>
      %min3A_3060 = arith.minsi %max3A_3057, %min3A_3059 : vector<16xi32>
      %gather3A_3061 = tpu.vector_load_idx %arg7[%min3A_3060] : memref<400xf32, #tpu.memory_space<vmem>>[vector<16xi32>], vector<16xf32>,
      %sub3A_3062 = arith.constant 1 : i32
      %sub3A_3063 = vector.broadcast %sub3A_3062 : i32 to vector<16xi32>
      %sub3A_3064 = arith.subi %iota3A, %sub3A_3063 : vector<16xi32>
      %max3A_3065 = arith.constant 0 : i32
      %max3A_3066 = vector.broadcast %max3A_3065 : i32 to vector<16xi32>
      %max3A_3067 = arith.maxsi %sub3A_3064, %max3A_3066 : vector<16xi32>
      %min3A_3068 = arith.constant 15 : i32
      %min3A_3069 = vector.broadcast %min3A_3068 : i32 to vector<16xi32>
      %min3A_3070 = arith.minsi %max3A_3067, %min3A_3069 : vector<16xi32>
      %lt3A_3071 = arith.constant 0 : i32
      %lt3A_3072 = vector.broadcast %lt3A_3071 : i32 to vector<16xi32>
      %lt3A_3073 = arith.cmpi slt, %min3A_3070, %lt3A_3072 : vector<16xi32>
      %add3A_3074 = arith.constant 16 : i32
      %add3A_3075 = vector.broadcast %add3A_3074 : i32 to vector<16xi32>
      %add3A_3076 = arith.addi %min3A_3070, %add3A_3075 : vector<16xi32>
      %select_n3A_3077 = arith.select %lt3A_3073, %add3A_3076, %min3A_3070 : vector<16xi1>, vector<16xi32>
      %broadcast_in_dim3A_3078 = vector.shape_cast %select_n3A_3077 : vector<16xi32> to vector<16x1xi32>
      %gather3A_3079 = vector.shape_cast %broadcast_in_dim3A_3078 : vector<16x1xi32> to vector<16xi32>
      %gather3A_3080 = tpu.dynamic_gather %select_n3A_2947[%gather3A_3079] in [0] : vector<16xf32>, vector<16xi32> -> vector<16xf32>
      %max3A_3081 = arith.maximumf %select_n3A_2947, %gather3A_3080 : vector<16xf32>
      %sub3A_3082 = arith.constant 1 : i32
      %sub3A_3083 = vector.broadcast %sub3A_3082 : i32 to vector<16xi32>
      %sub3A_3084 = arith.subi %iota3A, %sub3A_3083 : vector<16xi32>
      %max3A_3085 = arith.constant 0 : i32
      %max3A_3086 = vector.broadcast %max3A_3085 : i32 to vector<16xi32>
      %max3A_3087 = arith.maxsi %sub3A_3084, %max3A_3086 : vector<16xi32>
      %min3A_3088 = arith.constant 15 : i32
      %min3A_3089 = vector.broadcast %min3A_3088 : i32 to vector<16xi32>
      %min3A_3090 = arith.minsi %max3A_3087, %min3A_3089 : vector<16xi32>
      %lt3A_3091 = arith.constant 0 : i32
      %lt3A_3092 = vector.broadcast %lt3A_3091 : i32 to vector<16xi32>
      %lt3A_3093 = arith.cmpi slt, %min3A_3090, %lt3A_3092 : vector<16xi32>
      %add3A_3094 = arith.constant 16 : i32
      %add3A_3095 = vector.broadcast %add3A_3094 : i32 to vector<16xi32>
      %add3A_3096 = arith.addi %min3A_3090, %add3A_3095 : vector<16xi32>
      %select_n3A_3097 = arith.select %lt3A_3093, %add3A_3096, %min3A_3090 : vector<16xi1>, vector<16xi32>
      %broadcast_in_dim3A_3098 = vector.shape_cast %select_n3A_3097 : vector<16xi32> to vector<16x1xi32>
      %gather3A_3099 = vector.shape_cast %broadcast_in_dim3A_3098 : vector<16x1xi32> to vector<16xi32>
      %gather3A_3100 = tpu.dynamic_gather %select_n3A_2785[%gather3A_3099] in [0] : vector<16xf32>, vector<16xi32> -> vector<16xf32>
      %add3A_3101 = arith.constant 1.000000e+00 : f32
      %add3A_3102 = vector.broadcast %add3A_3101 : f32 to vector<16xf32>
      %add3A_3103 = arith.addf %gather3A_3100, %add3A_3102 : vector<16xf32>
      %sub3A_3104 = arith.subf %add3A_3103, %max3A_3081 : vector<16xf32>
      %mul3A_3105 = arith.mulf %gather3A_3061, %sub3A_3104 : vector<16xf32>
      %add3A_3106 = arith.addf %mul3A_3105, %max3A_3081 : vector<16xf32>
      %jit3A_3107 = arith.constant 0.000000e+00 : f32
      %broadcast_in_dim3A_3108 = vector.broadcast %jit3A_3107 : f32 to vector<16xf32>
      %select_n3A_3109 = arith.select %and3A_3051, %add3A_3106, %broadcast_in_dim3A_3108 : vector<16xi1>, vector<16xf32>
      %add3A_3110 = arith.constant 16 : i32
      %add3A_3111 = vector.broadcast %add3A_3110 : i32 to vector<16xi32>
      %add3A_3112 = arith.addi %iota3A, %add3A_3111 : vector<16xi32>
      %ge3A_3113 = arith.constant 7 : i32
      %ge3A_3114 = vector.broadcast %ge3A_3113 : i32 to vector<16xi32>
      %ge3A_3115 = arith.cmpi sge, %add3A_3112, %ge3A_3114 : vector<16xi32>
      %le3A_3116 = arith.constant 20 : i32
      %le3A_3117 = vector.broadcast %le3A_3116 : i32 to vector<16xi32>
      %le3A_3118 = arith.cmpi sle, %add3A_3112, %le3A_3117 : vector<16xi32>
      %and3A_3119 = arith.andi %ge3A_3115, %le3A_3118 : vector<16xi1>
      %add3A_3120 = arith.constant 27 : i32
      %add3A_3121 = vector.broadcast %add3A_3120 : i32 to vector<16xi32>
      %add3A_3122 = arith.addi %sub3A_109, %add3A_3121 : vector<16xi32>
      %max3A_3123 = arith.constant 0 : i32
      %max3A_3124 = vector.broadcast %max3A_3123 : i32 to vector<16xi32>
      %max3A_3125 = arith.maxsi %add3A_3122, %max3A_3124 : vector<16xi32>
      %min3A_3126 = arith.constant 399 : i32
      %min3A_3127 = vector.broadcast %min3A_3126 : i32 to vector<16xi32>
      %min3A_3128 = arith.minsi %max3A_3125, %min3A_3127 : vector<16xi32>
      %gather3A_3129 = tpu.vector_load_idx %arg7[%min3A_3128] : memref<400xf32, #tpu.memory_space<vmem>>[vector<16xi32>], vector<16xf32>,
      %lt3A_3130 = arith.constant 1 : i32
      %lt3A_3131 = vector.broadcast %lt3A_3130 : i32 to vector<16xi32>
      %lt3A_3132 = arith.cmpi slt, %iota3A, %lt3A_3131 : vector<16xi32>
      %broadcast_in_dim3A_3133 = arith.constant 15 : i32
      %broadcast_in_dim3A_3134 = vector.broadcast %broadcast_in_dim3A_3133 : i32 to vector<16xi32>
      %lt3A_3135 = arith.constant 0 : i32
      %lt3A_3136 = vector.broadcast %lt3A_3135 : i32 to vector<16xi32>
      %lt3A_3137 = arith.cmpi slt, %broadcast_in_dim3A_3134, %lt3A_3136 : vector<16xi32>
      %add3A_3138 = arith.constant 16 : i32
      %add3A_3139 = vector.broadcast %add3A_3138 : i32 to vector<16xi32>
      %add3A_3140 = arith.addi %broadcast_in_dim3A_3134, %add3A_3139 : vector<16xi32>
      %select_n3A_3141 = arith.select %lt3A_3137, %add3A_3140, %broadcast_in_dim3A_3134 : vector<16xi1>, vector<16xi32>
      %broadcast_in_dim3A_3142 = vector.shape_cast %select_n3A_3141 : vector<16xi32> to vector<16x1xi32>
      %gather3A_3143 = vector.shape_cast %broadcast_in_dim3A_3142 : vector<16x1xi32> to vector<16xi32>
      %gather3A_3144 = tpu.dynamic_gather %select_n3A_2785[%gather3A_3143] in [0] : vector<16xf32>, vector<16xi32> -> vector<16xf32>
      %sub3A_3145 = arith.constant 1 : i32
      %sub3A_3146 = vector.broadcast %sub3A_3145 : i32 to vector<16xi32>
      %sub3A_3147 = arith.subi %iota3A, %sub3A_3146 : vector<16xi32>
      %max3A_3148 = arith.constant 0 : i32
      %max3A_3149 = vector.broadcast %max3A_3148 : i32 to vector<16xi32>
      %max3A_3150 = arith.maxsi %sub3A_3147, %max3A_3149 : vector<16xi32>
      %min3A_3151 = arith.constant 15 : i32
      %min3A_3152 = vector.broadcast %min3A_3151 : i32 to vector<16xi32>
      %min3A_3153 = arith.minsi %max3A_3150, %min3A_3152 : vector<16xi32>
      %lt3A_3154 = arith.constant 0 : i32
      %lt3A_3155 = vector.broadcast %lt3A_3154 : i32 to vector<16xi32>
      %lt3A_3156 = arith.cmpi slt, %min3A_3153, %lt3A_3155 : vector<16xi32>
      %add3A_3157 = arith.constant 16 : i32
      %add3A_3158 = vector.broadcast %add3A_3157 : i32 to vector<16xi32>
      %add3A_3159 = arith.addi %min3A_3153, %add3A_3158 : vector<16xi32>
      %select_n3A_3160 = arith.select %lt3A_3156, %add3A_3159, %min3A_3153 : vector<16xi1>, vector<16xi32>
      %broadcast_in_dim3A_3161 = vector.shape_cast %select_n3A_3160 : vector<16xi32> to vector<16x1xi32>
      %gather3A_3162 = vector.shape_cast %broadcast_in_dim3A_3161 : vector<16x1xi32> to vector<16xi32>
      %gather3A_3163 = tpu.dynamic_gather %select_n3A_2882[%gather3A_3162] in [0] : vector<16xf32>, vector<16xi32> -> vector<16xf32>
      %select_n3A_3164 = arith.select %lt3A_3132, %gather3A_3144, %gather3A_3163 : vector<16xi1>, vector<16xf32>
      %broadcast_in_dim3A_3165 = arith.constant 15 : i32
      %broadcast_in_dim3A_3166 = vector.broadcast %broadcast_in_dim3A_3165 : i32 to vector<16xi32>
      %lt3A_3167 = arith.constant 0 : i32
      %lt3A_3168 = vector.broadcast %lt3A_3167 : i32 to vector<16xi32>
      %lt3A_3169 = arith.cmpi slt, %broadcast_in_dim3A_3166, %lt3A_3168 : vector<16xi32>
      %add3A_3170 = arith.constant 16 : i32
      %add3A_3171 = vector.broadcast %add3A_3170 : i32 to vector<16xi32>
      %add3A_3172 = arith.addi %broadcast_in_dim3A_3166, %add3A_3171 : vector<16xi32>
      %select_n3A_3173 = arith.select %lt3A_3169, %add3A_3172, %broadcast_in_dim3A_3166 : vector<16xi1>, vector<16xi32>
      %broadcast_in_dim3A_3174 = vector.shape_cast %select_n3A_3173 : vector<16xi32> to vector<16x1xi32>
      %gather3A_3175 = vector.shape_cast %broadcast_in_dim3A_3174 : vector<16x1xi32> to vector<16xi32>
      %gather3A_3176 = tpu.dynamic_gather %select_n3A_2947[%gather3A_3175] in [0] : vector<16xf32>, vector<16xi32> -> vector<16xf32>
      %sub3A_3177 = arith.constant 1 : i32
      %sub3A_3178 = vector.broadcast %sub3A_3177 : i32 to vector<16xi32>
      %sub3A_3179 = arith.subi %iota3A, %sub3A_3178 : vector<16xi32>
      %max3A_3180 = arith.constant 0 : i32
      %max3A_3181 = vector.broadcast %max3A_3180 : i32 to vector<16xi32>
      %max3A_3182 = arith.maxsi %sub3A_3179, %max3A_3181 : vector<16xi32>
      %min3A_3183 = arith.constant 15 : i32
      %min3A_3184 = vector.broadcast %min3A_3183 : i32 to vector<16xi32>
      %min3A_3185 = arith.minsi %max3A_3182, %min3A_3184 : vector<16xi32>
      %lt3A_3186 = arith.constant 0 : i32
      %lt3A_3187 = vector.broadcast %lt3A_3186 : i32 to vector<16xi32>
      %lt3A_3188 = arith.cmpi slt, %min3A_3185, %lt3A_3187 : vector<16xi32>
      %add3A_3189 = arith.constant 16 : i32
      %add3A_3190 = vector.broadcast %add3A_3189 : i32 to vector<16xi32>
      %add3A_3191 = arith.addi %min3A_3185, %add3A_3190 : vector<16xi32>
      %select_n3A_3192 = arith.select %lt3A_3188, %add3A_3191, %min3A_3185 : vector<16xi1>, vector<16xi32>
      %broadcast_in_dim3A_3193 = vector.shape_cast %select_n3A_3192 : vector<16xi32> to vector<16x1xi32>
      %gather3A_3194 = vector.shape_cast %broadcast_in_dim3A_3193 : vector<16x1xi32> to vector<16xi32>
      %gather3A_3195 = tpu.dynamic_gather %select_n3A_3044[%gather3A_3194] in [0] : vector<16xf32>, vector<16xi32> -> vector<16xf32>
      %select_n3A_3196 = arith.select %lt3A_3132, %gather3A_3176, %gather3A_3195 : vector<16xi1>, vector<16xf32>
      %max3A_3197 = arith.maximumf %select_n3A_3044, %select_n3A_3196 : vector<16xf32>
      %add3A_3198 = arith.constant 1.000000e+00 : f32
      %add3A_3199 = vector.broadcast %add3A_3198 : f32 to vector<16xf32>
      %add3A_3200 = arith.addf %select_n3A_3164, %add3A_3199 : vector<16xf32>
      %sub3A_3201 = arith.subf %add3A_3200, %max3A_3197 : vector<16xf32>
      %mul3A_3202 = arith.mulf %gather3A_3129, %sub3A_3201 : vector<16xf32>
      %add3A_3203 = arith.addf %mul3A_3202, %max3A_3197 : vector<16xf32>
      %jit3A_3204 = arith.constant 0.000000e+00 : f32
      %broadcast_in_dim3A_3205 = vector.broadcast %jit3A_3204 : f32 to vector<16xf32>
      %select_n3A_3206 = arith.select %and3A_3119, %add3A_3203, %broadcast_in_dim3A_3205 : vector<16xi1>, vector<16xf32>
      %ge3A_3207 = arith.constant 8 : i32
      %ge3A_3208 = vector.broadcast %ge3A_3207 : i32 to vector<16xi32>
      %ge3A_3209 = arith.cmpi sge, %iota3A, %ge3A_3208 : vector<16xi32>
      %le3A_3210 = arith.constant 20 : i32
      %le3A_3211 = vector.broadcast %le3A_3210 : i32 to vector<16xi32>
      %le3A_3212 = arith.cmpi sle, %iota3A, %le3A_3211 : vector<16xi32>
      %and3A_3213 = arith.andi %ge3A_3209, %le3A_3212 : vector<16xi1>
      %add3A_3214 = arith.constant 28 : i32
      %add3A_3215 = vector.broadcast %add3A_3214 : i32 to vector<16xi32>
      %add3A_3216 = arith.addi %sub3A_100, %add3A_3215 : vector<16xi32>
      %max3A_3217 = arith.constant 0 : i32
      %max3A_3218 = vector.broadcast %max3A_3217 : i32 to vector<16xi32>
      %max3A_3219 = arith.maxsi %add3A_3216, %max3A_3218 : vector<16xi32>
      %min3A_3220 = arith.constant 399 : i32
      %min3A_3221 = vector.broadcast %min3A_3220 : i32 to vector<16xi32>
      %min3A_3222 = arith.minsi %max3A_3219, %min3A_3221 : vector<16xi32>
      %gather3A_3223 = tpu.vector_load_idx %arg7[%min3A_3222] : memref<400xf32, #tpu.memory_space<vmem>>[vector<16xi32>], vector<16xf32>,
      %sub3A_3224 = arith.constant 1 : i32
      %sub3A_3225 = vector.broadcast %sub3A_3224 : i32 to vector<16xi32>
      %sub3A_3226 = arith.subi %iota3A, %sub3A_3225 : vector<16xi32>
      %max3A_3227 = arith.constant 0 : i32
      %max3A_3228 = vector.broadcast %max3A_3227 : i32 to vector<16xi32>
      %max3A_3229 = arith.maxsi %sub3A_3226, %max3A_3228 : vector<16xi32>
      %min3A_3230 = arith.constant 15 : i32
      %min3A_3231 = vector.broadcast %min3A_3230 : i32 to vector<16xi32>
      %min3A_3232 = arith.minsi %max3A_3229, %min3A_3231 : vector<16xi32>
      %lt3A_3233 = arith.constant 0 : i32
      %lt3A_3234 = vector.broadcast %lt3A_3233 : i32 to vector<16xi32>
      %lt3A_3235 = arith.cmpi slt, %min3A_3232, %lt3A_3234 : vector<16xi32>
      %add3A_3236 = arith.constant 16 : i32
      %add3A_3237 = vector.broadcast %add3A_3236 : i32 to vector<16xi32>
      %add3A_3238 = arith.addi %min3A_3232, %add3A_3237 : vector<16xi32>
      %select_n3A_3239 = arith.select %lt3A_3235, %add3A_3238, %min3A_3232 : vector<16xi1>, vector<16xi32>
      %broadcast_in_dim3A_3240 = vector.shape_cast %select_n3A_3239 : vector<16xi32> to vector<16x1xi32>
      %gather3A_3241 = vector.shape_cast %broadcast_in_dim3A_3240 : vector<16x1xi32> to vector<16xi32>
      %gather3A_3242 = tpu.dynamic_gather %select_n3A_3109[%gather3A_3241] in [0] : vector<16xf32>, vector<16xi32> -> vector<16xf32>
      %max3A_3243 = arith.maximumf %select_n3A_3109, %gather3A_3242 : vector<16xf32>
      %sub3A_3244 = arith.constant 1 : i32
      %sub3A_3245 = vector.broadcast %sub3A_3244 : i32 to vector<16xi32>
      %sub3A_3246 = arith.subi %iota3A, %sub3A_3245 : vector<16xi32>
      %max3A_3247 = arith.constant 0 : i32
      %max3A_3248 = vector.broadcast %max3A_3247 : i32 to vector<16xi32>
      %max3A_3249 = arith.maxsi %sub3A_3246, %max3A_3248 : vector<16xi32>
      %min3A_3250 = arith.constant 15 : i32
      %min3A_3251 = vector.broadcast %min3A_3250 : i32 to vector<16xi32>
      %min3A_3252 = arith.minsi %max3A_3249, %min3A_3251 : vector<16xi32>
      %lt3A_3253 = arith.constant 0 : i32
      %lt3A_3254 = vector.broadcast %lt3A_3253 : i32 to vector<16xi32>
      %lt3A_3255 = arith.cmpi slt, %min3A_3252, %lt3A_3254 : vector<16xi32>
      %add3A_3256 = arith.constant 16 : i32
      %add3A_3257 = vector.broadcast %add3A_3256 : i32 to vector<16xi32>
      %add3A_3258 = arith.addi %min3A_3252, %add3A_3257 : vector<16xi32>
      %select_n3A_3259 = arith.select %lt3A_3255, %add3A_3258, %min3A_3252 : vector<16xi1>, vector<16xi32>
      %broadcast_in_dim3A_3260 = vector.shape_cast %select_n3A_3259 : vector<16xi32> to vector<16x1xi32>
      %gather3A_3261 = vector.shape_cast %broadcast_in_dim3A_3260 : vector<16x1xi32> to vector<16xi32>
      %gather3A_3262 = tpu.dynamic_gather %select_n3A_2947[%gather3A_3261] in [0] : vector<16xf32>, vector<16xi32> -> vector<16xf32>
      %add3A_3263 = arith.constant 1.000000e+00 : f32
      %add3A_3264 = vector.broadcast %add3A_3263 : f32 to vector<16xf32>
      %add3A_3265 = arith.addf %gather3A_3262, %add3A_3264 : vector<16xf32>
      %sub3A_3266 = arith.subf %add3A_3265, %max3A_3243 : vector<16xf32>
      %mul3A_3267 = arith.mulf %gather3A_3223, %sub3A_3266 : vector<16xf32>
      %add3A_3268 = arith.addf %mul3A_3267, %max3A_3243 : vector<16xf32>
      %jit3A_3269 = arith.constant 0.000000e+00 : f32
      %broadcast_in_dim3A_3270 = vector.broadcast %jit3A_3269 : f32 to vector<16xf32>
      %select_n3A_3271 = arith.select %and3A_3213, %add3A_3268, %broadcast_in_dim3A_3270 : vector<16xi1>, vector<16xf32>
      %add3A_3272 = arith.constant 16 : i32
      %add3A_3273 = vector.broadcast %add3A_3272 : i32 to vector<16xi32>
      %add3A_3274 = arith.addi %iota3A, %add3A_3273 : vector<16xi32>
      %ge3A_3275 = arith.constant 8 : i32
      %ge3A_3276 = vector.broadcast %ge3A_3275 : i32 to vector<16xi32>
      %ge3A_3277 = arith.cmpi sge, %add3A_3274, %ge3A_3276 : vector<16xi32>
      %le3A_3278 = arith.constant 20 : i32
      %le3A_3279 = vector.broadcast %le3A_3278 : i32 to vector<16xi32>
      %le3A_3280 = arith.cmpi sle, %add3A_3274, %le3A_3279 : vector<16xi32>
      %and3A_3281 = arith.andi %ge3A_3277, %le3A_3280 : vector<16xi1>
      %add3A_3282 = arith.constant 28 : i32
      %add3A_3283 = vector.broadcast %add3A_3282 : i32 to vector<16xi32>
      %add3A_3284 = arith.addi %sub3A_109, %add3A_3283 : vector<16xi32>
      %max3A_3285 = arith.constant 0 : i32
      %max3A_3286 = vector.broadcast %max3A_3285 : i32 to vector<16xi32>
      %max3A_3287 = arith.maxsi %add3A_3284, %max3A_3286 : vector<16xi32>
      %min3A_3288 = arith.constant 399 : i32
      %min3A_3289 = vector.broadcast %min3A_3288 : i32 to vector<16xi32>
      %min3A_3290 = arith.minsi %max3A_3287, %min3A_3289 : vector<16xi32>
      %gather3A_3291 = tpu.vector_load_idx %arg7[%min3A_3290] : memref<400xf32, #tpu.memory_space<vmem>>[vector<16xi32>], vector<16xf32>,
      %lt3A_3292 = arith.constant 1 : i32
      %lt3A_3293 = vector.broadcast %lt3A_3292 : i32 to vector<16xi32>
      %lt3A_3294 = arith.cmpi slt, %iota3A, %lt3A_3293 : vector<16xi32>
      %broadcast_in_dim3A_3295 = arith.constant 15 : i32
      %broadcast_in_dim3A_3296 = vector.broadcast %broadcast_in_dim3A_3295 : i32 to vector<16xi32>
      %lt3A_3297 = arith.constant 0 : i32
      %lt3A_3298 = vector.broadcast %lt3A_3297 : i32 to vector<16xi32>
      %lt3A_3299 = arith.cmpi slt, %broadcast_in_dim3A_3296, %lt3A_3298 : vector<16xi32>
      %add3A_3300 = arith.constant 16 : i32
      %add3A_3301 = vector.broadcast %add3A_3300 : i32 to vector<16xi32>
      %add3A_3302 = arith.addi %broadcast_in_dim3A_3296, %add3A_3301 : vector<16xi32>
      %select_n3A_3303 = arith.select %lt3A_3299, %add3A_3302, %broadcast_in_dim3A_3296 : vector<16xi1>, vector<16xi32>
      %broadcast_in_dim3A_3304 = vector.shape_cast %select_n3A_3303 : vector<16xi32> to vector<16x1xi32>
      %gather3A_3305 = vector.shape_cast %broadcast_in_dim3A_3304 : vector<16x1xi32> to vector<16xi32>
      %gather3A_3306 = tpu.dynamic_gather %select_n3A_2947[%gather3A_3305] in [0] : vector<16xf32>, vector<16xi32> -> vector<16xf32>
      %sub3A_3307 = arith.constant 1 : i32
      %sub3A_3308 = vector.broadcast %sub3A_3307 : i32 to vector<16xi32>
      %sub3A_3309 = arith.subi %iota3A, %sub3A_3308 : vector<16xi32>
      %max3A_3310 = arith.constant 0 : i32
      %max3A_3311 = vector.broadcast %max3A_3310 : i32 to vector<16xi32>
      %max3A_3312 = arith.maxsi %sub3A_3309, %max3A_3311 : vector<16xi32>
      %min3A_3313 = arith.constant 15 : i32
      %min3A_3314 = vector.broadcast %min3A_3313 : i32 to vector<16xi32>
      %min3A_3315 = arith.minsi %max3A_3312, %min3A_3314 : vector<16xi32>
      %lt3A_3316 = arith.constant 0 : i32
      %lt3A_3317 = vector.broadcast %lt3A_3316 : i32 to vector<16xi32>
      %lt3A_3318 = arith.cmpi slt, %min3A_3315, %lt3A_3317 : vector<16xi32>
      %add3A_3319 = arith.constant 16 : i32
      %add3A_3320 = vector.broadcast %add3A_3319 : i32 to vector<16xi32>
      %add3A_3321 = arith.addi %min3A_3315, %add3A_3320 : vector<16xi32>
      %select_n3A_3322 = arith.select %lt3A_3318, %add3A_3321, %min3A_3315 : vector<16xi1>, vector<16xi32>
      %broadcast_in_dim3A_3323 = vector.shape_cast %select_n3A_3322 : vector<16xi32> to vector<16x1xi32>
      %gather3A_3324 = vector.shape_cast %broadcast_in_dim3A_3323 : vector<16x1xi32> to vector<16xi32>
      %gather3A_3325 = tpu.dynamic_gather %select_n3A_3044[%gather3A_3324] in [0] : vector<16xf32>, vector<16xi32> -> vector<16xf32>
      %select_n3A_3326 = arith.select %lt3A_3294, %gather3A_3306, %gather3A_3325 : vector<16xi1>, vector<16xf32>
      %broadcast_in_dim3A_3327 = arith.constant 15 : i32
      %broadcast_in_dim3A_3328 = vector.broadcast %broadcast_in_dim3A_3327 : i32 to vector<16xi32>
      %lt3A_3329 = arith.constant 0 : i32
      %lt3A_3330 = vector.broadcast %lt3A_3329 : i32 to vector<16xi32>
      %lt3A_3331 = arith.cmpi slt, %broadcast_in_dim3A_3328, %lt3A_3330 : vector<16xi32>
      %add3A_3332 = arith.constant 16 : i32
      %add3A_3333 = vector.broadcast %add3A_3332 : i32 to vector<16xi32>
      %add3A_3334 = arith.addi %broadcast_in_dim3A_3328, %add3A_3333 : vector<16xi32>
      %select_n3A_3335 = arith.select %lt3A_3331, %add3A_3334, %broadcast_in_dim3A_3328 : vector<16xi1>, vector<16xi32>
      %broadcast_in_dim3A_3336 = vector.shape_cast %select_n3A_3335 : vector<16xi32> to vector<16x1xi32>
      %gather3A_3337 = vector.shape_cast %broadcast_in_dim3A_3336 : vector<16x1xi32> to vector<16xi32>
      %gather3A_3338 = tpu.dynamic_gather %select_n3A_3109[%gather3A_3337] in [0] : vector<16xf32>, vector<16xi32> -> vector<16xf32>
      %sub3A_3339 = arith.constant 1 : i32
      %sub3A_3340 = vector.broadcast %sub3A_3339 : i32 to vector<16xi32>
      %sub3A_3341 = arith.subi %iota3A, %sub3A_3340 : vector<16xi32>
      %max3A_3342 = arith.constant 0 : i32
      %max3A_3343 = vector.broadcast %max3A_3342 : i32 to vector<16xi32>
      %max3A_3344 = arith.maxsi %sub3A_3341, %max3A_3343 : vector<16xi32>
      %min3A_3345 = arith.constant 15 : i32
      %min3A_3346 = vector.broadcast %min3A_3345 : i32 to vector<16xi32>
      %min3A_3347 = arith.minsi %max3A_3344, %min3A_3346 : vector<16xi32>
      %lt3A_3348 = arith.constant 0 : i32
      %lt3A_3349 = vector.broadcast %lt3A_3348 : i32 to vector<16xi32>
      %lt3A_3350 = arith.cmpi slt, %min3A_3347, %lt3A_3349 : vector<16xi32>
      %add3A_3351 = arith.constant 16 : i32
      %add3A_3352 = vector.broadcast %add3A_3351 : i32 to vector<16xi32>
      %add3A_3353 = arith.addi %min3A_3347, %add3A_3352 : vector<16xi32>
      %select_n3A_3354 = arith.select %lt3A_3350, %add3A_3353, %min3A_3347 : vector<16xi1>, vector<16xi32>
      %broadcast_in_dim3A_3355 = vector.shape_cast %select_n3A_3354 : vector<16xi32> to vector<16x1xi32>
      %gather3A_3356 = vector.shape_cast %broadcast_in_dim3A_3355 : vector<16x1xi32> to vector<16xi32>
      %gather3A_3357 = tpu.dynamic_gather %select_n3A_3206[%gather3A_3356] in [0] : vector<16xf32>, vector<16xi32> -> vector<16xf32>
      %select_n3A_3358 = arith.select %lt3A_3294, %gather3A_3338, %gather3A_3357 : vector<16xi1>, vector<16xf32>
      %max3A_3359 = arith.maximumf %select_n3A_3206, %select_n3A_3358 : vector<16xf32>
      %add3A_3360 = arith.constant 1.000000e+00 : f32
      %add3A_3361 = vector.broadcast %add3A_3360 : f32 to vector<16xf32>
      %add3A_3362 = arith.addf %select_n3A_3326, %add3A_3361 : vector<16xf32>
      %sub3A_3363 = arith.subf %add3A_3362, %max3A_3359 : vector<16xf32>
      %mul3A_3364 = arith.mulf %gather3A_3291, %sub3A_3363 : vector<16xf32>
      %add3A_3365 = arith.addf %mul3A_3364, %max3A_3359 : vector<16xf32>
      %jit3A_3366 = arith.constant 0.000000e+00 : f32
      %broadcast_in_dim3A_3367 = vector.broadcast %jit3A_3366 : f32 to vector<16xf32>
      %select_n3A_3368 = arith.select %and3A_3281, %add3A_3365, %broadcast_in_dim3A_3367 : vector<16xi1>, vector<16xf32>
      %ge3A_3369 = arith.constant 9 : i32
      %ge3A_3370 = vector.broadcast %ge3A_3369 : i32 to vector<16xi32>
      %ge3A_3371 = arith.cmpi sge, %iota3A, %ge3A_3370 : vector<16xi32>
      %le3A_3372 = arith.constant 20 : i32
      %le3A_3373 = vector.broadcast %le3A_3372 : i32 to vector<16xi32>
      %le3A_3374 = arith.cmpi sle, %iota3A, %le3A_3373 : vector<16xi32>
      %and3A_3375 = arith.andi %ge3A_3371, %le3A_3374 : vector<16xi1>
      %add3A_3376 = arith.constant 29 : i32
      %add3A_3377 = vector.broadcast %add3A_3376 : i32 to vector<16xi32>
      %add3A_3378 = arith.addi %sub3A_100, %add3A_3377 : vector<16xi32>
      %max3A_3379 = arith.constant 0 : i32
      %max3A_3380 = vector.broadcast %max3A_3379 : i32 to vector<16xi32>
      %max3A_3381 = arith.maxsi %add3A_3378, %max3A_3380 : vector<16xi32>
      %min3A_3382 = arith.constant 399 : i32
      %min3A_3383 = vector.broadcast %min3A_3382 : i32 to vector<16xi32>
      %min3A_3384 = arith.minsi %max3A_3381, %min3A_3383 : vector<16xi32>
      %gather3A_3385 = tpu.vector_load_idx %arg7[%min3A_3384] : memref<400xf32, #tpu.memory_space<vmem>>[vector<16xi32>], vector<16xf32>,
      %sub3A_3386 = arith.constant 1 : i32
      %sub3A_3387 = vector.broadcast %sub3A_3386 : i32 to vector<16xi32>
      %sub3A_3388 = arith.subi %iota3A, %sub3A_3387 : vector<16xi32>
      %max3A_3389 = arith.constant 0 : i32
      %max3A_3390 = vector.broadcast %max3A_3389 : i32 to vector<16xi32>
      %max3A_3391 = arith.maxsi %sub3A_3388, %max3A_3390 : vector<16xi32>
      %min3A_3392 = arith.constant 15 : i32
      %min3A_3393 = vector.broadcast %min3A_3392 : i32 to vector<16xi32>
      %min3A_3394 = arith.minsi %max3A_3391, %min3A_3393 : vector<16xi32>
      %lt3A_3395 = arith.constant 0 : i32
      %lt3A_3396 = vector.broadcast %lt3A_3395 : i32 to vector<16xi32>
      %lt3A_3397 = arith.cmpi slt, %min3A_3394, %lt3A_3396 : vector<16xi32>
      %add3A_3398 = arith.constant 16 : i32
      %add3A_3399 = vector.broadcast %add3A_3398 : i32 to vector<16xi32>
      %add3A_3400 = arith.addi %min3A_3394, %add3A_3399 : vector<16xi32>
      %select_n3A_3401 = arith.select %lt3A_3397, %add3A_3400, %min3A_3394 : vector<16xi1>, vector<16xi32>
      %broadcast_in_dim3A_3402 = vector.shape_cast %select_n3A_3401 : vector<16xi32> to vector<16x1xi32>
      %gather3A_3403 = vector.shape_cast %broadcast_in_dim3A_3402 : vector<16x1xi32> to vector<16xi32>
      %gather3A_3404 = tpu.dynamic_gather %select_n3A_3271[%gather3A_3403] in [0] : vector<16xf32>, vector<16xi32> -> vector<16xf32>
      %max3A_3405 = arith.maximumf %select_n3A_3271, %gather3A_3404 : vector<16xf32>
      %sub3A_3406 = arith.constant 1 : i32
      %sub3A_3407 = vector.broadcast %sub3A_3406 : i32 to vector<16xi32>
      %sub3A_3408 = arith.subi %iota3A, %sub3A_3407 : vector<16xi32>
      %max3A_3409 = arith.constant 0 : i32
      %max3A_3410 = vector.broadcast %max3A_3409 : i32 to vector<16xi32>
      %max3A_3411 = arith.maxsi %sub3A_3408, %max3A_3410 : vector<16xi32>
      %min3A_3412 = arith.constant 15 : i32
      %min3A_3413 = vector.broadcast %min3A_3412 : i32 to vector<16xi32>
      %min3A_3414 = arith.minsi %max3A_3411, %min3A_3413 : vector<16xi32>
      %lt3A_3415 = arith.constant 0 : i32
      %lt3A_3416 = vector.broadcast %lt3A_3415 : i32 to vector<16xi32>
      %lt3A_3417 = arith.cmpi slt, %min3A_3414, %lt3A_3416 : vector<16xi32>
      %add3A_3418 = arith.constant 16 : i32
      %add3A_3419 = vector.broadcast %add3A_3418 : i32 to vector<16xi32>
      %add3A_3420 = arith.addi %min3A_3414, %add3A_3419 : vector<16xi32>
      %select_n3A_3421 = arith.select %lt3A_3417, %add3A_3420, %min3A_3414 : vector<16xi1>, vector<16xi32>
      %broadcast_in_dim3A_3422 = vector.shape_cast %select_n3A_3421 : vector<16xi32> to vector<16x1xi32>
      %gather3A_3423 = vector.shape_cast %broadcast_in_dim3A_3422 : vector<16x1xi32> to vector<16xi32>
      %gather3A_3424 = tpu.dynamic_gather %select_n3A_3109[%gather3A_3423] in [0] : vector<16xf32>, vector<16xi32> -> vector<16xf32>
      %add3A_3425 = arith.constant 1.000000e+00 : f32
      %add3A_3426 = vector.broadcast %add3A_3425 : f32 to vector<16xf32>
      %add3A_3427 = arith.addf %gather3A_3424, %add3A_3426 : vector<16xf32>
      %sub3A_3428 = arith.subf %add3A_3427, %max3A_3405 : vector<16xf32>
      %mul3A_3429 = arith.mulf %gather3A_3385, %sub3A_3428 : vector<16xf32>
      %add3A_3430 = arith.addf %mul3A_3429, %max3A_3405 : vector<16xf32>
      %jit3A_3431 = arith.constant 0.000000e+00 : f32
      %broadcast_in_dim3A_3432 = vector.broadcast %jit3A_3431 : f32 to vector<16xf32>
      %select_n3A_3433 = arith.select %and3A_3375, %add3A_3430, %broadcast_in_dim3A_3432 : vector<16xi1>, vector<16xf32>
      %add3A_3434 = arith.constant 16 : i32
      %add3A_3435 = vector.broadcast %add3A_3434 : i32 to vector<16xi32>
      %add3A_3436 = arith.addi %iota3A, %add3A_3435 : vector<16xi32>
      %ge3A_3437 = arith.constant 9 : i32
      %ge3A_3438 = vector.broadcast %ge3A_3437 : i32 to vector<16xi32>
      %ge3A_3439 = arith.cmpi sge, %add3A_3436, %ge3A_3438 : vector<16xi32>
      %le3A_3440 = arith.constant 20 : i32
      %le3A_3441 = vector.broadcast %le3A_3440 : i32 to vector<16xi32>
      %le3A_3442 = arith.cmpi sle, %add3A_3436, %le3A_3441 : vector<16xi32>
      %and3A_3443 = arith.andi %ge3A_3439, %le3A_3442 : vector<16xi1>
      %add3A_3444 = arith.constant 29 : i32
      %add3A_3445 = vector.broadcast %add3A_3444 : i32 to vector<16xi32>
      %add3A_3446 = arith.addi %sub3A_109, %add3A_3445 : vector<16xi32>
      %max3A_3447 = arith.constant 0 : i32
      %max3A_3448 = vector.broadcast %max3A_3447 : i32 to vector<16xi32>
      %max3A_3449 = arith.maxsi %add3A_3446, %max3A_3448 : vector<16xi32>
      %min3A_3450 = arith.constant 399 : i32
      %min3A_3451 = vector.broadcast %min3A_3450 : i32 to vector<16xi32>
      %min3A_3452 = arith.minsi %max3A_3449, %min3A_3451 : vector<16xi32>
      %gather3A_3453 = tpu.vector_load_idx %arg7[%min3A_3452] : memref<400xf32, #tpu.memory_space<vmem>>[vector<16xi32>], vector<16xf32>,
      %lt3A_3454 = arith.constant 1 : i32
      %lt3A_3455 = vector.broadcast %lt3A_3454 : i32 to vector<16xi32>
      %lt3A_3456 = arith.cmpi slt, %iota3A, %lt3A_3455 : vector<16xi32>
      %broadcast_in_dim3A_3457 = arith.constant 15 : i32
      %broadcast_in_dim3A_3458 = vector.broadcast %broadcast_in_dim3A_3457 : i32 to vector<16xi32>
      %lt3A_3459 = arith.constant 0 : i32
      %lt3A_3460 = vector.broadcast %lt3A_3459 : i32 to vector<16xi32>
      %lt3A_3461 = arith.cmpi slt, %broadcast_in_dim3A_3458, %lt3A_3460 : vector<16xi32>
      %add3A_3462 = arith.constant 16 : i32
      %add3A_3463 = vector.broadcast %add3A_3462 : i32 to vector<16xi32>
      %add3A_3464 = arith.addi %broadcast_in_dim3A_3458, %add3A_3463 : vector<16xi32>
      %select_n3A_3465 = arith.select %lt3A_3461, %add3A_3464, %broadcast_in_dim3A_3458 : vector<16xi1>, vector<16xi32>
      %broadcast_in_dim3A_3466 = vector.shape_cast %select_n3A_3465 : vector<16xi32> to vector<16x1xi32>
      %gather3A_3467 = vector.shape_cast %broadcast_in_dim3A_3466 : vector<16x1xi32> to vector<16xi32>
      %gather3A_3468 = tpu.dynamic_gather %select_n3A_3109[%gather3A_3467] in [0] : vector<16xf32>, vector<16xi32> -> vector<16xf32>
      %sub3A_3469 = arith.constant 1 : i32
      %sub3A_3470 = vector.broadcast %sub3A_3469 : i32 to vector<16xi32>
      %sub3A_3471 = arith.subi %iota3A, %sub3A_3470 : vector<16xi32>
      %max3A_3472 = arith.constant 0 : i32
      %max3A_3473 = vector.broadcast %max3A_3472 : i32 to vector<16xi32>
      %max3A_3474 = arith.maxsi %sub3A_3471, %max3A_3473 : vector<16xi32>
      %min3A_3475 = arith.constant 15 : i32
      %min3A_3476 = vector.broadcast %min3A_3475 : i32 to vector<16xi32>
      %min3A_3477 = arith.minsi %max3A_3474, %min3A_3476 : vector<16xi32>
      %lt3A_3478 = arith.constant 0 : i32
      %lt3A_3479 = vector.broadcast %lt3A_3478 : i32 to vector<16xi32>
      %lt3A_3480 = arith.cmpi slt, %min3A_3477, %lt3A_3479 : vector<16xi32>
      %add3A_3481 = arith.constant 16 : i32
      %add3A_3482 = vector.broadcast %add3A_3481 : i32 to vector<16xi32>
      %add3A_3483 = arith.addi %min3A_3477, %add3A_3482 : vector<16xi32>
      %select_n3A_3484 = arith.select %lt3A_3480, %add3A_3483, %min3A_3477 : vector<16xi1>, vector<16xi32>
      %broadcast_in_dim3A_3485 = vector.shape_cast %select_n3A_3484 : vector<16xi32> to vector<16x1xi32>
      %gather3A_3486 = vector.shape_cast %broadcast_in_dim3A_3485 : vector<16x1xi32> to vector<16xi32>
      %gather3A_3487 = tpu.dynamic_gather %select_n3A_3206[%gather3A_3486] in [0] : vector<16xf32>, vector<16xi32> -> vector<16xf32>
      %select_n3A_3488 = arith.select %lt3A_3456, %gather3A_3468, %gather3A_3487 : vector<16xi1>, vector<16xf32>
      %broadcast_in_dim3A_3489 = arith.constant 15 : i32
      %broadcast_in_dim3A_3490 = vector.broadcast %broadcast_in_dim3A_3489 : i32 to vector<16xi32>
      %lt3A_3491 = arith.constant 0 : i32
      %lt3A_3492 = vector.broadcast %lt3A_3491 : i32 to vector<16xi32>
      %lt3A_3493 = arith.cmpi slt, %broadcast_in_dim3A_3490, %lt3A_3492 : vector<16xi32>
      %add3A_3494 = arith.constant 16 : i32
      %add3A_3495 = vector.broadcast %add3A_3494 : i32 to vector<16xi32>
      %add3A_3496 = arith.addi %broadcast_in_dim3A_3490, %add3A_3495 : vector<16xi32>
      %select_n3A_3497 = arith.select %lt3A_3493, %add3A_3496, %broadcast_in_dim3A_3490 : vector<16xi1>, vector<16xi32>
      %broadcast_in_dim3A_3498 = vector.shape_cast %select_n3A_3497 : vector<16xi32> to vector<16x1xi32>
      %gather3A_3499 = vector.shape_cast %broadcast_in_dim3A_3498 : vector<16x1xi32> to vector<16xi32>
      %gather3A_3500 = tpu.dynamic_gather %select_n3A_3271[%gather3A_3499] in [0] : vector<16xf32>, vector<16xi32> -> vector<16xf32>
      %sub3A_3501 = arith.constant 1 : i32
      %sub3A_3502 = vector.broadcast %sub3A_3501 : i32 to vector<16xi32>
      %sub3A_3503 = arith.subi %iota3A, %sub3A_3502 : vector<16xi32>
      %max3A_3504 = arith.constant 0 : i32
      %max3A_3505 = vector.broadcast %max3A_3504 : i32 to vector<16xi32>
      %max3A_3506 = arith.maxsi %sub3A_3503, %max3A_3505 : vector<16xi32>
      %min3A_3507 = arith.constant 15 : i32
      %min3A_3508 = vector.broadcast %min3A_3507 : i32 to vector<16xi32>
      %min3A_3509 = arith.minsi %max3A_3506, %min3A_3508 : vector<16xi32>
      %lt3A_3510 = arith.constant 0 : i32
      %lt3A_3511 = vector.broadcast %lt3A_3510 : i32 to vector<16xi32>
      %lt3A_3512 = arith.cmpi slt, %min3A_3509, %lt3A_3511 : vector<16xi32>
      %add3A_3513 = arith.constant 16 : i32
      %add3A_3514 = vector.broadcast %add3A_3513 : i32 to vector<16xi32>
      %add3A_3515 = arith.addi %min3A_3509, %add3A_3514 : vector<16xi32>
      %select_n3A_3516 = arith.select %lt3A_3512, %add3A_3515, %min3A_3509 : vector<16xi1>, vector<16xi32>
      %broadcast_in_dim3A_3517 = vector.shape_cast %select_n3A_3516 : vector<16xi32> to vector<16x1xi32>
      %gather3A_3518 = vector.shape_cast %broadcast_in_dim3A_3517 : vector<16x1xi32> to vector<16xi32>
      %gather3A_3519 = tpu.dynamic_gather %select_n3A_3368[%gather3A_3518] in [0] : vector<16xf32>, vector<16xi32> -> vector<16xf32>
      %select_n3A_3520 = arith.select %lt3A_3456, %gather3A_3500, %gather3A_3519 : vector<16xi1>, vector<16xf32>
      %max3A_3521 = arith.maximumf %select_n3A_3368, %select_n3A_3520 : vector<16xf32>
      %add3A_3522 = arith.constant 1.000000e+00 : f32
      %add3A_3523 = vector.broadcast %add3A_3522 : f32 to vector<16xf32>
      %add3A_3524 = arith.addf %select_n3A_3488, %add3A_3523 : vector<16xf32>
      %sub3A_3525 = arith.subf %add3A_3524, %max3A_3521 : vector<16xf32>
      %mul3A_3526 = arith.mulf %gather3A_3453, %sub3A_3525 : vector<16xf32>
      %add3A_3527 = arith.addf %mul3A_3526, %max3A_3521 : vector<16xf32>
      %jit3A_3528 = arith.constant 0.000000e+00 : f32
      %broadcast_in_dim3A_3529 = vector.broadcast %jit3A_3528 : f32 to vector<16xf32>
      %select_n3A_3530 = arith.select %and3A_3443, %add3A_3527, %broadcast_in_dim3A_3529 : vector<16xi1>, vector<16xf32>
      %ge3A_3531 = arith.constant 10 : i32
      %ge3A_3532 = vector.broadcast %ge3A_3531 : i32 to vector<16xi32>
      %ge3A_3533 = arith.cmpi sge, %iota3A, %ge3A_3532 : vector<16xi32>
      %le3A_3534 = arith.constant 20 : i32
      %le3A_3535 = vector.broadcast %le3A_3534 : i32 to vector<16xi32>
      %le3A_3536 = arith.cmpi sle, %iota3A, %le3A_3535 : vector<16xi32>
      %and3A_3537 = arith.andi %ge3A_3533, %le3A_3536 : vector<16xi1>
      %add3A_3538 = arith.constant 30 : i32
      %add3A_3539 = vector.broadcast %add3A_3538 : i32 to vector<16xi32>
      %add3A_3540 = arith.addi %sub3A_100, %add3A_3539 : vector<16xi32>
      %max3A_3541 = arith.constant 0 : i32
      %max3A_3542 = vector.broadcast %max3A_3541 : i32 to vector<16xi32>
      %max3A_3543 = arith.maxsi %add3A_3540, %max3A_3542 : vector<16xi32>
      %min3A_3544 = arith.constant 399 : i32
      %min3A_3545 = vector.broadcast %min3A_3544 : i32 to vector<16xi32>
      %min3A_3546 = arith.minsi %max3A_3543, %min3A_3545 : vector<16xi32>
      %gather3A_3547 = tpu.vector_load_idx %arg7[%min3A_3546] : memref<400xf32, #tpu.memory_space<vmem>>[vector<16xi32>], vector<16xf32>,
      %sub3A_3548 = arith.constant 1 : i32
      %sub3A_3549 = vector.broadcast %sub3A_3548 : i32 to vector<16xi32>
      %sub3A_3550 = arith.subi %iota3A, %sub3A_3549 : vector<16xi32>
      %max3A_3551 = arith.constant 0 : i32
      %max3A_3552 = vector.broadcast %max3A_3551 : i32 to vector<16xi32>
      %max3A_3553 = arith.maxsi %sub3A_3550, %max3A_3552 : vector<16xi32>
      %min3A_3554 = arith.constant 15 : i32
      %min3A_3555 = vector.broadcast %min3A_3554 : i32 to vector<16xi32>
      %min3A_3556 = arith.minsi %max3A_3553, %min3A_3555 : vector<16xi32>
      %lt3A_3557 = arith.constant 0 : i32
      %lt3A_3558 = vector.broadcast %lt3A_3557 : i32 to vector<16xi32>
      %lt3A_3559 = arith.cmpi slt, %min3A_3556, %lt3A_3558 : vector<16xi32>
      %add3A_3560 = arith.constant 16 : i32
      %add3A_3561 = vector.broadcast %add3A_3560 : i32 to vector<16xi32>
      %add3A_3562 = arith.addi %min3A_3556, %add3A_3561 : vector<16xi32>
      %select_n3A_3563 = arith.select %lt3A_3559, %add3A_3562, %min3A_3556 : vector<16xi1>, vector<16xi32>
      %broadcast_in_dim3A_3564 = vector.shape_cast %select_n3A_3563 : vector<16xi32> to vector<16x1xi32>
      %gather3A_3565 = vector.shape_cast %broadcast_in_dim3A_3564 : vector<16x1xi32> to vector<16xi32>
      %gather3A_3566 = tpu.dynamic_gather %select_n3A_3433[%gather3A_3565] in [0] : vector<16xf32>, vector<16xi32> -> vector<16xf32>
      %max3A_3567 = arith.maximumf %select_n3A_3433, %gather3A_3566 : vector<16xf32>
      %sub3A_3568 = arith.constant 1 : i32
      %sub3A_3569 = vector.broadcast %sub3A_3568 : i32 to vector<16xi32>
      %sub3A_3570 = arith.subi %iota3A, %sub3A_3569 : vector<16xi32>
      %max3A_3571 = arith.constant 0 : i32
      %max3A_3572 = vector.broadcast %max3A_3571 : i32 to vector<16xi32>
      %max3A_3573 = arith.maxsi %sub3A_3570, %max3A_3572 : vector<16xi32>
      %min3A_3574 = arith.constant 15 : i32
      %min3A_3575 = vector.broadcast %min3A_3574 : i32 to vector<16xi32>
      %min3A_3576 = arith.minsi %max3A_3573, %min3A_3575 : vector<16xi32>
      %lt3A_3577 = arith.constant 0 : i32
      %lt3A_3578 = vector.broadcast %lt3A_3577 : i32 to vector<16xi32>
      %lt3A_3579 = arith.cmpi slt, %min3A_3576, %lt3A_3578 : vector<16xi32>
      %add3A_3580 = arith.constant 16 : i32
      %add3A_3581 = vector.broadcast %add3A_3580 : i32 to vector<16xi32>
      %add3A_3582 = arith.addi %min3A_3576, %add3A_3581 : vector<16xi32>
      %select_n3A_3583 = arith.select %lt3A_3579, %add3A_3582, %min3A_3576 : vector<16xi1>, vector<16xi32>
      %broadcast_in_dim3A_3584 = vector.shape_cast %select_n3A_3583 : vector<16xi32> to vector<16x1xi32>
      %gather3A_3585 = vector.shape_cast %broadcast_in_dim3A_3584 : vector<16x1xi32> to vector<16xi32>
      %gather3A_3586 = tpu.dynamic_gather %select_n3A_3271[%gather3A_3585] in [0] : vector<16xf32>, vector<16xi32> -> vector<16xf32>
      %add3A_3587 = arith.constant 1.000000e+00 : f32
      %add3A_3588 = vector.broadcast %add3A_3587 : f32 to vector<16xf32>
      %add3A_3589 = arith.addf %gather3A_3586, %add3A_3588 : vector<16xf32>
      %sub3A_3590 = arith.subf %add3A_3589, %max3A_3567 : vector<16xf32>
      %mul3A_3591 = arith.mulf %gather3A_3547, %sub3A_3590 : vector<16xf32>
      %add3A_3592 = arith.addf %mul3A_3591, %max3A_3567 : vector<16xf32>
      %jit3A_3593 = arith.constant 0.000000e+00 : f32
      %broadcast_in_dim3A_3594 = vector.broadcast %jit3A_3593 : f32 to vector<16xf32>
      %select_n3A_3595 = arith.select %and3A_3537, %add3A_3592, %broadcast_in_dim3A_3594 : vector<16xi1>, vector<16xf32>
      %add3A_3596 = arith.constant 16 : i32
      %add3A_3597 = vector.broadcast %add3A_3596 : i32 to vector<16xi32>
      %add3A_3598 = arith.addi %iota3A, %add3A_3597 : vector<16xi32>
      %ge3A_3599 = arith.constant 10 : i32
      %ge3A_3600 = vector.broadcast %ge3A_3599 : i32 to vector<16xi32>
      %ge3A_3601 = arith.cmpi sge, %add3A_3598, %ge3A_3600 : vector<16xi32>
      %le3A_3602 = arith.constant 20 : i32
      %le3A_3603 = vector.broadcast %le3A_3602 : i32 to vector<16xi32>
      %le3A_3604 = arith.cmpi sle, %add3A_3598, %le3A_3603 : vector<16xi32>
      %and3A_3605 = arith.andi %ge3A_3601, %le3A_3604 : vector<16xi1>
      %add3A_3606 = arith.constant 30 : i32
      %add3A_3607 = vector.broadcast %add3A_3606 : i32 to vector<16xi32>
      %add3A_3608 = arith.addi %sub3A_109, %add3A_3607 : vector<16xi32>
      %max3A_3609 = arith.constant 0 : i32
      %max3A_3610 = vector.broadcast %max3A_3609 : i32 to vector<16xi32>
      %max3A_3611 = arith.maxsi %add3A_3608, %max3A_3610 : vector<16xi32>
      %min3A_3612 = arith.constant 399 : i32
      %min3A_3613 = vector.broadcast %min3A_3612 : i32 to vector<16xi32>
      %min3A_3614 = arith.minsi %max3A_3611, %min3A_3613 : vector<16xi32>
      %gather3A_3615 = tpu.vector_load_idx %arg7[%min3A_3614] : memref<400xf32, #tpu.memory_space<vmem>>[vector<16xi32>], vector<16xf32>,
      %lt3A_3616 = arith.constant 1 : i32
      %lt3A_3617 = vector.broadcast %lt3A_3616 : i32 to vector<16xi32>
      %lt3A_3618 = arith.cmpi slt, %iota3A, %lt3A_3617 : vector<16xi32>
      %broadcast_in_dim3A_3619 = arith.constant 15 : i32
      %broadcast_in_dim3A_3620 = vector.broadcast %broadcast_in_dim3A_3619 : i32 to vector<16xi32>
      %lt3A_3621 = arith.constant 0 : i32
      %lt3A_3622 = vector.broadcast %lt3A_3621 : i32 to vector<16xi32>
      %lt3A_3623 = arith.cmpi slt, %broadcast_in_dim3A_3620, %lt3A_3622 : vector<16xi32>
      %add3A_3624 = arith.constant 16 : i32
      %add3A_3625 = vector.broadcast %add3A_3624 : i32 to vector<16xi32>
      %add3A_3626 = arith.addi %broadcast_in_dim3A_3620, %add3A_3625 : vector<16xi32>
      %select_n3A_3627 = arith.select %lt3A_3623, %add3A_3626, %broadcast_in_dim3A_3620 : vector<16xi1>, vector<16xi32>
      %broadcast_in_dim3A_3628 = vector.shape_cast %select_n3A_3627 : vector<16xi32> to vector<16x1xi32>
      %gather3A_3629 = vector.shape_cast %broadcast_in_dim3A_3628 : vector<16x1xi32> to vector<16xi32>
      %gather3A_3630 = tpu.dynamic_gather %select_n3A_3271[%gather3A_3629] in [0] : vector<16xf32>, vector<16xi32> -> vector<16xf32>
      %sub3A_3631 = arith.constant 1 : i32
      %sub3A_3632 = vector.broadcast %sub3A_3631 : i32 to vector<16xi32>
      %sub3A_3633 = arith.subi %iota3A, %sub3A_3632 : vector<16xi32>
      %max3A_3634 = arith.constant 0 : i32
      %max3A_3635 = vector.broadcast %max3A_3634 : i32 to vector<16xi32>
      %max3A_3636 = arith.maxsi %sub3A_3633, %max3A_3635 : vector<16xi32>
      %min3A_3637 = arith.constant 15 : i32
      %min3A_3638 = vector.broadcast %min3A_3637 : i32 to vector<16xi32>
      %min3A_3639 = arith.minsi %max3A_3636, %min3A_3638 : vector<16xi32>
      %lt3A_3640 = arith.constant 0 : i32
      %lt3A_3641 = vector.broadcast %lt3A_3640 : i32 to vector<16xi32>
      %lt3A_3642 = arith.cmpi slt, %min3A_3639, %lt3A_3641 : vector<16xi32>
      %add3A_3643 = arith.constant 16 : i32
      %add3A_3644 = vector.broadcast %add3A_3643 : i32 to vector<16xi32>
      %add3A_3645 = arith.addi %min3A_3639, %add3A_3644 : vector<16xi32>
      %select_n3A_3646 = arith.select %lt3A_3642, %add3A_3645, %min3A_3639 : vector<16xi1>, vector<16xi32>
      %broadcast_in_dim3A_3647 = vector.shape_cast %select_n3A_3646 : vector<16xi32> to vector<16x1xi32>
      %gather3A_3648 = vector.shape_cast %broadcast_in_dim3A_3647 : vector<16x1xi32> to vector<16xi32>
      %gather3A_3649 = tpu.dynamic_gather %select_n3A_3368[%gather3A_3648] in [0] : vector<16xf32>, vector<16xi32> -> vector<16xf32>
      %select_n3A_3650 = arith.select %lt3A_3618, %gather3A_3630, %gather3A_3649 : vector<16xi1>, vector<16xf32>
      %broadcast_in_dim3A_3651 = arith.constant 15 : i32
      %broadcast_in_dim3A_3652 = vector.broadcast %broadcast_in_dim3A_3651 : i32 to vector<16xi32>
      %lt3A_3653 = arith.constant 0 : i32
      %lt3A_3654 = vector.broadcast %lt3A_3653 : i32 to vector<16xi32>
      %lt3A_3655 = arith.cmpi slt, %broadcast_in_dim3A_3652, %lt3A_3654 : vector<16xi32>
      %add3A_3656 = arith.constant 16 : i32
      %add3A_3657 = vector.broadcast %add3A_3656 : i32 to vector<16xi32>
      %add3A_3658 = arith.addi %broadcast_in_dim3A_3652, %add3A_3657 : vector<16xi32>
      %select_n3A_3659 = arith.select %lt3A_3655, %add3A_3658, %broadcast_in_dim3A_3652 : vector<16xi1>, vector<16xi32>
      %broadcast_in_dim3A_3660 = vector.shape_cast %select_n3A_3659 : vector<16xi32> to vector<16x1xi32>
      %gather3A_3661 = vector.shape_cast %broadcast_in_dim3A_3660 : vector<16x1xi32> to vector<16xi32>
      %gather3A_3662 = tpu.dynamic_gather %select_n3A_3433[%gather3A_3661] in [0] : vector<16xf32>, vector<16xi32> -> vector<16xf32>
      %sub3A_3663 = arith.constant 1 : i32
      %sub3A_3664 = vector.broadcast %sub3A_3663 : i32 to vector<16xi32>
      %sub3A_3665 = arith.subi %iota3A, %sub3A_3664 : vector<16xi32>
      %max3A_3666 = arith.constant 0 : i32
      %max3A_3667 = vector.broadcast %max3A_3666 : i32 to vector<16xi32>
      %max3A_3668 = arith.maxsi %sub3A_3665, %max3A_3667 : vector<16xi32>
      %min3A_3669 = arith.constant 15 : i32
      %min3A_3670 = vector.broadcast %min3A_3669 : i32 to vector<16xi32>
      %min3A_3671 = arith.minsi %max3A_3668, %min3A_3670 : vector<16xi32>
      %lt3A_3672 = arith.constant 0 : i32
      %lt3A_3673 = vector.broadcast %lt3A_3672 : i32 to vector<16xi32>
      %lt3A_3674 = arith.cmpi slt, %min3A_3671, %lt3A_3673 : vector<16xi32>
      %add3A_3675 = arith.constant 16 : i32
      %add3A_3676 = vector.broadcast %add3A_3675 : i32 to vector<16xi32>
      %add3A_3677 = arith.addi %min3A_3671, %add3A_3676 : vector<16xi32>
      %select_n3A_3678 = arith.select %lt3A_3674, %add3A_3677, %min3A_3671 : vector<16xi1>, vector<16xi32>
      %broadcast_in_dim3A_3679 = vector.shape_cast %select_n3A_3678 : vector<16xi32> to vector<16x1xi32>
      %gather3A_3680 = vector.shape_cast %broadcast_in_dim3A_3679 : vector<16x1xi32> to vector<16xi32>
      %gather3A_3681 = tpu.dynamic_gather %select_n3A_3530[%gather3A_3680] in [0] : vector<16xf32>, vector<16xi32> -> vector<16xf32>
      %select_n3A_3682 = arith.select %lt3A_3618, %gather3A_3662, %gather3A_3681 : vector<16xi1>, vector<16xf32>
      %max3A_3683 = arith.maximumf %select_n3A_3530, %select_n3A_3682 : vector<16xf32>
      %add3A_3684 = arith.constant 1.000000e+00 : f32
      %add3A_3685 = vector.broadcast %add3A_3684 : f32 to vector<16xf32>
      %add3A_3686 = arith.addf %select_n3A_3650, %add3A_3685 : vector<16xf32>
      %sub3A_3687 = arith.subf %add3A_3686, %max3A_3683 : vector<16xf32>
      %mul3A_3688 = arith.mulf %gather3A_3615, %sub3A_3687 : vector<16xf32>
      %add3A_3689 = arith.addf %mul3A_3688, %max3A_3683 : vector<16xf32>
      %jit3A_3690 = arith.constant 0.000000e+00 : f32
      %broadcast_in_dim3A_3691 = vector.broadcast %jit3A_3690 : f32 to vector<16xf32>
      %select_n3A_3692 = arith.select %and3A_3605, %add3A_3689, %broadcast_in_dim3A_3691 : vector<16xi1>, vector<16xf32>
      %ge3A_3693 = arith.constant 11 : i32
      %ge3A_3694 = vector.broadcast %ge3A_3693 : i32 to vector<16xi32>
      %ge3A_3695 = arith.cmpi sge, %iota3A, %ge3A_3694 : vector<16xi32>
      %le3A_3696 = arith.constant 20 : i32
      %le3A_3697 = vector.broadcast %le3A_3696 : i32 to vector<16xi32>
      %le3A_3698 = arith.cmpi sle, %iota3A, %le3A_3697 : vector<16xi32>
      %and3A_3699 = arith.andi %ge3A_3695, %le3A_3698 : vector<16xi1>
      %add3A_3700 = arith.constant 31 : i32
      %add3A_3701 = vector.broadcast %add3A_3700 : i32 to vector<16xi32>
      %add3A_3702 = arith.addi %sub3A_100, %add3A_3701 : vector<16xi32>
      %max3A_3703 = arith.constant 0 : i32
      %max3A_3704 = vector.broadcast %max3A_3703 : i32 to vector<16xi32>
      %max3A_3705 = arith.maxsi %add3A_3702, %max3A_3704 : vector<16xi32>
      %min3A_3706 = arith.constant 399 : i32
      %min3A_3707 = vector.broadcast %min3A_3706 : i32 to vector<16xi32>
      %min3A_3708 = arith.minsi %max3A_3705, %min3A_3707 : vector<16xi32>
      %gather3A_3709 = tpu.vector_load_idx %arg7[%min3A_3708] : memref<400xf32, #tpu.memory_space<vmem>>[vector<16xi32>], vector<16xf32>,
      %sub3A_3710 = arith.constant 1 : i32
      %sub3A_3711 = vector.broadcast %sub3A_3710 : i32 to vector<16xi32>
      %sub3A_3712 = arith.subi %iota3A, %sub3A_3711 : vector<16xi32>
      %max3A_3713 = arith.constant 0 : i32
      %max3A_3714 = vector.broadcast %max3A_3713 : i32 to vector<16xi32>
      %max3A_3715 = arith.maxsi %sub3A_3712, %max3A_3714 : vector<16xi32>
      %min3A_3716 = arith.constant 15 : i32
      %min3A_3717 = vector.broadcast %min3A_3716 : i32 to vector<16xi32>
      %min3A_3718 = arith.minsi %max3A_3715, %min3A_3717 : vector<16xi32>
      %lt3A_3719 = arith.constant 0 : i32
      %lt3A_3720 = vector.broadcast %lt3A_3719 : i32 to vector<16xi32>
      %lt3A_3721 = arith.cmpi slt, %min3A_3718, %lt3A_3720 : vector<16xi32>
      %add3A_3722 = arith.constant 16 : i32
      %add3A_3723 = vector.broadcast %add3A_3722 : i32 to vector<16xi32>
      %add3A_3724 = arith.addi %min3A_3718, %add3A_3723 : vector<16xi32>
      %select_n3A_3725 = arith.select %lt3A_3721, %add3A_3724, %min3A_3718 : vector<16xi1>, vector<16xi32>
      %broadcast_in_dim3A_3726 = vector.shape_cast %select_n3A_3725 : vector<16xi32> to vector<16x1xi32>
      %gather3A_3727 = vector.shape_cast %broadcast_in_dim3A_3726 : vector<16x1xi32> to vector<16xi32>
      %gather3A_3728 = tpu.dynamic_gather %select_n3A_3595[%gather3A_3727] in [0] : vector<16xf32>, vector<16xi32> -> vector<16xf32>
      %max3A_3729 = arith.maximumf %select_n3A_3595, %gather3A_3728 : vector<16xf32>
      %sub3A_3730 = arith.constant 1 : i32
      %sub3A_3731 = vector.broadcast %sub3A_3730 : i32 to vector<16xi32>
      %sub3A_3732 = arith.subi %iota3A, %sub3A_3731 : vector<16xi32>
      %max3A_3733 = arith.constant 0 : i32
      %max3A_3734 = vector.broadcast %max3A_3733 : i32 to vector<16xi32>
      %max3A_3735 = arith.maxsi %sub3A_3732, %max3A_3734 : vector<16xi32>
      %min3A_3736 = arith.constant 15 : i32
      %min3A_3737 = vector.broadcast %min3A_3736 : i32 to vector<16xi32>
      %min3A_3738 = arith.minsi %max3A_3735, %min3A_3737 : vector<16xi32>
      %lt3A_3739 = arith.constant 0 : i32
      %lt3A_3740 = vector.broadcast %lt3A_3739 : i32 to vector<16xi32>
      %lt3A_3741 = arith.cmpi slt, %min3A_3738, %lt3A_3740 : vector<16xi32>
      %add3A_3742 = arith.constant 16 : i32
      %add3A_3743 = vector.broadcast %add3A_3742 : i32 to vector<16xi32>
      %add3A_3744 = arith.addi %min3A_3738, %add3A_3743 : vector<16xi32>
      %select_n3A_3745 = arith.select %lt3A_3741, %add3A_3744, %min3A_3738 : vector<16xi1>, vector<16xi32>
      %broadcast_in_dim3A_3746 = vector.shape_cast %select_n3A_3745 : vector<16xi32> to vector<16x1xi32>
      %gather3A_3747 = vector.shape_cast %broadcast_in_dim3A_3746 : vector<16x1xi32> to vector<16xi32>
      %gather3A_3748 = tpu.dynamic_gather %select_n3A_3433[%gather3A_3747] in [0] : vector<16xf32>, vector<16xi32> -> vector<16xf32>
      %add3A_3749 = arith.constant 1.000000e+00 : f32
      %add3A_3750 = vector.broadcast %add3A_3749 : f32 to vector<16xf32>
      %add3A_3751 = arith.addf %gather3A_3748, %add3A_3750 : vector<16xf32>
      %sub3A_3752 = arith.subf %add3A_3751, %max3A_3729 : vector<16xf32>
      %mul3A_3753 = arith.mulf %gather3A_3709, %sub3A_3752 : vector<16xf32>
      %add3A_3754 = arith.addf %mul3A_3753, %max3A_3729 : vector<16xf32>
      %jit3A_3755 = arith.constant 0.000000e+00 : f32
      %broadcast_in_dim3A_3756 = vector.broadcast %jit3A_3755 : f32 to vector<16xf32>
      %select_n3A_3757 = arith.select %and3A_3699, %add3A_3754, %broadcast_in_dim3A_3756 : vector<16xi1>, vector<16xf32>
      %add3A_3758 = arith.constant 16 : i32
      %add3A_3759 = vector.broadcast %add3A_3758 : i32 to vector<16xi32>
      %add3A_3760 = arith.addi %iota3A, %add3A_3759 : vector<16xi32>
      %ge3A_3761 = arith.constant 11 : i32
      %ge3A_3762 = vector.broadcast %ge3A_3761 : i32 to vector<16xi32>
      %ge3A_3763 = arith.cmpi sge, %add3A_3760, %ge3A_3762 : vector<16xi32>
      %le3A_3764 = arith.constant 20 : i32
      %le3A_3765 = vector.broadcast %le3A_3764 : i32 to vector<16xi32>
      %le3A_3766 = arith.cmpi sle, %add3A_3760, %le3A_3765 : vector<16xi32>
      %and3A_3767 = arith.andi %ge3A_3763, %le3A_3766 : vector<16xi1>
      %add3A_3768 = arith.constant 31 : i32
      %add3A_3769 = vector.broadcast %add3A_3768 : i32 to vector<16xi32>
      %add3A_3770 = arith.addi %sub3A_109, %add3A_3769 : vector<16xi32>
      %max3A_3771 = arith.constant 0 : i32
      %max3A_3772 = vector.broadcast %max3A_3771 : i32 to vector<16xi32>
      %max3A_3773 = arith.maxsi %add3A_3770, %max3A_3772 : vector<16xi32>
      %min3A_3774 = arith.constant 399 : i32
      %min3A_3775 = vector.broadcast %min3A_3774 : i32 to vector<16xi32>
      %min3A_3776 = arith.minsi %max3A_3773, %min3A_3775 : vector<16xi32>
      %gather3A_3777 = tpu.vector_load_idx %arg7[%min3A_3776] : memref<400xf32, #tpu.memory_space<vmem>>[vector<16xi32>], vector<16xf32>,
      %lt3A_3778 = arith.constant 1 : i32
      %lt3A_3779 = vector.broadcast %lt3A_3778 : i32 to vector<16xi32>
      %lt3A_3780 = arith.cmpi slt, %iota3A, %lt3A_3779 : vector<16xi32>
      %broadcast_in_dim3A_3781 = arith.constant 15 : i32
      %broadcast_in_dim3A_3782 = vector.broadcast %broadcast_in_dim3A_3781 : i32 to vector<16xi32>
      %lt3A_3783 = arith.constant 0 : i32
      %lt3A_3784 = vector.broadcast %lt3A_3783 : i32 to vector<16xi32>
      %lt3A_3785 = arith.cmpi slt, %broadcast_in_dim3A_3782, %lt3A_3784 : vector<16xi32>
      %add3A_3786 = arith.constant 16 : i32
      %add3A_3787 = vector.broadcast %add3A_3786 : i32 to vector<16xi32>
      %add3A_3788 = arith.addi %broadcast_in_dim3A_3782, %add3A_3787 : vector<16xi32>
      %select_n3A_3789 = arith.select %lt3A_3785, %add3A_3788, %broadcast_in_dim3A_3782 : vector<16xi1>, vector<16xi32>
      %broadcast_in_dim3A_3790 = vector.shape_cast %select_n3A_3789 : vector<16xi32> to vector<16x1xi32>
      %gather3A_3791 = vector.shape_cast %broadcast_in_dim3A_3790 : vector<16x1xi32> to vector<16xi32>
      %gather3A_3792 = tpu.dynamic_gather %select_n3A_3433[%gather3A_3791] in [0] : vector<16xf32>, vector<16xi32> -> vector<16xf32>
      %sub3A_3793 = arith.constant 1 : i32
      %sub3A_3794 = vector.broadcast %sub3A_3793 : i32 to vector<16xi32>
      %sub3A_3795 = arith.subi %iota3A, %sub3A_3794 : vector<16xi32>
      %max3A_3796 = arith.constant 0 : i32
      %max3A_3797 = vector.broadcast %max3A_3796 : i32 to vector<16xi32>
      %max3A_3798 = arith.maxsi %sub3A_3795, %max3A_3797 : vector<16xi32>
      %min3A_3799 = arith.constant 15 : i32
      %min3A_3800 = vector.broadcast %min3A_3799 : i32 to vector<16xi32>
      %min3A_3801 = arith.minsi %max3A_3798, %min3A_3800 : vector<16xi32>
      %lt3A_3802 = arith.constant 0 : i32
      %lt3A_3803 = vector.broadcast %lt3A_3802 : i32 to vector<16xi32>
      %lt3A_3804 = arith.cmpi slt, %min3A_3801, %lt3A_3803 : vector<16xi32>
      %add3A_3805 = arith.constant 16 : i32
      %add3A_3806 = vector.broadcast %add3A_3805 : i32 to vector<16xi32>
      %add3A_3807 = arith.addi %min3A_3801, %add3A_3806 : vector<16xi32>
      %select_n3A_3808 = arith.select %lt3A_3804, %add3A_3807, %min3A_3801 : vector<16xi1>, vector<16xi32>
      %broadcast_in_dim3A_3809 = vector.shape_cast %select_n3A_3808 : vector<16xi32> to vector<16x1xi32>
      %gather3A_3810 = vector.shape_cast %broadcast_in_dim3A_3809 : vector<16x1xi32> to vector<16xi32>
      %gather3A_3811 = tpu.dynamic_gather %select_n3A_3530[%gather3A_3810] in [0] : vector<16xf32>, vector<16xi32> -> vector<16xf32>
      %select_n3A_3812 = arith.select %lt3A_3780, %gather3A_3792, %gather3A_3811 : vector<16xi1>, vector<16xf32>
      %broadcast_in_dim3A_3813 = arith.constant 15 : i32
      %broadcast_in_dim3A_3814 = vector.broadcast %broadcast_in_dim3A_3813 : i32 to vector<16xi32>
      %lt3A_3815 = arith.constant 0 : i32
      %lt3A_3816 = vector.broadcast %lt3A_3815 : i32 to vector<16xi32>
      %lt3A_3817 = arith.cmpi slt, %broadcast_in_dim3A_3814, %lt3A_3816 : vector<16xi32>
      %add3A_3818 = arith.constant 16 : i32
      %add3A_3819 = vector.broadcast %add3A_3818 : i32 to vector<16xi32>
      %add3A_3820 = arith.addi %broadcast_in_dim3A_3814, %add3A_3819 : vector<16xi32>
      %select_n3A_3821 = arith.select %lt3A_3817, %add3A_3820, %broadcast_in_dim3A_3814 : vector<16xi1>, vector<16xi32>
      %broadcast_in_dim3A_3822 = vector.shape_cast %select_n3A_3821 : vector<16xi32> to vector<16x1xi32>
      %gather3A_3823 = vector.shape_cast %broadcast_in_dim3A_3822 : vector<16x1xi32> to vector<16xi32>
      %gather3A_3824 = tpu.dynamic_gather %select_n3A_3595[%gather3A_3823] in [0] : vector<16xf32>, vector<16xi32> -> vector<16xf32>
      %sub3A_3825 = arith.constant 1 : i32
      %sub3A_3826 = vector.broadcast %sub3A_3825 : i32 to vector<16xi32>
      %sub3A_3827 = arith.subi %iota3A, %sub3A_3826 : vector<16xi32>
      %max3A_3828 = arith.constant 0 : i32
      %max3A_3829 = vector.broadcast %max3A_3828 : i32 to vector<16xi32>
      %max3A_3830 = arith.maxsi %sub3A_3827, %max3A_3829 : vector<16xi32>
      %min3A_3831 = arith.constant 15 : i32
      %min3A_3832 = vector.broadcast %min3A_3831 : i32 to vector<16xi32>
      %min3A_3833 = arith.minsi %max3A_3830, %min3A_3832 : vector<16xi32>
      %lt3A_3834 = arith.constant 0 : i32
      %lt3A_3835 = vector.broadcast %lt3A_3834 : i32 to vector<16xi32>
      %lt3A_3836 = arith.cmpi slt, %min3A_3833, %lt3A_3835 : vector<16xi32>
      %add3A_3837 = arith.constant 16 : i32
      %add3A_3838 = vector.broadcast %add3A_3837 : i32 to vector<16xi32>
      %add3A_3839 = arith.addi %min3A_3833, %add3A_3838 : vector<16xi32>
      %select_n3A_3840 = arith.select %lt3A_3836, %add3A_3839, %min3A_3833 : vector<16xi1>, vector<16xi32>
      %broadcast_in_dim3A_3841 = vector.shape_cast %select_n3A_3840 : vector<16xi32> to vector<16x1xi32>
      %gather3A_3842 = vector.shape_cast %broadcast_in_dim3A_3841 : vector<16x1xi32> to vector<16xi32>
      %gather3A_3843 = tpu.dynamic_gather %select_n3A_3692[%gather3A_3842] in [0] : vector<16xf32>, vector<16xi32> -> vector<16xf32>
      %select_n3A_3844 = arith.select %lt3A_3780, %gather3A_3824, %gather3A_3843 : vector<16xi1>, vector<16xf32>
      %max3A_3845 = arith.maximumf %select_n3A_3692, %select_n3A_3844 : vector<16xf32>
      %add3A_3846 = arith.constant 1.000000e+00 : f32
      %add3A_3847 = vector.broadcast %add3A_3846 : f32 to vector<16xf32>
      %add3A_3848 = arith.addf %select_n3A_3812, %add3A_3847 : vector<16xf32>
      %sub3A_3849 = arith.subf %add3A_3848, %max3A_3845 : vector<16xf32>
      %mul3A_3850 = arith.mulf %gather3A_3777, %sub3A_3849 : vector<16xf32>
      %add3A_3851 = arith.addf %mul3A_3850, %max3A_3845 : vector<16xf32>
      %jit3A_3852 = arith.constant 0.000000e+00 : f32
      %broadcast_in_dim3A_3853 = vector.broadcast %jit3A_3852 : f32 to vector<16xf32>
      %select_n3A_3854 = arith.select %and3A_3767, %add3A_3851, %broadcast_in_dim3A_3853 : vector<16xi1>, vector<16xf32>
      %ge3A_3855 = arith.constant 12 : i32
      %ge3A_3856 = vector.broadcast %ge3A_3855 : i32 to vector<16xi32>
      %ge3A_3857 = arith.cmpi sge, %iota3A, %ge3A_3856 : vector<16xi32>
      %le3A_3858 = arith.constant 20 : i32
      %le3A_3859 = vector.broadcast %le3A_3858 : i32 to vector<16xi32>
      %le3A_3860 = arith.cmpi sle, %iota3A, %le3A_3859 : vector<16xi32>
      %and3A_3861 = arith.andi %ge3A_3857, %le3A_3860 : vector<16xi1>
      %add3A_3862 = arith.constant 32 : i32
      %add3A_3863 = vector.broadcast %add3A_3862 : i32 to vector<16xi32>
      %add3A_3864 = arith.addi %sub3A_100, %add3A_3863 : vector<16xi32>
      %max3A_3865 = arith.constant 0 : i32
      %max3A_3866 = vector.broadcast %max3A_3865 : i32 to vector<16xi32>
      %max3A_3867 = arith.maxsi %add3A_3864, %max3A_3866 : vector<16xi32>
      %min3A_3868 = arith.constant 399 : i32
      %min3A_3869 = vector.broadcast %min3A_3868 : i32 to vector<16xi32>
      %min3A_3870 = arith.minsi %max3A_3867, %min3A_3869 : vector<16xi32>
      %gather3A_3871 = tpu.vector_load_idx %arg7[%min3A_3870] : memref<400xf32, #tpu.memory_space<vmem>>[vector<16xi32>], vector<16xf32>,
      %sub3A_3872 = arith.constant 1 : i32
      %sub3A_3873 = vector.broadcast %sub3A_3872 : i32 to vector<16xi32>
      %sub3A_3874 = arith.subi %iota3A, %sub3A_3873 : vector<16xi32>
      %max3A_3875 = arith.constant 0 : i32
      %max3A_3876 = vector.broadcast %max3A_3875 : i32 to vector<16xi32>
      %max3A_3877 = arith.maxsi %sub3A_3874, %max3A_3876 : vector<16xi32>
      %min3A_3878 = arith.constant 15 : i32
      %min3A_3879 = vector.broadcast %min3A_3878 : i32 to vector<16xi32>
      %min3A_3880 = arith.minsi %max3A_3877, %min3A_3879 : vector<16xi32>
      %lt3A_3881 = arith.constant 0 : i32
      %lt3A_3882 = vector.broadcast %lt3A_3881 : i32 to vector<16xi32>
      %lt3A_3883 = arith.cmpi slt, %min3A_3880, %lt3A_3882 : vector<16xi32>
      %add3A_3884 = arith.constant 16 : i32
      %add3A_3885 = vector.broadcast %add3A_3884 : i32 to vector<16xi32>
      %add3A_3886 = arith.addi %min3A_3880, %add3A_3885 : vector<16xi32>
      %select_n3A_3887 = arith.select %lt3A_3883, %add3A_3886, %min3A_3880 : vector<16xi1>, vector<16xi32>
      %broadcast_in_dim3A_3888 = vector.shape_cast %select_n3A_3887 : vector<16xi32> to vector<16x1xi32>
      %gather3A_3889 = vector.shape_cast %broadcast_in_dim3A_3888 : vector<16x1xi32> to vector<16xi32>
      %gather3A_3890 = tpu.dynamic_gather %select_n3A_3757[%gather3A_3889] in [0] : vector<16xf32>, vector<16xi32> -> vector<16xf32>
      %max3A_3891 = arith.maximumf %select_n3A_3757, %gather3A_3890 : vector<16xf32>
      %sub3A_3892 = arith.constant 1 : i32
      %sub3A_3893 = vector.broadcast %sub3A_3892 : i32 to vector<16xi32>
      %sub3A_3894 = arith.subi %iota3A, %sub3A_3893 : vector<16xi32>
      %max3A_3895 = arith.constant 0 : i32
      %max3A_3896 = vector.broadcast %max3A_3895 : i32 to vector<16xi32>
      %max3A_3897 = arith.maxsi %sub3A_3894, %max3A_3896 : vector<16xi32>
      %min3A_3898 = arith.constant 15 : i32
      %min3A_3899 = vector.broadcast %min3A_3898 : i32 to vector<16xi32>
      %min3A_3900 = arith.minsi %max3A_3897, %min3A_3899 : vector<16xi32>
      %lt3A_3901 = arith.constant 0 : i32
      %lt3A_3902 = vector.broadcast %lt3A_3901 : i32 to vector<16xi32>
      %lt3A_3903 = arith.cmpi slt, %min3A_3900, %lt3A_3902 : vector<16xi32>
      %add3A_3904 = arith.constant 16 : i32
      %add3A_3905 = vector.broadcast %add3A_3904 : i32 to vector<16xi32>
      %add3A_3906 = arith.addi %min3A_3900, %add3A_3905 : vector<16xi32>
      %select_n3A_3907 = arith.select %lt3A_3903, %add3A_3906, %min3A_3900 : vector<16xi1>, vector<16xi32>
      %broadcast_in_dim3A_3908 = vector.shape_cast %select_n3A_3907 : vector<16xi32> to vector<16x1xi32>
      %gather3A_3909 = vector.shape_cast %broadcast_in_dim3A_3908 : vector<16x1xi32> to vector<16xi32>
      %gather3A_3910 = tpu.dynamic_gather %select_n3A_3595[%gather3A_3909] in [0] : vector<16xf32>, vector<16xi32> -> vector<16xf32>
      %add3A_3911 = arith.constant 1.000000e+00 : f32
      %add3A_3912 = vector.broadcast %add3A_3911 : f32 to vector<16xf32>
      %add3A_3913 = arith.addf %gather3A_3910, %add3A_3912 : vector<16xf32>
      %sub3A_3914 = arith.subf %add3A_3913, %max3A_3891 : vector<16xf32>
      %mul3A_3915 = arith.mulf %gather3A_3871, %sub3A_3914 : vector<16xf32>
      %add3A_3916 = arith.addf %mul3A_3915, %max3A_3891 : vector<16xf32>
      %jit3A_3917 = arith.constant 0.000000e+00 : f32
      %broadcast_in_dim3A_3918 = vector.broadcast %jit3A_3917 : f32 to vector<16xf32>
      %select_n3A_3919 = arith.select %and3A_3861, %add3A_3916, %broadcast_in_dim3A_3918 : vector<16xi1>, vector<16xf32>
      %add3A_3920 = arith.constant 16 : i32
      %add3A_3921 = vector.broadcast %add3A_3920 : i32 to vector<16xi32>
      %add3A_3922 = arith.addi %iota3A, %add3A_3921 : vector<16xi32>
      %ge3A_3923 = arith.constant 12 : i32
      %ge3A_3924 = vector.broadcast %ge3A_3923 : i32 to vector<16xi32>
      %ge3A_3925 = arith.cmpi sge, %add3A_3922, %ge3A_3924 : vector<16xi32>
      %le3A_3926 = arith.constant 20 : i32
      %le3A_3927 = vector.broadcast %le3A_3926 : i32 to vector<16xi32>
      %le3A_3928 = arith.cmpi sle, %add3A_3922, %le3A_3927 : vector<16xi32>
      %and3A_3929 = arith.andi %ge3A_3925, %le3A_3928 : vector<16xi1>
      %add3A_3930 = arith.constant 32 : i32
      %add3A_3931 = vector.broadcast %add3A_3930 : i32 to vector<16xi32>
      %add3A_3932 = arith.addi %sub3A_109, %add3A_3931 : vector<16xi32>
      %max3A_3933 = arith.constant 0 : i32
      %max3A_3934 = vector.broadcast %max3A_3933 : i32 to vector<16xi32>
      %max3A_3935 = arith.maxsi %add3A_3932, %max3A_3934 : vector<16xi32>
      %min3A_3936 = arith.constant 399 : i32
      %min3A_3937 = vector.broadcast %min3A_3936 : i32 to vector<16xi32>
      %min3A_3938 = arith.minsi %max3A_3935, %min3A_3937 : vector<16xi32>
      %gather3A_3939 = tpu.vector_load_idx %arg7[%min3A_3938] : memref<400xf32, #tpu.memory_space<vmem>>[vector<16xi32>], vector<16xf32>,
      %lt3A_3940 = arith.constant 1 : i32
      %lt3A_3941 = vector.broadcast %lt3A_3940 : i32 to vector<16xi32>
      %lt3A_3942 = arith.cmpi slt, %iota3A, %lt3A_3941 : vector<16xi32>
      %broadcast_in_dim3A_3943 = arith.constant 15 : i32
      %broadcast_in_dim3A_3944 = vector.broadcast %broadcast_in_dim3A_3943 : i32 to vector<16xi32>
      %lt3A_3945 = arith.constant 0 : i32
      %lt3A_3946 = vector.broadcast %lt3A_3945 : i32 to vector<16xi32>
      %lt3A_3947 = arith.cmpi slt, %broadcast_in_dim3A_3944, %lt3A_3946 : vector<16xi32>
      %add3A_3948 = arith.constant 16 : i32
      %add3A_3949 = vector.broadcast %add3A_3948 : i32 to vector<16xi32>
      %add3A_3950 = arith.addi %broadcast_in_dim3A_3944, %add3A_3949 : vector<16xi32>
      %select_n3A_3951 = arith.select %lt3A_3947, %add3A_3950, %broadcast_in_dim3A_3944 : vector<16xi1>, vector<16xi32>
      %broadcast_in_dim3A_3952 = vector.shape_cast %select_n3A_3951 : vector<16xi32> to vector<16x1xi32>
      %gather3A_3953 = vector.shape_cast %broadcast_in_dim3A_3952 : vector<16x1xi32> to vector<16xi32>
      %gather3A_3954 = tpu.dynamic_gather %select_n3A_3595[%gather3A_3953] in [0] : vector<16xf32>, vector<16xi32> -> vector<16xf32>
      %sub3A_3955 = arith.constant 1 : i32
      %sub3A_3956 = vector.broadcast %sub3A_3955 : i32 to vector<16xi32>
      %sub3A_3957 = arith.subi %iota3A, %sub3A_3956 : vector<16xi32>
      %max3A_3958 = arith.constant 0 : i32
      %max3A_3959 = vector.broadcast %max3A_3958 : i32 to vector<16xi32>
      %max3A_3960 = arith.maxsi %sub3A_3957, %max3A_3959 : vector<16xi32>
      %min3A_3961 = arith.constant 15 : i32
      %min3A_3962 = vector.broadcast %min3A_3961 : i32 to vector<16xi32>
      %min3A_3963 = arith.minsi %max3A_3960, %min3A_3962 : vector<16xi32>
      %lt3A_3964 = arith.constant 0 : i32
      %lt3A_3965 = vector.broadcast %lt3A_3964 : i32 to vector<16xi32>
      %lt3A_3966 = arith.cmpi slt, %min3A_3963, %lt3A_3965 : vector<16xi32>
      %add3A_3967 = arith.constant 16 : i32
      %add3A_3968 = vector.broadcast %add3A_3967 : i32 to vector<16xi32>
      %add3A_3969 = arith.addi %min3A_3963, %add3A_3968 : vector<16xi32>
      %select_n3A_3970 = arith.select %lt3A_3966, %add3A_3969, %min3A_3963 : vector<16xi1>, vector<16xi32>
      %broadcast_in_dim3A_3971 = vector.shape_cast %select_n3A_3970 : vector<16xi32> to vector<16x1xi32>
      %gather3A_3972 = vector.shape_cast %broadcast_in_dim3A_3971 : vector<16x1xi32> to vector<16xi32>
      %gather3A_3973 = tpu.dynamic_gather %select_n3A_3692[%gather3A_3972] in [0] : vector<16xf32>, vector<16xi32> -> vector<16xf32>
      %select_n3A_3974 = arith.select %lt3A_3942, %gather3A_3954, %gather3A_3973 : vector<16xi1>, vector<16xf32>
      %broadcast_in_dim3A_3975 = arith.constant 15 : i32
      %broadcast_in_dim3A_3976 = vector.broadcast %broadcast_in_dim3A_3975 : i32 to vector<16xi32>
      %lt3A_3977 = arith.constant 0 : i32
      %lt3A_3978 = vector.broadcast %lt3A_3977 : i32 to vector<16xi32>
      %lt3A_3979 = arith.cmpi slt, %broadcast_in_dim3A_3976, %lt3A_3978 : vector<16xi32>
      %add3A_3980 = arith.constant 16 : i32
      %add3A_3981 = vector.broadcast %add3A_3980 : i32 to vector<16xi32>
      %add3A_3982 = arith.addi %broadcast_in_dim3A_3976, %add3A_3981 : vector<16xi32>
      %select_n3A_3983 = arith.select %lt3A_3979, %add3A_3982, %broadcast_in_dim3A_3976 : vector<16xi1>, vector<16xi32>
      %broadcast_in_dim3A_3984 = vector.shape_cast %select_n3A_3983 : vector<16xi32> to vector<16x1xi32>
      %gather3A_3985 = vector.shape_cast %broadcast_in_dim3A_3984 : vector<16x1xi32> to vector<16xi32>
      %gather3A_3986 = tpu.dynamic_gather %select_n3A_3757[%gather3A_3985] in [0] : vector<16xf32>, vector<16xi32> -> vector<16xf32>
      %sub3A_3987 = arith.constant 1 : i32
      %sub3A_3988 = vector.broadcast %sub3A_3987 : i32 to vector<16xi32>
      %sub3A_3989 = arith.subi %iota3A, %sub3A_3988 : vector<16xi32>
      %max3A_3990 = arith.constant 0 : i32
      %max3A_3991 = vector.broadcast %max3A_3990 : i32 to vector<16xi32>
      %max3A_3992 = arith.maxsi %sub3A_3989, %max3A_3991 : vector<16xi32>
      %min3A_3993 = arith.constant 15 : i32
      %min3A_3994 = vector.broadcast %min3A_3993 : i32 to vector<16xi32>
      %min3A_3995 = arith.minsi %max3A_3992, %min3A_3994 : vector<16xi32>
      %lt3A_3996 = arith.constant 0 : i32
      %lt3A_3997 = vector.broadcast %lt3A_3996 : i32 to vector<16xi32>
      %lt3A_3998 = arith.cmpi slt, %min3A_3995, %lt3A_3997 : vector<16xi32>
      %add3A_3999 = arith.constant 16 : i32
      %add3A_4000 = vector.broadcast %add3A_3999 : i32 to vector<16xi32>
      %add3A_4001 = arith.addi %min3A_3995, %add3A_4000 : vector<16xi32>
      %select_n3A_4002 = arith.select %lt3A_3998, %add3A_4001, %min3A_3995 : vector<16xi1>, vector<16xi32>
      %broadcast_in_dim3A_4003 = vector.shape_cast %select_n3A_4002 : vector<16xi32> to vector<16x1xi32>
      %gather3A_4004 = vector.shape_cast %broadcast_in_dim3A_4003 : vector<16x1xi32> to vector<16xi32>
      %gather3A_4005 = tpu.dynamic_gather %select_n3A_3854[%gather3A_4004] in [0] : vector<16xf32>, vector<16xi32> -> vector<16xf32>
      %select_n3A_4006 = arith.select %lt3A_3942, %gather3A_3986, %gather3A_4005 : vector<16xi1>, vector<16xf32>
      %max3A_4007 = arith.maximumf %select_n3A_3854, %select_n3A_4006 : vector<16xf32>
      %add3A_4008 = arith.constant 1.000000e+00 : f32
      %add3A_4009 = vector.broadcast %add3A_4008 : f32 to vector<16xf32>
      %add3A_4010 = arith.addf %select_n3A_3974, %add3A_4009 : vector<16xf32>
      %sub3A_4011 = arith.subf %add3A_4010, %max3A_4007 : vector<16xf32>
      %mul3A_4012 = arith.mulf %gather3A_3939, %sub3A_4011 : vector<16xf32>
      %add3A_4013 = arith.addf %mul3A_4012, %max3A_4007 : vector<16xf32>
      %jit3A_4014 = arith.constant 0.000000e+00 : f32
      %broadcast_in_dim3A_4015 = vector.broadcast %jit3A_4014 : f32 to vector<16xf32>
      %select_n3A_4016 = arith.select %and3A_3929, %add3A_4013, %broadcast_in_dim3A_4015 : vector<16xi1>, vector<16xf32>
      %ge3A_4017 = arith.constant 13 : i32
      %ge3A_4018 = vector.broadcast %ge3A_4017 : i32 to vector<16xi32>
      %ge3A_4019 = arith.cmpi sge, %iota3A, %ge3A_4018 : vector<16xi32>
      %le3A_4020 = arith.constant 20 : i32
      %le3A_4021 = vector.broadcast %le3A_4020 : i32 to vector<16xi32>
      %le3A_4022 = arith.cmpi sle, %iota3A, %le3A_4021 : vector<16xi32>
      %and3A_4023 = arith.andi %ge3A_4019, %le3A_4022 : vector<16xi1>
      %add3A_4024 = arith.constant 33 : i32
      %add3A_4025 = vector.broadcast %add3A_4024 : i32 to vector<16xi32>
      %add3A_4026 = arith.addi %sub3A_100, %add3A_4025 : vector<16xi32>
      %max3A_4027 = arith.constant 0 : i32
      %max3A_4028 = vector.broadcast %max3A_4027 : i32 to vector<16xi32>
      %max3A_4029 = arith.maxsi %add3A_4026, %max3A_4028 : vector<16xi32>
      %min3A_4030 = arith.constant 399 : i32
      %min3A_4031 = vector.broadcast %min3A_4030 : i32 to vector<16xi32>
      %min3A_4032 = arith.minsi %max3A_4029, %min3A_4031 : vector<16xi32>
      %gather3A_4033 = tpu.vector_load_idx %arg7[%min3A_4032] : memref<400xf32, #tpu.memory_space<vmem>>[vector<16xi32>], vector<16xf32>,
      %sub3A_4034 = arith.constant 1 : i32
      %sub3A_4035 = vector.broadcast %sub3A_4034 : i32 to vector<16xi32>
      %sub3A_4036 = arith.subi %iota3A, %sub3A_4035 : vector<16xi32>
      %max3A_4037 = arith.constant 0 : i32
      %max3A_4038 = vector.broadcast %max3A_4037 : i32 to vector<16xi32>
      %max3A_4039 = arith.maxsi %sub3A_4036, %max3A_4038 : vector<16xi32>
      %min3A_4040 = arith.constant 15 : i32
      %min3A_4041 = vector.broadcast %min3A_4040 : i32 to vector<16xi32>
      %min3A_4042 = arith.minsi %max3A_4039, %min3A_4041 : vector<16xi32>
      %lt3A_4043 = arith.constant 0 : i32
      %lt3A_4044 = vector.broadcast %lt3A_4043 : i32 to vector<16xi32>
      %lt3A_4045 = arith.cmpi slt, %min3A_4042, %lt3A_4044 : vector<16xi32>
      %add3A_4046 = arith.constant 16 : i32
      %add3A_4047 = vector.broadcast %add3A_4046 : i32 to vector<16xi32>
      %add3A_4048 = arith.addi %min3A_4042, %add3A_4047 : vector<16xi32>
      %select_n3A_4049 = arith.select %lt3A_4045, %add3A_4048, %min3A_4042 : vector<16xi1>, vector<16xi32>
      %broadcast_in_dim3A_4050 = vector.shape_cast %select_n3A_4049 : vector<16xi32> to vector<16x1xi32>
      %gather3A_4051 = vector.shape_cast %broadcast_in_dim3A_4050 : vector<16x1xi32> to vector<16xi32>
      %gather3A_4052 = tpu.dynamic_gather %select_n3A_3919[%gather3A_4051] in [0] : vector<16xf32>, vector<16xi32> -> vector<16xf32>
      %max3A_4053 = arith.maximumf %select_n3A_3919, %gather3A_4052 : vector<16xf32>
      %sub3A_4054 = arith.constant 1 : i32
      %sub3A_4055 = vector.broadcast %sub3A_4054 : i32 to vector<16xi32>
      %sub3A_4056 = arith.subi %iota3A, %sub3A_4055 : vector<16xi32>
      %max3A_4057 = arith.constant 0 : i32
      %max3A_4058 = vector.broadcast %max3A_4057 : i32 to vector<16xi32>
      %max3A_4059 = arith.maxsi %sub3A_4056, %max3A_4058 : vector<16xi32>
      %min3A_4060 = arith.constant 15 : i32
      %min3A_4061 = vector.broadcast %min3A_4060 : i32 to vector<16xi32>
      %min3A_4062 = arith.minsi %max3A_4059, %min3A_4061 : vector<16xi32>
      %lt3A_4063 = arith.constant 0 : i32
      %lt3A_4064 = vector.broadcast %lt3A_4063 : i32 to vector<16xi32>
      %lt3A_4065 = arith.cmpi slt, %min3A_4062, %lt3A_4064 : vector<16xi32>
      %add3A_4066 = arith.constant 16 : i32
      %add3A_4067 = vector.broadcast %add3A_4066 : i32 to vector<16xi32>
      %add3A_4068 = arith.addi %min3A_4062, %add3A_4067 : vector<16xi32>
      %select_n3A_4069 = arith.select %lt3A_4065, %add3A_4068, %min3A_4062 : vector<16xi1>, vector<16xi32>
      %broadcast_in_dim3A_4070 = vector.shape_cast %select_n3A_4069 : vector<16xi32> to vector<16x1xi32>
      %gather3A_4071 = vector.shape_cast %broadcast_in_dim3A_4070 : vector<16x1xi32> to vector<16xi32>
      %gather3A_4072 = tpu.dynamic_gather %select_n3A_3757[%gather3A_4071] in [0] : vector<16xf32>, vector<16xi32> -> vector<16xf32>
      %add3A_4073 = arith.constant 1.000000e+00 : f32
      %add3A_4074 = vector.broadcast %add3A_4073 : f32 to vector<16xf32>
      %add3A_4075 = arith.addf %gather3A_4072, %add3A_4074 : vector<16xf32>
      %sub3A_4076 = arith.subf %add3A_4075, %max3A_4053 : vector<16xf32>
      %mul3A_4077 = arith.mulf %gather3A_4033, %sub3A_4076 : vector<16xf32>
      %add3A_4078 = arith.addf %mul3A_4077, %max3A_4053 : vector<16xf32>
      %jit3A_4079 = arith.constant 0.000000e+00 : f32
      %broadcast_in_dim3A_4080 = vector.broadcast %jit3A_4079 : f32 to vector<16xf32>
      %select_n3A_4081 = arith.select %and3A_4023, %add3A_4078, %broadcast_in_dim3A_4080 : vector<16xi1>, vector<16xf32>
      %add3A_4082 = arith.constant 16 : i32
      %add3A_4083 = vector.broadcast %add3A_4082 : i32 to vector<16xi32>
      %add3A_4084 = arith.addi %iota3A, %add3A_4083 : vector<16xi32>
      %ge3A_4085 = arith.constant 13 : i32
      %ge3A_4086 = vector.broadcast %ge3A_4085 : i32 to vector<16xi32>
      %ge3A_4087 = arith.cmpi sge, %add3A_4084, %ge3A_4086 : vector<16xi32>
      %le3A_4088 = arith.constant 20 : i32
      %le3A_4089 = vector.broadcast %le3A_4088 : i32 to vector<16xi32>
      %le3A_4090 = arith.cmpi sle, %add3A_4084, %le3A_4089 : vector<16xi32>
      %and3A_4091 = arith.andi %ge3A_4087, %le3A_4090 : vector<16xi1>
      %add3A_4092 = arith.constant 33 : i32
      %add3A_4093 = vector.broadcast %add3A_4092 : i32 to vector<16xi32>
      %add3A_4094 = arith.addi %sub3A_109, %add3A_4093 : vector<16xi32>
      %max3A_4095 = arith.constant 0 : i32
      %max3A_4096 = vector.broadcast %max3A_4095 : i32 to vector<16xi32>
      %max3A_4097 = arith.maxsi %add3A_4094, %max3A_4096 : vector<16xi32>
      %min3A_4098 = arith.constant 399 : i32
      %min3A_4099 = vector.broadcast %min3A_4098 : i32 to vector<16xi32>
      %min3A_4100 = arith.minsi %max3A_4097, %min3A_4099 : vector<16xi32>
      %gather3A_4101 = tpu.vector_load_idx %arg7[%min3A_4100] : memref<400xf32, #tpu.memory_space<vmem>>[vector<16xi32>], vector<16xf32>,
      %lt3A_4102 = arith.constant 1 : i32
      %lt3A_4103 = vector.broadcast %lt3A_4102 : i32 to vector<16xi32>
      %lt3A_4104 = arith.cmpi slt, %iota3A, %lt3A_4103 : vector<16xi32>
      %broadcast_in_dim3A_4105 = arith.constant 15 : i32
      %broadcast_in_dim3A_4106 = vector.broadcast %broadcast_in_dim3A_4105 : i32 to vector<16xi32>
      %lt3A_4107 = arith.constant 0 : i32
      %lt3A_4108 = vector.broadcast %lt3A_4107 : i32 to vector<16xi32>
      %lt3A_4109 = arith.cmpi slt, %broadcast_in_dim3A_4106, %lt3A_4108 : vector<16xi32>
      %add3A_4110 = arith.constant 16 : i32
      %add3A_4111 = vector.broadcast %add3A_4110 : i32 to vector<16xi32>
      %add3A_4112 = arith.addi %broadcast_in_dim3A_4106, %add3A_4111 : vector<16xi32>
      %select_n3A_4113 = arith.select %lt3A_4109, %add3A_4112, %broadcast_in_dim3A_4106 : vector<16xi1>, vector<16xi32>
      %broadcast_in_dim3A_4114 = vector.shape_cast %select_n3A_4113 : vector<16xi32> to vector<16x1xi32>
      %gather3A_4115 = vector.shape_cast %broadcast_in_dim3A_4114 : vector<16x1xi32> to vector<16xi32>
      %gather3A_4116 = tpu.dynamic_gather %select_n3A_3757[%gather3A_4115] in [0] : vector<16xf32>, vector<16xi32> -> vector<16xf32>
      %sub3A_4117 = arith.constant 1 : i32
      %sub3A_4118 = vector.broadcast %sub3A_4117 : i32 to vector<16xi32>
      %sub3A_4119 = arith.subi %iota3A, %sub3A_4118 : vector<16xi32>
      %max3A_4120 = arith.constant 0 : i32
      %max3A_4121 = vector.broadcast %max3A_4120 : i32 to vector<16xi32>
      %max3A_4122 = arith.maxsi %sub3A_4119, %max3A_4121 : vector<16xi32>
      %min3A_4123 = arith.constant 15 : i32
      %min3A_4124 = vector.broadcast %min3A_4123 : i32 to vector<16xi32>
      %min3A_4125 = arith.minsi %max3A_4122, %min3A_4124 : vector<16xi32>
      %lt3A_4126 = arith.constant 0 : i32
      %lt3A_4127 = vector.broadcast %lt3A_4126 : i32 to vector<16xi32>
      %lt3A_4128 = arith.cmpi slt, %min3A_4125, %lt3A_4127 : vector<16xi32>
      %add3A_4129 = arith.constant 16 : i32
      %add3A_4130 = vector.broadcast %add3A_4129 : i32 to vector<16xi32>
      %add3A_4131 = arith.addi %min3A_4125, %add3A_4130 : vector<16xi32>
      %select_n3A_4132 = arith.select %lt3A_4128, %add3A_4131, %min3A_4125 : vector<16xi1>, vector<16xi32>
      %broadcast_in_dim3A_4133 = vector.shape_cast %select_n3A_4132 : vector<16xi32> to vector<16x1xi32>
      %gather3A_4134 = vector.shape_cast %broadcast_in_dim3A_4133 : vector<16x1xi32> to vector<16xi32>
      %gather3A_4135 = tpu.dynamic_gather %select_n3A_3854[%gather3A_4134] in [0] : vector<16xf32>, vector<16xi32> -> vector<16xf32>
      %select_n3A_4136 = arith.select %lt3A_4104, %gather3A_4116, %gather3A_4135 : vector<16xi1>, vector<16xf32>
      %broadcast_in_dim3A_4137 = arith.constant 15 : i32
      %broadcast_in_dim3A_4138 = vector.broadcast %broadcast_in_dim3A_4137 : i32 to vector<16xi32>
      %lt3A_4139 = arith.constant 0 : i32
      %lt3A_4140 = vector.broadcast %lt3A_4139 : i32 to vector<16xi32>
      %lt3A_4141 = arith.cmpi slt, %broadcast_in_dim3A_4138, %lt3A_4140 : vector<16xi32>
      %add3A_4142 = arith.constant 16 : i32
      %add3A_4143 = vector.broadcast %add3A_4142 : i32 to vector<16xi32>
      %add3A_4144 = arith.addi %broadcast_in_dim3A_4138, %add3A_4143 : vector<16xi32>
      %select_n3A_4145 = arith.select %lt3A_4141, %add3A_4144, %broadcast_in_dim3A_4138 : vector<16xi1>, vector<16xi32>
      %broadcast_in_dim3A_4146 = vector.shape_cast %select_n3A_4145 : vector<16xi32> to vector<16x1xi32>
      %gather3A_4147 = vector.shape_cast %broadcast_in_dim3A_4146 : vector<16x1xi32> to vector<16xi32>
      %gather3A_4148 = tpu.dynamic_gather %select_n3A_3919[%gather3A_4147] in [0] : vector<16xf32>, vector<16xi32> -> vector<16xf32>
      %sub3A_4149 = arith.constant 1 : i32
      %sub3A_4150 = vector.broadcast %sub3A_4149 : i32 to vector<16xi32>
      %sub3A_4151 = arith.subi %iota3A, %sub3A_4150 : vector<16xi32>
      %max3A_4152 = arith.constant 0 : i32
      %max3A_4153 = vector.broadcast %max3A_4152 : i32 to vector<16xi32>
      %max3A_4154 = arith.maxsi %sub3A_4151, %max3A_4153 : vector<16xi32>
      %min3A_4155 = arith.constant 15 : i32
      %min3A_4156 = vector.broadcast %min3A_4155 : i32 to vector<16xi32>
      %min3A_4157 = arith.minsi %max3A_4154, %min3A_4156 : vector<16xi32>
      %lt3A_4158 = arith.constant 0 : i32
      %lt3A_4159 = vector.broadcast %lt3A_4158 : i32 to vector<16xi32>
      %lt3A_4160 = arith.cmpi slt, %min3A_4157, %lt3A_4159 : vector<16xi32>
      %add3A_4161 = arith.constant 16 : i32
      %add3A_4162 = vector.broadcast %add3A_4161 : i32 to vector<16xi32>
      %add3A_4163 = arith.addi %min3A_4157, %add3A_4162 : vector<16xi32>
      %select_n3A_4164 = arith.select %lt3A_4160, %add3A_4163, %min3A_4157 : vector<16xi1>, vector<16xi32>
      %broadcast_in_dim3A_4165 = vector.shape_cast %select_n3A_4164 : vector<16xi32> to vector<16x1xi32>
      %gather3A_4166 = vector.shape_cast %broadcast_in_dim3A_4165 : vector<16x1xi32> to vector<16xi32>
      %gather3A_4167 = tpu.dynamic_gather %select_n3A_4016[%gather3A_4166] in [0] : vector<16xf32>, vector<16xi32> -> vector<16xf32>
      %select_n3A_4168 = arith.select %lt3A_4104, %gather3A_4148, %gather3A_4167 : vector<16xi1>, vector<16xf32>
      %max3A_4169 = arith.maximumf %select_n3A_4016, %select_n3A_4168 : vector<16xf32>
      %add3A_4170 = arith.constant 1.000000e+00 : f32
      %add3A_4171 = vector.broadcast %add3A_4170 : f32 to vector<16xf32>
      %add3A_4172 = arith.addf %select_n3A_4136, %add3A_4171 : vector<16xf32>
      %sub3A_4173 = arith.subf %add3A_4172, %max3A_4169 : vector<16xf32>
      %mul3A_4174 = arith.mulf %gather3A_4101, %sub3A_4173 : vector<16xf32>
      %add3A_4175 = arith.addf %mul3A_4174, %max3A_4169 : vector<16xf32>
      %jit3A_4176 = arith.constant 0.000000e+00 : f32
      %broadcast_in_dim3A_4177 = vector.broadcast %jit3A_4176 : f32 to vector<16xf32>
      %select_n3A_4178 = arith.select %and3A_4091, %add3A_4175, %broadcast_in_dim3A_4177 : vector<16xi1>, vector<16xf32>
      %ge3A_4179 = arith.constant 14 : i32
      %ge3A_4180 = vector.broadcast %ge3A_4179 : i32 to vector<16xi32>
      %ge3A_4181 = arith.cmpi sge, %iota3A, %ge3A_4180 : vector<16xi32>
      %le3A_4182 = arith.constant 20 : i32
      %le3A_4183 = vector.broadcast %le3A_4182 : i32 to vector<16xi32>
      %le3A_4184 = arith.cmpi sle, %iota3A, %le3A_4183 : vector<16xi32>
      %and3A_4185 = arith.andi %ge3A_4181, %le3A_4184 : vector<16xi1>
      %add3A_4186 = arith.constant 34 : i32
      %add3A_4187 = vector.broadcast %add3A_4186 : i32 to vector<16xi32>
      %add3A_4188 = arith.addi %sub3A_100, %add3A_4187 : vector<16xi32>
      %max3A_4189 = arith.constant 0 : i32
      %max3A_4190 = vector.broadcast %max3A_4189 : i32 to vector<16xi32>
      %max3A_4191 = arith.maxsi %add3A_4188, %max3A_4190 : vector<16xi32>
      %min3A_4192 = arith.constant 399 : i32
      %min3A_4193 = vector.broadcast %min3A_4192 : i32 to vector<16xi32>
      %min3A_4194 = arith.minsi %max3A_4191, %min3A_4193 : vector<16xi32>
      %gather3A_4195 = tpu.vector_load_idx %arg7[%min3A_4194] : memref<400xf32, #tpu.memory_space<vmem>>[vector<16xi32>], vector<16xf32>,
      %sub3A_4196 = arith.constant 1 : i32
      %sub3A_4197 = vector.broadcast %sub3A_4196 : i32 to vector<16xi32>
      %sub3A_4198 = arith.subi %iota3A, %sub3A_4197 : vector<16xi32>
      %max3A_4199 = arith.constant 0 : i32
      %max3A_4200 = vector.broadcast %max3A_4199 : i32 to vector<16xi32>
      %max3A_4201 = arith.maxsi %sub3A_4198, %max3A_4200 : vector<16xi32>
      %min3A_4202 = arith.constant 15 : i32
      %min3A_4203 = vector.broadcast %min3A_4202 : i32 to vector<16xi32>
      %min3A_4204 = arith.minsi %max3A_4201, %min3A_4203 : vector<16xi32>
      %lt3A_4205 = arith.constant 0 : i32
      %lt3A_4206 = vector.broadcast %lt3A_4205 : i32 to vector<16xi32>
      %lt3A_4207 = arith.cmpi slt, %min3A_4204, %lt3A_4206 : vector<16xi32>
      %add3A_4208 = arith.constant 16 : i32
      %add3A_4209 = vector.broadcast %add3A_4208 : i32 to vector<16xi32>
      %add3A_4210 = arith.addi %min3A_4204, %add3A_4209 : vector<16xi32>
      %select_n3A_4211 = arith.select %lt3A_4207, %add3A_4210, %min3A_4204 : vector<16xi1>, vector<16xi32>
      %broadcast_in_dim3A_4212 = vector.shape_cast %select_n3A_4211 : vector<16xi32> to vector<16x1xi32>
      %gather3A_4213 = vector.shape_cast %broadcast_in_dim3A_4212 : vector<16x1xi32> to vector<16xi32>
      %gather3A_4214 = tpu.dynamic_gather %select_n3A_4081[%gather3A_4213] in [0] : vector<16xf32>, vector<16xi32> -> vector<16xf32>
      %max3A_4215 = arith.maximumf %select_n3A_4081, %gather3A_4214 : vector<16xf32>
      %sub3A_4216 = arith.constant 1 : i32
      %sub3A_4217 = vector.broadcast %sub3A_4216 : i32 to vector<16xi32>
      %sub3A_4218 = arith.subi %iota3A, %sub3A_4217 : vector<16xi32>
      %max3A_4219 = arith.constant 0 : i32
      %max3A_4220 = vector.broadcast %max3A_4219 : i32 to vector<16xi32>
      %max3A_4221 = arith.maxsi %sub3A_4218, %max3A_4220 : vector<16xi32>
      %min3A_4222 = arith.constant 15 : i32
      %min3A_4223 = vector.broadcast %min3A_4222 : i32 to vector<16xi32>
      %min3A_4224 = arith.minsi %max3A_4221, %min3A_4223 : vector<16xi32>
      %lt3A_4225 = arith.constant 0 : i32
      %lt3A_4226 = vector.broadcast %lt3A_4225 : i32 to vector<16xi32>
      %lt3A_4227 = arith.cmpi slt, %min3A_4224, %lt3A_4226 : vector<16xi32>
      %add3A_4228 = arith.constant 16 : i32
      %add3A_4229 = vector.broadcast %add3A_4228 : i32 to vector<16xi32>
      %add3A_4230 = arith.addi %min3A_4224, %add3A_4229 : vector<16xi32>
      %select_n3A_4231 = arith.select %lt3A_4227, %add3A_4230, %min3A_4224 : vector<16xi1>, vector<16xi32>
      %broadcast_in_dim3A_4232 = vector.shape_cast %select_n3A_4231 : vector<16xi32> to vector<16x1xi32>
      %gather3A_4233 = vector.shape_cast %broadcast_in_dim3A_4232 : vector<16x1xi32> to vector<16xi32>
      %gather3A_4234 = tpu.dynamic_gather %select_n3A_3919[%gather3A_4233] in [0] : vector<16xf32>, vector<16xi32> -> vector<16xf32>
      %add3A_4235 = arith.constant 1.000000e+00 : f32
      %add3A_4236 = vector.broadcast %add3A_4235 : f32 to vector<16xf32>
      %add3A_4237 = arith.addf %gather3A_4234, %add3A_4236 : vector<16xf32>
      %sub3A_4238 = arith.subf %add3A_4237, %max3A_4215 : vector<16xf32>
      %mul3A_4239 = arith.mulf %gather3A_4195, %sub3A_4238 : vector<16xf32>
      %add3A_4240 = arith.addf %mul3A_4239, %max3A_4215 : vector<16xf32>
      %jit3A_4241 = arith.constant 0.000000e+00 : f32
      %broadcast_in_dim3A_4242 = vector.broadcast %jit3A_4241 : f32 to vector<16xf32>
      %select_n3A_4243 = arith.select %and3A_4185, %add3A_4240, %broadcast_in_dim3A_4242 : vector<16xi1>, vector<16xf32>
      %add3A_4244 = arith.constant 16 : i32
      %add3A_4245 = vector.broadcast %add3A_4244 : i32 to vector<16xi32>
      %add3A_4246 = arith.addi %iota3A, %add3A_4245 : vector<16xi32>
      %ge3A_4247 = arith.constant 14 : i32
      %ge3A_4248 = vector.broadcast %ge3A_4247 : i32 to vector<16xi32>
      %ge3A_4249 = arith.cmpi sge, %add3A_4246, %ge3A_4248 : vector<16xi32>
      %le3A_4250 = arith.constant 20 : i32
      %le3A_4251 = vector.broadcast %le3A_4250 : i32 to vector<16xi32>
      %le3A_4252 = arith.cmpi sle, %add3A_4246, %le3A_4251 : vector<16xi32>
      %and3A_4253 = arith.andi %ge3A_4249, %le3A_4252 : vector<16xi1>
      %add3A_4254 = arith.constant 34 : i32
      %add3A_4255 = vector.broadcast %add3A_4254 : i32 to vector<16xi32>
      %add3A_4256 = arith.addi %sub3A_109, %add3A_4255 : vector<16xi32>
      %max3A_4257 = arith.constant 0 : i32
      %max3A_4258 = vector.broadcast %max3A_4257 : i32 to vector<16xi32>
      %max3A_4259 = arith.maxsi %add3A_4256, %max3A_4258 : vector<16xi32>
      %min3A_4260 = arith.constant 399 : i32
      %min3A_4261 = vector.broadcast %min3A_4260 : i32 to vector<16xi32>
      %min3A_4262 = arith.minsi %max3A_4259, %min3A_4261 : vector<16xi32>
      %gather3A_4263 = tpu.vector_load_idx %arg7[%min3A_4262] : memref<400xf32, #tpu.memory_space<vmem>>[vector<16xi32>], vector<16xf32>,
      %lt3A_4264 = arith.constant 1 : i32
      %lt3A_4265 = vector.broadcast %lt3A_4264 : i32 to vector<16xi32>
      %lt3A_4266 = arith.cmpi slt, %iota3A, %lt3A_4265 : vector<16xi32>
      %broadcast_in_dim3A_4267 = arith.constant 15 : i32
      %broadcast_in_dim3A_4268 = vector.broadcast %broadcast_in_dim3A_4267 : i32 to vector<16xi32>
      %lt3A_4269 = arith.constant 0 : i32
      %lt3A_4270 = vector.broadcast %lt3A_4269 : i32 to vector<16xi32>
      %lt3A_4271 = arith.cmpi slt, %broadcast_in_dim3A_4268, %lt3A_4270 : vector<16xi32>
      %add3A_4272 = arith.constant 16 : i32
      %add3A_4273 = vector.broadcast %add3A_4272 : i32 to vector<16xi32>
      %add3A_4274 = arith.addi %broadcast_in_dim3A_4268, %add3A_4273 : vector<16xi32>
      %select_n3A_4275 = arith.select %lt3A_4271, %add3A_4274, %broadcast_in_dim3A_4268 : vector<16xi1>, vector<16xi32>
      %broadcast_in_dim3A_4276 = vector.shape_cast %select_n3A_4275 : vector<16xi32> to vector<16x1xi32>
      %gather3A_4277 = vector.shape_cast %broadcast_in_dim3A_4276 : vector<16x1xi32> to vector<16xi32>
      %gather3A_4278 = tpu.dynamic_gather %select_n3A_3919[%gather3A_4277] in [0] : vector<16xf32>, vector<16xi32> -> vector<16xf32>
      %sub3A_4279 = arith.constant 1 : i32
      %sub3A_4280 = vector.broadcast %sub3A_4279 : i32 to vector<16xi32>
      %sub3A_4281 = arith.subi %iota3A, %sub3A_4280 : vector<16xi32>
      %max3A_4282 = arith.constant 0 : i32
      %max3A_4283 = vector.broadcast %max3A_4282 : i32 to vector<16xi32>
      %max3A_4284 = arith.maxsi %sub3A_4281, %max3A_4283 : vector<16xi32>
      %min3A_4285 = arith.constant 15 : i32
      %min3A_4286 = vector.broadcast %min3A_4285 : i32 to vector<16xi32>
      %min3A_4287 = arith.minsi %max3A_4284, %min3A_4286 : vector<16xi32>
      %lt3A_4288 = arith.constant 0 : i32
      %lt3A_4289 = vector.broadcast %lt3A_4288 : i32 to vector<16xi32>
      %lt3A_4290 = arith.cmpi slt, %min3A_4287, %lt3A_4289 : vector<16xi32>
      %add3A_4291 = arith.constant 16 : i32
      %add3A_4292 = vector.broadcast %add3A_4291 : i32 to vector<16xi32>
      %add3A_4293 = arith.addi %min3A_4287, %add3A_4292 : vector<16xi32>
      %select_n3A_4294 = arith.select %lt3A_4290, %add3A_4293, %min3A_4287 : vector<16xi1>, vector<16xi32>
      %broadcast_in_dim3A_4295 = vector.shape_cast %select_n3A_4294 : vector<16xi32> to vector<16x1xi32>
      %gather3A_4296 = vector.shape_cast %broadcast_in_dim3A_4295 : vector<16x1xi32> to vector<16xi32>
      %gather3A_4297 = tpu.dynamic_gather %select_n3A_4016[%gather3A_4296] in [0] : vector<16xf32>, vector<16xi32> -> vector<16xf32>
      %select_n3A_4298 = arith.select %lt3A_4266, %gather3A_4278, %gather3A_4297 : vector<16xi1>, vector<16xf32>
      %broadcast_in_dim3A_4299 = arith.constant 15 : i32
      %broadcast_in_dim3A_4300 = vector.broadcast %broadcast_in_dim3A_4299 : i32 to vector<16xi32>
      %lt3A_4301 = arith.constant 0 : i32
      %lt3A_4302 = vector.broadcast %lt3A_4301 : i32 to vector<16xi32>
      %lt3A_4303 = arith.cmpi slt, %broadcast_in_dim3A_4300, %lt3A_4302 : vector<16xi32>
      %add3A_4304 = arith.constant 16 : i32
      %add3A_4305 = vector.broadcast %add3A_4304 : i32 to vector<16xi32>
      %add3A_4306 = arith.addi %broadcast_in_dim3A_4300, %add3A_4305 : vector<16xi32>
      %select_n3A_4307 = arith.select %lt3A_4303, %add3A_4306, %broadcast_in_dim3A_4300 : vector<16xi1>, vector<16xi32>
      %broadcast_in_dim3A_4308 = vector.shape_cast %select_n3A_4307 : vector<16xi32> to vector<16x1xi32>
      %gather3A_4309 = vector.shape_cast %broadcast_in_dim3A_4308 : vector<16x1xi32> to vector<16xi32>
      %gather3A_4310 = tpu.dynamic_gather %select_n3A_4081[%gather3A_4309] in [0] : vector<16xf32>, vector<16xi32> -> vector<16xf32>
      %sub3A_4311 = arith.constant 1 : i32
      %sub3A_4312 = vector.broadcast %sub3A_4311 : i32 to vector<16xi32>
      %sub3A_4313 = arith.subi %iota3A, %sub3A_4312 : vector<16xi32>
      %max3A_4314 = arith.constant 0 : i32
      %max3A_4315 = vector.broadcast %max3A_4314 : i32 to vector<16xi32>
      %max3A_4316 = arith.maxsi %sub3A_4313, %max3A_4315 : vector<16xi32>
      %min3A_4317 = arith.constant 15 : i32
      %min3A_4318 = vector.broadcast %min3A_4317 : i32 to vector<16xi32>
      %min3A_4319 = arith.minsi %max3A_4316, %min3A_4318 : vector<16xi32>
      %lt3A_4320 = arith.constant 0 : i32
      %lt3A_4321 = vector.broadcast %lt3A_4320 : i32 to vector<16xi32>
      %lt3A_4322 = arith.cmpi slt, %min3A_4319, %lt3A_4321 : vector<16xi32>
      %add3A_4323 = arith.constant 16 : i32
      %add3A_4324 = vector.broadcast %add3A_4323 : i32 to vector<16xi32>
      %add3A_4325 = arith.addi %min3A_4319, %add3A_4324 : vector<16xi32>
      %select_n3A_4326 = arith.select %lt3A_4322, %add3A_4325, %min3A_4319 : vector<16xi1>, vector<16xi32>
      %broadcast_in_dim3A_4327 = vector.shape_cast %select_n3A_4326 : vector<16xi32> to vector<16x1xi32>
      %gather3A_4328 = vector.shape_cast %broadcast_in_dim3A_4327 : vector<16x1xi32> to vector<16xi32>
      %gather3A_4329 = tpu.dynamic_gather %select_n3A_4178[%gather3A_4328] in [0] : vector<16xf32>, vector<16xi32> -> vector<16xf32>
      %select_n3A_4330 = arith.select %lt3A_4266, %gather3A_4310, %gather3A_4329 : vector<16xi1>, vector<16xf32>
      %max3A_4331 = arith.maximumf %select_n3A_4178, %select_n3A_4330 : vector<16xf32>
      %add3A_4332 = arith.constant 1.000000e+00 : f32
      %add3A_4333 = vector.broadcast %add3A_4332 : f32 to vector<16xf32>
      %add3A_4334 = arith.addf %select_n3A_4298, %add3A_4333 : vector<16xf32>
      %sub3A_4335 = arith.subf %add3A_4334, %max3A_4331 : vector<16xf32>
      %mul3A_4336 = arith.mulf %gather3A_4263, %sub3A_4335 : vector<16xf32>
      %add3A_4337 = arith.addf %mul3A_4336, %max3A_4331 : vector<16xf32>
      %jit3A_4338 = arith.constant 0.000000e+00 : f32
      %broadcast_in_dim3A_4339 = vector.broadcast %jit3A_4338 : f32 to vector<16xf32>
      %select_n3A_4340 = arith.select %and3A_4253, %add3A_4337, %broadcast_in_dim3A_4339 : vector<16xi1>, vector<16xf32>
      %ge3A_4341 = arith.constant 15 : i32
      %ge3A_4342 = vector.broadcast %ge3A_4341 : i32 to vector<16xi32>
      %ge3A_4343 = arith.cmpi sge, %iota3A, %ge3A_4342 : vector<16xi32>
      %le3A_4344 = arith.constant 20 : i32
      %le3A_4345 = vector.broadcast %le3A_4344 : i32 to vector<16xi32>
      %le3A_4346 = arith.cmpi sle, %iota3A, %le3A_4345 : vector<16xi32>
      %and3A_4347 = arith.andi %ge3A_4343, %le3A_4346 : vector<16xi1>
      %add3A_4348 = arith.constant 35 : i32
      %add3A_4349 = vector.broadcast %add3A_4348 : i32 to vector<16xi32>
      %add3A_4350 = arith.addi %sub3A_100, %add3A_4349 : vector<16xi32>
      %max3A_4351 = arith.constant 0 : i32
      %max3A_4352 = vector.broadcast %max3A_4351 : i32 to vector<16xi32>
      %max3A_4353 = arith.maxsi %add3A_4350, %max3A_4352 : vector<16xi32>
      %min3A_4354 = arith.constant 399 : i32
      %min3A_4355 = vector.broadcast %min3A_4354 : i32 to vector<16xi32>
      %min3A_4356 = arith.minsi %max3A_4353, %min3A_4355 : vector<16xi32>
      %gather3A_4357 = tpu.vector_load_idx %arg7[%min3A_4356] : memref<400xf32, #tpu.memory_space<vmem>>[vector<16xi32>], vector<16xf32>,
      %sub3A_4358 = arith.constant 1 : i32
      %sub3A_4359 = vector.broadcast %sub3A_4358 : i32 to vector<16xi32>
      %sub3A_4360 = arith.subi %iota3A, %sub3A_4359 : vector<16xi32>
      %max3A_4361 = arith.constant 0 : i32
      %max3A_4362 = vector.broadcast %max3A_4361 : i32 to vector<16xi32>
      %max3A_4363 = arith.maxsi %sub3A_4360, %max3A_4362 : vector<16xi32>
      %min3A_4364 = arith.constant 15 : i32
      %min3A_4365 = vector.broadcast %min3A_4364 : i32 to vector<16xi32>
      %min3A_4366 = arith.minsi %max3A_4363, %min3A_4365 : vector<16xi32>
      %lt3A_4367 = arith.constant 0 : i32
      %lt3A_4368 = vector.broadcast %lt3A_4367 : i32 to vector<16xi32>
      %lt3A_4369 = arith.cmpi slt, %min3A_4366, %lt3A_4368 : vector<16xi32>
      %add3A_4370 = arith.constant 16 : i32
      %add3A_4371 = vector.broadcast %add3A_4370 : i32 to vector<16xi32>
      %add3A_4372 = arith.addi %min3A_4366, %add3A_4371 : vector<16xi32>
      %select_n3A_4373 = arith.select %lt3A_4369, %add3A_4372, %min3A_4366 : vector<16xi1>, vector<16xi32>
      %broadcast_in_dim3A_4374 = vector.shape_cast %select_n3A_4373 : vector<16xi32> to vector<16x1xi32>
      %gather3A_4375 = vector.shape_cast %broadcast_in_dim3A_4374 : vector<16x1xi32> to vector<16xi32>
      %gather3A_4376 = tpu.dynamic_gather %select_n3A_4243[%gather3A_4375] in [0] : vector<16xf32>, vector<16xi32> -> vector<16xf32>
      %max3A_4377 = arith.maximumf %select_n3A_4243, %gather3A_4376 : vector<16xf32>
      %sub3A_4378 = arith.constant 1 : i32
      %sub3A_4379 = vector.broadcast %sub3A_4378 : i32 to vector<16xi32>
      %sub3A_4380 = arith.subi %iota3A, %sub3A_4379 : vector<16xi32>
      %max3A_4381 = arith.constant 0 : i32
      %max3A_4382 = vector.broadcast %max3A_4381 : i32 to vector<16xi32>
      %max3A_4383 = arith.maxsi %sub3A_4380, %max3A_4382 : vector<16xi32>
      %min3A_4384 = arith.constant 15 : i32
      %min3A_4385 = vector.broadcast %min3A_4384 : i32 to vector<16xi32>
      %min3A_4386 = arith.minsi %max3A_4383, %min3A_4385 : vector<16xi32>
      %lt3A_4387 = arith.constant 0 : i32
      %lt3A_4388 = vector.broadcast %lt3A_4387 : i32 to vector<16xi32>
      %lt3A_4389 = arith.cmpi slt, %min3A_4386, %lt3A_4388 : vector<16xi32>
      %add3A_4390 = arith.constant 16 : i32
      %add3A_4391 = vector.broadcast %add3A_4390 : i32 to vector<16xi32>
      %add3A_4392 = arith.addi %min3A_4386, %add3A_4391 : vector<16xi32>
      %select_n3A_4393 = arith.select %lt3A_4389, %add3A_4392, %min3A_4386 : vector<16xi1>, vector<16xi32>
      %broadcast_in_dim3A_4394 = vector.shape_cast %select_n3A_4393 : vector<16xi32> to vector<16x1xi32>
      %gather3A_4395 = vector.shape_cast %broadcast_in_dim3A_4394 : vector<16x1xi32> to vector<16xi32>
      %gather3A_4396 = tpu.dynamic_gather %select_n3A_4081[%gather3A_4395] in [0] : vector<16xf32>, vector<16xi32> -> vector<16xf32>
      %add3A_4397 = arith.constant 1.000000e+00 : f32
      %add3A_4398 = vector.broadcast %add3A_4397 : f32 to vector<16xf32>
      %add3A_4399 = arith.addf %gather3A_4396, %add3A_4398 : vector<16xf32>
      %sub3A_4400 = arith.subf %add3A_4399, %max3A_4377 : vector<16xf32>
      %mul3A_4401 = arith.mulf %gather3A_4357, %sub3A_4400 : vector<16xf32>
      %add3A_4402 = arith.addf %mul3A_4401, %max3A_4377 : vector<16xf32>
      %jit3A_4403 = arith.constant 0.000000e+00 : f32
      %broadcast_in_dim3A_4404 = vector.broadcast %jit3A_4403 : f32 to vector<16xf32>
      %select_n3A_4405 = arith.select %and3A_4347, %add3A_4402, %broadcast_in_dim3A_4404 : vector<16xi1>, vector<16xf32>
      %add3A_4406 = arith.constant 16 : i32
      %add3A_4407 = vector.broadcast %add3A_4406 : i32 to vector<16xi32>
      %add3A_4408 = arith.addi %iota3A, %add3A_4407 : vector<16xi32>
      %ge3A_4409 = arith.constant 15 : i32
      %ge3A_4410 = vector.broadcast %ge3A_4409 : i32 to vector<16xi32>
      %ge3A_4411 = arith.cmpi sge, %add3A_4408, %ge3A_4410 : vector<16xi32>
      %le3A_4412 = arith.constant 20 : i32
      %le3A_4413 = vector.broadcast %le3A_4412 : i32 to vector<16xi32>
      %le3A_4414 = arith.cmpi sle, %add3A_4408, %le3A_4413 : vector<16xi32>
      %and3A_4415 = arith.andi %ge3A_4411, %le3A_4414 : vector<16xi1>
      %add3A_4416 = arith.constant 35 : i32
      %add3A_4417 = vector.broadcast %add3A_4416 : i32 to vector<16xi32>
      %add3A_4418 = arith.addi %sub3A_109, %add3A_4417 : vector<16xi32>
      %max3A_4419 = arith.constant 0 : i32
      %max3A_4420 = vector.broadcast %max3A_4419 : i32 to vector<16xi32>
      %max3A_4421 = arith.maxsi %add3A_4418, %max3A_4420 : vector<16xi32>
      %min3A_4422 = arith.constant 399 : i32
      %min3A_4423 = vector.broadcast %min3A_4422 : i32 to vector<16xi32>
      %min3A_4424 = arith.minsi %max3A_4421, %min3A_4423 : vector<16xi32>
      %gather3A_4425 = tpu.vector_load_idx %arg7[%min3A_4424] : memref<400xf32, #tpu.memory_space<vmem>>[vector<16xi32>], vector<16xf32>,
      %lt3A_4426 = arith.constant 1 : i32
      %lt3A_4427 = vector.broadcast %lt3A_4426 : i32 to vector<16xi32>
      %lt3A_4428 = arith.cmpi slt, %iota3A, %lt3A_4427 : vector<16xi32>
      %broadcast_in_dim3A_4429 = arith.constant 15 : i32
      %broadcast_in_dim3A_4430 = vector.broadcast %broadcast_in_dim3A_4429 : i32 to vector<16xi32>
      %lt3A_4431 = arith.constant 0 : i32
      %lt3A_4432 = vector.broadcast %lt3A_4431 : i32 to vector<16xi32>
      %lt3A_4433 = arith.cmpi slt, %broadcast_in_dim3A_4430, %lt3A_4432 : vector<16xi32>
      %add3A_4434 = arith.constant 16 : i32
      %add3A_4435 = vector.broadcast %add3A_4434 : i32 to vector<16xi32>
      %add3A_4436 = arith.addi %broadcast_in_dim3A_4430, %add3A_4435 : vector<16xi32>
      %select_n3A_4437 = arith.select %lt3A_4433, %add3A_4436, %broadcast_in_dim3A_4430 : vector<16xi1>, vector<16xi32>
      %broadcast_in_dim3A_4438 = vector.shape_cast %select_n3A_4437 : vector<16xi32> to vector<16x1xi32>
      %gather3A_4439 = vector.shape_cast %broadcast_in_dim3A_4438 : vector<16x1xi32> to vector<16xi32>
      %gather3A_4440 = tpu.dynamic_gather %select_n3A_4081[%gather3A_4439] in [0] : vector<16xf32>, vector<16xi32> -> vector<16xf32>
      %sub3A_4441 = arith.constant 1 : i32
      %sub3A_4442 = vector.broadcast %sub3A_4441 : i32 to vector<16xi32>
      %sub3A_4443 = arith.subi %iota3A, %sub3A_4442 : vector<16xi32>
      %max3A_4444 = arith.constant 0 : i32
      %max3A_4445 = vector.broadcast %max3A_4444 : i32 to vector<16xi32>
      %max3A_4446 = arith.maxsi %sub3A_4443, %max3A_4445 : vector<16xi32>
      %min3A_4447 = arith.constant 15 : i32
      %min3A_4448 = vector.broadcast %min3A_4447 : i32 to vector<16xi32>
      %min3A_4449 = arith.minsi %max3A_4446, %min3A_4448 : vector<16xi32>
      %lt3A_4450 = arith.constant 0 : i32
      %lt3A_4451 = vector.broadcast %lt3A_4450 : i32 to vector<16xi32>
      %lt3A_4452 = arith.cmpi slt, %min3A_4449, %lt3A_4451 : vector<16xi32>
      %add3A_4453 = arith.constant 16 : i32
      %add3A_4454 = vector.broadcast %add3A_4453 : i32 to vector<16xi32>
      %add3A_4455 = arith.addi %min3A_4449, %add3A_4454 : vector<16xi32>
      %select_n3A_4456 = arith.select %lt3A_4452, %add3A_4455, %min3A_4449 : vector<16xi1>, vector<16xi32>
      %broadcast_in_dim3A_4457 = vector.shape_cast %select_n3A_4456 : vector<16xi32> to vector<16x1xi32>
      %gather3A_4458 = vector.shape_cast %broadcast_in_dim3A_4457 : vector<16x1xi32> to vector<16xi32>
      %gather3A_4459 = tpu.dynamic_gather %select_n3A_4178[%gather3A_4458] in [0] : vector<16xf32>, vector<16xi32> -> vector<16xf32>
      %select_n3A_4460 = arith.select %lt3A_4428, %gather3A_4440, %gather3A_4459 : vector<16xi1>, vector<16xf32>
      %broadcast_in_dim3A_4461 = arith.constant 15 : i32
      %broadcast_in_dim3A_4462 = vector.broadcast %broadcast_in_dim3A_4461 : i32 to vector<16xi32>
      %lt3A_4463 = arith.constant 0 : i32
      %lt3A_4464 = vector.broadcast %lt3A_4463 : i32 to vector<16xi32>
      %lt3A_4465 = arith.cmpi slt, %broadcast_in_dim3A_4462, %lt3A_4464 : vector<16xi32>
      %add3A_4466 = arith.constant 16 : i32
      %add3A_4467 = vector.broadcast %add3A_4466 : i32 to vector<16xi32>
      %add3A_4468 = arith.addi %broadcast_in_dim3A_4462, %add3A_4467 : vector<16xi32>
      %select_n3A_4469 = arith.select %lt3A_4465, %add3A_4468, %broadcast_in_dim3A_4462 : vector<16xi1>, vector<16xi32>
      %broadcast_in_dim3A_4470 = vector.shape_cast %select_n3A_4469 : vector<16xi32> to vector<16x1xi32>
      %gather3A_4471 = vector.shape_cast %broadcast_in_dim3A_4470 : vector<16x1xi32> to vector<16xi32>
      %gather3A_4472 = tpu.dynamic_gather %select_n3A_4243[%gather3A_4471] in [0] : vector<16xf32>, vector<16xi32> -> vector<16xf32>
      %sub3A_4473 = arith.constant 1 : i32
      %sub3A_4474 = vector.broadcast %sub3A_4473 : i32 to vector<16xi32>
      %sub3A_4475 = arith.subi %iota3A, %sub3A_4474 : vector<16xi32>
      %max3A_4476 = arith.constant 0 : i32
      %max3A_4477 = vector.broadcast %max3A_4476 : i32 to vector<16xi32>
      %max3A_4478 = arith.maxsi %sub3A_4475, %max3A_4477 : vector<16xi32>
      %min3A_4479 = arith.constant 15 : i32
      %min3A_4480 = vector.broadcast %min3A_4479 : i32 to vector<16xi32>
      %min3A_4481 = arith.minsi %max3A_4478, %min3A_4480 : vector<16xi32>
      %lt3A_4482 = arith.constant 0 : i32
      %lt3A_4483 = vector.broadcast %lt3A_4482 : i32 to vector<16xi32>
      %lt3A_4484 = arith.cmpi slt, %min3A_4481, %lt3A_4483 : vector<16xi32>
      %add3A_4485 = arith.constant 16 : i32
      %add3A_4486 = vector.broadcast %add3A_4485 : i32 to vector<16xi32>
      %add3A_4487 = arith.addi %min3A_4481, %add3A_4486 : vector<16xi32>
      %select_n3A_4488 = arith.select %lt3A_4484, %add3A_4487, %min3A_4481 : vector<16xi1>, vector<16xi32>
      %broadcast_in_dim3A_4489 = vector.shape_cast %select_n3A_4488 : vector<16xi32> to vector<16x1xi32>
      %gather3A_4490 = vector.shape_cast %broadcast_in_dim3A_4489 : vector<16x1xi32> to vector<16xi32>
      %gather3A_4491 = tpu.dynamic_gather %select_n3A_4340[%gather3A_4490] in [0] : vector<16xf32>, vector<16xi32> -> vector<16xf32>
      %select_n3A_4492 = arith.select %lt3A_4428, %gather3A_4472, %gather3A_4491 : vector<16xi1>, vector<16xf32>
      %max3A_4493 = arith.maximumf %select_n3A_4340, %select_n3A_4492 : vector<16xf32>
      %add3A_4494 = arith.constant 1.000000e+00 : f32
      %add3A_4495 = vector.broadcast %add3A_4494 : f32 to vector<16xf32>
      %add3A_4496 = arith.addf %select_n3A_4460, %add3A_4495 : vector<16xf32>
      %sub3A_4497 = arith.subf %add3A_4496, %max3A_4493 : vector<16xf32>
      %mul3A_4498 = arith.mulf %gather3A_4425, %sub3A_4497 : vector<16xf32>
      %add3A_4499 = arith.addf %mul3A_4498, %max3A_4493 : vector<16xf32>
      %jit3A_4500 = arith.constant 0.000000e+00 : f32
      %broadcast_in_dim3A_4501 = vector.broadcast %jit3A_4500 : f32 to vector<16xf32>
      %select_n3A_4502 = arith.select %and3A_4415, %add3A_4499, %broadcast_in_dim3A_4501 : vector<16xi1>, vector<16xf32>
      %add3A_4503 = arith.constant 16 : i32
      %add3A_4504 = vector.broadcast %add3A_4503 : i32 to vector<16xi32>
      %add3A_4505 = arith.addi %iota3A, %add3A_4504 : vector<16xi32>
      %ge3A_4506 = arith.constant 16 : i32
      %ge3A_4507 = vector.broadcast %ge3A_4506 : i32 to vector<16xi32>
      %ge3A_4508 = arith.cmpi sge, %add3A_4505, %ge3A_4507 : vector<16xi32>
      %le3A_4509 = arith.constant 20 : i32
      %le3A_4510 = vector.broadcast %le3A_4509 : i32 to vector<16xi32>
      %le3A_4511 = arith.cmpi sle, %add3A_4505, %le3A_4510 : vector<16xi32>
      %and3A_4512 = arith.andi %ge3A_4508, %le3A_4511 : vector<16xi1>
      %add3A_4513 = arith.constant 36 : i32
      %add3A_4514 = vector.broadcast %add3A_4513 : i32 to vector<16xi32>
      %add3A_4515 = arith.addi %sub3A_109, %add3A_4514 : vector<16xi32>
      %max3A_4516 = arith.constant 0 : i32
      %max3A_4517 = vector.broadcast %max3A_4516 : i32 to vector<16xi32>
      %max3A_4518 = arith.maxsi %add3A_4515, %max3A_4517 : vector<16xi32>
      %min3A_4519 = arith.constant 399 : i32
      %min3A_4520 = vector.broadcast %min3A_4519 : i32 to vector<16xi32>
      %min3A_4521 = arith.minsi %max3A_4518, %min3A_4520 : vector<16xi32>
      %gather3A_4522 = tpu.vector_load_idx %arg7[%min3A_4521] : memref<400xf32, #tpu.memory_space<vmem>>[vector<16xi32>], vector<16xf32>,
      %lt3A_4523 = arith.constant 1 : i32
      %lt3A_4524 = vector.broadcast %lt3A_4523 : i32 to vector<16xi32>
      %lt3A_4525 = arith.cmpi slt, %iota3A, %lt3A_4524 : vector<16xi32>
      %broadcast_in_dim3A_4526 = arith.constant 15 : i32
      %broadcast_in_dim3A_4527 = vector.broadcast %broadcast_in_dim3A_4526 : i32 to vector<16xi32>
      %lt3A_4528 = arith.constant 0 : i32
      %lt3A_4529 = vector.broadcast %lt3A_4528 : i32 to vector<16xi32>
      %lt3A_4530 = arith.cmpi slt, %broadcast_in_dim3A_4527, %lt3A_4529 : vector<16xi32>
      %add3A_4531 = arith.constant 16 : i32
      %add3A_4532 = vector.broadcast %add3A_4531 : i32 to vector<16xi32>
      %add3A_4533 = arith.addi %broadcast_in_dim3A_4527, %add3A_4532 : vector<16xi32>
      %select_n3A_4534 = arith.select %lt3A_4530, %add3A_4533, %broadcast_in_dim3A_4527 : vector<16xi1>, vector<16xi32>
      %broadcast_in_dim3A_4535 = vector.shape_cast %select_n3A_4534 : vector<16xi32> to vector<16x1xi32>
      %gather3A_4536 = vector.shape_cast %broadcast_in_dim3A_4535 : vector<16x1xi32> to vector<16xi32>
      %gather3A_4537 = tpu.dynamic_gather %select_n3A_4243[%gather3A_4536] in [0] : vector<16xf32>, vector<16xi32> -> vector<16xf32>
      %sub3A_4538 = arith.constant 1 : i32
      %sub3A_4539 = vector.broadcast %sub3A_4538 : i32 to vector<16xi32>
      %sub3A_4540 = arith.subi %iota3A, %sub3A_4539 : vector<16xi32>
      %max3A_4541 = arith.constant 0 : i32
      %max3A_4542 = vector.broadcast %max3A_4541 : i32 to vector<16xi32>
      %max3A_4543 = arith.maxsi %sub3A_4540, %max3A_4542 : vector<16xi32>
      %min3A_4544 = arith.constant 15 : i32
      %min3A_4545 = vector.broadcast %min3A_4544 : i32 to vector<16xi32>
      %min3A_4546 = arith.minsi %max3A_4543, %min3A_4545 : vector<16xi32>
      %lt3A_4547 = arith.constant 0 : i32
      %lt3A_4548 = vector.broadcast %lt3A_4547 : i32 to vector<16xi32>
      %lt3A_4549 = arith.cmpi slt, %min3A_4546, %lt3A_4548 : vector<16xi32>
      %add3A_4550 = arith.constant 16 : i32
      %add3A_4551 = vector.broadcast %add3A_4550 : i32 to vector<16xi32>
      %add3A_4552 = arith.addi %min3A_4546, %add3A_4551 : vector<16xi32>
      %select_n3A_4553 = arith.select %lt3A_4549, %add3A_4552, %min3A_4546 : vector<16xi1>, vector<16xi32>
      %broadcast_in_dim3A_4554 = vector.shape_cast %select_n3A_4553 : vector<16xi32> to vector<16x1xi32>
      %gather3A_4555 = vector.shape_cast %broadcast_in_dim3A_4554 : vector<16x1xi32> to vector<16xi32>
      %gather3A_4556 = tpu.dynamic_gather %select_n3A_4340[%gather3A_4555] in [0] : vector<16xf32>, vector<16xi32> -> vector<16xf32>
      %select_n3A_4557 = arith.select %lt3A_4525, %gather3A_4537, %gather3A_4556 : vector<16xi1>, vector<16xf32>
      %broadcast_in_dim3A_4558 = arith.constant 15 : i32
      %broadcast_in_dim3A_4559 = vector.broadcast %broadcast_in_dim3A_4558 : i32 to vector<16xi32>
      %lt3A_4560 = arith.constant 0 : i32
      %lt3A_4561 = vector.broadcast %lt3A_4560 : i32 to vector<16xi32>
      %lt3A_4562 = arith.cmpi slt, %broadcast_in_dim3A_4559, %lt3A_4561 : vector<16xi32>
      %add3A_4563 = arith.constant 16 : i32
      %add3A_4564 = vector.broadcast %add3A_4563 : i32 to vector<16xi32>
      %add3A_4565 = arith.addi %broadcast_in_dim3A_4559, %add3A_4564 : vector<16xi32>
      %select_n3A_4566 = arith.select %lt3A_4562, %add3A_4565, %broadcast_in_dim3A_4559 : vector<16xi1>, vector<16xi32>
      %broadcast_in_dim3A_4567 = vector.shape_cast %select_n3A_4566 : vector<16xi32> to vector<16x1xi32>
      %gather3A_4568 = vector.shape_cast %broadcast_in_dim3A_4567 : vector<16x1xi32> to vector<16xi32>
      %gather3A_4569 = tpu.dynamic_gather %select_n3A_4405[%gather3A_4568] in [0] : vector<16xf32>, vector<16xi32> -> vector<16xf32>
      %sub3A_4570 = arith.constant 1 : i32
      %sub3A_4571 = vector.broadcast %sub3A_4570 : i32 to vector<16xi32>
      %sub3A_4572 = arith.subi %iota3A, %sub3A_4571 : vector<16xi32>
      %max3A_4573 = arith.constant 0 : i32
      %max3A_4574 = vector.broadcast %max3A_4573 : i32 to vector<16xi32>
      %max3A_4575 = arith.maxsi %sub3A_4572, %max3A_4574 : vector<16xi32>
      %min3A_4576 = arith.constant 15 : i32
      %min3A_4577 = vector.broadcast %min3A_4576 : i32 to vector<16xi32>
      %min3A_4578 = arith.minsi %max3A_4575, %min3A_4577 : vector<16xi32>
      %lt3A_4579 = arith.constant 0 : i32
      %lt3A_4580 = vector.broadcast %lt3A_4579 : i32 to vector<16xi32>
      %lt3A_4581 = arith.cmpi slt, %min3A_4578, %lt3A_4580 : vector<16xi32>
      %add3A_4582 = arith.constant 16 : i32
      %add3A_4583 = vector.broadcast %add3A_4582 : i32 to vector<16xi32>
      %add3A_4584 = arith.addi %min3A_4578, %add3A_4583 : vector<16xi32>
      %select_n3A_4585 = arith.select %lt3A_4581, %add3A_4584, %min3A_4578 : vector<16xi1>, vector<16xi32>
      %broadcast_in_dim3A_4586 = vector.shape_cast %select_n3A_4585 : vector<16xi32> to vector<16x1xi32>
      %gather3A_4587 = vector.shape_cast %broadcast_in_dim3A_4586 : vector<16x1xi32> to vector<16xi32>
      %gather3A_4588 = tpu.dynamic_gather %select_n3A_4502[%gather3A_4587] in [0] : vector<16xf32>, vector<16xi32> -> vector<16xf32>
      %select_n3A_4589 = arith.select %lt3A_4525, %gather3A_4569, %gather3A_4588 : vector<16xi1>, vector<16xf32>
      %max3A_4590 = arith.maximumf %select_n3A_4502, %select_n3A_4589 : vector<16xf32>
      %add3A_4591 = arith.constant 1.000000e+00 : f32
      %add3A_4592 = vector.broadcast %add3A_4591 : f32 to vector<16xf32>
      %add3A_4593 = arith.addf %select_n3A_4557, %add3A_4592 : vector<16xf32>
      %sub3A_4594 = arith.subf %add3A_4593, %max3A_4590 : vector<16xf32>
      %mul3A_4595 = arith.mulf %gather3A_4522, %sub3A_4594 : vector<16xf32>
      %add3A_4596 = arith.addf %mul3A_4595, %max3A_4590 : vector<16xf32>
      %jit3A_4597 = arith.constant 0.000000e+00 : f32
      %broadcast_in_dim3A_4598 = vector.broadcast %jit3A_4597 : f32 to vector<16xf32>
      %select_n3A_4599 = arith.select %and3A_4512, %add3A_4596, %broadcast_in_dim3A_4598 : vector<16xi1>, vector<16xf32>
      %add3A_4600 = arith.constant 16 : i32
      %add3A_4601 = vector.broadcast %add3A_4600 : i32 to vector<16xi32>
      %add3A_4602 = arith.addi %iota3A, %add3A_4601 : vector<16xi32>
      %ge3A_4603 = arith.constant 17 : i32
      %ge3A_4604 = vector.broadcast %ge3A_4603 : i32 to vector<16xi32>
      %ge3A_4605 = arith.cmpi sge, %add3A_4602, %ge3A_4604 : vector<16xi32>
      %le3A_4606 = arith.constant 20 : i32
      %le3A_4607 = vector.broadcast %le3A_4606 : i32 to vector<16xi32>
      %le3A_4608 = arith.cmpi sle, %add3A_4602, %le3A_4607 : vector<16xi32>
      %and3A_4609 = arith.andi %ge3A_4605, %le3A_4608 : vector<16xi1>
      %add3A_4610 = arith.constant 37 : i32
      %add3A_4611 = vector.broadcast %add3A_4610 : i32 to vector<16xi32>
      %add3A_4612 = arith.addi %sub3A_109, %add3A_4611 : vector<16xi32>
      %max3A_4613 = arith.constant 0 : i32
      %max3A_4614 = vector.broadcast %max3A_4613 : i32 to vector<16xi32>
      %max3A_4615 = arith.maxsi %add3A_4612, %max3A_4614 : vector<16xi32>
      %min3A_4616 = arith.constant 399 : i32
      %min3A_4617 = vector.broadcast %min3A_4616 : i32 to vector<16xi32>
      %min3A_4618 = arith.minsi %max3A_4615, %min3A_4617 : vector<16xi32>
      %gather3A_4619 = tpu.vector_load_idx %arg7[%min3A_4618] : memref<400xf32, #tpu.memory_space<vmem>>[vector<16xi32>], vector<16xf32>,
      %lt3A_4620 = arith.constant 1 : i32
      %lt3A_4621 = vector.broadcast %lt3A_4620 : i32 to vector<16xi32>
      %lt3A_4622 = arith.cmpi slt, %iota3A, %lt3A_4621 : vector<16xi32>
      %broadcast_in_dim3A_4623 = arith.constant 15 : i32
      %broadcast_in_dim3A_4624 = vector.broadcast %broadcast_in_dim3A_4623 : i32 to vector<16xi32>
      %lt3A_4625 = arith.constant 0 : i32
      %lt3A_4626 = vector.broadcast %lt3A_4625 : i32 to vector<16xi32>
      %lt3A_4627 = arith.cmpi slt, %broadcast_in_dim3A_4624, %lt3A_4626 : vector<16xi32>
      %add3A_4628 = arith.constant 16 : i32
      %add3A_4629 = vector.broadcast %add3A_4628 : i32 to vector<16xi32>
      %add3A_4630 = arith.addi %broadcast_in_dim3A_4624, %add3A_4629 : vector<16xi32>
      %select_n3A_4631 = arith.select %lt3A_4627, %add3A_4630, %broadcast_in_dim3A_4624 : vector<16xi1>, vector<16xi32>
      %broadcast_in_dim3A_4632 = vector.shape_cast %select_n3A_4631 : vector<16xi32> to vector<16x1xi32>
      %gather3A_4633 = vector.shape_cast %broadcast_in_dim3A_4632 : vector<16x1xi32> to vector<16xi32>
      %gather3A_4634 = tpu.dynamic_gather %select_n3A_4405[%gather3A_4633] in [0] : vector<16xf32>, vector<16xi32> -> vector<16xf32>
      %sub3A_4635 = arith.constant 1 : i32
      %sub3A_4636 = vector.broadcast %sub3A_4635 : i32 to vector<16xi32>
      %sub3A_4637 = arith.subi %iota3A, %sub3A_4636 : vector<16xi32>
      %max3A_4638 = arith.constant 0 : i32
      %max3A_4639 = vector.broadcast %max3A_4638 : i32 to vector<16xi32>
      %max3A_4640 = arith.maxsi %sub3A_4637, %max3A_4639 : vector<16xi32>
      %min3A_4641 = arith.constant 15 : i32
      %min3A_4642 = vector.broadcast %min3A_4641 : i32 to vector<16xi32>
      %min3A_4643 = arith.minsi %max3A_4640, %min3A_4642 : vector<16xi32>
      %lt3A_4644 = arith.constant 0 : i32
      %lt3A_4645 = vector.broadcast %lt3A_4644 : i32 to vector<16xi32>
      %lt3A_4646 = arith.cmpi slt, %min3A_4643, %lt3A_4645 : vector<16xi32>
      %add3A_4647 = arith.constant 16 : i32
      %add3A_4648 = vector.broadcast %add3A_4647 : i32 to vector<16xi32>
      %add3A_4649 = arith.addi %min3A_4643, %add3A_4648 : vector<16xi32>
      %select_n3A_4650 = arith.select %lt3A_4646, %add3A_4649, %min3A_4643 : vector<16xi1>, vector<16xi32>
      %broadcast_in_dim3A_4651 = vector.shape_cast %select_n3A_4650 : vector<16xi32> to vector<16x1xi32>
      %gather3A_4652 = vector.shape_cast %broadcast_in_dim3A_4651 : vector<16x1xi32> to vector<16xi32>
      %gather3A_4653 = tpu.dynamic_gather %select_n3A_4502[%gather3A_4652] in [0] : vector<16xf32>, vector<16xi32> -> vector<16xf32>
      %select_n3A_4654 = arith.select %lt3A_4622, %gather3A_4634, %gather3A_4653 : vector<16xi1>, vector<16xf32>
      %broadcast_in_dim3A_4655 = arith.constant 15 : i32
      %broadcast_in_dim3A_4656 = vector.broadcast %broadcast_in_dim3A_4655 : i32 to vector<16xi32>
      %lt3A_4657 = arith.constant 0 : i32
      %lt3A_4658 = vector.broadcast %lt3A_4657 : i32 to vector<16xi32>
      %lt3A_4659 = arith.cmpi slt, %broadcast_in_dim3A_4656, %lt3A_4658 : vector<16xi32>
      %add3A_4660 = arith.constant 16 : i32
      %add3A_4661 = vector.broadcast %add3A_4660 : i32 to vector<16xi32>
      %add3A_4662 = arith.addi %broadcast_in_dim3A_4656, %add3A_4661 : vector<16xi32>
      %select_n3A_4663 = arith.select %lt3A_4659, %add3A_4662, %broadcast_in_dim3A_4656 : vector<16xi1>, vector<16xi32>
      %broadcast_in_dim3A_4664 = vector.shape_cast %select_n3A_4663 : vector<16xi32> to vector<16x1xi32>
      %gather3A_4665 = vector.shape_cast %broadcast_in_dim3A_4664 : vector<16x1xi32> to vector<16xi32>
      %gather3A_4666 = tpu.dynamic_gather %select_n3A_4243[%gather3A_4665] in [0] : vector<16xf32>, vector<16xi32> -> vector<16xf32>
      %sub3A_4667 = arith.constant 1 : i32
      %sub3A_4668 = vector.broadcast %sub3A_4667 : i32 to vector<16xi32>
      %sub3A_4669 = arith.subi %iota3A, %sub3A_4668 : vector<16xi32>
      %max3A_4670 = arith.constant 0 : i32
      %max3A_4671 = vector.broadcast %max3A_4670 : i32 to vector<16xi32>
      %max3A_4672 = arith.maxsi %sub3A_4669, %max3A_4671 : vector<16xi32>
      %min3A_4673 = arith.constant 15 : i32
      %min3A_4674 = vector.broadcast %min3A_4673 : i32 to vector<16xi32>
      %min3A_4675 = arith.minsi %max3A_4672, %min3A_4674 : vector<16xi32>
      %lt3A_4676 = arith.constant 0 : i32
      %lt3A_4677 = vector.broadcast %lt3A_4676 : i32 to vector<16xi32>
      %lt3A_4678 = arith.cmpi slt, %min3A_4675, %lt3A_4677 : vector<16xi32>
      %add3A_4679 = arith.constant 16 : i32
      %add3A_4680 = vector.broadcast %add3A_4679 : i32 to vector<16xi32>
      %add3A_4681 = arith.addi %min3A_4675, %add3A_4680 : vector<16xi32>
      %select_n3A_4682 = arith.select %lt3A_4678, %add3A_4681, %min3A_4675 : vector<16xi1>, vector<16xi32>
      %broadcast_in_dim3A_4683 = vector.shape_cast %select_n3A_4682 : vector<16xi32> to vector<16x1xi32>
      %gather3A_4684 = vector.shape_cast %broadcast_in_dim3A_4683 : vector<16x1xi32> to vector<16xi32>
      %gather3A_4685 = tpu.dynamic_gather %select_n3A_4599[%gather3A_4684] in [0] : vector<16xf32>, vector<16xi32> -> vector<16xf32>
      %select_n3A_4686 = arith.select %lt3A_4622, %gather3A_4666, %gather3A_4685 : vector<16xi1>, vector<16xf32>
      %max3A_4687 = arith.maximumf %select_n3A_4599, %select_n3A_4686 : vector<16xf32>
      %add3A_4688 = arith.constant 1.000000e+00 : f32
      %add3A_4689 = vector.broadcast %add3A_4688 : f32 to vector<16xf32>
      %add3A_4690 = arith.addf %select_n3A_4654, %add3A_4689 : vector<16xf32>
      %sub3A_4691 = arith.subf %add3A_4690, %max3A_4687 : vector<16xf32>
      %mul3A_4692 = arith.mulf %gather3A_4619, %sub3A_4691 : vector<16xf32>
      %add3A_4693 = arith.addf %mul3A_4692, %max3A_4687 : vector<16xf32>
      %jit3A_4694 = arith.constant 0.000000e+00 : f32
      %broadcast_in_dim3A_4695 = vector.broadcast %jit3A_4694 : f32 to vector<16xf32>
      %select_n3A_4696 = arith.select %and3A_4609, %add3A_4693, %broadcast_in_dim3A_4695 : vector<16xi1>, vector<16xf32>
      %add3A_4697 = arith.constant 16 : i32
      %add3A_4698 = vector.broadcast %add3A_4697 : i32 to vector<16xi32>
      %add3A_4699 = arith.addi %iota3A, %add3A_4698 : vector<16xi32>
      %ge3A_4700 = arith.constant 18 : i32
      %ge3A_4701 = vector.broadcast %ge3A_4700 : i32 to vector<16xi32>
      %ge3A_4702 = arith.cmpi sge, %add3A_4699, %ge3A_4701 : vector<16xi32>
      %le3A_4703 = arith.constant 20 : i32
      %le3A_4704 = vector.broadcast %le3A_4703 : i32 to vector<16xi32>
      %le3A_4705 = arith.cmpi sle, %add3A_4699, %le3A_4704 : vector<16xi32>
      %and3A_4706 = arith.andi %ge3A_4702, %le3A_4705 : vector<16xi1>
      %add3A_4707 = arith.constant 38 : i32
      %add3A_4708 = vector.broadcast %add3A_4707 : i32 to vector<16xi32>
      %add3A_4709 = arith.addi %sub3A_109, %add3A_4708 : vector<16xi32>
      %max3A_4710 = arith.constant 0 : i32
      %max3A_4711 = vector.broadcast %max3A_4710 : i32 to vector<16xi32>
      %max3A_4712 = arith.maxsi %add3A_4709, %max3A_4711 : vector<16xi32>
      %min3A_4713 = arith.constant 399 : i32
      %min3A_4714 = vector.broadcast %min3A_4713 : i32 to vector<16xi32>
      %min3A_4715 = arith.minsi %max3A_4712, %min3A_4714 : vector<16xi32>
      %gather3A_4716 = tpu.vector_load_idx %arg7[%min3A_4715] : memref<400xf32, #tpu.memory_space<vmem>>[vector<16xi32>], vector<16xf32>,
      %lt3A_4717 = arith.constant 1 : i32
      %lt3A_4718 = vector.broadcast %lt3A_4717 : i32 to vector<16xi32>
      %lt3A_4719 = arith.cmpi slt, %iota3A, %lt3A_4718 : vector<16xi32>
      %broadcast_in_dim3A_4720 = arith.constant 15 : i32
      %broadcast_in_dim3A_4721 = vector.broadcast %broadcast_in_dim3A_4720 : i32 to vector<16xi32>
      %lt3A_4722 = arith.constant 0 : i32
      %lt3A_4723 = vector.broadcast %lt3A_4722 : i32 to vector<16xi32>
      %lt3A_4724 = arith.cmpi slt, %broadcast_in_dim3A_4721, %lt3A_4723 : vector<16xi32>
      %add3A_4725 = arith.constant 16 : i32
      %add3A_4726 = vector.broadcast %add3A_4725 : i32 to vector<16xi32>
      %add3A_4727 = arith.addi %broadcast_in_dim3A_4721, %add3A_4726 : vector<16xi32>
      %select_n3A_4728 = arith.select %lt3A_4724, %add3A_4727, %broadcast_in_dim3A_4721 : vector<16xi1>, vector<16xi32>
      %broadcast_in_dim3A_4729 = vector.shape_cast %select_n3A_4728 : vector<16xi32> to vector<16x1xi32>
      %gather3A_4730 = vector.shape_cast %broadcast_in_dim3A_4729 : vector<16x1xi32> to vector<16xi32>
      %gather3A_4731 = tpu.dynamic_gather %select_n3A_4243[%gather3A_4730] in [0] : vector<16xf32>, vector<16xi32> -> vector<16xf32>
      %sub3A_4732 = arith.constant 1 : i32
      %sub3A_4733 = vector.broadcast %sub3A_4732 : i32 to vector<16xi32>
      %sub3A_4734 = arith.subi %iota3A, %sub3A_4733 : vector<16xi32>
      %max3A_4735 = arith.constant 0 : i32
      %max3A_4736 = vector.broadcast %max3A_4735 : i32 to vector<16xi32>
      %max3A_4737 = arith.maxsi %sub3A_4734, %max3A_4736 : vector<16xi32>
      %min3A_4738 = arith.constant 15 : i32
      %min3A_4739 = vector.broadcast %min3A_4738 : i32 to vector<16xi32>
      %min3A_4740 = arith.minsi %max3A_4737, %min3A_4739 : vector<16xi32>
      %lt3A_4741 = arith.constant 0 : i32
      %lt3A_4742 = vector.broadcast %lt3A_4741 : i32 to vector<16xi32>
      %lt3A_4743 = arith.cmpi slt, %min3A_4740, %lt3A_4742 : vector<16xi32>
      %add3A_4744 = arith.constant 16 : i32
      %add3A_4745 = vector.broadcast %add3A_4744 : i32 to vector<16xi32>
      %add3A_4746 = arith.addi %min3A_4740, %add3A_4745 : vector<16xi32>
      %select_n3A_4747 = arith.select %lt3A_4743, %add3A_4746, %min3A_4740 : vector<16xi1>, vector<16xi32>
      %broadcast_in_dim3A_4748 = vector.shape_cast %select_n3A_4747 : vector<16xi32> to vector<16x1xi32>
      %gather3A_4749 = vector.shape_cast %broadcast_in_dim3A_4748 : vector<16x1xi32> to vector<16xi32>
      %gather3A_4750 = tpu.dynamic_gather %select_n3A_4599[%gather3A_4749] in [0] : vector<16xf32>, vector<16xi32> -> vector<16xf32>
      %select_n3A_4751 = arith.select %lt3A_4719, %gather3A_4731, %gather3A_4750 : vector<16xi1>, vector<16xf32>
      %broadcast_in_dim3A_4752 = arith.constant 15 : i32
      %broadcast_in_dim3A_4753 = vector.broadcast %broadcast_in_dim3A_4752 : i32 to vector<16xi32>
      %lt3A_4754 = arith.constant 0 : i32
      %lt3A_4755 = vector.broadcast %lt3A_4754 : i32 to vector<16xi32>
      %lt3A_4756 = arith.cmpi slt, %broadcast_in_dim3A_4753, %lt3A_4755 : vector<16xi32>
      %add3A_4757 = arith.constant 16 : i32
      %add3A_4758 = vector.broadcast %add3A_4757 : i32 to vector<16xi32>
      %add3A_4759 = arith.addi %broadcast_in_dim3A_4753, %add3A_4758 : vector<16xi32>
      %select_n3A_4760 = arith.select %lt3A_4756, %add3A_4759, %broadcast_in_dim3A_4753 : vector<16xi1>, vector<16xi32>
      %broadcast_in_dim3A_4761 = vector.shape_cast %select_n3A_4760 : vector<16xi32> to vector<16x1xi32>
      %gather3A_4762 = vector.shape_cast %broadcast_in_dim3A_4761 : vector<16x1xi32> to vector<16xi32>
      %gather3A_4763 = tpu.dynamic_gather %select_n3A_4405[%gather3A_4762] in [0] : vector<16xf32>, vector<16xi32> -> vector<16xf32>
      %sub3A_4764 = arith.constant 1 : i32
      %sub3A_4765 = vector.broadcast %sub3A_4764 : i32 to vector<16xi32>
      %sub3A_4766 = arith.subi %iota3A, %sub3A_4765 : vector<16xi32>
      %max3A_4767 = arith.constant 0 : i32
      %max3A_4768 = vector.broadcast %max3A_4767 : i32 to vector<16xi32>
      %max3A_4769 = arith.maxsi %sub3A_4766, %max3A_4768 : vector<16xi32>
      %min3A_4770 = arith.constant 15 : i32
      %min3A_4771 = vector.broadcast %min3A_4770 : i32 to vector<16xi32>
      %min3A_4772 = arith.minsi %max3A_4769, %min3A_4771 : vector<16xi32>
      %lt3A_4773 = arith.constant 0 : i32
      %lt3A_4774 = vector.broadcast %lt3A_4773 : i32 to vector<16xi32>
      %lt3A_4775 = arith.cmpi slt, %min3A_4772, %lt3A_4774 : vector<16xi32>
      %add3A_4776 = arith.constant 16 : i32
      %add3A_4777 = vector.broadcast %add3A_4776 : i32 to vector<16xi32>
      %add3A_4778 = arith.addi %min3A_4772, %add3A_4777 : vector<16xi32>
      %select_n3A_4779 = arith.select %lt3A_4775, %add3A_4778, %min3A_4772 : vector<16xi1>, vector<16xi32>
      %broadcast_in_dim3A_4780 = vector.shape_cast %select_n3A_4779 : vector<16xi32> to vector<16x1xi32>
      %gather3A_4781 = vector.shape_cast %broadcast_in_dim3A_4780 : vector<16x1xi32> to vector<16xi32>
      %gather3A_4782 = tpu.dynamic_gather %select_n3A_4696[%gather3A_4781] in [0] : vector<16xf32>, vector<16xi32> -> vector<16xf32>
      %select_n3A_4783 = arith.select %lt3A_4719, %gather3A_4763, %gather3A_4782 : vector<16xi1>, vector<16xf32>
      %max3A_4784 = arith.maximumf %select_n3A_4696, %select_n3A_4783 : vector<16xf32>
      %add3A_4785 = arith.constant 1.000000e+00 : f32
      %add3A_4786 = vector.broadcast %add3A_4785 : f32 to vector<16xf32>
      %add3A_4787 = arith.addf %select_n3A_4751, %add3A_4786 : vector<16xf32>
      %sub3A_4788 = arith.subf %add3A_4787, %max3A_4784 : vector<16xf32>
      %mul3A_4789 = arith.mulf %gather3A_4716, %sub3A_4788 : vector<16xf32>
      %add3A_4790 = arith.addf %mul3A_4789, %max3A_4784 : vector<16xf32>
      %jit3A_4791 = arith.constant 0.000000e+00 : f32
      %broadcast_in_dim3A_4792 = vector.broadcast %jit3A_4791 : f32 to vector<16xf32>
      %select_n3A_4793 = arith.select %and3A_4706, %add3A_4790, %broadcast_in_dim3A_4792 : vector<16xi1>, vector<16xf32>
      %add3A_4794 = arith.constant 16 : i32
      %add3A_4795 = vector.broadcast %add3A_4794 : i32 to vector<16xi32>
      %add3A_4796 = arith.addi %iota3A, %add3A_4795 : vector<16xi32>
      %ge3A_4797 = arith.constant 19 : i32
      %ge3A_4798 = vector.broadcast %ge3A_4797 : i32 to vector<16xi32>
      %ge3A_4799 = arith.cmpi sge, %add3A_4796, %ge3A_4798 : vector<16xi32>
      %le3A_4800 = arith.constant 20 : i32
      %le3A_4801 = vector.broadcast %le3A_4800 : i32 to vector<16xi32>
      %le3A_4802 = arith.cmpi sle, %add3A_4796, %le3A_4801 : vector<16xi32>
      %and3A_4803 = arith.andi %ge3A_4799, %le3A_4802 : vector<16xi1>
      %add3A_4804 = arith.constant 39 : i32
      %add3A_4805 = vector.broadcast %add3A_4804 : i32 to vector<16xi32>
      %add3A_4806 = arith.addi %sub3A_109, %add3A_4805 : vector<16xi32>
      %max3A_4807 = arith.constant 0 : i32
      %max3A_4808 = vector.broadcast %max3A_4807 : i32 to vector<16xi32>
      %max3A_4809 = arith.maxsi %add3A_4806, %max3A_4808 : vector<16xi32>
      %min3A_4810 = arith.constant 399 : i32
      %min3A_4811 = vector.broadcast %min3A_4810 : i32 to vector<16xi32>
      %min3A_4812 = arith.minsi %max3A_4809, %min3A_4811 : vector<16xi32>
      %gather3A_4813 = tpu.vector_load_idx %arg7[%min3A_4812] : memref<400xf32, #tpu.memory_space<vmem>>[vector<16xi32>], vector<16xf32>,
      %lt3A_4814 = arith.constant 1 : i32
      %lt3A_4815 = vector.broadcast %lt3A_4814 : i32 to vector<16xi32>
      %lt3A_4816 = arith.cmpi slt, %iota3A, %lt3A_4815 : vector<16xi32>
      %broadcast_in_dim3A_4817 = arith.constant 15 : i32
      %broadcast_in_dim3A_4818 = vector.broadcast %broadcast_in_dim3A_4817 : i32 to vector<16xi32>
      %lt3A_4819 = arith.constant 0 : i32
      %lt3A_4820 = vector.broadcast %lt3A_4819 : i32 to vector<16xi32>
      %lt3A_4821 = arith.cmpi slt, %broadcast_in_dim3A_4818, %lt3A_4820 : vector<16xi32>
      %add3A_4822 = arith.constant 16 : i32
      %add3A_4823 = vector.broadcast %add3A_4822 : i32 to vector<16xi32>
      %add3A_4824 = arith.addi %broadcast_in_dim3A_4818, %add3A_4823 : vector<16xi32>
      %select_n3A_4825 = arith.select %lt3A_4821, %add3A_4824, %broadcast_in_dim3A_4818 : vector<16xi1>, vector<16xi32>
      %broadcast_in_dim3A_4826 = vector.shape_cast %select_n3A_4825 : vector<16xi32> to vector<16x1xi32>
      %gather3A_4827 = vector.shape_cast %broadcast_in_dim3A_4826 : vector<16x1xi32> to vector<16xi32>
      %gather3A_4828 = tpu.dynamic_gather %select_n3A_4405[%gather3A_4827] in [0] : vector<16xf32>, vector<16xi32> -> vector<16xf32>
      %sub3A_4829 = arith.constant 1 : i32
      %sub3A_4830 = vector.broadcast %sub3A_4829 : i32 to vector<16xi32>
      %sub3A_4831 = arith.subi %iota3A, %sub3A_4830 : vector<16xi32>
      %max3A_4832 = arith.constant 0 : i32
      %max3A_4833 = vector.broadcast %max3A_4832 : i32 to vector<16xi32>
      %max3A_4834 = arith.maxsi %sub3A_4831, %max3A_4833 : vector<16xi32>
      %min3A_4835 = arith.constant 15 : i32
      %min3A_4836 = vector.broadcast %min3A_4835 : i32 to vector<16xi32>
      %min3A_4837 = arith.minsi %max3A_4834, %min3A_4836 : vector<16xi32>
      %lt3A_4838 = arith.constant 0 : i32
      %lt3A_4839 = vector.broadcast %lt3A_4838 : i32 to vector<16xi32>
      %lt3A_4840 = arith.cmpi slt, %min3A_4837, %lt3A_4839 : vector<16xi32>
      %add3A_4841 = arith.constant 16 : i32
      %add3A_4842 = vector.broadcast %add3A_4841 : i32 to vector<16xi32>
      %add3A_4843 = arith.addi %min3A_4837, %add3A_4842 : vector<16xi32>
      %select_n3A_4844 = arith.select %lt3A_4840, %add3A_4843, %min3A_4837 : vector<16xi1>, vector<16xi32>
      %broadcast_in_dim3A_4845 = vector.shape_cast %select_n3A_4844 : vector<16xi32> to vector<16x1xi32>
      %gather3A_4846 = vector.shape_cast %broadcast_in_dim3A_4845 : vector<16x1xi32> to vector<16xi32>
      %gather3A_4847 = tpu.dynamic_gather %select_n3A_4696[%gather3A_4846] in [0] : vector<16xf32>, vector<16xi32> -> vector<16xf32>
      %select_n3A_4848 = arith.select %lt3A_4816, %gather3A_4828, %gather3A_4847 : vector<16xi1>, vector<16xf32>
      %broadcast_in_dim3A_4849 = arith.constant 15 : i32
      %broadcast_in_dim3A_4850 = vector.broadcast %broadcast_in_dim3A_4849 : i32 to vector<16xi32>
      %lt3A_4851 = arith.constant 0 : i32
      %lt3A_4852 = vector.broadcast %lt3A_4851 : i32 to vector<16xi32>
      %lt3A_4853 = arith.cmpi slt, %broadcast_in_dim3A_4850, %lt3A_4852 : vector<16xi32>
      %add3A_4854 = arith.constant 16 : i32
      %add3A_4855 = vector.broadcast %add3A_4854 : i32 to vector<16xi32>
      %add3A_4856 = arith.addi %broadcast_in_dim3A_4850, %add3A_4855 : vector<16xi32>
      %select_n3A_4857 = arith.select %lt3A_4853, %add3A_4856, %broadcast_in_dim3A_4850 : vector<16xi1>, vector<16xi32>
      %broadcast_in_dim3A_4858 = vector.shape_cast %select_n3A_4857 : vector<16xi32> to vector<16x1xi32>
      %gather3A_4859 = vector.shape_cast %broadcast_in_dim3A_4858 : vector<16x1xi32> to vector<16xi32>
      %gather3A_4860 = tpu.dynamic_gather %select_n3A_4243[%gather3A_4859] in [0] : vector<16xf32>, vector<16xi32> -> vector<16xf32>
      %sub3A_4861 = arith.constant 1 : i32
      %sub3A_4862 = vector.broadcast %sub3A_4861 : i32 to vector<16xi32>
      %sub3A_4863 = arith.subi %iota3A, %sub3A_4862 : vector<16xi32>
      %max3A_4864 = arith.constant 0 : i32
      %max3A_4865 = vector.broadcast %max3A_4864 : i32 to vector<16xi32>
      %max3A_4866 = arith.maxsi %sub3A_4863, %max3A_4865 : vector<16xi32>
      %min3A_4867 = arith.constant 15 : i32
      %min3A_4868 = vector.broadcast %min3A_4867 : i32 to vector<16xi32>
      %min3A_4869 = arith.minsi %max3A_4866, %min3A_4868 : vector<16xi32>
      %lt3A_4870 = arith.constant 0 : i32
      %lt3A_4871 = vector.broadcast %lt3A_4870 : i32 to vector<16xi32>
      %lt3A_4872 = arith.cmpi slt, %min3A_4869, %lt3A_4871 : vector<16xi32>
      %add3A_4873 = arith.constant 16 : i32
      %add3A_4874 = vector.broadcast %add3A_4873 : i32 to vector<16xi32>
      %add3A_4875 = arith.addi %min3A_4869, %add3A_4874 : vector<16xi32>
      %select_n3A_4876 = arith.select %lt3A_4872, %add3A_4875, %min3A_4869 : vector<16xi1>, vector<16xi32>
      %broadcast_in_dim3A_4877 = vector.shape_cast %select_n3A_4876 : vector<16xi32> to vector<16x1xi32>
      %gather3A_4878 = vector.shape_cast %broadcast_in_dim3A_4877 : vector<16x1xi32> to vector<16xi32>
      %gather3A_4879 = tpu.dynamic_gather %select_n3A_4793[%gather3A_4878] in [0] : vector<16xf32>, vector<16xi32> -> vector<16xf32>
      %select_n3A_4880 = arith.select %lt3A_4816, %gather3A_4860, %gather3A_4879 : vector<16xi1>, vector<16xf32>
      %max3A_4881 = arith.maximumf %select_n3A_4793, %select_n3A_4880 : vector<16xf32>
      %add3A_4882 = arith.constant 1.000000e+00 : f32
      %add3A_4883 = vector.broadcast %add3A_4882 : f32 to vector<16xf32>
      %add3A_4884 = arith.addf %select_n3A_4848, %add3A_4883 : vector<16xf32>
      %sub3A_4885 = arith.subf %add3A_4884, %max3A_4881 : vector<16xf32>
      %mul3A_4886 = arith.mulf %gather3A_4813, %sub3A_4885 : vector<16xf32>
      %add3A_4887 = arith.addf %mul3A_4886, %max3A_4881 : vector<16xf32>
      %jit3A_4888 = arith.constant 0.000000e+00 : f32
      %broadcast_in_dim3A_4889 = vector.broadcast %jit3A_4888 : f32 to vector<16xf32>
      %select_n3A_4890 = arith.select %and3A_4803, %add3A_4887, %broadcast_in_dim3A_4889 : vector<16xi1>, vector<16xf32>
      %add3A_4891 = arith.constant 16 : i32
      %add3A_4892 = vector.broadcast %add3A_4891 : i32 to vector<16xi32>
      %add3A_4893 = arith.addi %iota3A, %add3A_4892 : vector<16xi32>
      %ge3A_4894 = arith.constant 20 : i32
      %ge3A_4895 = vector.broadcast %ge3A_4894 : i32 to vector<16xi32>
      %ge3A_4896 = arith.cmpi sge, %add3A_4893, %ge3A_4895 : vector<16xi32>
      %le3A_4897 = arith.constant 20 : i32
      %le3A_4898 = vector.broadcast %le3A_4897 : i32 to vector<16xi32>
      %le3A_4899 = arith.cmpi sle, %add3A_4893, %le3A_4898 : vector<16xi32>
      %and3A_4900 = arith.andi %ge3A_4896, %le3A_4899 : vector<16xi1>
      %add3A_4901 = arith.constant 40 : i32
      %add3A_4902 = vector.broadcast %add3A_4901 : i32 to vector<16xi32>
      %add3A_4903 = arith.addi %sub3A_109, %add3A_4902 : vector<16xi32>
      %max3A_4904 = arith.constant 0 : i32
      %max3A_4905 = vector.broadcast %max3A_4904 : i32 to vector<16xi32>
      %max3A_4906 = arith.maxsi %add3A_4903, %max3A_4905 : vector<16xi32>
      %min3A_4907 = arith.constant 399 : i32
      %min3A_4908 = vector.broadcast %min3A_4907 : i32 to vector<16xi32>
      %min3A_4909 = arith.minsi %max3A_4906, %min3A_4908 : vector<16xi32>
      %gather3A_4910 = tpu.vector_load_idx %arg7[%min3A_4909] : memref<400xf32, #tpu.memory_space<vmem>>[vector<16xi32>], vector<16xf32>,
      %lt3A_4911 = arith.constant 1 : i32
      %lt3A_4912 = vector.broadcast %lt3A_4911 : i32 to vector<16xi32>
      %lt3A_4913 = arith.cmpi slt, %iota3A, %lt3A_4912 : vector<16xi32>
      %broadcast_in_dim3A_4914 = arith.constant 15 : i32
      %broadcast_in_dim3A_4915 = vector.broadcast %broadcast_in_dim3A_4914 : i32 to vector<16xi32>
      %lt3A_4916 = arith.constant 0 : i32
      %lt3A_4917 = vector.broadcast %lt3A_4916 : i32 to vector<16xi32>
      %lt3A_4918 = arith.cmpi slt, %broadcast_in_dim3A_4915, %lt3A_4917 : vector<16xi32>
      %add3A_4919 = arith.constant 16 : i32
      %add3A_4920 = vector.broadcast %add3A_4919 : i32 to vector<16xi32>
      %add3A_4921 = arith.addi %broadcast_in_dim3A_4915, %add3A_4920 : vector<16xi32>
      %select_n3A_4922 = arith.select %lt3A_4918, %add3A_4921, %broadcast_in_dim3A_4915 : vector<16xi1>, vector<16xi32>
      %broadcast_in_dim3A_4923 = vector.shape_cast %select_n3A_4922 : vector<16xi32> to vector<16x1xi32>
      %gather3A_4924 = vector.shape_cast %broadcast_in_dim3A_4923 : vector<16x1xi32> to vector<16xi32>
      %gather3A_4925 = tpu.dynamic_gather %select_n3A_4243[%gather3A_4924] in [0] : vector<16xf32>, vector<16xi32> -> vector<16xf32>
      %sub3A_4926 = arith.constant 1 : i32
      %sub3A_4927 = vector.broadcast %sub3A_4926 : i32 to vector<16xi32>
      %sub3A_4928 = arith.subi %iota3A, %sub3A_4927 : vector<16xi32>
      %max3A_4929 = arith.constant 0 : i32
      %max3A_4930 = vector.broadcast %max3A_4929 : i32 to vector<16xi32>
      %max3A_4931 = arith.maxsi %sub3A_4928, %max3A_4930 : vector<16xi32>
      %min3A_4932 = arith.constant 15 : i32
      %min3A_4933 = vector.broadcast %min3A_4932 : i32 to vector<16xi32>
      %min3A_4934 = arith.minsi %max3A_4931, %min3A_4933 : vector<16xi32>
      %lt3A_4935 = arith.constant 0 : i32
      %lt3A_4936 = vector.broadcast %lt3A_4935 : i32 to vector<16xi32>
      %lt3A_4937 = arith.cmpi slt, %min3A_4934, %lt3A_4936 : vector<16xi32>
      %add3A_4938 = arith.constant 16 : i32
      %add3A_4939 = vector.broadcast %add3A_4938 : i32 to vector<16xi32>
      %add3A_4940 = arith.addi %min3A_4934, %add3A_4939 : vector<16xi32>
      %select_n3A_4941 = arith.select %lt3A_4937, %add3A_4940, %min3A_4934 : vector<16xi1>, vector<16xi32>
      %broadcast_in_dim3A_4942 = vector.shape_cast %select_n3A_4941 : vector<16xi32> to vector<16x1xi32>
      %gather3A_4943 = vector.shape_cast %broadcast_in_dim3A_4942 : vector<16x1xi32> to vector<16xi32>
      %gather3A_4944 = tpu.dynamic_gather %select_n3A_4793[%gather3A_4943] in [0] : vector<16xf32>, vector<16xi32> -> vector<16xf32>
      %select_n3A_4945 = arith.select %lt3A_4913, %gather3A_4925, %gather3A_4944 : vector<16xi1>, vector<16xf32>
      %broadcast_in_dim3A_4946 = arith.constant 15 : i32
      %broadcast_in_dim3A_4947 = vector.broadcast %broadcast_in_dim3A_4946 : i32 to vector<16xi32>
      %lt3A_4948 = arith.constant 0 : i32
      %lt3A_4949 = vector.broadcast %lt3A_4948 : i32 to vector<16xi32>
      %lt3A_4950 = arith.cmpi slt, %broadcast_in_dim3A_4947, %lt3A_4949 : vector<16xi32>
      %add3A_4951 = arith.constant 16 : i32
      %add3A_4952 = vector.broadcast %add3A_4951 : i32 to vector<16xi32>
      %add3A_4953 = arith.addi %broadcast_in_dim3A_4947, %add3A_4952 : vector<16xi32>
      %select_n3A_4954 = arith.select %lt3A_4950, %add3A_4953, %broadcast_in_dim3A_4947 : vector<16xi1>, vector<16xi32>
      %broadcast_in_dim3A_4955 = vector.shape_cast %select_n3A_4954 : vector<16xi32> to vector<16x1xi32>
      %gather3A_4956 = vector.shape_cast %broadcast_in_dim3A_4955 : vector<16x1xi32> to vector<16xi32>
      %gather3A_4957 = tpu.dynamic_gather %select_n3A_4405[%gather3A_4956] in [0] : vector<16xf32>, vector<16xi32> -> vector<16xf32>
      %sub3A_4958 = arith.constant 1 : i32
      %sub3A_4959 = vector.broadcast %sub3A_4958 : i32 to vector<16xi32>
      %sub3A_4960 = arith.subi %iota3A, %sub3A_4959 : vector<16xi32>
      %max3A_4961 = arith.constant 0 : i32
      %max3A_4962 = vector.broadcast %max3A_4961 : i32 to vector<16xi32>
      %max3A_4963 = arith.maxsi %sub3A_4960, %max3A_4962 : vector<16xi32>
      %min3A_4964 = arith.constant 15 : i32
      %min3A_4965 = vector.broadcast %min3A_4964 : i32 to vector<16xi32>
      %min3A_4966 = arith.minsi %max3A_4963, %min3A_4965 : vector<16xi32>
      %lt3A_4967 = arith.constant 0 : i32
      %lt3A_4968 = vector.broadcast %lt3A_4967 : i32 to vector<16xi32>
      %lt3A_4969 = arith.cmpi slt, %min3A_4966, %lt3A_4968 : vector<16xi32>
      %add3A_4970 = arith.constant 16 : i32
      %add3A_4971 = vector.broadcast %add3A_4970 : i32 to vector<16xi32>
      %add3A_4972 = arith.addi %min3A_4966, %add3A_4971 : vector<16xi32>
      %select_n3A_4973 = arith.select %lt3A_4969, %add3A_4972, %min3A_4966 : vector<16xi1>, vector<16xi32>
      %broadcast_in_dim3A_4974 = vector.shape_cast %select_n3A_4973 : vector<16xi32> to vector<16x1xi32>
      %gather3A_4975 = vector.shape_cast %broadcast_in_dim3A_4974 : vector<16x1xi32> to vector<16xi32>
      %gather3A_4976 = tpu.dynamic_gather %select_n3A_4890[%gather3A_4975] in [0] : vector<16xf32>, vector<16xi32> -> vector<16xf32>
      %select_n3A_4977 = arith.select %lt3A_4913, %gather3A_4957, %gather3A_4976 : vector<16xi1>, vector<16xf32>
      %max3A_4978 = arith.maximumf %select_n3A_4890, %select_n3A_4977 : vector<16xf32>
      %add3A_4979 = arith.constant 1.000000e+00 : f32
      %add3A_4980 = vector.broadcast %add3A_4979 : f32 to vector<16xf32>
      %add3A_4981 = arith.addf %select_n3A_4945, %add3A_4980 : vector<16xf32>
      %sub3A_4982 = arith.subf %add3A_4981, %max3A_4978 : vector<16xf32>
      %mul3A_4983 = arith.mulf %gather3A_4910, %sub3A_4982 : vector<16xf32>
      %add3A_4984 = arith.addf %mul3A_4983, %max3A_4978 : vector<16xf32>
      %jit3A_4985 = arith.constant 0.000000e+00 : f32
      %broadcast_in_dim3A_4986 = vector.broadcast %jit3A_4985 : f32 to vector<16xf32>
      %select_n3A_4987 = arith.select %and3A_4900, %add3A_4984, %broadcast_in_dim3A_4986 : vector<16xi1>, vector<16xf32>
      %broadcast_in_dim3A_4988 = arith.constant 4 : i32
      %broadcast_in_dim3A_4989 = vector.broadcast %broadcast_in_dim3A_4988 : i32 to vector<16xi32>
      %lt3A_4990 = arith.constant 0 : i32
      %lt3A_4991 = vector.broadcast %lt3A_4990 : i32 to vector<16xi32>
      %lt3A_4992 = arith.cmpi slt, %broadcast_in_dim3A_4989, %lt3A_4991 : vector<16xi32>
      %add3A_4993 = arith.constant 16 : i32
      %add3A_4994 = vector.broadcast %add3A_4993 : i32 to vector<16xi32>
      %add3A_4995 = arith.addi %broadcast_in_dim3A_4989, %add3A_4994 : vector<16xi32>
      %select_n3A_4996 = arith.select %lt3A_4992, %add3A_4995, %broadcast_in_dim3A_4989 : vector<16xi1>, vector<16xi32>
      %broadcast_in_dim3A_4997 = vector.shape_cast %select_n3A_4996 : vector<16xi32> to vector<16x1xi32>
      %gather3A_4998 = vector.shape_cast %broadcast_in_dim3A_4997 : vector<16x1xi32> to vector<16xi32>
      %gather3A_4999 = tpu.dynamic_gather %select_n3A_4987[%gather3A_4998] in [0] : vector<16xf32>, vector<16xi32> -> vector<16xf32>
      %div3A = vector.broadcast %reduce_sum3A_92 : f32 to vector<16xf32>
      %div3A_5000 = arith.divf %gather3A_4999, %div3A : vector<16xf32>
      %bitcast3A = vector.bitcast %div3A_5000 : vector<16xf32> to vector<16xi32>
      %shift_right_logical3A = arith.constant 23 : i32
      %shift_right_logical3A_5001 = vector.broadcast %shift_right_logical3A : i32 to vector<16xi32>
      %shift_right_logical3A_5002 = arith.shrui %bitcast3A, %shift_right_logical3A_5001 : vector<16xi32>
      %and3A_5003 = arith.constant 255 : i32
      %and3A_5004 = vector.broadcast %and3A_5003 : i32 to vector<16xi32>
      %and3A_5005 = arith.andi %shift_right_logical3A_5002, %and3A_5004 : vector<16xi32>
      %sub3A_5006 = arith.constant 127 : i32
      %sub3A_5007 = vector.broadcast %sub3A_5006 : i32 to vector<16xi32>
      %sub3A_5008 = arith.subi %and3A_5005, %sub3A_5007 : vector<16xi32>
      %convert_element_type3A_5009 = arith.sitofp %sub3A_5008 : vector<16xi32> to vector<16xf32>
      %and3A_5010 = arith.constant 8388607 : i32
      %and3A_5011 = vector.broadcast %and3A_5010 : i32 to vector<16xi32>
      %and3A_5012 = arith.andi %bitcast3A, %and3A_5011 : vector<16xi32>
      %or3A = arith.constant 1065353216 : i32
      %or3A_5013 = vector.broadcast %or3A : i32 to vector<16xi32>
      %or3A_5014 = arith.ori %and3A_5012, %or3A_5013 : vector<16xi32>
      %bitcast3A_5015 = vector.bitcast %or3A_5014 : vector<16xi32> to vector<16xf32>
      %sub3A_5016 = arith.constant 1.000000e+00 : f32
      %sub3A_5017 = vector.broadcast %sub3A_5016 : f32 to vector<16xf32>
      %sub3A_5018 = arith.subf %bitcast3A_5015, %sub3A_5017 : vector<16xf32>
      %add3A_5019 = arith.constant 1.000000e+00 : f32
      %add3A_5020 = vector.broadcast %add3A_5019 : f32 to vector<16xf32>
      %add3A_5021 = arith.addf %bitcast3A_5015, %add3A_5020 : vector<16xf32>
      %div3A_5022 = arith.divf %sub3A_5018, %add3A_5021 : vector<16xf32>
      %mul3A_5023 = arith.mulf %div3A_5022, %div3A_5022 : vector<16xf32>
      %mul3A_5024 = arith.constant 0.15384616 : f32
      %mul3A_5025 = vector.broadcast %mul3A_5024 : f32 to vector<16xf32>
      %mul3A_5026 = arith.mulf %mul3A_5025, %mul3A_5023 : vector<16xf32>
      %add3A_5027 = arith.constant 0.181818187 : f32
      %add3A_5028 = vector.broadcast %add3A_5027 : f32 to vector<16xf32>
      %add3A_5029 = arith.addf %mul3A_5026, %add3A_5028 : vector<16xf32>
      %mul3A_5030 = arith.mulf %add3A_5029, %mul3A_5023 : vector<16xf32>
      %add3A_5031 = arith.constant 0.222222224 : f32
      %add3A_5032 = vector.broadcast %add3A_5031 : f32 to vector<16xf32>
      %add3A_5033 = arith.addf %mul3A_5030, %add3A_5032 : vector<16xf32>
      %mul3A_5034 = arith.mulf %add3A_5033, %mul3A_5023 : vector<16xf32>
      %add3A_5035 = arith.constant 0.285714298 : f32
      %add3A_5036 = vector.broadcast %add3A_5035 : f32 to vector<16xf32>
      %add3A_5037 = arith.addf %mul3A_5034, %add3A_5036 : vector<16xf32>
      %mul3A_5038 = arith.mulf %add3A_5037, %mul3A_5023 : vector<16xf32>
      %add3A_5039 = arith.constant 4.000000e-01 : f32
      %add3A_5040 = vector.broadcast %add3A_5039 : f32 to vector<16xf32>
      %add3A_5041 = arith.addf %mul3A_5038, %add3A_5040 : vector<16xf32>
      %mul3A_5042 = arith.mulf %add3A_5041, %mul3A_5023 : vector<16xf32>
      %add3A_5043 = arith.constant 0.666666686 : f32
      %add3A_5044 = vector.broadcast %add3A_5043 : f32 to vector<16xf32>
      %add3A_5045 = arith.addf %mul3A_5042, %add3A_5044 : vector<16xf32>
      %mul3A_5046 = arith.mulf %add3A_5045, %mul3A_5023 : vector<16xf32>
      %add3A_5047 = arith.constant 2.000000e+00 : f32
      %add3A_5048 = vector.broadcast %add3A_5047 : f32 to vector<16xf32>
      %add3A_5049 = arith.addf %mul3A_5046, %add3A_5048 : vector<16xf32>
      %mul3A_5050 = arith.constant 0.693147182 : f32
      %mul3A_5051 = vector.broadcast %mul3A_5050 : f32 to vector<16xf32>
      %mul3A_5052 = arith.mulf %convert_element_type3A_5009, %mul3A_5051 : vector<16xf32>
      %mul3A_5053 = arith.mulf %div3A_5022, %add3A_5049 : vector<16xf32>
      %add3A_5054 = arith.addf %mul3A_5052, %mul3A_5053 : vector<16xf32>
      %mul3A_5055 = arith.constant -5.000000e-02 : f32
      %mul3A_5056 = vector.broadcast %mul3A_5055 : f32 to vector<16xf32>
      %mul3A_5057 = arith.mulf %add3A_5054, %mul3A_5056 : vector<16xf32>
      %swap3A = arith.constant 0 : index
      %swap3A_5058 = tpu.vector_load %arg8[%swap3A] {strides = array<i32>} : memref<16xf32, #tpu.memory_space<vmem>>, vector<16xf32>,
      tpu.vector_store %arg8[%swap3A], %mul3A_5057 {strides = array<i32>} : memref<16xf32, #tpu.memory_space<vmem>>, vector<16xf32>,
    } else {
    }
    %not3A = arith.constant true
    %not3A_4 = arith.xori %lt3A_1, %not3A : i1
    %convert_element_type3A_5 = arith.extui %not3A_4 : i1 to i32
    %cond3A_6 = arith.constant 0 : i32
    %cond3A_7 = arith.cmpi ne, %convert_element_type3A_5, %cond3A_6 : i32
    scf.if %cond3A_7 {
      %swap3A = arith.constant 0 : index
      %swap3A_8 = tpu.vector_load %arg8[%swap3A] {strides = array<i32>} : memref<16xf32, #tpu.memory_space<vmem>>, vector<16xf32>,
      tpu.vector_store %arg8[%swap3A], %broadcast_in_dim3A_2 {strides = array<i32>} : memref<16xf32, #tpu.memory_space<vmem>>, vector<16xf32>,
    } else {
    }
    %run_scoped3A = arith.constant 0 : i32
    "tpu.region"() ({
      %run_scoped3A_8 = tpu.sem_alloc : memref<!tpu.dma_semaphore, #tpu.memory_space<semaphore_mem>>
      %dma_start3A = arith.constant 0 : i32
      %dma_start3A_9 = tpu.memref_slice %arg4[%add3A, %run_scoped3A, %dma_start3A] : memref<32x1x16xf32, #tpu.memory_space<hbm>> -> memref<1x1x16xf32, #tpu.memory_space<hbm>>
      %dma_start3A_10 = tpu.memref_squeeze %dma_start3A_9 : memref<1x1x16xf32, #tpu.memory_space<hbm>> -> memref<16xf32, #tpu.memory_space<hbm>>
      %dma_start3A_11 = arith.constant 0 : i32
      %dma_start3A_12 = tpu.memref_slice %arg4[%add3A, %run_scoped3A, %dma_start3A_11] : memref<32x1x16xf32, #tpu.memory_space<hbm>> -> memref<1x1x16xf32, #tpu.memory_space<hbm>>
      %dma_start3A_13 = tpu.memref_squeeze %dma_start3A_12 : memref<1x1x16xf32, #tpu.memory_space<hbm>> -> memref<16xf32, #tpu.memory_space<hbm>>
      tpu.enqueue_dma source(%arg8 : memref<16xf32, #tpu.memory_space<vmem>>) target(%dma_start3A_13 : memref<16xf32, #tpu.memory_space<hbm>>) target_semaphore(%run_scoped3A_8 : memref<!tpu.dma_semaphore, #tpu.memory_space<semaphore_mem>>)
      %dma_wait3A = arith.constant 0 : i32
      %dma_wait3A_14 = tpu.memref_slice %arg4[%add3A, %run_scoped3A, %dma_wait3A] : memref<32x1x16xf32, #tpu.memory_space<hbm>> -> memref<1x1x16xf32, #tpu.memory_space<hbm>>
      %dma_wait3A_15 = tpu.memref_squeeze %dma_wait3A_14 : memref<1x1x16xf32, #tpu.memory_space<hbm>> -> memref<16xf32, #tpu.memory_space<hbm>>
      %dma_wait3A_16 = arith.constant 0 : i32
      %dma_wait3A_17 = tpu.memref_slice %arg4[%add3A, %run_scoped3A, %dma_wait3A_16] : memref<32x1x16xf32, #tpu.memory_space<hbm>> -> memref<1x1x16xf32, #tpu.memory_space<hbm>>
      %dma_wait3A_18 = tpu.memref_squeeze %dma_wait3A_17 : memref<1x1x16xf32, #tpu.memory_space<hbm>> -> memref<16xf32, #tpu.memory_space<hbm>>
      tpu.wait_dma2 semaphore(%run_scoped3A_8 : memref<!tpu.dma_semaphore, #tpu.memory_space<semaphore_mem>>) src(%arg8 : memref<16xf32, #tpu.memory_space<vmem>>) dst(%dma_wait3A_18 : memref<16xf32, #tpu.memory_space<hbm>>)
      tpu.yield
    }) : () -> ()
    return
  }
}

</mosaic_0001>

<sc_bundles>
// kernel: kernel.3.cloned.1.call-start
scs
__scs_entry_jumppad:
0x0: {  	(pc) =	sbr.rel $0x88, $3  }
0x1: {  	(tag) =	ssettag $0x0;
	lr =	simm.s32 $0x1  }
0x2: {  	[smem:$0x3F9F] =	sst lr;
	_ =	strace $0xD0000000  }
0x3: {  	_ = 	snop  }
0x4: {  	_ = 	snop  }
0x5: {  	_ = 	snop  }
0x6: {  	_ = 	snop  }
0x7: {  	_ = 	snop  }
__scs_overlays_trampoline_lowered:
0x8: {  	[smem:$0x3FAE] =	sst s0  }
0x9: {  	[smem:$0x3FAF] =	sst s1  }
0xa: {  	[smem:$0x3FB0] =	sst s2  }
0xb: {  	[smem:$0x3FB1] =	sst s3  }
0xc: {  	[smem:$0x3FB2] =	sst s4  }
0xd: {  	[smem:$0x3FB3] =	sst s5  }
0xe: {  	[smem:$0x3FB4] =	sst s6  }
0xf: {  	[smem:$0x3FB5] =	sst s7  }
0x10: {  	[smem:$0x3FB6] =	sst s8  }
0x11: {  	[smem:$0x3FB7] =	sst s9;
	s0 =	simm.s32 @!p0 $0x0  }
0x12: {  	s1 =	sld [smem:$0x3F9D];
	s0 =	simm.s32 @p0 $0x1  }
0x13: {  	[smem:$0x3FB8] =	sst s0;
	s0 =	simm.s32 @!p1 $0x0  }
0x14: {  	s2 =	sld [smem:$0x3F9C];
	s0 =	simm.s32 @p1 $0x1  }
0x15: {  	[smem:$0x3FB9] =	sst s0;
	s0 =	simm.s32 @!p2 $0x0  }
0x16: {  	s3 =	sld [smem:$0x3FDB];
	s0 =	simm.s32 @p2 $0x1  }
0x17: {  	s4 =	simm.s32 $0x1BF5;
	[smem:$0x3FBB] =	sst s0  }
0x18: {  	s0 =	sld [smem:$0x3F9E];
	_ =	swait.ge [sflag:s4], $0x0  }
0x19: {  	s7 =	sld [smem:$0x3F9F]  }
0x1a: {  	s8 =	sadd.s32 $0xFFFFE003, lr  }
0x1b: {  	s9 =	sadd.s32 $0xFFFFFEF7, lr;
	s5 =	simm.s32 $0xFFFFFFFF;
	p2 =	slt.u32 s8, $0xFFFFF086  }
0x1c: {  	p1 =	slt.u32 s9, $0xF7A;
	s5 =	simm.s32 @!p2 $0x0  }
0x1d: {  	s5 =	simm.s32 @p1 $0x1;
	p0 =	seq.s32 s7, s2  }
0x1e: {  	s7 =	smul.u32 @!p0 $0xF7A, s2;
	p2 =	seq.s32 @!p0 s5, $0x0  }
0x1f: {  	s9 =	smul.u32 $0xF7A, s1;
	s8 =	simm.s32 @!p0 $0x1BF5;
	p2 =	por !p2, p0  }
0x20: {  	[sflag:s8] =	ssyncset.s32 @!p0 $0xFFFFF086;
	s6 =	sadd.s32 @!p0 s3, s7;
	s7 =	simm.s32 @!p0 $0x108  }
0x21: {  	s3 =	sadd.s32 s3, s9;
	s6 =	sadd.s32 @!p0 $0x88, s6;
	s7 =	simm.s32 @p2 $0x1082  }
0x22: {  	[simem:s7], [sflag:s8] =	dma.local @!p0 [hbm:s6], $0xF7A  }
0x23: {  	s9 =	sor.u32 $0xD0000000, s2;
	s6 =	simm.s32 $0x108;
	_ =	swait.ge @!p0 [sflag:s8], $0x0  }
0x24: {  	s3 =	sadd.s32 $0x88, s3;
	s6 =	simm.s32 @!p1 $0x1082;
	[sflag:s4] =	ssyncset.s32 $0xFFFFF086  }
0x25: {  	[simem:s6], [sflag:s4] =	dma.local [hbm:s3], $0xF7A  }
0x26: {  	[smem:$0x3F9F] =	sst s1;
	(tag) =	ssettag s2;
	_ =	strace s9  }
0x27: {  	s1 =	sld [smem:$0x3FAF]  }
0x28: {  	s2 =	sld [smem:$0x3FB0]  }
0x29: {  	s4 =	sld [smem:$0x3FB2]  }
0x2a: {  	p0 =	seq.s32 s5, $0x0;
	s5 =	sld [smem:$0x3FB3]  }
0x2b: {  	s6 =	sld [smem:$0x3FB4]  }
0x2c: {  	s7 =	sld [smem:$0x3FB5]  }
0x2d: {  	s3 =	simm.s32 $0x108;
	s8 =	sld [smem:$0x3FB6]  }
0x2e: {  	s3 =	simm.s32 @!p0 $0x1082;
	s9 =	sld [smem:$0x3FB7]  }
0x2f: {  	lr =	sadd.s32 s0, s3;
	s0 =	sld [smem:$0x3FAE]  }
0x30: {  	s3 =	sld [smem:$0x3FB1]  }
0x31: {  	[smem:$0x3FBA] =	sst s10  }
0x32: {  	s10 =	sld [smem:$0x3FB8];
	_ =	sdelay $0x3  }
0x33: {  	p0 =	seq.s32 s10, $0x1;
	s10 =	sld [smem:$0x3FBA];
	_ =	sdelay $0x3  }
0x34: {  	[smem:$0x3FBA] =	sst s10  }
0x35: {  	s10 =	sld [smem:$0x3FB9];
	_ =	sdelay $0x3  }
0x36: {  	p1 =	seq.s32 s10, $0x1;
	s10 =	sld [smem:$0x3FBA];
	_ =	sdelay $0x3  }
0x37: {  	[smem:$0x3FBA] =	sst s10  }
0x38: {  	s10 =	sld [smem:$0x3FBB]  }
0x39: {  	_ = 	snop;
	(pc) =	sbr.ind lr, $3  }
0x3a: {  	_ = 	snop  }
0x3b: {  	_ = 	snop  }
0x3c: {  	p2 =	seq.s32 s10, $0x1;
	s10 =	sld [smem:$0x3FBA]  }
0x3d: {  	_ =	shalt  }
0x3e: {  	_ =	shalt  }
0x3f: {  	_ =	shalt  }
0x40: {  	_ =	shalt  }
0x41: {  	_ =	shalt  }
0x42: {  	_ =	shalt  }
0x43: {  	_ =	shalt  }
0x44: {  	_ =	shalt  }
0x45: {  	_ =	shalt  }
0x46: {  	_ =	shalt  }
0x47: {  	_ =	shalt  }
0x48: {  	_ =	shalt  }
0x49: {  	_ =	shalt  }
0x4a: {  	_ =	shalt  }
0x4b: {  	_ =	shalt  }
0x4c: {  	_ =	shalt  }
0x4d: {  	_ =	shalt  }
0x4e: {  	_ =	shalt  }
0x4f: {  	_ =	shalt  }
0x50: {  	_ =	shalt  }
0x51: {  	_ =	shalt  }
0x52: {  	_ =	shalt  }
0x53: {  	_ =	shalt  }
0x54: {  	_ =	shalt  }
0x55: {  	_ =	shalt  }
0x56: {  	_ =	shalt  }
0x57: {  	_ =	shalt  }
0x58: {  	_ =	shalt  }
0x59: {  	_ =	shalt  }
0x5a: {  	_ =	shalt  }
0x5b: {  	_ =	shalt  }
0x5c: {  	_ =	shalt  }
0x5d: {  	_ =	shalt  }
0x5e: {  	_ =	shalt  }
0x5f: {  	_ =	shalt  }
0x60: {  	_ =	shalt  }
0x61: {  	_ =	shalt  }
0x62: {  	_ =	shalt  }
0x63: {  	_ =	shalt  }
0x64: {  	_ =	shalt  }
0x65: {  	_ =	shalt  }
0x66: {  	_ =	shalt  }
0x67: {  	_ =	shalt  }
0x68: {  	_ =	shalt  }
0x69: {  	_ =	shalt  }
0x6a: {  	_ =	shalt  }
0x6b: {  	_ =	shalt  }
0x6c: {  	_ =	shalt  }
0x6d: {  	_ =	shalt  }
0x6e: {  	_ =	shalt  }
0x6f: {  	_ =	shalt  }
0x70: {  	_ =	shalt  }
0x71: {  	_ =	shalt  }
0x72: {  	_ =	shalt  }
0x73: {  	_ =	shalt  }
0x74: {  	_ =	shalt  }
0x75: {  	_ =	shalt  }
0x76: {  	_ =	shalt  }
0x77: {  	_ =	shalt  }
0x78: {  	_ =	shalt  }
0x79: {  	_ =	shalt  }
0x7a: {  	_ =	shalt  }
0x7b: {  	_ =	shalt  }
0x7c: {  	_ =	shalt  }
0x7d: {  	_ =	shalt  }
0x7e: {  	_ =	shalt  }
0x7f: {  	_ =	shalt  }
0x80: {  	_ =	shalt  }
0x81: {  	_ =	shalt  }
0x82: {  	_ =	shalt  }
0x83: {  	_ =	shalt  }
0x84: {  	_ =	shalt  }
0x85: {  	_ =	shalt  }
0x86: {  	_ =	shalt  }
0x87: {  	_ =	shalt  }
.Lfunc_end0:
.L_simem_size_0:
called_computation_lowered:
.L_overlay_start_0:
0x88: {  	s2 =	sld [smem:$0x3FD9]  }
0x89: {  	s3 =	sld [smem:$0x3FFE];
	_ =	sdelay $0x1  }
0x8a: {  	s1 =	srdreg.scid  }
0x8b: {  	s0 =	sand.u32 $0x1, s1  }
0x8c: {  	s17 =	sshll.u32 s0, $0xA;
	s2 =	sadd.s32 s3, s2  }
0x8d: {  	s2 =	sadd.s32 s2, s17  }
0x8e: {  	[smem:$0x3FC6] =	sst s2  }
0x8f: {  	_ = 	snop  }
0x90: {  	s2 =	sld [smem:$0x3FC9]  }
0x91: {  	s18 =	sld [smem:$0x3FC8];
	(tm) =	ssettm $0x1  }
0x92: {  	s4 =	sld [smem:$0x3FFB];
	_ =	sdelay $0x3  }
0x93: {  	_ =	strace s4  }
0x94: {  	s4 =	sld [smem:$0x3FFC];
	_ =	sdelay $0x3  }
0x95: {  	_ =	strace s4  }
0x96: {  	s4 =	sld [smem:$0x3FFD];
	_ =	sdelay $0x3  }
0x97: {  	_ =	strace s4  }
0x98: {  	_ =	strace $0x8FFFFFFF  }
0x99: {  	s19 =	sld [smem:$0x3FDB];
	_ =	sdelay $0x1  }
0x9a: {  	s5 =	simm.s32 $_scs_section_size  }
0x9b: {  	s6 =	simm.s32 $_size__tile_overlayer_lowered;
	s7 =	simm.s32 $_tile_overlayer_lowered  }
0x9c: {  	s22 =	simm.s32 $0x1BFF;
	s21 =	sshll.u32 s7, $0x1;
	s4 =	sadd.s32 s5, s19  }
0x9d: {  	s8 =	simm.s32 $0x0;
	s20 =	sshll.u32 s6, $0x1;
	s6 =	sadd.s32 s21, s4  }
0x9e: {  	[timem:s8], [sflag:s22] =	dma.local [hbm:s6], s20  }
0x9f: {  	_ =	swait.ge [sflag:s22], s20  }
0xa0: {  	s5 =	ssub.s32 $0x0, s20;
	[sflag:s22] =	ssyncset.done $0x0  }
0xa1: {  	[sflag:s22] =	ssyncadd.s32 s5;
	_ =	sdelay $0x1  }
0xa2: {  	s23 =	simm.s32 $0x1B8B  }
0xa3: {  	_ =	swait.ge [sflag:s23], $0x1  }
0xa4: {  	[sflag:s23] =	ssyncset.done $0x0  }
0xa5: {  	s25 =	simm.s32 $0x1B8E;
	s24 =	sld [smem:$0x3FFE];
	[sflag:s23] =	ssyncadd.s32 $0xFFFFFFFF  }
0xa6: {  	s26 =	simm.s32 $execute0_lowered;
	[smem:$0x3FD2] =	sst s25  }
0xa7: {  	s6 =	sshll.u32 s26, $0x1;
	_ =	strace $0x80000046;
	[dreg:$0x1] =	wrdreg $0xFFFFFFFF  }
0xa8: {  	s28 =	simm.s32 $_size_execute0_lowered;
	s4 =	sadd.s32 s4, s6;
	[dreg:$0x0] =	wrdreg $0x0  }
0xa9: {  	s6 =	sshll.u32 s28, $0x1;
	[dreg:$0x2] =	wrdreg s4  }
0xaa: {  	[dreg:$0x3] =	wrdreg s6  }
0xab: {  	[dreg:$0x4] =	wrdreg $0xC0  }
0xac: {  	_ =	task [dreg:s8], $0x5FFFF  }
0xad: {  	[dreg:$0x1] =	wrdreg $0xFFFFFFFF  }
0xae: {  	[dreg:$0x0] =	wrdreg $0x60  }
0xaf: {  	[dreg:$0x2] =	wrdreg s2  }
0xb0: {  	[dreg:$0x3] =	wrdreg s18  }
0xb1: {  	[dreg:$0x4] =	wrdreg s24  }
0xb2: {  	[dreg:$0x5] =	wrdreg $0x9  }
0xb3: {  	_ =	task.clear_ibuf [dreg:s8], $0x6FFFF;
	_ =	strace $0x90000046  }
0xb4: {  	s29 =	simm.s32 $0x9;
	_ =	strace $0x80000048  }
0xb5: {  	_ =	swait.ge [sflag:s29], $0x1  }
0xb6: {  	[sflag:s29] =	ssyncadd.s32 $0xFFFFFFFF  }
0xb7: {  	_ =	strace $0x90000048  }
0xb8: {  	_ =	sfence  }
0xb9: {  	s30 =	sld [smem:$0x0];
	_ =	sdelay $0x2  }
0xba: {  	s31 =	sshll.u32 s1, $0xD;
	s1 =	sshrl.u32 s1, $0x2  }
0xbb: {  	s3 =	sand.u32 $0x4000, s31;
	s1 =	sadd.s32 s1, s30  }
0xbc: {  	s0 =	sor.u32 s3, s0;
	s1 =	sshll.u32 s1, $0x11  }
0xbd: {  	s0 =	sor.u32 s1, s0  }
0xbe: {  	s0 =	sadd.s32 $0x8F2B, s0  }
0xbf: {  	[sflag:s0] =	ssyncadd.remote.s32 $0x1  }
0xc0: {  	_ =	sfence.sel $0xFFFF  }
0xc1: {  	[dreg:$0x0] =	wrdreg $0xFFFFFFFF;
	(pc) =	sbr.abs _section_cstart, $3  }
0xc2: {  	[dreg:$0x1] =	wrdreg $0xFFFFFFFF  }
0xc3: {  	_ =	task.clear_ibuf [dreg:s8], $0x2FFFF;
	_ =	strace $0x9FFFFFFF  }
0xc4: {  	(tm) =	ssettm $0x7FFFFFFF  }
0xc5: {  	_ =	shalt  }
tec
execute0_lowered:
.L_overlay_start_1:
0x0: {  	(tag) =	ssettag $0x1  }
0x1: {  	s0 =	srdreg.scid  }
0x2: {  	s4 =	sand.u32 $0x1, s0  }
0x3: {  	v0 =	vimm.s32 $0x13121110;
	s0 =	stileid.u32;
	s1 =	sshll.u32 s4, $0x4  }
0x4: {  	v1 =	vunpack.c.0.s8.s32 v0;
	s9 =	sor.u32 s0, s1  }
0x5: {  	vm1 =	vcmask $0xF00;
	v6 =	vimm.f32 $0.0e+00;
	v0 =	vlaneseq.u32;
	s1 =	sshll.u32 s9, $0x7  }
0x6: {  	vm0 =	vmmov $0xf;
	v1 =	vnsel vm1, $0x13, v1;
	v2 =	vor.u32 s1, v0  }
0x7: {  	v4 =	vimm.s32 $0x725F4C39;
	v5 =	vimm.s32 $0xBEAB9885;
	v1 =	vor.u32 s1, v1;
	[tilespmem:$0x1FEE0] =	vst v2  }
0x8: {  	vm3 =	vcmask $0x1F10;
	vm2 =	vcmask $0x2F20;
	[tilespmem:$0x1FEF0] =	vst v1;
	v1 =	vsel vm1, $0x3F800000, v6  }
0x9: {  	vm5 =	vcmask $0x3B30;
	v50 =	vimm.s32 $0xC0AD9A87;
	[tilespmem:$0x1FF00] =	vst v1;
	v1 =	vor.u32 $0x10, v0  }
0xa: {  	v51 =	vimm.s32 $0xC1AE9B88;
	v52 =	vimm.s32 $0xFAE7D4;
	[tilespmem:$0x1FF10] =	vst v1;
	v1 =	vadd.s32 $0x14, v0  }
0xb: {  	vm4 =	vcmask $0x314;
	v53 =	vimm.s32 $0xC3B09D8A;
	[tilespmem:$0x1FF20] =	vst v1;
	v1 =	vadd.s32 $0x24, v0  }
0xc: {  	v54 =	vimm.s32 $0xC4B19E8B;
	v55 =	vimm.s32 $0xFEEBD8;
	[tilespmem:$0x1FF30] =	vst v1;
	v1 =	vadd.s32 $0x28, v0  }
0xd: {  	v56 =	vimm.s32 $0xC7B4A18E;
	vm7 =	vcmask $0x3330;
	[tilespmem:$0x1FF40] =	vst v1;
	v1 =	vadd.s32 $0x38, v0  }
0xe: {  	vm6 =	vcmask $0x3B38;
	v57 =	vimm.s32 $0xCAB7A491;
	[tilespmem:$0x1FF50] =	vst v1;
	v1 =	vadd.s32 $0x3C, v0  }
0xf: {  	v58 =	vimm.s32 $0x806D5A47;
	v59 =	vimm.s32 $0x826F5C49;
	[tilespmem:$0x1FF60] =	vst v1;
	v1 =	vadd.s32 $0x4C, v0  }
0x10: {  	v60 =	vimm.s32 $0xCEBBA895;
	vm10 =	vcmask $0x300;
	[tilespmem:$0x1FF70] =	vst v1;
	v1 =	vor.u32 $0x50, v0  }
0x11: {  	v61 =	vimm.s32 $0x84715E4B;
	v62 =	vimm.s32 $0xD0BDAA97;
	[tilespmem:$0x1FF80] =	vst v1;
	v1 =	vor.u32 $0x60, v0  }
0x12: {  	vm11 =	vcmask $0x704;
	vm12 =	vcmask $0xB08;
	[tilespmem:$0x1FF90] =	vst v1;
	v1 =	vadd.s32 $0x64, v0  }
0x13: {  	vm13 =	vcmask $0xF0C;
	vm14 =	vcmask $0x1310;
	[tilespmem:$0x1FFA0] =	vst v1;
	v1 =	vadd.s32 $0x74, v0  }
0x14: {  	vm15 =	vcmask $0x1714;
	v2 =	vadd.s32 $0x78, v0;
	[tilespmem:$0x1FFB0] =	vst v1;
	v1 =	vimm.s32 $0xEDCBA987  }
0x15: {  	v3 =	vadd.s32 $0x88, v0;
	[tilespmem:$0x1FFC0] =	vst v2;
	v2 =	vimm.s32 $0x65432100;
	v1 =	vunpack.c.l.s4.s8 v1  }
0x16: {  	vm8 =	vmmov $0x3;
	[tilespmem:$0x1FFD0] =	vst v3;
	v3 =	vimm.s32 $0x26130000;
	v2 =	vunpack.c.l.s4.s8 v2  }
0x17: {  	v4 =	vunpack.c.0.s8.s32 v4;
	v3 =	vunpack.c.0.s8.s32 v3;
	v1 =	vunpack.c.0.s8.s32 v1  }
0x18: {  	vm9 =	vmmov $0x7;
	v5 =	vunpack.c.0.s8.s32 v5;
	v2 =	vunpack.c.0.s8.s32 v2  }
0x19: {  	v4 =	vand.u32 $0xFF, v4;
	v3 =	vnsel vm1, $0x10A, v3;
	v1 =	vand.u32 $0xF, v1  }
0x1a: {  	v18 =	vcombine.low v2, v1;
	v1 =	vsel vm3, v4, v3;
	v3 =	vimm.s32 $0xF7E4D1  }
0x1b: {  	v2 =	vand.u32 $0xFF, v5;
	v4 =	vadd.s32 $0x8C, v0;
	v3 =	vunpack.c.0.s8.s32 v3  }
0x1c: {  	v33 =	vor.u32 $0xA0, v0;
	[tilespmem:$0x1FFE0] =	vst v4;
	v4 =	vadd.s32 $0x9C, v0;
	v1 =	vsel vm2, v2, v1  }
0x1d: {  	[tilespmem:$0x1FFF0] =	vst v4;
	v4 =	vimm.s32 $0x73604D3A;
	v2 =	vand.u32 $0xFF, v3;
	v3 =	vimm.s32 $0x27140100  }
0x1e: {  	v34 =	vor.u32 $0xB0, v0;
	v4 =	vunpack.c.0.s8.s32 v4;
	v3 =	vunpack.c.0.s8.s32 v3  }
0x1f: {  	v35 =	vadd.s32 $0xB4, v0;
	v36 =	vadd.s32 $0xC4, v0;
	v5 =	vimm.s32 $0xBFAC9986  }
0x20: {  	v24 =	vsel vm5, v2, v1;
	v2 =	vnsel vm1, $0x10B, v3;
	v3 =	vand.u32 $0xFF, v4  }
0x21: {  	v1 =	vunpack.c.0.s8.s32 v5;
	v2 =	vsel vm3, v3, v2;
	v3 =	vimm.s32 $0xF8E5D2  }
0x22: {  	v5 =	vimm.s32 $0x74614E3B;
	v4 =	vimm.s32 $0x28150200;
	v3 =	vunpack.c.0.s8.s32 v3  }
0x23: {  	v5 =	vunpack.c.0.s8.s32 v5;
	v1 =	vand.u32 $0xFF, v1;
	v4 =	vunpack.c.0.s8.s32 v4  }
0x24: {  	v1 =	vsel vm2, v1, v2;
	v2 =	vand.u32 $0xFF, v3;
	v3 =	vunpack.c.0.s8.s32 v50  }
0x25: {  	v26 =	vsel vm5, v2, v1;
	v1 =	vnsel vm1, $0x10C, v4;
	v2 =	vand.u32 $0xFF, v5  }
0x26: {  	v4 =	vimm.s32 $0x29160300;
	v5 =	vimm.s32 $0x75624F3C;
	v1 =	vsel vm3, v2, v1  }
0x27: {  	v2 =	vand.u32 $0xFF, v3;
	v3 =	vimm.s32 $0xF9E6D3;
	v4 =	vunpack.c.0.s8.s32 v4  }
0x28: {  	v37 =	vadd.s32 $0xC8, v0;
	v5 =	vunpack.c.0.s8.s32 v5;
	v3 =	vunpack.c.0.s8.s32 v3  }
0x29: {  	v38 =	vadd.s32 $0xD8, v0;
	v1 =	vsel vm2, v2, v1;
	v4 =	vnsel vm1, $0x10D, v4  }
0x2a: {  	v5 =	vand.u32 $0xFF, v5;
	v2 =	vand.u32 $0xFF, v3;
	v3 =	vunpack.c.0.s8.s32 v51  }
0x2b: {  	v39 =	vadd.s32 $0xDC, v0;
	v40 =	vadd.s32 $0xEC, v0;
	v4 =	vsel vm3, v5, v4  }
0x2c: {  	v5 =	vunpack.c.0.s8.s32 v52;
	v27 =	vsel vm5, v2, v1;
	v3 =	vand.u32 $0xFF, v3  }
0x2d: {  	v1 =	vsel vm2, v3, v4;
	v3 =	vimm.s32 $0x2A170400;
	v4 =	vimm.s32 $0x7663503D  }
0x2e: {  	v41 =	vor.u32 $0xF0, v0;
	v3 =	vunpack.c.0.s8.s32 v3;
	v4 =	vunpack.c.0.s8.s32 v4  }
0x2f: {  	v42 =	vor.u32 $0x100, v0;
	v2 =	vand.u32 $0xFF, v5;
	v5 =	vimm.s32 $0xC2AF9C89  }
0x30: {  	v28 =	vsel vm5, v2, v1;
	v2 =	vnsel vm1, $0x10E, v3;
	v3 =	vand.u32 $0xFF, v4  }
0x31: {  	v1 =	vunpack.c.0.s8.s32 v5;
	v2 =	vsel vm3, v3, v2;
	v3 =	vimm.s32 $0xFBE8D5  }
0x32: {  	v43 =	vadd.s32 $0x104, v0;
	v5 =	vimm.s32 $0x7764513E;
	v3 =	vunpack.c.0.s8.s32 v3  }
0x33: {  	v5 =	vunpack.c.0.s8.s32 v5;
	v1 =	vand.u32 $0xFF, v1;
	v4 =	vimm.s32 $0x2B180500  }
0x34: {  	v4 =	vunpack.c.0.s8.s32 v4;
	v1 =	vsel vm2, v1, v2;
	v2 =	vand.u32 $0xFF, v3  }
0x35: {  	v44 =	vadd.s32 $0x114, v0;
	v3 =	vunpack.c.0.s8.s32 v53;
	v29 =	vsel vm5, v2, v1  }
0x36: {  	v1 =	vnsel vm1, $0x10F, v4;
	v2 =	vand.u32 $0xFF, v5;
	v4 =	vimm.s32 $0x2C190600  }
0x37: {  	v1 =	vsel vm3, v2, v1;
	v2 =	vand.u32 $0xFF, v3;
	v3 =	vimm.s32 $0xFCE9D6  }
0x38: {  	v5 =	vimm.s32 $0x7865523F;
	v4 =	vunpack.c.0.s8.s32 v4;
	v3 =	vunpack.c.0.s8.s32 v3  }
0x39: {  	v5 =	vunpack.c.0.s8.s32 v5;
	v1 =	vsel vm2, v2, v1;
	v2 =	vunpack.c.0.s8.s32 v54  }
0x3a: {  	v45 =	vadd.s32 $0x118, v0;
	v4 =	vnsel vm1, $0x110, v4;
	v3 =	vand.u32 $0xFF, v3  }
0x3b: {  	v5 =	vand.u32 $0xFF, v5;
	v2 =	vand.u32 $0xFF, v2;
	v30 =	vsel vm5, v3, v1  }
0x3c: {  	v1 =	vsel vm3, v5, v4;
	v3 =	vimm.s32 $0x2D1A0700;
	v4 =	vimm.s32 $0x79665340  }
0x3d: {  	v5 =	vimm.s32 $0xC5B29F8C;
	v1 =	vsel vm2, v2, v1;
	v2 =	vimm.s32 $0xFDEAD7  }
0x3e: {  	v3 =	vunpack.c.0.s8.s32 v3;
	v4 =	vunpack.c.0.s8.s32 v4;
	v2 =	vunpack.c.0.s8.s32 v2  }
0x3f: {  	v19 =	vperm.xlane v6, v18;
	v6 =	vunpack.c.0.s8.s32 v55;
	v5 =	vunpack.c.0.s8.s32 v5  }
0x40: {  	v3 =	vnsel vm1, $0x111, v3;
	v4 =	vand.u32 $0xFF, v4;
	v2 =	vand.u32 $0xFF, v2  }
0x41: {  	v31 =	vsel vm5, v2, v1;
	v1 =	vsel vm3, v4, v3;
	v2 =	vand.u32 $0xFF, v5  }
0x42: {  	v46 =	vadd.s32 $0x128, v0;
	v1 =	vsel vm2, v2, v1;
	v2 =	vand.u32 $0xFF, v6  }
0x43: {  	v32 =	vsel vm5, v2, v1;
	v1 =	vimm.s32 $0x2E1B0800;
	v2 =	vimm.s32 $0x7A675441  }
0x44: {  	v47 =	vadd.s32 $0x12C, v0;
	v1 =	vunpack.c.0.s8.s32 v1;
	v2 =	vunpack.c.0.s8.s32 v2  }
0x45: {  	v48 =	vadd.s32 $0x13C, v0;
	v22 =	vmax.f32 v19, $0.0e+00;
	v23 =	vadd.f32 $1.000000000e+00, v19  }
0x46: {  	v3 =	vimm.s32 $0xC6B3A08D;
	v1 =	vnsel vm1, $0x112, v1;
	v2 =	vand.u32 $0xFF, v2  }
0x47: {  	v4 =	vimm.s32 $0x2F1C0900;
	v1 =	vsel vm3, v2, v1;
	v2 =	vunpack.c.0.s8.s32 v3  }
0x48: {  	v5 =	vimm.s32 $0x7B685542;
	v4 =	vunpack.c.0.s8.s32 v4;
	v3 =	vimm.s32 $0xFFECD9  }
0x49: {  	v5 =	vunpack.c.0.s8.s32 v5;
	v3 =	vunpack.c.0.s8.s32 v3;
	v2 =	vand.u32 $0xFF, v2  }
0x4a: {  	v25 =	vsub.f32 v23, v22;
	v6 =	vunpack.c.0.s8.s32 v56;
	v1 =	vsel vm2, v2, v1  }
0x4b: {  	v2 =	vnsel vm1, $0x113, v4;
	v4 =	vand.u32 $0xFF, v5;
	v3 =	vand.u32 $0xFF, v3  }
0x4c: {  	v2 =	vsel vm3, v4, v2;
	v4 =	vand.u32 $0xFF, v6;
	v49 =	vsel vm5, v3, v1  }
0x4d: {  	v3 =	vimm.s32 $0x7C695643;
	v1 =	vsel vm2, v4, v2;
	v2 =	vimm.s32 $0x301D0A00  }
0x4e: {  	v53 =	vimm.s32 $0xCCB9A693;
	v3 =	vunpack.c.0.s8.s32 v3;
	v2 =	vunpack.c.0.s8.s32 v2  }
0x4f: {  	v5 =	vimm.s32 $0x7D6A5744;
	vm5 =	vcmask $0x3734;
	v4 =	vimm.s32 $0xC8B5A28F  }
0x50: {  	v4 =	vunpack.c.0.s8.s32 v4;
	v3 =	vand.u32 $0xFF, v3;
	v2 =	vnsel vm1, $0x114, v2  }
0x51: {  	v5 =	vunpack.c.0.s8.s32 v5;
	v2 =	vsel vm3, v3, v2;
	v3 =	vimm.s32 $0x311E0B00  }
0x52: {  	v1 =	vsel vm7, $0xDA, v1;
	v4 =	vand.u32 $0xFF, v4;
	v3 =	vunpack.c.0.s8.s32 v3  }
0x53: {  	v5 =	vand.u32 $0xFF, v5;
	v2 =	vsel vm2, v4, v2;
	v4 =	vimm.s32 $0xC9B6A390  }
0x54: {  	v1 =	vsel vm5, $0xED, v1;
	v4 =	vunpack.c.0.s8.s32 v4;
	v3 =	vnsel vm1, $0x115, v3  }
0x55: {  	v50 =	vsel vm6, $0x100, v1;
	v1 =	vsel vm7, $0xDB, v2;
	v2 =	vsel vm3, v5, v3  }
0x56: {  	v3 =	vand.u32 $0xFF, v4;
	v4 =	vimm.s32 $0x321F0C00;
	v5 =	vimm.s32 $0x7E6B5845  }
0x57: {  	v56 =	vimm.s32 $0x18F;
	v4 =	vunpack.c.0.s8.s32 v4;
	v5 =	vunpack.c.0.s8.s32 v5  }
0x58: {  	v63 =	vsel vm10, $0x12C, v56;
	v2 =	vsel vm2, v3, v2;
	v3 =	vunpack.c.0.s8.s32 v57  }
0x59: {  	v6 =	vunpack.c.0.s8.s32 v58;
	v4 =	vnsel vm1, $0x116, v4;
	v5 =	vand.u32 $0xFF, v5  }
0x5a: {  	v1 =	vsel vm5, $0xEE, v1;
	v3 =	vand.u32 $0xFF, v3;
	v4 =	vsel vm3, v5, v4  }
0x5b: {  	v2 =	vsel vm7, $0xDC, v2;
	v3 =	vsel vm2, v3, v4;
	v4 =	vimm.s32 $0x33200D00  }
0x5c: {  	v51 =	vsel vm6, $0x101, v1;
	v2 =	vsel vm5, $0xEF, v2;
	v4 =	vunpack.c.0.s8.s32 v4  }
0x5d: {  	v57 =	vimm.s32 $0x83705D4A;
	v5 =	vimm.s32 $0x7F6C5946;
	v52 =	vsel vm6, $0x102, v2  }
0x5e: {  	v5 =	vunpack.c.0.s8.s32 v5;
	v2 =	vnsel vm1, $0x117, v4;
	v4 =	vimm.s32 $0xCBB8A592  }
0x5f: {  	v57 =	vunpack.c.0.s8.s32 v57;
	v3 =	vsel vm7, $0xDD, v3;
	v4 =	vunpack.c.0.s8.s32 v4  }
0x60: {  	v1 =	vsel vm5, $0xF0, v3;
	v3 =	vand.u32 $0xFF, v5;
	v5 =	vimm.s32 $0x34210E00  }
0x61: {  	v5 =	vunpack.c.0.s8.s32 v5;
	v2 =	vsel vm3, v3, v2;
	v3 =	vand.u32 $0xFF, v4  }
0x62: {  	v4 =	vunpack.c.0.s8.s32 v53;
	v53 =	vsel vm6, $0x103, v1;
	v2 =	vsel vm2, v3, v2  }
0x63: {  	v3 =	vnsel vm1, $0x118, v5;
	v5 =	vand.u32 $0xFF, v6;
	v2 =	vsel vm7, $0xDE, v2  }
0x64: {  	v3 =	vsel vm3, v5, v3;
	v4 =	vand.u32 $0xFF, v4;
	v1 =	vsel vm5, $0xF1, v2  }
0x65: {  	v2 =	vsel vm2, v4, v3;
	v3 =	vimm.s32 $0x35220F00;
	v4 =	vimm.s32 $0x816E5B48  }
0x66: {  	v2 =	vsel vm7, $0xDF, v2;
	v3 =	vunpack.c.0.s8.s32 v3;
	v4 =	vunpack.c.0.s8.s32 v4  }
0x67: {  	v5 =	vimm.s32 $0xCDBAA794;
	v54 =	vsel vm6, $0x104, v1;
	v1 =	vsel vm5, $0xF2, v2  }
0x68: {  	v55 =	vsel vm6, $0x105, v1;
	v1 =	vnsel vm1, $0x119, v3;
	v3 =	vand.u32 $0xFF, v4  }
0x69: {  	v2 =	vunpack.c.0.s8.s32 v5;
	v1 =	vsel vm3, v3, v1;
	v3 =	vimm.s32 $0x36231000  }
0x6a: {  	v5 =	vimm.s32 $0x38251200;
	v4 =	vimm.s32 $0x37241100;
	v3 =	vunpack.c.0.s8.s32 v3  }
0x6b: {  	v5 =	vunpack.c.0.s8.s32 v5;
	v2 =	vand.u32 $0xFF, v2;
	v4 =	vunpack.c.0.s8.s32 v4  }
0x6c: {  	v1 =	vsel vm2, v2, v1;
	v2 =	vnsel vm1, $0x11A, v3;
	v3 =	vunpack.c.0.s8.s32 v59  }
0x6d: {  	v6 =	vunpack.c.0.s8.s32 v60;
	v5 =	vnsel vm1, $0x11C, v5;
	v1 =	vsel vm7, $0xE0, v1  }
0x6e: {  	v4 =	vnsel vm1, $0x11B, v4;
	v1 =	vsel vm5, $0xF3, v1;
	v3 =	vand.u32 $0xFF, v3  }
0x6f: {  	vm1 =	vcmask $0x714;
	v2 =	vsel vm3, v3, v2;
	v3 =	vand.u32 $0xFF, v6  }
0x70: {  	v6 =	vunpack.c.0.s8.s32 v61;
	v2 =	vsel vm2, v3, v2;
	v3 =	vand.u32 $0xFF, v57  }
0x71: {  	s5 =	rddreg [dreg:$0x0];
	v57 =	vunpack.c.0.s8.s32 v62;
	v62 =	vimm.s32 $0xF;
	v3 =	vsel vm3, v3, v4  }
0x72: {  	s7 =	rddreg [dreg:$0x2];
	v4 =	vimm.s32 $0xCFBCA996;
	v6 =	vand.u32 $0xFF, v6;
	v2 =	vsel vm7, $0xE1, v2  }
0x73: {  	s2 =	rddreg [dreg:$0x3];
	s3 =	simm.s32 $0x0;
	v4 =	vunpack.c.0.s8.s32 v4;
	v5 =	vsel vm3, v6, v5;
	v6 =	vsel vm11, $0x13F, v63  }
0x74: {  	s11 =	simm.s32 $0x6000;
	s12 =	simm.s32 $0x2;
	s13 =	simm.s32 $0x1;
	v57 =	vand.u32 $0xFF, v57;
	v2 =	vsel vm5, $0xF4, v2;
	v63 =	vor.u32 $0x140, v0  }
0x75: {  	s14 =	simm.s32 $0x6C00;
	s15 =	simm.s32 $0x6E00;
	s8 =	ssub.s32 $0x2, s4;
	vm3 =	vcmask $0xF14;
	v58 =	vsel vm6, $0x107, v2;
	v4 =	vand.u32 $0xFF, v4  }
0x76: {  	s16 =	simm.s32 $0x3;
	s31 =	sshrl.u32 s8, $0x1;
	s6 =	smul.u32 $0x6000, s9;
	v2 =	vor.u32 $0x150, v0;
	v3 =	vsel vm2, v4, v3;
	v4 =	vsel vm2, v57, v5  }
.Ltmp0:
0x77: {  	[smem:$0x7FF] =	sst s3;
	s8 =	ssub.s32 s8, s31;
	v5 =	vsel vm12, $0x152, v6;
	v57 =	vsel vm6, $0x106, v1;
	vm2 =	vcmask $0xB14;
	(pc) =	sbr.rel .LBB2_1-.Ltmp0, $4  }
0x78: {  	s10 =	sshll.u32 s9, $0x4;
	p0 =	sgt.u32 s9, $0x13;
	s30 =	sshrl.u32 s6, $0x3;
	v3 =	vsel vm7, $0xE2, v3;
	v4 =	vsel vm7, $0xE3, v4;
	v5 =	vsel vm13, $0x165, v5  }
0x79: {  	s9 =	simm.s32 $0x2000;
	s1 =	rddreg [dreg:$0x1];
	s4 =	sadd.s32 s5, s30;
	vm7 =	vmmov $0x1;
	v3 =	vsel vm5, $0xF5, v3;
	v4 =	vsel vm5, $0xF6, v4  }
0x7a: {  	s7 =	sadd.s32 s7, s10;
	s10 =	simm.s32 $0x4000;
	s5 =	sadd.s32 $0x400, s4;
	v1 =	vsel vm14, $0x178, v5;
	v59 =	vsel vm6, $0x108, v3;
	v60 =	vsel vm6, $0x109, v4  }
0x7b: {  	s8 =	smax.u32 s8, $0x1;
	s6 =	sadd.s32 $0x800, s4;
	_ =	strace $0x80000047;
	v61 =	vsel vm15, $0x18B, v1;
	v1 =	vadd.s32 $0x154, v0;
	v3 =	vadd.s32 $0x164, v0  }
.LBB2_3:
0x7c: {  	s8 =	sadd.s32 $0xFFFFFFFF, s8  }
0x7d: {  	p1 =	sne.s32 s8, $0x0  }
.Ltmp1:
0x7e: {  	[tilespmem:$0x6E00] =	vst v4;
	(pc) =	sbr.rel @!p1 .LBB2_4-.Ltmp1, $4  }
0x7f: {  	[hbm4b:s7+s3] =	stream.linear.scatter [tilespmem:s15], [sflag:$0x3], $0x80, $0x38;
	[tilespmem:$0x6E80] =	vst v63  }
0x80: {  	_ =	swait.ge [sflag:s16], $0x80  }
0x81: {  	[sflag:s16] =	ssyncset.done $0x0  }
0x82: {  	[sflag:s16] =	ssyncadd.s32 $0xFFFFFF80  }
.LBB2_1:
.Ltmp2:
0x83: {  	(pc) =	sbr.rel @p0 .LBB2_3-.Ltmp2, $2  }
0x84: {  	_ =	sdelay $0x2  }
0x85: {  	v4 =	vimm.f32 $0.0e+00  }
0x86: {  	[tilespmem:s3], [sflag:$0x1] =	stream.linear.gather [hbm4b:s4+s3], $0x2000, $0x38;
	[tilespmem:$0x6E80] =	vst v63  }
0x87: {  	_ = 	snop  }
0x88: {  	[tilespmem:s9], [sflag:$0x1] =	stream.linear.gather [hbm4b:s5+s3], $0x2000, $0x38;
	[tilespmem:$0x6E80] =	vst v63  }
0x89: {  	_ = 	snop  }
0x8a: {  	[tilespmem:s10], [sflag:$0x1] =	stream.linear.gather [hbm4b:s6+s3], $0x2000, $0x38;
	[tilespmem:$0x6E80] =	vst v63  }
0x8b: {  	_ = 	snop  }
0x8c: {  	[tilespmem:s11], [sflag:$0x2] =	stream.linear.gather [hbm4b:s1+s3], $0xA00, $0x38;
	[tilespmem:$0x6E80] =	vst v63  }
0x8d: {  	_ =	swait.ge [sflag:s12], $0xA00  }
0x8e: {  	v4 =	vld [tilespmem:$0x1FEE0]  }
0x8f: {  	v5 =	vld [tilespmem:$0x1FEF0];
	_ =	sdelay $0x4  }
0x90: {  	[sflag:s12] =	ssyncset.done $0x0  }
0x91: {  	[sflag:s12] =	ssyncadd.s32 $0xFFFFF600  }
0x92: {  	v4 =	vld.idx.msk [tilespmem:v4+s11+$0x0], $0xffff  }
0x93: {  	v6 =	vld.idx.msk [tilespmem:v5+s11+$0x0], $0xffff  }
0x94: {  	v7 =	vld [tilespmem:$0x1FF00];
	_ =	sdelay $0x3  }
0x95: {  	v5 =	vimm.f32 $0.0e+00;
	vm5 =	vgt.s32 v4, $0xFFFFFFFF;
	vm6 =	vgt.s32 v6, $0xFFFFFFFF  }
0x96: {  	v5 =	vsel vm5, $0x3F800000, v5;
	v7 =	vnsel vm6, $0x0, v7  }
0x97: {  	v5 =	vadd.f32 v7, v5;
	_ =	sdelay $0x1  }
0x98: {  	(xrf2) =	vadd.scan.msk.f32 $0xffff, v5;
	_ =	sdelay $0x3  }
0x99: {  	vm5 =	vgt.s32 v4, $0x0  }
0x9a: {  	v4 =	vnsel vm5, $0x0, v4  }
0x9b: {  	v7 =	vmin.u32 v4, $0x3E7  }
0x9c: {  	v4 =	vshll.u32 v7, $0x3  }
0x9d: {  	v5 =	vand.u32 $0x7F, v7;
	v8 =	vand.u32 $0x1C00, v4  }
0x9e: {  	v5 =	vor.u32 v5, v8  }
0x9f: {  	vm5 =	vgt.s32 v6, $0x0;
	v4, _, _ =	vpop (xrf2)  }
0xa0: {  	v6 =	vnsel vm5, $0x0, v6;
	_ =	swait.ge [sflag:s13], $0x2000  }
0xa1: {  	v9 =	vmin.u32 v6, $0x3E7;
	[sflag:s13] =	ssyncset.done $0x0  }
0xa2: {  	v6 =	vshll.u32 v9, $0x3;
	[sflag:s13] =	ssyncadd.s32 $0xFFFFE000  }
0xa3: {  	v11 =	vand.u32 $0x7F, v9;
	v12 =	vand.u32 $0x1C00, v6;
	v10 =	vld.idx.msk [tilespmem:v5+s3+$0x0], $0xffff  }
0xa4: {  	v6 =	vor.u32 v11, v12;
	_ =	sdelay $0x1  }
0xa5: {  	v13 =	vld [tilespmem:$0x1FF10];
	_ =	sdelay $0x1  }
0xa6: {  	[tilespmem:v0+s14+$0x0] =	vst.idx.msk $0xffff, v10  }
0xa7: {  	v10 =	vld.idx.msk [tilespmem:v6+s3+$0x0], $0xffff;
	_ =	sdelay $0x2  }
0xa8: {  	v11 =	vor.u32 $0x80, v5;
	_ =	sdelay $0x1  }
0xa9: {  	[tilespmem:v13+s14+$0x0] =	vst.idx.msk $0xf, v10;
	v13 =	vld [tilespmem:$0x1FF20];
	_ =	sdelay $0x2  }
0xaa: {  	v10 =	vld.idx.msk [tilespmem:v11+s3+$0x0], $0xffff;
	_ =	sdelay $0x2  }
0xab: {  	v11 =	vor.u32 $0x80, v6;
	_ =	sdelay $0x1  }
0xac: {  	[tilespmem:v13+s14+$0x0] =	vst.idx.msk $0xffff, v10;
	v13 =	vld [tilespmem:$0x1FF30];
	_ =	sdelay $0x2  }
0xad: {  	v10 =	vld.idx.msk [tilespmem:v11+s3+$0x0], $0xffff;
	_ =	sdelay $0x2  }
0xae: {  	v11 =	vor.u32 $0x100, v5;
	_ =	sdelay $0x1  }
0xaf: {  	[tilespmem:v13+s14+$0x0] =	vst.idx.msk $0xf, v10;
	v13 =	vld [tilespmem:$0x1FF40];
	_ =	sdelay $0x2  }
0xb0: {  	v10 =	vld.idx.msk [tilespmem:v11+s3+$0x0], $0xffff;
	_ =	sdelay $0x2  }
0xb1: {  	v11 =	vor.u32 $0x100, v6;
	_ =	sdelay $0x1  }
0xb2: {  	[tilespmem:v13+s14+$0x0] =	vst.idx.msk $0xffff, v10;
	v13 =	vld [tilespmem:$0x1FF50];
	_ =	sdelay $0x2  }
0xb3: {  	v10 =	vld.idx.msk [tilespmem:v11+s3+$0x0], $0xffff;
	_ =	sdelay $0x2  }
0xb4: {  	v11 =	vor.u32 $0x180, v5;
	_ =	sdelay $0x1  }
0xb5: {  	[tilespmem:v13+s14+$0x0] =	vst.idx.msk $0xf, v10;
	v13 =	vld [tilespmem:$0x1FF60];
	_ =	sdelay $0x2  }
0xb6: {  	v10 =	vld.idx.msk [tilespmem:v11+s3+$0x0], $0xffff;
	_ =	sdelay $0x2  }
0xb7: {  	v11 =	vor.u32 $0x180, v6;
	_ =	sdelay $0x1  }
0xb8: {  	[tilespmem:v13+s14+$0x0] =	vst.idx.msk $0xffff, v10;
	v13 =	vld [tilespmem:$0x1FF70];
	_ =	sdelay $0x2  }
0xb9: {  	v10 =	vld.idx.msk [tilespmem:v11+s3+$0x0], $0xffff;
	_ =	sdelay $0x2  }
0xba: {  	v11 =	vor.u32 $0x200, v5;
	_ =	sdelay $0x1  }
0xbb: {  	[tilespmem:v13+s14+$0x0] =	vst.idx.msk $0xf, v10;
	v13 =	vld [tilespmem:$0x1FF80];
	_ =	sdelay $0x2  }
0xbc: {  	v10 =	vld.idx.msk [tilespmem:v11+s3+$0x0], $0xffff;
	_ =	sdelay $0x2  }
0xbd: {  	v11 =	vor.u32 $0x200, v6;
	_ =	sdelay $0x1  }
0xbe: {  	[tilespmem:v13+s14+$0x0] =	vst.idx.msk $0xffff, v10;
	v13 =	vld [tilespmem:$0x1FF90];
	_ =	sdelay $0x2  }
0xbf: {  	v10 =	vld.idx.msk [tilespmem:v11+s3+$0x0], $0xffff;
	_ =	sdelay $0x2  }
0xc0: {  	v11 =	vor.u32 $0x280, v5;
	_ =	sdelay $0x1  }
0xc1: {  	[tilespmem:v13+s14+$0x0] =	vst.idx.msk $0xf, v10;
	v13 =	vld [tilespmem:$0x1FFA0];
	_ =	sdelay $0x2  }
0xc2: {  	v10 =	vld.idx.msk [tilespmem:v11+s3+$0x0], $0xffff;
	_ =	sdelay $0x2  }
0xc3: {  	v11 =	vor.u32 $0x280, v6;
	_ =	sdelay $0x1  }
0xc4: {  	[tilespmem:v13+s14+$0x0] =	vst.idx.msk $0xffff, v10;
	v13 =	vld [tilespmem:$0x1FFB0];
	_ =	sdelay $0x2  }
0xc5: {  	v10 =	vld.idx.msk [tilespmem:v11+s3+$0x0], $0xffff;
	_ =	sdelay $0x2  }
0xc6: {  	v11 =	vor.u32 $0x300, v5;
	_ =	sdelay $0x1  }
0xc7: {  	[tilespmem:v13+s14+$0x0] =	vst.idx.msk $0xf, v10;
	v13 =	vld [tilespmem:$0x1FFC0];
	_ =	sdelay $0x2  }
0xc8: {  	v10 =	vld.idx.msk [tilespmem:v11+s3+$0x0], $0xffff  }
0xc9: {  	v11 =	vor.u32 $0x300, v6;
	_ =	sdelay $0x1  }
0xca: {  	v15 =	vld [tilespmem:$0x1FFD0];
	_ =	sdelay $0x1  }
0xcb: {  	[tilespmem:v13+s14+$0x0] =	vst.idx.msk $0xffff, v10  }
0xcc: {  	v7 =	vor.u32 v7, v8;
	v10 =	vld.idx.msk [tilespmem:v11+s3+$0x0], $0xffff  }
0xcd: {  	v8 =	vor.u32 $0x380, v7;
	_ =	sdelay $0x1  }
0xce: {  	v14 =	vld [tilespmem:$0x1FFE0];
	_ =	sdelay $0x1  }
0xcf: {  	[tilespmem:v15+s14+$0x0] =	vst.idx.msk $0xf, v10  }
0xd0: {  	v9 =	vor.u32 v9, v12;
	v8 =	vld.idx.msk [tilespmem:v8+s3+$0x0], $0xffff  }
0xd1: {  	v13 =	vor.u32 $0x380, v9;
	_ =	sdelay $0x1  }
0xd2: {  	v15 =	vld [tilespmem:$0x1FFF0];
	_ =	sdelay $0x1  }
0xd3: {  	[tilespmem:v14+s14+$0x0] =	vst.idx.msk $0xffff, v8  }
0xd4: {  	v8 =	vld.idx.msk [tilespmem:v13+s3+$0x0], $0xffff;
	_ =	sdelay $0x4  }
0xd5: {  	[tilespmem:v15+s14+$0x0] =	vst.idx.msk $0xf, v8  }
0xd6: {  	v8 =	vld.idx.msk [tilespmem:v24+s14+$0x0], $0xffff  }
0xd7: {  	v10 =	vld.idx.msk [tilespmem:v26+s14+$0x0], $0xffff  }
0xd8: {  	v11 =	vld.idx.msk [tilespmem:v27+s14+$0x0], $0xffff  }
0xd9: {  	v12 =	vld.idx.msk [tilespmem:v28+s14+$0x0], $0xffff  }
0xda: {  	v13 =	vld.idx.msk [tilespmem:v29+s14+$0x0], $0xffff  }
0xdb: {  	v16 =	vor.u32 $0x2000, v5;
	v14 =	vld.idx.msk [tilespmem:v30+s14+$0x0], $0xffff  }
0xdc: {  	v15 =	vld.idx.msk [tilespmem:v31+s14+$0x0], $0xffff  }
0xdd: {  	v17 =	vld.idx.msk [tilespmem:v32+s14+$0x0], $0xffff;
	_ =	swait.ge [sflag:s13], $0x2000  }
0xde: {  	[sflag:s13] =	ssyncset.done $0x0  }
0xdf: {  	[sflag:s13] =	ssyncadd.s32 $0xFFFFE000  }
0xe0: {  	v16 =	vld.idx.msk [tilespmem:v16+s3+$0x0], $0xffff  }
0xe1: {  	v20 =	vor.u32 $0x2000, v6;
	_ =	sdelay $0x3  }
0xe2: {  	[tilespmem:v33+s14+$0x0] =	vst.idx.msk $0xffff, v16  }
0xe3: {  	v16 =	vld.idx.msk [tilespmem:v20+s3+$0x0], $0xffff  }
0xe4: {  	v20 =	vor.u32 $0x2080, v5;
	_ =	sdelay $0x3  }
0xe5: {  	[tilespmem:v34+s14+$0x0] =	vst.idx.msk $0xf, v16  }
0xe6: {  	v16 =	vld.idx.msk [tilespmem:v20+s3+$0x0], $0xffff  }
0xe7: {  	v20 =	vor.u32 $0x2080, v6;
	_ =	sdelay $0x3  }
0xe8: {  	[tilespmem:v35+s14+$0x0] =	vst.idx.msk $0xffff, v16  }
0xe9: {  	v16 =	vld.idx.msk [tilespmem:v20+s3+$0x0], $0xffff  }
0xea: {  	v20 =	vor.u32 $0x2100, v5;
	_ =	sdelay $0x1  }
0xeb: {  	v8 =	vmul.f32 v25, v8;
	_ =	sdelay $0x1  }
0xec: {  	v8 =	vadd.f32 v8, v22;
	[tilespmem:v36+s14+$0x0] =	vst.idx.msk $0xf, v16  }
0xed: {  	vm5 =	vcmask $0x308;
	v16 =	vld.idx.msk [tilespmem:v20+s3+$0x0], $0xffff  }
0xee: {  	v8 =	vsel vm5, $0x0, v8;
	v20 =	vor.u32 $0x2100, v6  }
0xef: {  	v21 =	vperm.xlane v8, v18;
	_ =	sdelay $0x1  }
0xf0: {  	v8 =	vmax.f32 v8, v21  }
0xf1: {  	[tilespmem:v37+s14+$0x0] =	vst.idx.msk $0xffff, v16;
	v16 =	vsub.f32 v23, v8  }
0xf2: {  	v20 =	vld.idx.msk [tilespmem:v20+s3+$0x0], $0xffff  }
0xf3: {  	v10 =	vmul.f32 v16, v10;
	v16 =	vor.u32 $0x2180, v5;
	_ =	sdelay $0x1  }
0xf4: {  	v8 =	vadd.f32 v10, v8  }
0xf5: {  	vm5 =	vcmask $0x30C  }
0xf6: {  	v8 =	vsel vm5, $0x0, v8;
	[tilespmem:v38+s14+$0x0] =	vst.idx.msk $0xf, v20  }
0xf7: {  	v10 =	vperm.xlane v8, v18;
	v16 =	vld.idx.msk [tilespmem:v16+s3+$0x0], $0xffff  }
0xf8: {  	v20 =	vadd.f32 $1.000000000e+00, v21;
	v21 =	vor.u32 $0x2180, v6  }
0xf9: {  	v8 =	vmax.f32 v8, v10  }
0xfa: {  	v20 =	vsub.f32 v20, v8;
	_ =	sdelay $0x1  }
0xfb: {  	v11 =	vmul.f32 v20, v11;
	[tilespmem:v39+s14+$0x0] =	vst.idx.msk $0xffff, v16  }
0xfc: {  	v16 =	vld.idx.msk [tilespmem:v21+s3+$0x0], $0xffff  }
0xfd: {  	v8 =	vadd.f32 v11, v8;
	v11 =	vor.u32 $0x2200, v5  }
0xfe: {  	vm5 =	vcmask $0x310  }
0xff: {  	v8 =	vsel vm5, $0x0, v8  }
0x100: {  	v20 =	vperm.xlane v8, v18  }
0x101: {  	v10 =	vadd.f32 $1.000000000e+00, v10;
	[tilespmem:v40+s14+$0x0] =	vst.idx.msk $0xf, v16  }
0x102: {  	v8 =	vmax.f32 v8, v20;
	v11 =	vld.idx.msk [tilespmem:v11+s3+$0x0], $0xffff  }
0x103: {  	v16 =	vor.u32 $0x2200, v6;
	v10 =	vsub.f32 v10, v8;
	_ =	sdelay $0x1  }
0x104: {  	v10 =	vmul.f32 v10, v12;
	_ =	sdelay $0x1  }
0x105: {  	v8 =	vadd.f32 v10, v8;
	[tilespmem:v41+s14+$0x0] =	vst.idx.msk $0xffff, v11  }
0x106: {  	v10 =	vld.idx.msk [tilespmem:v16+s3+$0x0], $0xffff  }
0x107: {  	v11 =	vor.u32 $0x2280, v5;
	v8 =	vsel vm4, $0x0, v8  }
0x108: {  	v12 =	vperm.xlane v8, v18  }
0x109: {  	v16 =	vadd.f32 $1.000000000e+00, v20  }
0x10a: {  	v8 =	vmax.f32 v8, v12  }
0x10b: {  	[tilespmem:v42+s14+$0x0] =	vst.idx.msk $0xf, v10;
	v10 =	vsub.f32 v16, v8  }
0x10c: {  	v11 =	vld.idx.msk [tilespmem:v11+s3+$0x0], $0xffff  }
0x10d: {  	v10 =	vmul.f32 v10, v13;
	v13 =	vor.u32 $0x2280, v6;
	_ =	sdelay $0x1  }
0x10e: {  	v8 =	vadd.f32 v10, v8  }
0x10f: {  	vm5 =	vcmask $0x318  }
0x110: {  	v8 =	vsel vm5, $0x0, v8;
	[tilespmem:v43+s14+$0x0] =	vst.idx.msk $0xffff, v11  }
0x111: {  	v10 =	vperm.xlane v8, v18;
	v11 =	vld.idx.msk [tilespmem:v13+s3+$0x0], $0xffff  }
0x112: {  	v12 =	vadd.f32 $1.000000000e+00, v12;
	v13 =	vor.u32 $0x2300, v5  }
0x113: {  	v8 =	vmax.f32 v8, v10  }
0x114: {  	v12 =	vsub.f32 v12, v8;
	_ =	sdelay $0x1  }
0x115: {  	v12 =	vmul.f32 v12, v14;
	[tilespmem:v44+s14+$0x0] =	vst.idx.msk $0xf, v11  }
0x116: {  	v11 =	vld.idx.msk [tilespmem:v13+s3+$0x0], $0xffff  }
0x117: {  	v8 =	vadd.f32 v12, v8;
	v12 =	vor.u32 $0x2300, v6  }
0x118: {  	vm5 =	vcmask $0x31C  }
0x119: {  	v8 =	vsel vm5, $0x0, v8  }
0x11a: {  	v13 =	vperm.xlane v8, v18  }
0x11b: {  	v10 =	vadd.f32 $1.000000000e+00, v10;
	[tilespmem:v45+s14+$0x0] =	vst.idx.msk $0xffff, v11  }
0x11c: {  	v8 =	vmax.f32 v8, v13;
	v11 =	vld.idx.msk [tilespmem:v12+s3+$0x0], $0xffff  }
0x11d: {  	v7 =	vor.u32 $0x2380, v7;
	v10 =	vsub.f32 v10, v8;
	_ =	sdelay $0x1  }
0x11e: {  	v10 =	vmul.f32 v10, v15;
	_ =	sdelay $0x1  }
0x11f: {  	v8 =	vadd.f32 v10, v8;
	[tilespmem:v46+s14+$0x0] =	vst.idx.msk $0xf, v11  }
0x120: {  	vm5 =	vcmask $0x320;
	v7 =	vld.idx.msk [tilespmem:v7+s3+$0x0], $0xffff  }
0x121: {  	v9 =	vor.u32 $0x2380, v9;
	v8 =	vsel vm5, $0x0, v8  }
0x122: {  	v12 =	vperm.xlane v8, v18  }
0x123: {  	v13 =	vadd.f32 $1.000000000e+00, v13  }
0x124: {  	v8 =	vmax.f32 v8, v12  }
0x125: {  	v11 =	vsub.f32 v13, v8;
	[tilespmem:v47+s14+$0x0] =	vst.idx.msk $0xffff, v7  }
0x126: {  	v7 =	vld.idx.msk [tilespmem:v9+s3+$0x0], $0xffff  }
0x127: {  	v14 =	vmul.f32 v11, v17;
	_ =	sdelay $0x1  }
0x128: {  	v8 =	vadd.f32 v14, v8  }
0x129: {  	vm5 =	vcmask $0x324  }
0x12a: {  	v8 =	vsel vm5, $0x0, v8;
	[tilespmem:v48+s14+$0x0] =	vst.idx.msk $0xf, v7  }
0x12b: {  	v7 =	vld.idx.msk [tilespmem:v49+s14+$0x0], $0xffff;
	v15 =	vperm.xlane v8, v18  }
0x12c: {  	v10 =	vadd.f32 $1.000000000e+00, v12  }
0x12d: {  	v8 =	vmax.f32 v8, v15  }
0x12e: {  	v10 =	vsub.f32 v10, v8;
	_ =	sdelay $0x1  }
0x12f: {  	v7 =	vmul.f32 v10, v7;
	_ =	sdelay $0x1  }
0x130: {  	v7 =	vadd.f32 v7, v8  }
0x131: {  	vm5 =	vcmask $0x328  }
0x132: {  	v7 =	vsel vm5, $0x0, v7  }
0x133: {  	v12 =	vld.idx.msk [tilespmem:v50+s14+$0x0], $0xffff;
	v13 =	vperm.xlane v7, v18  }
0x134: {  	v9 =	vadd.f32 $1.000000000e+00, v15  }
0x135: {  	v7 =	vmax.f32 v7, v13  }
0x136: {  	v9 =	vsub.f32 v9, v7;
	_ =	sdelay $0x1  }
0x137: {  	v8 =	vmul.f32 v9, v12;
	_ =	sdelay $0x1  }
0x138: {  	v7 =	vadd.f32 v8, v7  }
0x139: {  	vm5 =	vcmask $0x32C  }
0x13a: {  	v7 =	vsel vm5, $0x0, v7  }
0x13b: {  	v14 =	vld.idx.msk [tilespmem:v51+s14+$0x0], $0xffff;
	v9 =	vperm.xlane v7, v18  }
0x13c: {  	v10 =	vadd.f32 $1.000000000e+00, v13  }
0x13d: {  	v7 =	vmax.f32 v7, v9  }
0x13e: {  	v10 =	vsub.f32 v10, v7;
	_ =	sdelay $0x1  }
0x13f: {  	v8 =	vmul.f32 v10, v14  }
0x140: {  	v11 =	vld.idx.msk [tilespmem:v53+s14+$0x0], $0xffff  }
0x141: {  	v16 =	vld.idx.msk [tilespmem:v61+s14+$0x0], $0xffff;
	v7 =	vadd.f32 v8, v7  }
0x142: {  	v13 =	vld.idx.msk [tilespmem:v57+s14+$0x0], $0xffff;
	vm5 =	vcmask $0x330  }
0x143: {  	v12 =	vld.idx.msk [tilespmem:v55+s14+$0x0], $0xffff;
	v14 =	vor.u32 $0x4000, v5;
	v7 =	vsel vm5, $0x0, v7  }
0x144: {  	v10 =	vld.idx.msk [tilespmem:v52+s14+$0x0], $0xffff;
	v15 =	vperm.xlane v7, v18  }
0x145: {  	v9 =	vadd.f32 $1.000000000e+00, v9;
	v8 =	vld.idx.msk [tilespmem:v54+s14+$0x0], $0xffff;
	_ =	swait.ge [sflag:s13], $0x2000  }
0x146: {  	[sflag:s13] =	ssyncset.done $0x0;
	v7 =	vmax.f32 v7, v15  }
0x147: {  	[sflag:s13] =	ssyncadd.s32 $0xFFFFE000;
	v9 =	vsub.f32 v9, v7  }
0x148: {  	v14 =	vld.idx.msk [tilespmem:v14+s3+$0x0], $0xffff  }
0x149: {  	v9 =	vmul.f32 v9, v10;
	v10 =	vor.u32 $0x4000, v6;
	_ =	sdelay $0x1  }
0x14a: {  	v7 =	vadd.f32 v9, v7  }
0x14b: {  	vm5 =	vcmask $0x334  }
0x14c: {  	[tilespmem:v63+s14+$0x0] =	vst.idx.msk $0xffff, v14;
	v7 =	vsel vm5, $0x0, v7  }
0x14d: {  	v9 =	vperm.xlane v7, v18;
	v10 =	vld.idx.msk [tilespmem:v10+s3+$0x0], $0xffff  }
0x14e: {  	v14 =	vadd.f32 $1.000000000e+00, v15;
	v15 =	vor.u32 $0x4080, v5  }
0x14f: {  	v7 =	vmax.f32 v7, v9  }
0x150: {  	v14 =	vsub.f32 v14, v7;
	_ =	sdelay $0x1  }
0x151: {  	v11 =	vmul.f32 v14, v11;
	[tilespmem:v2+s14+$0x0] =	vst.idx.msk $0xf, v10  }
0x152: {  	v10 =	vld.idx.msk [tilespmem:v15+s3+$0x0], $0xffff  }
0x153: {  	v7 =	vadd.f32 v11, v7;
	v11 =	vor.u32 $0x4080, v6;
	_ =	sdelay $0x1  }
0x154: {  	vm5 =	vcmask $0x338  }
0x155: {  	v7 =	vsel vm5, $0x0, v7  }
0x156: {  	v14 =	vperm.xlane v7, v18;
	[tilespmem:v1+s14+$0x0] =	vst.idx.msk $0xffff, v10  }
0x157: {  	v9 =	vadd.f32 $1.000000000e+00, v9;
	v10 =	vld.idx.msk [tilespmem:v11+s3+$0x0], $0xffff  }
0x158: {  	v15 =	vor.u32 $0x4100, v5;
	v7 =	vmax.f32 v7, v14  }
0x159: {  	v9 =	vsub.f32 v9, v7;
	_ =	sdelay $0x1  }
0x15a: {  	v8 =	vmul.f32 v9, v8  }
0x15b: {  	[tilespmem:v3+s14+$0x0] =	vst.idx.msk $0xf, v10  }
0x15c: {  	v9 =	vadd.s32 $0x168, v0;
	v7 =	vadd.f32 v8, v7;
	v8 =	vld.idx.msk [tilespmem:v15+s3+$0x0], $0xffff  }
0x15d: {  	vm5 =	vcmask $0x33C;
	v10 =	vor.u32 $0x4100, v6  }
0x15e: {  	v7 =	vsel vm5, $0x0, v7  }
0x15f: {  	v11 =	vperm.xlane v7, v18  }
0x160: {  	v14 =	vadd.f32 $1.000000000e+00, v14  }
0x161: {  	v15 =	vmax.f32 v7, v11;
	[tilespmem:v9+s14+$0x0] =	vst.idx.msk $0xffff, v8  }
0x162: {  	v14 =	vsub.f32 v14, v15;
	v9 =	vadd.s32 $0x178, v0;
	v8 =	vld.idx.msk [tilespmem:v10+s3+$0x0], $0xffff  }
0x163: {  	v5 =	vor.u32 $0x4180, v5  }
0x164: {  	v12 =	vmul.f32 v14, v12;
	_ =	sdelay $0x1  }
0x165: {  	v10 =	vadd.f32 v12, v15  }
0x166: {  	vm5 =	veq.s32 v0, $0x0;
	[tilespmem:v9+s14+$0x0] =	vst.idx.msk $0xf, v8  }
0x167: {  	v7 =	vperm.xlane v7, v62;
	v10 =	vsel vm5, $0x0, v10;
	v9 =	vadd.s32 $0x17C, v0;
	v5 =	vld.idx.msk [tilespmem:v5+s3+$0x0], $0xffff  }
0x168: {  	v6 =	vor.u32 $0x4180, v6;
	v8 =	vperm.xlane v10, v18;
	v12 =	vperm.xlane v10, v62  }
0x169: {  	v11 =	vadd.f32 $1.000000000e+00, v11;
	v7 =	vadd.f32 $1.000000000e+00, v7  }
0x16a: {  	v14 =	vsel vm10, $0x12D, v56;
	v10 =	vmax.f32 v10, v8;
	v12 =	vsel vm7, v12, v19  }
0x16b: {  	v14 =	vsel vm11, $0x140, v14;
	v11 =	vsub.f32 v11, v10;
	v15 =	vmax.f32 v12, $0.0e+00  }
0x16c: {  	[tilespmem:v9+s14+$0x0] =	vst.idx.msk $0xffff, v5;
	v5 =	vsub.f32 v7, v15;
	v7 =	vsel vm12, $0x153, v14  }
0x16d: {  	v13 =	vmul.f32 v11, v13;
	v14 =	vadd.s32 $0x18C, v0;
	v6 =	vld.idx.msk [tilespmem:v6+s3+$0x0], $0xffff;
	v7 =	vsel vm13, $0x166, v7  }
0x16e: {  	v5 =	vmul.f32 v5, v16;
	v7 =	vsel vm14, $0x179, v7  }
0x16f: {  	v9 =	vadd.f32 v13, v10;
	v7 =	vsel vm15, $0x18C, v7  }
0x170: {  	v5 =	vadd.f32 v5, v15  }
0x171: {  	v9 =	vsel vm5, $0x0, v9  }
0x172: {  	v11 =	vperm.xlane v9, v62;
	v5 =	vnsel vm7, $0x0, v5;
	[tilespmem:v14+s14+$0x0] =	vst.idx.msk $0xf, v6  }
0x173: {  	v6 =	vperm.xlane v9, v18;
	v10 =	vld.idx.msk [tilespmem:v58+s14+$0x0], $0xffff;
	v13 =	vperm.xlane v5, v18  }
0x174: {  	v8 =	vadd.f32 $1.000000000e+00, v8;
	v12 =	vadd.f32 $1.000000000e+00, v12;
	v7 =	vld.idx.msk [tilespmem:v7+s14+$0x0], $0xffff  }
0x175: {  	v9 =	vmax.f32 v9, v6;
	v11 =	vsel vm7, v11, v13;
	v13 =	vsel vm10, $0x12E, v56  }
0x176: {  	v8 =	vsub.f32 v8, v9;
	v5 =	vmax.f32 v5, v11;
	v13 =	vsel vm11, $0x141, v13  }
0x177: {  	v12 =	vsub.f32 v12, v5;
	v13 =	vsel vm12, $0x154, v13  }
0x178: {  	v8 =	vmul.f32 v8, v10;
	v15 =	vsel vm13, $0x167, v13  }
0x179: {  	v7 =	vmul.f32 v12, v7;
	v10 =	vsel vm14, $0x17A, v15  }
0x17a: {  	v8 =	vadd.f32 v8, v9;
	v9 =	vsel vm15, $0x18D, v10  }
0x17b: {  	v5 =	vadd.f32 v7, v5  }
0x17c: {  	v7 =	vsel vm5, $0x0, v8  }
0x17d: {  	v5 =	vnsel vm8, $0x0, v5;
	v8 =	vperm.xlane v7, v18  }
0x17e: {  	v10 =	vld.idx.msk [tilespmem:v59+s14+$0x0], $0xffff;
	v12 =	vperm.xlane v7, v62;
	v13 =	vperm.xlane v5, v18  }
0x17f: {  	v6 =	vadd.f32 $1.000000000e+00, v6;
	v11 =	vadd.f32 $1.000000000e+00, v11;
	v9 =	vld.idx.msk [tilespmem:v9+s14+$0x0], $0xffff  }
0x180: {  	v7 =	vmax.f32 v7, v8;
	v12 =	vsel vm7, v12, v13;
	v13 =	vsel vm10, $0x12F, v56  }
0x181: {  	v6 =	vsub.f32 v6, v7;
	v5 =	vmax.f32 v5, v12;
	v13 =	vsel vm11, $0x142, v13  }
0x182: {  	v11 =	vsub.f32 v11, v5;
	v13 =	vsel vm12, $0x155, v13  }
0x183: {  	v6 =	vmul.f32 v6, v10;
	v13 =	vsel vm13, $0x168, v13  }
0x184: {  	v9 =	vmul.f32 v11, v9;
	v10 =	vsel vm14, $0x17B, v13  }
0x185: {  	v6 =	vadd.f32 v6, v7;
	v7 =	vsel vm15, $0x18E, v10  }
0x186: {  	v5 =	vadd.f32 v9, v5  }
0x187: {  	v6 =	vsel vm5, $0x0, v6  }
0x188: {  	v9 =	vperm.xlane v6, v18;
	v5 =	vnsel vm9, $0x0, v5  }
0x189: {  	v10 =	vld.idx.msk [tilespmem:v60+s14+$0x0], $0xffff;
	v11 =	vperm.xlane v6, v62;
	v13 =	vperm.xlane v5, v18  }
0x18a: {  	v8 =	vadd.f32 $1.000000000e+00, v8;
	v7 =	vld.idx.msk [tilespmem:v7+s14+$0x0], $0xffff  }
0x18b: {  	v12 =	vadd.f32 $1.000000000e+00, v12;
	v6 =	vmax.f32 v6, v9;
	v11 =	vsel vm7, v11, v13  }
0x18c: {  	v8 =	vsub.f32 v8, v6;
	v13 =	vmax.f32 v5, v11;
	v5 =	vsel vm10, $0x130, v56  }
0x18d: {  	v12 =	vsub.f32 v12, v13;
	v14 =	vsel vm11, $0x143, v5  }
0x18e: {  	v8 =	vmul.f32 v8, v10;
	v5 =	vmul.u32 $0x13, v0;
	v14 =	vsel vm12, $0x156, v14  }
0x18f: {  	v7 =	vmul.f32 v12, v7;
	v10 =	vsel vm13, $0x169, v14  }
0x190: {  	v6 =	vadd.f32 v8, v6;
	v8 =	vsel vm14, $0x17C, v10  }
0x191: {  	v7 =	vadd.f32 v7, v13  }
0x192: {  	v6 =	vsel vm5, $0x0, v6  }
0x193: {  	v10 =	vperm.xlane v6, v18;
	v7 =	vnsel vm0, $0x0, v7  }
0x194: {  	v13 =	vperm.xlane v6, v62;
	v12 =	vld.idx.msk [tilespmem:v5+s14+$0x0], $0xffff;
	v14 =	vperm.xlane v7, v18  }
0x195: {  	v9 =	vadd.f32 $1.000000000e+00, v9;
	v8 =	vld.idx.msk [tilespmem:v8+s14+$0x0], $0xffff  }
0x196: {  	v11 =	vadd.f32 $1.000000000e+00, v11;
	v6 =	vmax.f32 v6, v10;
	v13 =	vsel vm7, v13, v14  }
0x197: {  	v9 =	vsub.f32 v9, v6;
	v14 =	vsel vm10, $0x131, v56;
	v7 =	vmax.f32 v7, v13  }
0x198: {  	v14 =	vsel vm11, $0x144, v14;
	v11 =	vsub.f32 v11, v7  }
0x199: {  	v9 =	vmul.f32 v9, v12;
	v12 =	vsel vm12, $0x157, v14  }
0x19a: {  	v12 =	vsel vm13, $0x16A, v12;
	v8 =	vmul.f32 v11, v8;
	v11 =	vadd.s32 $0x1, v5  }
0x19b: {  	v6 =	vadd.f32 v9, v6;
	v9 =	vsel vm14, $0x17D, v12  }
0x19c: {  	v7 =	vadd.f32 v8, v7  }
0x19d: {  	v6 =	vsel vm5, $0x0, v6;
	vm5 =	vmmov $0x1f  }
0x19e: {  	v8 =	vperm.xlane v6, v18;
	v7 =	vnsel vm5, $0x0, v7  }
0x19f: {  	v12 =	vperm.xlane v6, v62;
	v11 =	vld.idx.msk [tilespmem:v11+s14+$0x0], $0xffff;
	v14 =	vperm.xlane v7, v18  }
0x1a0: {  	v10 =	vadd.f32 $1.000000000e+00, v10;
	v9 =	vld.idx.msk [tilespmem:v9+s14+$0x0], $0xffff  }
0x1a1: {  	v13 =	vadd.f32 $1.000000000e+00, v13;
	v6 =	vmax.f32 v6, v8;
	v12 =	vsel vm7, v12, v14  }
0x1a2: {  	v10 =	vsub.f32 v10, v6;
	v14 =	vsel vm10, $0x132, v56;
	v7 =	vmax.f32 v7, v12  }
0x1a3: {  	v14 =	vsel vm11, $0x145, v14;
	v13 =	vsub.f32 v13, v7  }
0x1a4: {  	v10 =	vmul.f32 v10, v11;
	v11 =	vsel vm12, $0x158, v14  }
0x1a5: {  	v9 =	vmul.f32 v13, v9;
	v13 =	vadd.s32 $0x2, v5;
	v11 =	vsel vm13, $0x16B, v11  }
0x1a6: {  	v6 =	vadd.f32 v10, v6;
	v10 =	vsel vm14, $0x17E, v11  }
0x1a7: {  	v7 =	vadd.f32 v9, v7  }
0x1a8: {  	v6 =	vsel vm8, $0x0, v6  }
0x1a9: {  	v7 =	vnsel vm5, $0x0, v7;
	v9 =	vperm.xlane v6, v18  }
0x1aa: {  	v11 =	vld.idx.msk [tilespmem:v13+s14+$0x0], $0xffff;
	v13 =	vperm.xlane v6, v62;
	v14 =	vperm.xlane v7, v18  }
0x1ab: {  	v8 =	vadd.f32 $1.000000000e+00, v8;
	v10 =	vld.idx.msk [tilespmem:v10+s14+$0x0], $0xffff  }
0x1ac: {  	v12 =	vadd.f32 $1.000000000e+00, v12;
	v6 =	vmax.f32 v6, v9;
	v13 =	vsel vm7, v13, v14  }
0x1ad: {  	v8 =	vsub.f32 v8, v6;
	v14 =	vsel vm10, $0x133, v56;
	v7 =	vmax.f32 v7, v13  }
0x1ae: {  	v14 =	vsel vm11, $0x146, v14;
	v12 =	vsub.f32 v12, v7  }
0x1af: {  	v8 =	vmul.f32 v8, v11;
	v11 =	vsel vm12, $0x159, v14  }
0x1b0: {  	v10 =	vmul.f32 v12, v10;
	v12 =	vadd.s32 $0x3, v5;
	v11 =	vsel vm13, $0x16C, v11  }
0x1b1: {  	v6 =	vadd.f32 v8, v6;
	v8 =	vsel vm14, $0x17F, v11  }
0x1b2: {  	v7 =	vadd.f32 v10, v7  }
0x1b3: {  	v6 =	vsel vm9, $0x0, v6  }
0x1b4: {  	v7 =	vnsel vm5, $0x0, v7;
	v10 =	vperm.xlane v6, v18  }
0x1b5: {  	v11 =	vld.idx.msk [tilespmem:v12+s14+$0x0], $0xffff;
	v12 =	vperm.xlane v6, v62;
	v14 =	vperm.xlane v7, v18  }
0x1b6: {  	v9 =	vadd.f32 $1.000000000e+00, v9;
	v8 =	vld.idx.msk [tilespmem:v8+s14+$0x0], $0xffff  }
0x1b7: {  	v13 =	vadd.f32 $1.000000000e+00, v13;
	v6 =	vmax.f32 v6, v10;
	v12 =	vsel vm7, v12, v14  }
0x1b8: {  	v9 =	vsub.f32 v9, v6;
	v14 =	vsel vm10, $0x134, v56;
	v7 =	vmax.f32 v7, v12  }
0x1b9: {  	v14 =	vsel vm11, $0x147, v14;
	v13 =	vsub.f32 v13, v7  }
0x1ba: {  	v9 =	vmul.f32 v9, v11;
	v11 =	vsel vm12, $0x15A, v14  }
0x1bb: {  	v8 =	vmul.f32 v13, v8;
	v13 =	vadd.s32 $0x4, v5;
	v11 =	vsel vm13, $0x16D, v11  }
0x1bc: {  	v6 =	vadd.f32 v9, v6;
	v9 =	vsel vm14, $0x180, v11  }
0x1bd: {  	v7 =	vadd.f32 v8, v7  }
0x1be: {  	v6 =	vsel vm0, $0x0, v6  }
0x1bf: {  	v7 =	vnsel vm5, $0x0, v7;
	v8 =	vperm.xlane v6, v18  }
0x1c0: {  	v11 =	vld.idx.msk [tilespmem:v13+s14+$0x0], $0xffff;
	v13 =	vperm.xlane v6, v62;
	v14 =	vperm.xlane v7, v18  }
0x1c1: {  	v10 =	vadd.f32 $1.000000000e+00, v10;
	v9 =	vld.idx.msk [tilespmem:v9+s14+$0x0], $0xffff  }
0x1c2: {  	v12 =	vadd.f32 $1.000000000e+00, v12;
	v6 =	vmax.f32 v6, v8;
	v13 =	vsel vm7, v13, v14  }
0x1c3: {  	v10 =	vsub.f32 v10, v6;
	v14 =	vsel vm10, $0x135, v56;
	v7 =	vmax.f32 v7, v13  }
0x1c4: {  	v14 =	vsel vm11, $0x148, v14;
	v12 =	vsub.f32 v12, v7  }
0x1c5: {  	v10 =	vmul.f32 v10, v11;
	v11 =	vsel vm12, $0x15B, v14  }
0x1c6: {  	v9 =	vmul.f32 v12, v9;
	v12 =	vadd.s32 $0x5, v5;
	v11 =	vsel vm13, $0x16E, v11  }
0x1c7: {  	v6 =	vadd.f32 v10, v6;
	v10 =	vsel vm14, $0x181, v11  }
0x1c8: {  	v7 =	vadd.f32 v9, v7  }
0x1c9: {  	v6 =	vsel vm5, $0x0, v6  }
0x1ca: {  	v7 =	vnsel vm5, $0x0, v7;
	v9 =	vperm.xlane v6, v18  }
0x1cb: {  	v11 =	vld.idx.msk [tilespmem:v12+s14+$0x0], $0xffff;
	v12 =	vperm.xlane v6, v62;
	v14 =	vperm.xlane v7, v18  }
0x1cc: {  	v8 =	vadd.f32 $1.000000000e+00, v8;
	v10 =	vld.idx.msk [tilespmem:v10+s14+$0x0], $0xffff  }
0x1cd: {  	v13 =	vadd.f32 $1.000000000e+00, v13;
	v6 =	vmax.f32 v6, v9;
	v12 =	vsel vm7, v12, v14  }
0x1ce: {  	v8 =	vsub.f32 v8, v6;
	v14 =	vsel vm10, $0x136, v56;
	v7 =	vmax.f32 v7, v12  }
0x1cf: {  	v14 =	vsel vm11, $0x149, v14;
	v13 =	vsub.f32 v13, v7  }
0x1d0: {  	v8 =	vmul.f32 v8, v11;
	v11 =	vsel vm12, $0x15C, v14  }
0x1d1: {  	v10 =	vmul.f32 v13, v10;
	v13 =	vadd.s32 $0x6, v5;
	v11 =	vsel vm13, $0x16F, v11  }
0x1d2: {  	v6 =	vadd.f32 v8, v6;
	v8 =	vsel vm14, $0x182, v11  }
0x1d3: {  	vm6 =	vmmov $0x3f;
	v7 =	vadd.f32 v10, v7  }
0x1d4: {  	v6 =	vsel vm6, $0x0, v6  }
0x1d5: {  	v7 =	vnsel vm5, $0x0, v7;
	v10 =	vperm.xlane v6, v18  }
0x1d6: {  	v11 =	vld.idx.msk [tilespmem:v13+s14+$0x0], $0xffff;
	v13 =	vperm.xlane v6, v62;
	v14 =	vperm.xlane v7, v18  }
0x1d7: {  	v9 =	vadd.f32 $1.000000000e+00, v9;
	v8 =	vld.idx.msk [tilespmem:v8+s14+$0x0], $0xffff  }
0x1d8: {  	v12 =	vadd.f32 $1.000000000e+00, v12;
	v6 =	vmax.f32 v6, v10;
	v13 =	vsel vm7, v13, v14  }
0x1d9: {  	v9 =	vsub.f32 v9, v6;
	v14 =	vsel vm10, $0x137, v56;
	v7 =	vmax.f32 v7, v13  }
0x1da: {  	v14 =	vsel vm11, $0x14A, v14;
	v12 =	vsub.f32 v12, v7  }
0x1db: {  	v9 =	vmul.f32 v9, v11;
	v11 =	vsel vm12, $0x15D, v14  }
0x1dc: {  	v8 =	vmul.f32 v12, v8;
	v12 =	vadd.s32 $0x7, v5;
	v11 =	vsel vm13, $0x170, v11  }
0x1dd: {  	v6 =	vadd.f32 v9, v6;
	v9 =	vsel vm14, $0x183, v11  }
0x1de: {  	vm6 =	vmmov $0x7f;
	v7 =	vadd.f32 v8, v7  }
0x1df: {  	v6 =	vsel vm6, $0x0, v6  }
0x1e0: {  	v7 =	vnsel vm5, $0x0, v7;
	v8 =	vperm.xlane v6, v18  }
0x1e1: {  	v11 =	vld.idx.msk [tilespmem:v12+s14+$0x0], $0xffff;
	v12 =	vperm.xlane v6, v62;
	v14 =	vperm.xlane v7, v18  }
0x1e2: {  	v10 =	vadd.f32 $1.000000000e+00, v10;
	v9 =	vld.idx.msk [tilespmem:v9+s14+$0x0], $0xffff  }
0x1e3: {  	v13 =	vadd.f32 $1.000000000e+00, v13;
	v6 =	vmax.f32 v6, v8;
	v12 =	vsel vm7, v12, v14  }
0x1e4: {  	v10 =	vsub.f32 v10, v6;
	v14 =	vsel vm10, $0x138, v56;
	v7 =	vmax.f32 v7, v12  }
0x1e5: {  	v14 =	vsel vm11, $0x14B, v14;
	v13 =	vsub.f32 v13, v7  }
0x1e6: {  	v10 =	vmul.f32 v10, v11;
	v11 =	vsel vm12, $0x15E, v14  }
0x1e7: {  	v9 =	vmul.f32 v13, v9;
	v13 =	vadd.s32 $0x8, v5;
	v11 =	vsel vm13, $0x171, v11  }
0x1e8: {  	v6 =	vadd.f32 v10, v6;
	v10 =	vsel vm14, $0x184, v11  }
0x1e9: {  	vm6 =	vmmov $0xff;
	v7 =	vadd.f32 v9, v7  }
0x1ea: {  	v6 =	vsel vm6, $0x0, v6  }
0x1eb: {  	v7 =	vnsel vm5, $0x0, v7;
	v9 =	vperm.xlane v6, v18  }
0x1ec: {  	v11 =	vld.idx.msk [tilespmem:v13+s14+$0x0], $0xffff;
	v13 =	vperm.xlane v6, v62;
	v14 =	vperm.xlane v7, v18  }
0x1ed: {  	v8 =	vadd.f32 $1.000000000e+00, v8;
	v10 =	vld.idx.msk [tilespmem:v10+s14+$0x0], $0xffff  }
0x1ee: {  	v12 =	vadd.f32 $1.000000000e+00, v12;
	v6 =	vmax.f32 v6, v9;
	v13 =	vsel vm7, v13, v14  }
0x1ef: {  	v8 =	vsub.f32 v8, v6;
	v14 =	vsel vm10, $0x139, v56;
	v7 =	vmax.f32 v7, v13  }
0x1f0: {  	v14 =	vsel vm11, $0x14C, v14;
	v12 =	vsub.f32 v12, v7  }
0x1f1: {  	v8 =	vmul.f32 v8, v11;
	v11 =	vsel vm12, $0x15F, v14  }
0x1f2: {  	v10 =	vmul.f32 v12, v10;
	v12 =	vadd.s32 $0x9, v5;
	v11 =	vsel vm13, $0x172, v11  }
0x1f3: {  	v6 =	vadd.f32 v8, v6;
	v8 =	vsel vm14, $0x185, v11  }
0x1f4: {  	vm6 =	vmmov $0x1ff;
	v7 =	vadd.f32 v10, v7  }
0x1f5: {  	v6 =	vsel vm6, $0x0, v6  }
0x1f6: {  	v7 =	vnsel vm5, $0x0, v7;
	v10 =	vperm.xlane v6, v18  }
0x1f7: {  	v11 =	vld.idx.msk [tilespmem:v12+s14+$0x0], $0xffff;
	v12 =	vperm.xlane v6, v62;
	v14 =	vperm.xlane v7, v18  }
0x1f8: {  	v9 =	vadd.f32 $1.000000000e+00, v9;
	v8 =	vld.idx.msk [tilespmem:v8+s14+$0x0], $0xffff  }
0x1f9: {  	v13 =	vadd.f32 $1.000000000e+00, v13;
	v6 =	vmax.f32 v6, v10;
	v12 =	vsel vm7, v12, v14  }
0x1fa: {  	v9 =	vsub.f32 v9, v6;
	v14 =	vsel vm10, $0x13A, v56;
	v7 =	vmax.f32 v7, v12  }
0x1fb: {  	v14 =	vsel vm11, $0x14D, v14;
	v13 =	vsub.f32 v13, v7  }
0x1fc: {  	v9 =	vmul.f32 v9, v11;
	v11 =	vsel vm12, $0x160, v14  }
0x1fd: {  	v8 =	vmul.f32 v13, v8;
	v13 =	vadd.s32 $0xA, v5;
	v11 =	vsel vm13, $0x173, v11  }
0x1fe: {  	v6 =	vadd.f32 v9, v6;
	v9 =	vsel vm14, $0x186, v11  }
0x1ff: {  	vm6 =	vmmov $0x3ff;
	v7 =	vadd.f32 v8, v7  }
0x200: {  	v6 =	vsel vm6, $0x0, v6  }
0x201: {  	v7 =	vnsel vm5, $0x0, v7;
	v8 =	vperm.xlane v6, v18  }
0x202: {  	v11 =	vld.idx.msk [tilespmem:v13+s14+$0x0], $0xffff;
	v13 =	vperm.xlane v6, v62;
	v14 =	vperm.xlane v7, v18  }
0x203: {  	v10 =	vadd.f32 $1.000000000e+00, v10;
	v9 =	vld.idx.msk [tilespmem:v9+s14+$0x0], $0xffff  }
0x204: {  	v12 =	vadd.f32 $1.000000000e+00, v12;
	v6 =	vmax.f32 v6, v8;
	v13 =	vsel vm7, v13, v14  }
0x205: {  	v10 =	vsub.f32 v10, v6;
	v14 =	vsel vm10, $0x13B, v56;
	v7 =	vmax.f32 v7, v13  }
0x206: {  	v14 =	vsel vm11, $0x14E, v14;
	v12 =	vsub.f32 v12, v7  }
0x207: {  	v10 =	vmul.f32 v10, v11;
	v11 =	vsel vm12, $0x161, v14  }
0x208: {  	v9 =	vmul.f32 v12, v9;
	v12 =	vadd.s32 $0xB, v5;
	v11 =	vsel vm13, $0x174, v11  }
0x209: {  	v6 =	vadd.f32 v10, v6;
	v10 =	vsel vm14, $0x187, v11  }
0x20a: {  	vm6 =	vmmov $0x7ff;
	v7 =	vadd.f32 v9, v7  }
0x20b: {  	v6 =	vsel vm6, $0x0, v6  }
0x20c: {  	v7 =	vnsel vm5, $0x0, v7;
	v9 =	vperm.xlane v6, v18  }
0x20d: {  	v11 =	vld.idx.msk [tilespmem:v12+s14+$0x0], $0xffff;
	v12 =	vperm.xlane v6, v62;
	v14 =	vperm.xlane v7, v18  }
0x20e: {  	v8 =	vadd.f32 $1.000000000e+00, v8;
	v10 =	vld.idx.msk [tilespmem:v10+s14+$0x0], $0xffff  }
0x20f: {  	v13 =	vadd.f32 $1.000000000e+00, v13;
	v6 =	vmax.f32 v6, v9;
	v12 =	vsel vm7, v12, v14  }
0x210: {  	v8 =	vsub.f32 v8, v6;
	v14 =	vsel vm10, $0x13C, v56;
	v7 =	vmax.f32 v7, v12  }
0x211: {  	v14 =	vsel vm11, $0x14F, v14;
	v13 =	vsub.f32 v13, v7  }
0x212: {  	v8 =	vmul.f32 v8, v11;
	v11 =	vsel vm12, $0x162, v14  }
0x213: {  	v10 =	vmul.f32 v13, v10;
	v13 =	vadd.s32 $0xC, v5;
	v11 =	vsel vm13, $0x175, v11  }
0x214: {  	v6 =	vadd.f32 v8, v6;
	v8 =	vsel vm14, $0x188, v11  }
0x215: {  	vm6 =	vmmov $0xfff;
	v7 =	vadd.f32 v10, v7  }
0x216: {  	v6 =	vsel vm6, $0x0, v6  }
0x217: {  	v7 =	vnsel vm5, $0x0, v7;
	v10 =	vperm.xlane v6, v18  }
0x218: {  	v11 =	vld.idx.msk [tilespmem:v13+s14+$0x0], $0xffff;
	v13 =	vperm.xlane v6, v62;
	v14 =	vperm.xlane v7, v18  }
0x219: {  	v9 =	vadd.f32 $1.000000000e+00, v9;
	v8 =	vld.idx.msk [tilespmem:v8+s14+$0x0], $0xffff  }
0x21a: {  	v12 =	vadd.f32 $1.000000000e+00, v12;
	v6 =	vmax.f32 v6, v10;
	v13 =	vsel vm7, v13, v14  }
0x21b: {  	v9 =	vsub.f32 v9, v6;
	v14 =	vsel vm10, $0x13D, v56;
	v7 =	vmax.f32 v7, v13  }
0x21c: {  	v14 =	vsel vm11, $0x150, v14;
	v12 =	vsub.f32 v12, v7  }
0x21d: {  	v9 =	vmul.f32 v9, v11;
	v11 =	vsel vm12, $0x163, v14  }
0x21e: {  	v8 =	vmul.f32 v12, v8;
	v12 =	vadd.s32 $0xD, v5;
	v11 =	vsel vm13, $0x176, v11  }
0x21f: {  	v6 =	vadd.f32 v9, v6;
	v9 =	vsel vm14, $0x189, v11  }
0x220: {  	v7 =	vadd.f32 v8, v7  }
0x221: {  	vm6 =	vmmov $0x1fff  }
0x222: {  	v6 =	vsel vm6, $0x0, v6;
	v7 =	vnsel vm5, $0x0, v7  }
0x223: {  	v11 =	vld.idx.msk [tilespmem:v12+s14+$0x0], $0xffff;
	v12 =	vperm.xlane v6, v62;
	v14 =	vperm.xlane v7, v18  }
0x224: {  	v8 =	vperm.xlane v6, v18;
	v9 =	vld.idx.msk [tilespmem:v9+s14+$0x0], $0xffff  }
0x225: {  	v10 =	vadd.f32 $1.000000000e+00, v10;
	v13 =	vadd.f32 $1.000000000e+00, v13;
	v12 =	vsel vm7, v12, v14  }
0x226: {  	v6 =	vmax.f32 v6, v8;
	v14 =	vsel vm10, $0x13E, v56;
	v7 =	vmax.f32 v7, v12  }
0x227: {  	v10 =	vsub.f32 v10, v6;
	v14 =	vsel vm11, $0x151, v14;
	v13 =	vsub.f32 v13, v7  }
0x228: {  	v5 =	vadd.s32 $0xE, v5;
	v15 =	vsel vm12, $0x164, v14  }
0x229: {  	v10 =	vmul.f32 v10, v11;
	v11 =	vsel vm13, $0x177, v15;
	v9 =	vmul.f32 v13, v9  }
0x22a: {  	v11 =	vsel vm14, $0x18A, v11  }
0x22b: {  	v6 =	vadd.f32 v10, v6;
	v7 =	vadd.f32 v9, v7  }
0x22c: {  	vm6 =	vmmov $0x3fff  }
0x22d: {  	v6 =	vsel vm6, $0x0, v6;
	v7 =	vnsel vm5, $0x0, v7  }
0x22e: {  	v5 =	vld.idx.msk [tilespmem:v5+s14+$0x0], $0xffff;
	v9 =	vperm.xlane v6, v62;
	v10 =	vperm.xlane v7, v18  }
0x22f: {  	v13 =	vperm.xlane v6, v18;
	v11 =	vld.idx.msk [tilespmem:v11+s14+$0x0], $0xffff  }
0x230: {  	v8 =	vadd.f32 $1.000000000e+00, v8;
	v12 =	vadd.f32 $1.000000000e+00, v12;
	v10 =	vsel vm7, v9, v10  }
0x231: {  	v6 =	vmax.f32 v6, v13;
	v13 =	vsel vm10, $0x13F, v56;
	v7 =	vmax.f32 v7, v10  }
0x232: {  	v8 =	vsub.f32 v8, v6;
	v13 =	vsel vm11, $0x152, v13;
	v12 =	vsub.f32 v12, v7  }
0x233: {  	v13 =	vsel vm12, $0x165, v13  }
0x234: {  	v5 =	vmul.f32 v8, v5;
	v15 =	vsel vm13, $0x178, v13;
	v14 =	vmul.f32 v12, v11  }
0x235: {  	v11 =	vsel vm14, $0x18B, v15  }
0x236: {  	v5 =	vadd.f32 v5, v6;
	v6 =	vadd.f32 v14, v7  }
0x237: {  	vm6 =	vmmov $0x7fff  }
0x238: {  	v5 =	vsel vm6, $0x0, v5;
	v6 =	vnsel vm5, $0x0, v6  }
0x239: {  	v5 =	vperm.xlane v5, v62;
	v7 =	vperm.xlane v6, v18  }
0x23a: {  	v12 =	vld.idx.msk [tilespmem:v11+s14+$0x0], $0xffff  }
0x23b: {  	v10 =	vadd.f32 $1.000000000e+00, v10;
	v13 =	vsel vm7, v5, v7  }
0x23c: {  	v14 =	vsel vm10, $0x140, v56;
	v6 =	vmax.f32 v6, v13  }
0x23d: {  	v11 =	vsel vm11, $0x153, v14;
	v10 =	vsub.f32 v10, v6  }
0x23e: {  	v11 =	vsel vm12, $0x166, v11  }
0x23f: {  	v15 =	vsel vm13, $0x179, v11;
	v8 =	vmul.f32 v10, v12  }
0x240: {  	v10 =	vsel vm14, $0x18C, v15  }
0x241: {  	v6 =	vadd.f32 v8, v6;
	_ =	sdelay $0x1  }
0x242: {  	v6 =	vnsel vm5, $0x0, v6  }
0x243: {  	v8 =	vperm.xlane v6, v18  }
0x244: {  	v10 =	vld.idx.msk [tilespmem:v10+s14+$0x0], $0xffff  }
0x245: {  	v7 =	vadd.f32 $1.000000000e+00, v7;
	v12 =	vsel vm7, v9, v8  }
0x246: {  	v13 =	vsel vm10, $0x141, v56;
	v6 =	vmax.f32 v6, v12  }
0x247: {  	v11 =	vsel vm11, $0x154, v13;
	v7 =	vsub.f32 v7, v6  }
0x248: {  	v11 =	vsel vm12, $0x167, v11  }
0x249: {  	v14 =	vsel vm13, $0x17A, v11;
	v7 =	vmul.f32 v7, v10  }
0x24a: {  	v10 =	vsel vm14, $0x18D, v14  }
0x24b: {  	v6 =	vadd.f32 v7, v6;
	_ =	sdelay $0x1  }
0x24c: {  	v6 =	vsel vm4, $0x0, v6  }
0x24d: {  	v7 =	vperm.xlane v6, v18  }
0x24e: {  	v10 =	vld.idx.msk [tilespmem:v10+s14+$0x0], $0xffff  }
0x24f: {  	v8 =	vadd.f32 $1.000000000e+00, v8;
	v15 =	vsel vm7, v5, v7  }
0x250: {  	v12 =	vsel vm10, $0x142, v56;
	v6 =	vmax.f32 v6, v15  }
0x251: {  	v11 =	vsel vm11, $0x155, v12;
	v8 =	vsub.f32 v8, v6  }
0x252: {  	v11 =	vsel vm12, $0x168, v11  }
0x253: {  	v13 =	vsel vm13, $0x17B, v11;
	v8 =	vmul.f32 v8, v10  }
0x254: {  	v10 =	vsel vm14, $0x18E, v13  }
0x255: {  	v6 =	vadd.f32 v8, v6;
	_ =	sdelay $0x1  }
0x256: {  	v6 =	vsel vm1, $0x0, v6  }
0x257: {  	v14 =	vperm.xlane v6, v18  }
0x258: {  	v10 =	vld.idx.msk [tilespmem:v10+s14+$0x0], $0xffff  }
0x259: {  	v7 =	vadd.f32 $1.000000000e+00, v7;
	v9 =	vsel vm7, v9, v14  }
0x25a: {  	v6 =	vmax.f32 v6, v9  }
0x25b: {  	v15 =	vsel vm10, $0x143, v56;
	v7 =	vsub.f32 v7, v6  }
0x25c: {  	v9 =	vsel vm11, $0x156, v15  }
0x25d: {  	v9 =	vsel vm12, $0x169, v9;
	v7 =	vmul.f32 v7, v10  }
0x25e: {  	v9 =	vsel vm13, $0x17C, v9  }
0x25f: {  	v6 =	vadd.f32 v7, v6;
	_ =	sdelay $0x1  }
0x260: {  	v6 =	vsel vm2, $0x0, v6  }
0x261: {  	v7 =	vperm.xlane v6, v18  }
0x262: {  	v4 =	vbroadcast v4, $0xF;
	v9 =	vld.idx.msk [tilespmem:v9+s14+$0x0], $0xffff  }
0x263: {  	v5 =	vsel vm7, v5, v7;
	v7 =	vadd.f32 $1.000000000e+00, v14  }
0x264: {  	(erf) = vrcp.f32 v4;
	v5 =	vmax.f32 v6, v5  }
0x265: {  	v4 =	vsub.f32 v7, v5;
	_ =	sdelay $0x1  }
0x266: {  	v4 =	vmul.f32 v4, v9;
	_ =	sdelay $0x1  }
0x267: {  	v4 =	vadd.f32 v4, v5  }
0x268: {  	v5 =	vimm.s32 $0x4  }
0x269: {  	v4 =	vsel vm3, $0x0, v4  }
0x26a: {  	v4 =	vperm.xlane v4, v5  }
0x26b: {  	v5 =	vpop (erf)  }
0x26c: {  	v4 =	vmul.f32 v4, v5;
	_ =	sdelay $0x1  }
0x26d: {  	v5 =	vand.u32 $0x7FFFFF, v4  }
0x26e: {  	v5 =	vor.u32 $0x3F800000, v5  }
0x26f: {  	v6 =	vadd.f32 $1.000000000e+00, v5;
	_ =	sdelay $0x1  }
0x270: {  	(erf) = vrcp.f32 v6;
	_ =	sdelay $0x7  }
0x271: {  	v5 =	vadd.f32 $-1.000000000e+00, v5  }
0x272: {  	v6 =	vpop (erf)  }
0x273: {  	v5 =	vmul.f32 v6, v5;
	_ =	sdelay $0x1  }
0x274: {  	v6 =	vmul.f32 v5, v5;
	_ =	sdelay $0x1  }
0x275: {  	v7 =	vmul.f32 $1.538461600e-01, v6;
	_ =	sdelay $0x1  }
0x276: {  	v7 =	vadd.f32 $1.818181870e-01, v7;
	_ =	sdelay $0x1  }
0x277: {  	v7 =	vmul.f32 v7, v6;
	_ =	sdelay $0x1  }
0x278: {  	v7 =	vadd.f32 $2.222222240e-01, v7;
	_ =	sdelay $0x1  }
0x279: {  	v7 =	vmul.f32 v7, v6;
	_ =	sdelay $0x1  }
0x27a: {  	v7 =	vadd.f32 $2.857142980e-01, v7;
	_ =	sdelay $0x1  }
0x27b: {  	v7 =	vmul.f32 v7, v6;
	_ =	sdelay $0x1  }
0x27c: {  	v7 =	vadd.f32 $4.000000060e-01, v7;
	_ =	sdelay $0x1  }
0x27d: {  	v7 =	vmul.f32 v7, v6;
	_ =	sdelay $0x1  }
0x27e: {  	v7 =	vadd.f32 $6.666666860e-01, v7  }
0x27f: {  	v4 =	vshrl.u32 v4, $0x17  }
0x280: {  	v4 =	vand.u32 $0xFF, v4;
	v6 =	vmul.f32 v7, v6  }
0x281: {  	v4 =	vadd.s32 $0xFFFFFF81, v4  }
0x282: {  	v4 =	vcvt.s32.f32 v4;
	v6 =	vadd.f32 $2.000000000e+00, v6;
	_ =	sdelay $0x1  }
.Ltmp3:
0x283: {  	v4 =	vmul.f32 $6.931471820e-01, v4;
	v5 =	vmul.f32 v6, v5;
	(pc) =	sbr.rel .LBB2_3-.Ltmp3, $3  }
0x284: {  	_ = 	snop  }
0x285: {  	v4 =	vadd.f32 v5, v4;
	_ =	sdelay $0x1  }
0x286: {  	v4 =	vmul.f32 $-5.000000070e-02, v4  }
.LBB2_4:
0x287: {  	_ =	sfence.sel $0x180000  }
0x288: {  	[bflag:$0x0] =	sbarrier.arrive $0xFFFF  }
0x289: {  	p0 =	sne.s32 s0, $0x0;
	_ =	strace $0x90000047  }
0x28a: {  	s0 =	sadd.s32 @!p0 $0x100000, s2;
	[bflag:$0x2] =	sbarrier.arrive $0xFFFF  }
0x28b: {  	[sflag:s0] =	ssyncadd.tile.s32 @!p0 $0x1;
	_ =	shalt  }
.Lfunc_end2:
_tile_overlayer_lowered:
.L_overlay_start_2:
0x28c: {  	(tag) =	ssettag $0x2  }
0x28d: {  	s0 =	rddreg [dreg:$0x0];
	s2 =	stileid.u32  }
0x28e: {  	s1 =	rddreg [dreg:$0x1];
	p0 =	sne.s32 s2, $0x0  }
0x28f: {  	s3 =	rddreg [dreg:$0x2];
	[bflag:$0x3] =	sbarrier.arrive $0xFFFF;
	s2 =	simm.s32 @!p0 $0x1C03  }
0x290: {  	[timem:s3], [sflag:s2] =	dma.local @!p0 [hbm:s0], s1  }
0x291: {  	s0 =	simm.s32 @!p0 $0x3  }
0x292: {  	_ =	swait.ge @!p0 [sflag:s0], s1  }
0x293: {  	s1 =	ssub.s32 @!p0 $0x0, s1;
	[sflag:s0] =	ssyncset.done @!p0 $0x0  }
0x294: {  	[sflag:s0] =	ssyncadd.s32 @!p0 s1  }
0x295: {  	[bflag:$0x3] =	sbarrier.arrive $0xFFFF  }
0x296: {  	_ =	shalt  }

</sc_bundles>
